<compile_context>
chip_gen: v7x
topology: tpu7x:2x2x1
jax: 0.10.2.dev20260603
libtpu: 0.0.44.dev20260713+nightly
codegen_flags: <defaults>
</compile_context>

<pallas_src>
import functools
import math

import jax
import jax.numpy as jnp
from jax import lax
from jax.experimental import pallas as pl
from jax.experimental.pallas import tpu as pltpu
from jax.experimental.pallas import tpu_sc as plsc

EMB = 128
C = 32
N_SEL = 32768

try:
    _info = plsc.get_sparse_core_info()
    _NC, _NS = _info.num_cores, _info.num_subcores
except Exception:
    _NC, _NS = 2, 16
_NW = _NC * _NS
_CHUNK = N_SEL // _NW
_J = _CHUNK // 128


def _sc_gather(grid_features, union_indices, p0, p1, p2, p3, opos2, dpos2):
    mesh = plsc.VectorSubcoreMesh(core_axis_name="c", subcore_axis_name="s")

    @functools.partial(
        pl.kernel,
        mesh=mesh,
        compiler_params=pltpu.CompilerParams(use_tc_tiling_on_sc=False),
        out_type=[
            jax.ShapeDtypeStruct((N_SEL, C), jnp.float32),
            jax.ShapeDtypeStruct((N_SEL, C), jnp.float32),
            jax.ShapeDtypeStruct((4, N_SEL), jnp.float32),
            jax.ShapeDtypeStruct((4, N_SEL), jnp.float32),
        ],
        scratch_types=[
            pltpu.VMEM((_J, 128), jnp.int32),
            pltpu.VMEM((_J, 128), jnp.int32),
            pltpu.VMEM((_CHUNK, C), jnp.float32),
            pltpu.VMEM((4, _CHUNK), jnp.float32),
            pltpu.SemaphoreType.DMA,
            pltpu.SemaphoreType.DMA,
            pltpu.SemaphoreType.DMA,
        ],
    )
    def k(grid_hbm, uidx_hbm, p0_hbm, p1_hbm, p2_hbm, p3_hbm,
          opos_hbm, dpos_hbm,
          oraw_out, draw_out, opr_out, dpr_out,
          posv, cidxv, rawv, prv, sem_r, sem_p, sem_u):
        wid = lax.axis_index("s") * _NC + lax.axis_index("c")
        base = wid * _CHUNK
        rowb = wid * _J
        pc_hbm = (p0_hbm, p1_hbm, p2_hbm, p3_hbm)
        for side in range(2):
            pos_hbm = opos_hbm if side == 0 else dpos_hbm
            raw_out = oraw_out if side == 0 else draw_out
            pr_out = opr_out if side == 0 else dpr_out
            pltpu.sync_copy(pos_hbm.at[pl.ds(rowb, _J)], posv)
            hu = [pltpu.async_copy(uidx_hbm.at[posv.at[j]], cidxv.at[j], sem_u)
                  for j in range(_J)]
            hp = [pltpu.async_copy(pc_hbm[c].at[posv.at[j]],
                                   prv.at[c, pl.ds(128 * j, 128)], sem_p)
                  for c in range(4) for j in range(_J)]
            for h in hu:
                h.wait()
            hr = [pltpu.async_copy(grid_hbm.at[cidxv.at[j]],
                                   rawv.at[pl.ds(128 * j, 128)], sem_r)
                  for j in range(_J)]
            for h in hp:
                h.wait()
            for h in hr:
                h.wait()
            pltpu.sync_copy(rawv, raw_out.at[pl.ds(base, _CHUNK)])
            for c in range(4):
                pltpu.sync_copy(prv.at[c], pr_out.at[c, pl.ds(base, _CHUNK)])

    return k(grid_features, union_indices, p0, p1, p2, p3, opos2, dpos2)


_BLK = 512
_NB = N_SEL // _BLK
_NLVL = 16


def _tc_body(olab_ref, dlab_ref,
             oraw_ref, draw_ref, opr_ref, dpr_ref,
             wf_ref, bf_ref, wp_ref, bp_ref, oo_ref, do_ref):
    wf = wf_ref[...]
    bf = bf_ref[...]
    wp = wp_ref[...]
    bp = bp_ref[...]
    lane = lax.broadcasted_iota(jnp.int32, (1, EMB), 1)
    evenbase = (lane - (lane & 1)).astype(jnp.float32)
    dt = jnp.exp(evenbase * (-math.log(10000.0) / EMB))
    even = (lane & 1) == 0
    lvl = lax.broadcasted_iota(jnp.int32, (_NLVL, 1), 0).astype(jnp.float32)
    ang = lvl * dt
    iso_table = jnp.where(even, jnp.sin(ang), jnp.cos(ang))
    lvl_iota = lax.broadcasted_iota(jnp.int32, (1, _NLVL), 1)

    def one(raw, pr4, lab):
        fe = jax.nn.relu(jnp.dot(raw, wf, preferred_element_type=jnp.float32)
                         + bf[None, :])
        pe = jax.nn.relu(
            lax.dot_general(pr4, wp, (((0,), (0,)), ((), ())),
                            preferred_element_type=jnp.float32)
            + bp[None, :])
        oh = (lab.reshape(_BLK, 1) == lvl_iota).astype(jnp.float32)
        iso = jnp.dot(oh, iso_table, preferred_element_type=jnp.float32)
        return fe + pe + iso

    oo_ref[...] = one(oraw_ref[...], opr_ref[...], olab_ref[...])
    do_ref[...] = one(draw_ref[...], dpr_ref[...], dlab_ref[...])


def _tc_dense(oraw, draw, opr, dpr, o_labels, d_labels,
              W_feat, b_feat, W_pos, b_pos):
    return pl.pallas_call(
        _tc_body,
        grid=(_NB,),
        in_specs=[
            pl.BlockSpec((_BLK,), lambda i: (i,)),
            pl.BlockSpec((_BLK,), lambda i: (i,)),
            pl.BlockSpec((_BLK, C), lambda i: (i, 0)),
            pl.BlockSpec((_BLK, C), lambda i: (i, 0)),
            pl.BlockSpec((4, _BLK), lambda i: (0, i)),
            pl.BlockSpec((4, _BLK), lambda i: (0, i)),
            pl.BlockSpec((C, EMB), lambda i: (0, 0)),
            pl.BlockSpec((EMB,), lambda i: (0,)),
            pl.BlockSpec((4, EMB), lambda i: (0, 0)),
            pl.BlockSpec((EMB,), lambda i: (0,)),
        ],
        out_specs=[
            pl.BlockSpec((_BLK, EMB), lambda i: (i, 0)),
            pl.BlockSpec((_BLK, EMB), lambda i: (i, 0)),
        ],
        out_shape=[
            jax.ShapeDtypeStruct((N_SEL, EMB), jnp.float32),
            jax.ShapeDtypeStruct((N_SEL, EMB), jnp.float32),
        ],
    )(o_labels, d_labels, oraw, draw, opr, dpr,
      W_feat, b_feat, W_pos, b_pos)


def kernel(grid_features, union_indices, pos_raw, o_positions, d_positions,
           o_labels, d_labels, W_feat, b_feat, W_pos, b_pos):
    opos2 = o_positions.reshape(N_SEL // 128, 128)
    dpos2 = d_positions.reshape(N_SEL // 128, 128)
    p0, p1, p2, p3 = (pos_raw[:, c] for c in range(4))
    oraw, draw, opr, dpr = _sc_gather(grid_features, union_indices,
                                      p0, p1, p2, p3, opos2, dpos2)
    o_out, d_out = _tc_dense(oraw, draw, opr, dpr, o_labels, d_labels,
                             W_feat, b_feat, W_pos, b_pos)
    return (o_out, d_out)

# --- scband reference (transcript-rebuilt; emitter-appended) ---
"""Pipeline reference for scband-pixel-embedding-34402688041566 (READ-ONLY COPY).

The authoritative reference and input builder live on the scoring server;
editing this copy changes nothing except your own understanding.
"""

import jax, jax.numpy as jnp
import numpy as np

EMBED_DIM = 128
HW, C = 1000000, 32
N_UNION, N_SEL = 65536, 32768


def setup_inputs(seed: int = 0) -> dict:
    key = jax.random.key(seed)
    ks = jax.random.split(key, 11)
    inp = {}
    inp['grid_features'] = jax.random.normal(ks[0], (HW, C), dtype=jnp.float32)
    inp['union_indices'] = jax.random.randint(ks[1], (N_UNION,), 0, HW, dtype=jnp.int32)
    inp['pos_raw'] = jax.random.normal(ks[2], (N_UNION, 4), dtype=jnp.float32)
    inp['o_positions'] = jax.random.randint(ks[3], (N_SEL,), 0, N_UNION, dtype=jnp.int32)
    inp['d_positions'] = jax.random.randint(ks[4], (N_SEL,), 0, N_UNION, dtype=jnp.int32)
    inp['o_labels'] = jax.random.randint(ks[5], (N_SEL,), 1, 13, dtype=jnp.int32)
    inp['d_labels'] = jax.random.randint(ks[6], (N_SEL,), 1, 13, dtype=jnp.int32)
    inp['W_feat'] = jax.random.normal(ks[7], (C, EMBED_DIM), dtype=jnp.float32) * 0.05
    inp['b_feat'] = jnp.zeros((EMBED_DIM,), dtype=jnp.float32)
    inp['W_pos'] = jax.random.normal(ks[8], (4, EMBED_DIM), dtype=jnp.float32) * 0.05
    inp['b_pos'] = jnp.zeros((EMBED_DIM,), dtype=jnp.float32)
    return inp


def _iso_encoding(labels):
    # faithful to compute_raw_isochrone_encoding: interleaved sin/cos of integer isochrone levels
    div_term = jnp.exp(jnp.arange(0, EMBED_DIM, 2, dtype=jnp.float32) * (-jnp.log(10000.0) / EMBED_DIM))
    ang = labels[:, None].astype(jnp.float32) * div_term[None, :]
    enc = jnp.zeros((labels.shape[0], EMBED_DIM), dtype=jnp.float32)
    enc = enc.at[:, 0::2].set(jnp.sin(ang))
    enc = enc.at[:, 1::2].set(jnp.cos(ang))
    return enc


def reference(grid_features, union_indices, pos_raw, o_positions, d_positions, o_labels, d_labels, W_feat, b_feat, W_pos, b_pos):
    # gather raw features for the union of O/D pixels (tf.gather on flattened grid)
    raw_features = jnp.take(grid_features, union_indices, axis=0)
    # feature_mlp / position_mlp: Dense(embedding_dim, activation='relu')
    feature_embedding = jax.nn.relu(raw_features @ W_feat + b_feat)
    absolute_position_embedding = jax.nn.relu(pos_raw @ W_pos + b_pos)
    # gather O/D subsets out of the union embeddings
    o_feat = jnp.take(feature_embedding, o_positions, axis=0)
    d_feat = jnp.take(feature_embedding, d_positions, axis=0)
    o_pos = jnp.take(absolute_position_embedding, o_positions, axis=0)
    d_pos = jnp.take(absolute_position_embedding, d_positions, axis=0)
    o_iso = _iso_encoding(o_labels)
    d_iso = _iso_encoding(d_labels)
    o_pixel_embeddings = o_feat + o_iso + o_pos
    d_pixel_embeddings = d_feat + d_iso + d_pos
    return (o_pixel_embeddings, d_pixel_embeddings)

if __name__ == "__main__":
    import jax
    _d = setup_inputs()
    print(jax.jit(kernel)(*tuple(_d.values())))

</pallas_src>

<mosaic_0001>
#map = affine_map<(d0, d1) -> (0, 0)>
#map1 = affine_map<(d0, d1) -> (0)>
module attributes {stable_mosaic.version = 14 : i64} {
  func.func @k(%arg0: i32, %arg1: i32, %arg2: memref<1000000x32xf32, #tpu.memory_space<hbm>>, %arg3: memref<65536xi32, #tpu.memory_space<hbm>>, %arg4: memref<65536xf32, #tpu.memory_space<hbm>>, %arg5: memref<65536xf32, #tpu.memory_space<hbm>>, %arg6: memref<65536xf32, #tpu.memory_space<hbm>>, %arg7: memref<65536xf32, #tpu.memory_space<hbm>>, %arg8: memref<256x128xi32, #tpu.memory_space<hbm>>, %arg9: memref<256x128xi32, #tpu.memory_space<hbm>>, %arg10: memref<32768x32xf32, #tpu.memory_space<hbm>>, %arg11: memref<32768x32xf32, #tpu.memory_space<hbm>>, %arg12: memref<4x32768xf32, #tpu.memory_space<hbm>>, %arg13: memref<4x32768xf32, #tpu.memory_space<hbm>>, %arg14: memref<8x128xi32, #tpu.memory_space<vmem>>, %arg15: memref<8x128xi32, #tpu.memory_space<vmem>>, %arg16: memref<1024x32xf32, #tpu.memory_space<vmem>>, %arg17: memref<4x1024xf32, #tpu.memory_space<vmem>>, %arg18: memref<!tpu.dma_semaphore, #tpu.memory_space<semaphore_mem>>, %arg19: memref<!tpu.dma_semaphore, #tpu.memory_space<semaphore_mem>>, %arg20: memref<!tpu.dma_semaphore, #tpu.memory_space<semaphore_mem>>) attributes {dimension_semantics = [#tpu.dimension_semantics<core_parallel>, #tpu.dimension_semantics<subcore_parallel>], iteration_bounds = array<i64: 2, 16>, scalar_prefetch = 0 : i64, scratch_operands = 7 : i64, tpu.core_type = #tpu.core_type<sc_vector_subcore>, window_params = [{transform_indices = #map}, {transform_indices = #map1}, {transform_indices = #map1}, {transform_indices = #map1}, {transform_indices = #map1}, {transform_indices = #map1}, {transform_indices = #map}, {transform_indices = #map}, {transform_indices = #map}, {transform_indices = #map}, {transform_indices = #map}, {transform_indices = #map}]} {
    %mul3A = arith.constant 2 : i32
    %mul3A_0 = arith.muli %arg1, %mul3A : i32
    %add3A = arith.addi %mul3A_0, %arg0 : i32
    %mul3A_1 = arith.constant 1024 : i32
    %mul3A_2 = arith.muli %add3A, %mul3A_1 : i32
    %mul3A_3 = arith.constant 8 : i32
    %mul3A_4 = arith.muli %add3A, %mul3A_3 : i32
    "tpu.region"() ({
      %run_scoped3A_1938 = tpu.sem_alloc : memref<!tpu.dma_semaphore, #tpu.memory_space<semaphore_mem>>
      %dma_start3A_1939 = arith.constant 0 : i32
      %dma_start3A_1940 = tpu.memref_slice %arg8[%mul3A_4, %dma_start3A_1939] : memref<256x128xi32, #tpu.memory_space<hbm>> -> memref<8x128xi32, #tpu.memory_space<hbm>>
      %dma_start3A_1941 = arith.constant 0 : i32
      %dma_start3A_1942 = tpu.memref_slice %arg8[%mul3A_4, %dma_start3A_1941] : memref<256x128xi32, #tpu.memory_space<hbm>> -> memref<8x128xi32, #tpu.memory_space<hbm>>
      tpu.enqueue_dma source(%dma_start3A_1942 : memref<8x128xi32, #tpu.memory_space<hbm>>) target(%arg14 : memref<8x128xi32, #tpu.memory_space<vmem>>) target_semaphore(%run_scoped3A_1938 : memref<!tpu.dma_semaphore, #tpu.memory_space<semaphore_mem>>)
      %dma_wait3A_1943 = arith.constant 0 : i32
      %dma_wait3A_1944 = tpu.memref_slice %arg8[%mul3A_4, %dma_wait3A_1943] : memref<256x128xi32, #tpu.memory_space<hbm>> -> memref<8x128xi32, #tpu.memory_space<hbm>>
      %dma_wait3A_1945 = arith.constant 0 : i32
      %dma_wait3A_1946 = tpu.memref_slice %arg8[%mul3A_4, %dma_wait3A_1945] : memref<256x128xi32, #tpu.memory_space<hbm>> -> memref<8x128xi32, #tpu.memory_space<hbm>>
      tpu.wait_dma2 semaphore(%run_scoped3A_1938 : memref<!tpu.dma_semaphore, #tpu.memory_space<semaphore_mem>>) src(%dma_wait3A_1946 : memref<8x128xi32, #tpu.memory_space<hbm>>) dst(%arg14 : memref<8x128xi32, #tpu.memory_space<vmem>>)
      tpu.yield
    }) : () -> ()
    %dma_start3A = arith.constant 0 : i32
    %dma_start3A_5 = arith.constant 0 : i32
    %dma_start3A_6 = arith.constant 0 : i32
    %dma_start3A_7 = tpu.memref_slice %arg15[%dma_start3A_5, %dma_start3A_6] : memref<8x128xi32, #tpu.memory_space<vmem>> -> memref<1x128xi32, #tpu.memory_space<vmem>>
    %dma_start3A_8 = tpu.memref_squeeze %dma_start3A_7 : memref<1x128xi32, #tpu.memory_space<vmem>> -> memref<128xi32, #tpu.memory_space<vmem>>
    %dma_start3A_9 = arith.constant 0 : i32
    %dma_start3A_10 = tpu.memref_slice %arg14[%dma_start3A, %dma_start3A_9] : memref<8x128xi32, #tpu.memory_space<vmem>> -> memref<1x128xi32, #tpu.memory_space<vmem>>
    %dma_start3A_11 = tpu.memref_squeeze %dma_start3A_10 : memref<1x128xi32, #tpu.memory_space<vmem>> -> memref<128xi32, #tpu.memory_space<vmem>>
    %dma_start3A_12 = arith.constant 0 : i32
    %dma_start3A_13 = tpu.memref_slice %arg3[%dma_start3A_12] : memref<65536xi32, #tpu.memory_space<hbm>> -> memref<65536xi32, #tpu.memory_space<hbm>>
    tpu.enqueue_indirect_dma source(%dma_start3A_13 : memref<65536xi32, #tpu.memory_space<hbm>>) target(%dma_start3A_8 : memref<128xi32, #tpu.memory_space<vmem>>) offsets(%dma_start3A_11 : memref<128xi32, #tpu.memory_space<vmem>>) semaphore(%arg20 : memref<!tpu.dma_semaphore, #tpu.memory_space<semaphore_mem>>)
    %dma_start3A_14 = arith.constant 1 : i32
    %dma_start3A_15 = arith.constant 1 : i32
    %dma_start3A_16 = arith.constant 0 : i32
    %dma_start3A_17 = tpu.memref_slice %arg15[%dma_start3A_15, %dma_start3A_16] : memref<8x128xi32, #tpu.memory_space<vmem>> -> memref<1x128xi32, #tpu.memory_space<vmem>>
    %dma_start3A_18 = tpu.memref_squeeze %dma_start3A_17 : memref<1x128xi32, #tpu.memory_space<vmem>> -> memref<128xi32, #tpu.memory_space<vmem>>
    %dma_start3A_19 = arith.constant 0 : i32
    %dma_start3A_20 = tpu.memref_slice %arg14[%dma_start3A_14, %dma_start3A_19] : memref<8x128xi32, #tpu.memory_space<vmem>> -> memref<1x128xi32, #tpu.memory_space<vmem>>
    %dma_start3A_21 = tpu.memref_squeeze %dma_start3A_20 : memref<1x128xi32, #tpu.memory_space<vmem>> -> memref<128xi32, #tpu.memory_space<vmem>>
    %dma_start3A_22 = arith.constant 0 : i32
    %dma_start3A_23 = tpu.memref_slice %arg3[%dma_start3A_22] : memref<65536xi32, #tpu.memory_space<hbm>> -> memref<65536xi32, #tpu.memory_space<hbm>>
    tpu.enqueue_indirect_dma source(%dma_start3A_23 : memref<65536xi32, #tpu.memory_space<hbm>>) target(%dma_start3A_18 : memref<128xi32, #tpu.memory_space<vmem>>) offsets(%dma_start3A_21 : memref<128xi32, #tpu.memory_space<vmem>>) semaphore(%arg20 : memref<!tpu.dma_semaphore, #tpu.memory_space<semaphore_mem>>)
    %dma_start3A_24 = arith.constant 2 : i32
    %dma_start3A_25 = arith.constant 2 : i32
    %dma_start3A_26 = arith.constant 0 : i32
    %dma_start3A_27 = tpu.memref_slice %arg15[%dma_start3A_25, %dma_start3A_26] : memref<8x128xi32, #tpu.memory_space<vmem>> -> memref<1x128xi32, #tpu.memory_space<vmem>>
    %dma_start3A_28 = tpu.memref_squeeze %dma_start3A_27 : memref<1x128xi32, #tpu.memory_space<vmem>> -> memref<128xi32, #tpu.memory_space<vmem>>
    %dma_start3A_29 = arith.constant 0 : i32
    %dma_start3A_30 = tpu.memref_slice %arg14[%dma_start3A_24, %dma_start3A_29] : memref<8x128xi32, #tpu.memory_space<vmem>> -> memref<1x128xi32, #tpu.memory_space<vmem>>
    %dma_start3A_31 = tpu.memref_squeeze %dma_start3A_30 : memref<1x128xi32, #tpu.memory_space<vmem>> -> memref<128xi32, #tpu.memory_space<vmem>>
    %dma_start3A_32 = arith.constant 0 : i32
    %dma_start3A_33 = tpu.memref_slice %arg3[%dma_start3A_32] : memref<65536xi32, #tpu.memory_space<hbm>> -> memref<65536xi32, #tpu.memory_space<hbm>>
    tpu.enqueue_indirect_dma source(%dma_start3A_33 : memref<65536xi32, #tpu.memory_space<hbm>>) target(%dma_start3A_28 : memref<128xi32, #tpu.memory_space<vmem>>) offsets(%dma_start3A_31 : memref<128xi32, #tpu.memory_space<vmem>>) semaphore(%arg20 : memref<!tpu.dma_semaphore, #tpu.memory_space<semaphore_mem>>)
    %dma_start3A_34 = arith.constant 3 : i32
    %dma_start3A_35 = arith.constant 3 : i32
    %dma_start3A_36 = arith.constant 0 : i32
    %dma_start3A_37 = tpu.memref_slice %arg15[%dma_start3A_35, %dma_start3A_36] : memref<8x128xi32, #tpu.memory_space<vmem>> -> memref<1x128xi32, #tpu.memory_space<vmem>>
    %dma_start3A_38 = tpu.memref_squeeze %dma_start3A_37 : memref<1x128xi32, #tpu.memory_space<vmem>> -> memref<128xi32, #tpu.memory_space<vmem>>
    %dma_start3A_39 = arith.constant 0 : i32
    %dma_start3A_40 = tpu.memref_slice %arg14[%dma_start3A_34, %dma_start3A_39] : memref<8x128xi32, #tpu.memory_space<vmem>> -> memref<1x128xi32, #tpu.memory_space<vmem>>
    %dma_start3A_41 = tpu.memref_squeeze %dma_start3A_40 : memref<1x128xi32, #tpu.memory_space<vmem>> -> memref<128xi32, #tpu.memory_space<vmem>>
    %dma_start3A_42 = arith.constant 0 : i32
    %dma_start3A_43 = tpu.memref_slice %arg3[%dma_start3A_42] : memref<65536xi32, #tpu.memory_space<hbm>> -> memref<65536xi32, #tpu.memory_space<hbm>>
    tpu.enqueue_indirect_dma source(%dma_start3A_43 : memref<65536xi32, #tpu.memory_space<hbm>>) target(%dma_start3A_38 : memref<128xi32, #tpu.memory_space<vmem>>) offsets(%dma_start3A_41 : memref<128xi32, #tpu.memory_space<vmem>>) semaphore(%arg20 : memref<!tpu.dma_semaphore, #tpu.memory_space<semaphore_mem>>)
    %dma_start3A_44 = arith.constant 4 : i32
    %dma_start3A_45 = arith.constant 4 : i32
    %dma_start3A_46 = arith.constant 0 : i32
    %dma_start3A_47 = tpu.memref_slice %arg15[%dma_start3A_45, %dma_start3A_46] : memref<8x128xi32, #tpu.memory_space<vmem>> -> memref<1x128xi32, #tpu.memory_space<vmem>>
    %dma_start3A_48 = tpu.memref_squeeze %dma_start3A_47 : memref<1x128xi32, #tpu.memory_space<vmem>> -> memref<128xi32, #tpu.memory_space<vmem>>
    %dma_start3A_49 = arith.constant 0 : i32
    %dma_start3A_50 = tpu.memref_slice %arg14[%dma_start3A_44, %dma_start3A_49] : memref<8x128xi32, #tpu.memory_space<vmem>> -> memref<1x128xi32, #tpu.memory_space<vmem>>
    %dma_start3A_51 = tpu.memref_squeeze %dma_start3A_50 : memref<1x128xi32, #tpu.memory_space<vmem>> -> memref<128xi32, #tpu.memory_space<vmem>>
    %dma_start3A_52 = arith.constant 0 : i32
    %dma_start3A_53 = tpu.memref_slice %arg3[%dma_start3A_52] : memref<65536xi32, #tpu.memory_space<hbm>> -> memref<65536xi32, #tpu.memory_space<hbm>>
    tpu.enqueue_indirect_dma source(%dma_start3A_53 : memref<65536xi32, #tpu.memory_space<hbm>>) target(%dma_start3A_48 : memref<128xi32, #tpu.memory_space<vmem>>) offsets(%dma_start3A_51 : memref<128xi32, #tpu.memory_space<vmem>>) semaphore(%arg20 : memref<!tpu.dma_semaphore, #tpu.memory_space<semaphore_mem>>)
    %dma_start3A_54 = arith.constant 5 : i32
    %dma_start3A_55 = arith.constant 5 : i32
    %dma_start3A_56 = arith.constant 0 : i32
    %dma_start3A_57 = tpu.memref_slice %arg15[%dma_start3A_55, %dma_start3A_56] : memref<8x128xi32, #tpu.memory_space<vmem>> -> memref<1x128xi32, #tpu.memory_space<vmem>>
    %dma_start3A_58 = tpu.memref_squeeze %dma_start3A_57 : memref<1x128xi32, #tpu.memory_space<vmem>> -> memref<128xi32, #tpu.memory_space<vmem>>
    %dma_start3A_59 = arith.constant 0 : i32
    %dma_start3A_60 = tpu.memref_slice %arg14[%dma_start3A_54, %dma_start3A_59] : memref<8x128xi32, #tpu.memory_space<vmem>> -> memref<1x128xi32, #tpu.memory_space<vmem>>
    %dma_start3A_61 = tpu.memref_squeeze %dma_start3A_60 : memref<1x128xi32, #tpu.memory_space<vmem>> -> memref<128xi32, #tpu.memory_space<vmem>>
    %dma_start3A_62 = arith.constant 0 : i32
    %dma_start3A_63 = tpu.memref_slice %arg3[%dma_start3A_62] : memref<65536xi32, #tpu.memory_space<hbm>> -> memref<65536xi32, #tpu.memory_space<hbm>>
    tpu.enqueue_indirect_dma source(%dma_start3A_63 : memref<65536xi32, #tpu.memory_space<hbm>>) target(%dma_start3A_58 : memref<128xi32, #tpu.memory_space<vmem>>) offsets(%dma_start3A_61 : memref<128xi32, #tpu.memory_space<vmem>>) semaphore(%arg20 : memref<!tpu.dma_semaphore, #tpu.memory_space<semaphore_mem>>)
    %dma_start3A_64 = arith.constant 6 : i32
    %dma_start3A_65 = arith.constant 6 : i32
    %dma_start3A_66 = arith.constant 0 : i32
    %dma_start3A_67 = tpu.memref_slice %arg15[%dma_start3A_65, %dma_start3A_66] : memref<8x128xi32, #tpu.memory_space<vmem>> -> memref<1x128xi32, #tpu.memory_space<vmem>>
    %dma_start3A_68 = tpu.memref_squeeze %dma_start3A_67 : memref<1x128xi32, #tpu.memory_space<vmem>> -> memref<128xi32, #tpu.memory_space<vmem>>
    %dma_start3A_69 = arith.constant 0 : i32
    %dma_start3A_70 = tpu.memref_slice %arg14[%dma_start3A_64, %dma_start3A_69] : memref<8x128xi32, #tpu.memory_space<vmem>> -> memref<1x128xi32, #tpu.memory_space<vmem>>
    %dma_start3A_71 = tpu.memref_squeeze %dma_start3A_70 : memref<1x128xi32, #tpu.memory_space<vmem>> -> memref<128xi32, #tpu.memory_space<vmem>>
    %dma_start3A_72 = arith.constant 0 : i32
    %dma_start3A_73 = tpu.memref_slice %arg3[%dma_start3A_72] : memref<65536xi32, #tpu.memory_space<hbm>> -> memref<65536xi32, #tpu.memory_space<hbm>>
    tpu.enqueue_indirect_dma source(%dma_start3A_73 : memref<65536xi32, #tpu.memory_space<hbm>>) target(%dma_start3A_68 : memref<128xi32, #tpu.memory_space<vmem>>) offsets(%dma_start3A_71 : memref<128xi32, #tpu.memory_space<vmem>>) semaphore(%arg20 : memref<!tpu.dma_semaphore, #tpu.memory_space<semaphore_mem>>)
    %dma_start3A_74 = arith.constant 7 : i32
    %dma_start3A_75 = arith.constant 7 : i32
    %dma_start3A_76 = arith.constant 0 : i32
    %dma_start3A_77 = tpu.memref_slice %arg15[%dma_start3A_75, %dma_start3A_76] : memref<8x128xi32, #tpu.memory_space<vmem>> -> memref<1x128xi32, #tpu.memory_space<vmem>>
    %dma_start3A_78 = tpu.memref_squeeze %dma_start3A_77 : memref<1x128xi32, #tpu.memory_space<vmem>> -> memref<128xi32, #tpu.memory_space<vmem>>
    %dma_start3A_79 = arith.constant 0 : i32
    %dma_start3A_80 = tpu.memref_slice %arg14[%dma_start3A_74, %dma_start3A_79] : memref<8x128xi32, #tpu.memory_space<vmem>> -> memref<1x128xi32, #tpu.memory_space<vmem>>
    %dma_start3A_81 = tpu.memref_squeeze %dma_start3A_80 : memref<1x128xi32, #tpu.memory_space<vmem>> -> memref<128xi32, #tpu.memory_space<vmem>>
    %dma_start3A_82 = arith.constant 0 : i32
    %dma_start3A_83 = tpu.memref_slice %arg3[%dma_start3A_82] : memref<65536xi32, #tpu.memory_space<hbm>> -> memref<65536xi32, #tpu.memory_space<hbm>>
    tpu.enqueue_indirect_dma source(%dma_start3A_83 : memref<65536xi32, #tpu.memory_space<hbm>>) target(%dma_start3A_78 : memref<128xi32, #tpu.memory_space<vmem>>) offsets(%dma_start3A_81 : memref<128xi32, #tpu.memory_space<vmem>>) semaphore(%arg20 : memref<!tpu.dma_semaphore, #tpu.memory_space<semaphore_mem>>)
    %dma_start3A_84 = arith.constant 0 : i32
    %dma_start3A_85 = arith.constant 0 : i32
    %dma_start3A_86 = arith.constant 0 : i32
    %dma_start3A_87 = tpu.memref_slice %arg17[%dma_start3A_85, %dma_start3A_86] : memref<4x1024xf32, #tpu.memory_space<vmem>> -> memref<1x128xf32, #tpu.memory_space<vmem>>
    %dma_start3A_88 = tpu.memref_squeeze %dma_start3A_87 : memref<1x128xf32, #tpu.memory_space<vmem>> -> memref<128xf32, #tpu.memory_space<vmem>>
    %dma_start3A_89 = arith.constant 0 : i32
    %dma_start3A_90 = tpu.memref_slice %arg14[%dma_start3A_84, %dma_start3A_89] : memref<8x128xi32, #tpu.memory_space<vmem>> -> memref<1x128xi32, #tpu.memory_space<vmem>>
    %dma_start3A_91 = tpu.memref_squeeze %dma_start3A_90 : memref<1x128xi32, #tpu.memory_space<vmem>> -> memref<128xi32, #tpu.memory_space<vmem>>
    %dma_start3A_92 = arith.constant 0 : i32
    %dma_start3A_93 = tpu.memref_slice %arg4[%dma_start3A_92] : memref<65536xf32, #tpu.memory_space<hbm>> -> memref<65536xf32, #tpu.memory_space<hbm>>
    tpu.enqueue_indirect_dma source(%dma_start3A_93 : memref<65536xf32, #tpu.memory_space<hbm>>) target(%dma_start3A_88 : memref<128xf32, #tpu.memory_space<vmem>>) offsets(%dma_start3A_91 : memref<128xi32, #tpu.memory_space<vmem>>) semaphore(%arg19 : memref<!tpu.dma_semaphore, #tpu.memory_space<semaphore_mem>>)
    %dma_start3A_94 = arith.constant 1 : i32
    %dma_start3A_95 = arith.constant 0 : i32
    %dma_start3A_96 = arith.constant 128 : i32
    %dma_start3A_97 = tpu.memref_slice %arg17[%dma_start3A_95, %dma_start3A_96] : memref<4x1024xf32, #tpu.memory_space<vmem>> -> memref<1x128xf32, #tpu.memory_space<vmem>>
    %dma_start3A_98 = tpu.memref_squeeze %dma_start3A_97 : memref<1x128xf32, #tpu.memory_space<vmem>> -> memref<128xf32, #tpu.memory_space<vmem>>
    %dma_start3A_99 = arith.constant 0 : i32
    %dma_start3A_100 = tpu.memref_slice %arg14[%dma_start3A_94, %dma_start3A_99] : memref<8x128xi32, #tpu.memory_space<vmem>> -> memref<1x128xi32, #tpu.memory_space<vmem>>
    %dma_start3A_101 = tpu.memref_squeeze %dma_start3A_100 : memref<1x128xi32, #tpu.memory_space<vmem>> -> memref<128xi32, #tpu.memory_space<vmem>>
    %dma_start3A_102 = arith.constant 0 : i32
    %dma_start3A_103 = tpu.memref_slice %arg4[%dma_start3A_102] : memref<65536xf32, #tpu.memory_space<hbm>> -> memref<65536xf32, #tpu.memory_space<hbm>>
    tpu.enqueue_indirect_dma source(%dma_start3A_103 : memref<65536xf32, #tpu.memory_space<hbm>>) target(%dma_start3A_98 : memref<128xf32, #tpu.memory_space<vmem>>) offsets(%dma_start3A_101 : memref<128xi32, #tpu.memory_space<vmem>>) semaphore(%arg19 : memref<!tpu.dma_semaphore, #tpu.memory_space<semaphore_mem>>)
    %dma_start3A_104 = arith.constant 2 : i32
    %dma_start3A_105 = arith.constant 0 : i32
    %dma_start3A_106 = arith.constant 256 : i32
    %dma_start3A_107 = tpu.memref_slice %arg17[%dma_start3A_105, %dma_start3A_106] : memref<4x1024xf32, #tpu.memory_space<vmem>> -> memref<1x128xf32, #tpu.memory_space<vmem>>
    %dma_start3A_108 = tpu.memref_squeeze %dma_start3A_107 : memref<1x128xf32, #tpu.memory_space<vmem>> -> memref<128xf32, #tpu.memory_space<vmem>>
    %dma_start3A_109 = arith.constant 0 : i32
    %dma_start3A_110 = tpu.memref_slice %arg14[%dma_start3A_104, %dma_start3A_109] : memref<8x128xi32, #tpu.memory_space<vmem>> -> memref<1x128xi32, #tpu.memory_space<vmem>>
    %dma_start3A_111 = tpu.memref_squeeze %dma_start3A_110 : memref<1x128xi32, #tpu.memory_space<vmem>> -> memref<128xi32, #tpu.memory_space<vmem>>
    %dma_start3A_112 = arith.constant 0 : i32
    %dma_start3A_113 = tpu.memref_slice %arg4[%dma_start3A_112] : memref<65536xf32, #tpu.memory_space<hbm>> -> memref<65536xf32, #tpu.memory_space<hbm>>
    tpu.enqueue_indirect_dma source(%dma_start3A_113 : memref<65536xf32, #tpu.memory_space<hbm>>) target(%dma_start3A_108 : memref<128xf32, #tpu.memory_space<vmem>>) offsets(%dma_start3A_111 : memref<128xi32, #tpu.memory_space<vmem>>) semaphore(%arg19 : memref<!tpu.dma_semaphore, #tpu.memory_space<semaphore_mem>>)
    %dma_start3A_114 = arith.constant 3 : i32
    %dma_start3A_115 = arith.constant 0 : i32
    %dma_start3A_116 = arith.constant 384 : i32
    %dma_start3A_117 = tpu.memref_slice %arg17[%dma_start3A_115, %dma_start3A_116] : memref<4x1024xf32, #tpu.memory_space<vmem>> -> memref<1x128xf32, #tpu.memory_space<vmem>>
    %dma_start3A_118 = tpu.memref_squeeze %dma_start3A_117 : memref<1x128xf32, #tpu.memory_space<vmem>> -> memref<128xf32, #tpu.memory_space<vmem>>
    %dma_start3A_119 = arith.constant 0 : i32
    %dma_start3A_120 = tpu.memref_slice %arg14[%dma_start3A_114, %dma_start3A_119] : memref<8x128xi32, #tpu.memory_space<vmem>> -> memref<1x128xi32, #tpu.memory_space<vmem>>
    %dma_start3A_121 = tpu.memref_squeeze %dma_start3A_120 : memref<1x128xi32, #tpu.memory_space<vmem>> -> memref<128xi32, #tpu.memory_space<vmem>>
    %dma_start3A_122 = arith.constant 0 : i32
    %dma_start3A_123 = tpu.memref_slice %arg4[%dma_start3A_122] : memref<65536xf32, #tpu.memory_space<hbm>> -> memref<65536xf32, #tpu.memory_space<hbm>>
    tpu.enqueue_indirect_dma source(%dma_start3A_123 : memref<65536xf32, #tpu.memory_space<hbm>>) target(%dma_start3A_118 : memref<128xf32, #tpu.memory_space<vmem>>) offsets(%dma_start3A_121 : memref<128xi32, #tpu.memory_space<vmem>>) semaphore(%arg19 : memref<!tpu.dma_semaphore, #tpu.memory_space<semaphore_mem>>)
    %dma_start3A_124 = arith.constant 4 : i32
    %dma_start3A_125 = arith.constant 0 : i32
    %dma_start3A_126 = arith.constant 512 : i32
    %dma_start3A_127 = tpu.memref_slice %arg17[%dma_start3A_125, %dma_start3A_126] : memref<4x1024xf32, #tpu.memory_space<vmem>> -> memref<1x128xf32, #tpu.memory_space<vmem>>
    %dma_start3A_128 = tpu.memref_squeeze %dma_start3A_127 : memref<1x128xf32, #tpu.memory_space<vmem>> -> memref<128xf32, #tpu.memory_space<vmem>>
    %dma_start3A_129 = arith.constant 0 : i32
    %dma_start3A_130 = tpu.memref_slice %arg14[%dma_start3A_124, %dma_start3A_129] : memref<8x128xi32, #tpu.memory_space<vmem>> -> memref<1x128xi32, #tpu.memory_space<vmem>>
    %dma_start3A_131 = tpu.memref_squeeze %dma_start3A_130 : memref<1x128xi32, #tpu.memory_space<vmem>> -> memref<128xi32, #tpu.memory_space<vmem>>
    %dma_start3A_132 = arith.constant 0 : i32
    %dma_start3A_133 = tpu.memref_slice %arg4[%dma_start3A_132] : memref<65536xf32, #tpu.memory_space<hbm>> -> memref<65536xf32, #tpu.memory_space<hbm>>
    tpu.enqueue_indirect_dma source(%dma_start3A_133 : memref<65536xf32, #tpu.memory_space<hbm>>) target(%dma_start3A_128 : memref<128xf32, #tpu.memory_space<vmem>>) offsets(%dma_start3A_131 : memref<128xi32, #tpu.memory_space<vmem>>) semaphore(%arg19 : memref<!tpu.dma_semaphore, #tpu.memory_space<semaphore_mem>>)
    %dma_start3A_134 = arith.constant 5 : i32
    %dma_start3A_135 = arith.constant 0 : i32
    %dma_start3A_136 = arith.constant 640 : i32
    %dma_start3A_137 = tpu.memref_slice %arg17[%dma_start3A_135, %dma_start3A_136] : memref<4x1024xf32, #tpu.memory_space<vmem>> -> memref<1x128xf32, #tpu.memory_space<vmem>>
    %dma_start3A_138 = tpu.memref_squeeze %dma_start3A_137 : memref<1x128xf32, #tpu.memory_space<vmem>> -> memref<128xf32, #tpu.memory_space<vmem>>
    %dma_start3A_139 = arith.constant 0 : i32
    %dma_start3A_140 = tpu.memref_slice %arg14[%dma_start3A_134, %dma_start3A_139] : memref<8x128xi32, #tpu.memory_space<vmem>> -> memref<1x128xi32, #tpu.memory_space<vmem>>
    %dma_start3A_141 = tpu.memref_squeeze %dma_start3A_140 : memref<1x128xi32, #tpu.memory_space<vmem>> -> memref<128xi32, #tpu.memory_space<vmem>>
    %dma_start3A_142 = arith.constant 0 : i32
    %dma_start3A_143 = tpu.memref_slice %arg4[%dma_start3A_142] : memref<65536xf32, #tpu.memory_space<hbm>> -> memref<65536xf32, #tpu.memory_space<hbm>>
    tpu.enqueue_indirect_dma source(%dma_start3A_143 : memref<65536xf32, #tpu.memory_space<hbm>>) target(%dma_start3A_138 : memref<128xf32, #tpu.memory_space<vmem>>) offsets(%dma_start3A_141 : memref<128xi32, #tpu.memory_space<vmem>>) semaphore(%arg19 : memref<!tpu.dma_semaphore, #tpu.memory_space<semaphore_mem>>)
    %dma_start3A_144 = arith.constant 6 : i32
    %dma_start3A_145 = arith.constant 0 : i32
    %dma_start3A_146 = arith.constant 768 : i32
    %dma_start3A_147 = tpu.memref_slice %arg17[%dma_start3A_145, %dma_start3A_146] : memref<4x1024xf32, #tpu.memory_space<vmem>> -> memref<1x128xf32, #tpu.memory_space<vmem>>
    %dma_start3A_148 = tpu.memref_squeeze %dma_start3A_147 : memref<1x128xf32, #tpu.memory_space<vmem>> -> memref<128xf32, #tpu.memory_space<vmem>>
    %dma_start3A_149 = arith.constant 0 : i32
    %dma_start3A_150 = tpu.memref_slice %arg14[%dma_start3A_144, %dma_start3A_149] : memref<8x128xi32, #tpu.memory_space<vmem>> -> memref<1x128xi32, #tpu.memory_space<vmem>>
    %dma_start3A_151 = tpu.memref_squeeze %dma_start3A_150 : memref<1x128xi32, #tpu.memory_space<vmem>> -> memref<128xi32, #tpu.memory_space<vmem>>
    %dma_start3A_152 = arith.constant 0 : i32
    %dma_start3A_153 = tpu.memref_slice %arg4[%dma_start3A_152] : memref<65536xf32, #tpu.memory_space<hbm>> -> memref<65536xf32, #tpu.memory_space<hbm>>
    tpu.enqueue_indirect_dma source(%dma_start3A_153 : memref<65536xf32, #tpu.memory_space<hbm>>) target(%dma_start3A_148 : memref<128xf32, #tpu.memory_space<vmem>>) offsets(%dma_start3A_151 : memref<128xi32, #tpu.memory_space<vmem>>) semaphore(%arg19 : memref<!tpu.dma_semaphore, #tpu.memory_space<semaphore_mem>>)
    %dma_start3A_154 = arith.constant 7 : i32
    %dma_start3A_155 = arith.constant 0 : i32
    %dma_start3A_156 = arith.constant 896 : i32
    %dma_start3A_157 = tpu.memref_slice %arg17[%dma_start3A_155, %dma_start3A_156] : memref<4x1024xf32, #tpu.memory_space<vmem>> -> memref<1x128xf32, #tpu.memory_space<vmem>>
    %dma_start3A_158 = tpu.memref_squeeze %dma_start3A_157 : memref<1x128xf32, #tpu.memory_space<vmem>> -> memref<128xf32, #tpu.memory_space<vmem>>
    %dma_start3A_159 = arith.constant 0 : i32
    %dma_start3A_160 = tpu.memref_slice %arg14[%dma_start3A_154, %dma_start3A_159] : memref<8x128xi32, #tpu.memory_space<vmem>> -> memref<1x128xi32, #tpu.memory_space<vmem>>
    %dma_start3A_161 = tpu.memref_squeeze %dma_start3A_160 : memref<1x128xi32, #tpu.memory_space<vmem>> -> memref<128xi32, #tpu.memory_space<vmem>>
    %dma_start3A_162 = arith.constant 0 : i32
    %dma_start3A_163 = tpu.memref_slice %arg4[%dma_start3A_162] : memref<65536xf32, #tpu.memory_space<hbm>> -> memref<65536xf32, #tpu.memory_space<hbm>>
    tpu.enqueue_indirect_dma source(%dma_start3A_163 : memref<65536xf32, #tpu.memory_space<hbm>>) target(%dma_start3A_158 : memref<128xf32, #tpu.memory_space<vmem>>) offsets(%dma_start3A_161 : memref<128xi32, #tpu.memory_space<vmem>>) semaphore(%arg19 : memref<!tpu.dma_semaphore, #tpu.memory_space<semaphore_mem>>)
    %dma_start3A_164 = arith.constant 0 : i32
    %dma_start3A_165 = arith.constant 1 : i32
    %dma_start3A_166 = arith.constant 0 : i32
    %dma_start3A_167 = tpu.memref_slice %arg17[%dma_start3A_165, %dma_start3A_166] : memref<4x1024xf32, #tpu.memory_space<vmem>> -> memref<1x128xf32, #tpu.memory_space<vmem>>
    %dma_start3A_168 = tpu.memref_squeeze %dma_start3A_167 : memref<1x128xf32, #tpu.memory_space<vmem>> -> memref<128xf32, #tpu.memory_space<vmem>>
    %dma_start3A_169 = arith.constant 0 : i32
    %dma_start3A_170 = tpu.memref_slice %arg14[%dma_start3A_164, %dma_start3A_169] : memref<8x128xi32, #tpu.memory_space<vmem>> -> memref<1x128xi32, #tpu.memory_space<vmem>>
    %dma_start3A_171 = tpu.memref_squeeze %dma_start3A_170 : memref<1x128xi32, #tpu.memory_space<vmem>> -> memref<128xi32, #tpu.memory_space<vmem>>
    %dma_start3A_172 = arith.constant 0 : i32
    %dma_start3A_173 = tpu.memref_slice %arg5[%dma_start3A_172] : memref<65536xf32, #tpu.memory_space<hbm>> -> memref<65536xf32, #tpu.memory_space<hbm>>
    tpu.enqueue_indirect_dma source(%dma_start3A_173 : memref<65536xf32, #tpu.memory_space<hbm>>) target(%dma_start3A_168 : memref<128xf32, #tpu.memory_space<vmem>>) offsets(%dma_start3A_171 : memref<128xi32, #tpu.memory_space<vmem>>) semaphore(%arg19 : memref<!tpu.dma_semaphore, #tpu.memory_space<semaphore_mem>>)
    %dma_start3A_174 = arith.constant 1 : i32
    %dma_start3A_175 = arith.constant 1 : i32
    %dma_start3A_176 = arith.constant 128 : i32
    %dma_start3A_177 = tpu.memref_slice %arg17[%dma_start3A_175, %dma_start3A_176] : memref<4x1024xf32, #tpu.memory_space<vmem>> -> memref<1x128xf32, #tpu.memory_space<vmem>>
    %dma_start3A_178 = tpu.memref_squeeze %dma_start3A_177 : memref<1x128xf32, #tpu.memory_space<vmem>> -> memref<128xf32, #tpu.memory_space<vmem>>
    %dma_start3A_179 = arith.constant 0 : i32
    %dma_start3A_180 = tpu.memref_slice %arg14[%dma_start3A_174, %dma_start3A_179] : memref<8x128xi32, #tpu.memory_space<vmem>> -> memref<1x128xi32, #tpu.memory_space<vmem>>
    %dma_start3A_181 = tpu.memref_squeeze %dma_start3A_180 : memref<1x128xi32, #tpu.memory_space<vmem>> -> memref<128xi32, #tpu.memory_space<vmem>>
    %dma_start3A_182 = arith.constant 0 : i32
    %dma_start3A_183 = tpu.memref_slice %arg5[%dma_start3A_182] : memref<65536xf32, #tpu.memory_space<hbm>> -> memref<65536xf32, #tpu.memory_space<hbm>>
    tpu.enqueue_indirect_dma source(%dma_start3A_183 : memref<65536xf32, #tpu.memory_space<hbm>>) target(%dma_start3A_178 : memref<128xf32, #tpu.memory_space<vmem>>) offsets(%dma_start3A_181 : memref<128xi32, #tpu.memory_space<vmem>>) semaphore(%arg19 : memref<!tpu.dma_semaphore, #tpu.memory_space<semaphore_mem>>)
    %dma_start3A_184 = arith.constant 2 : i32
    %dma_start3A_185 = arith.constant 1 : i32
    %dma_start3A_186 = arith.constant 256 : i32
    %dma_start3A_187 = tpu.memref_slice %arg17[%dma_start3A_185, %dma_start3A_186] : memref<4x1024xf32, #tpu.memory_space<vmem>> -> memref<1x128xf32, #tpu.memory_space<vmem>>
    %dma_start3A_188 = tpu.memref_squeeze %dma_start3A_187 : memref<1x128xf32, #tpu.memory_space<vmem>> -> memref<128xf32, #tpu.memory_space<vmem>>
    %dma_start3A_189 = arith.constant 0 : i32
    %dma_start3A_190 = tpu.memref_slice %arg14[%dma_start3A_184, %dma_start3A_189] : memref<8x128xi32, #tpu.memory_space<vmem>> -> memref<1x128xi32, #tpu.memory_space<vmem>>
    %dma_start3A_191 = tpu.memref_squeeze %dma_start3A_190 : memref<1x128xi32, #tpu.memory_space<vmem>> -> memref<128xi32, #tpu.memory_space<vmem>>
    %dma_start3A_192 = arith.constant 0 : i32
    %dma_start3A_193 = tpu.memref_slice %arg5[%dma_start3A_192] : memref<65536xf32, #tpu.memory_space<hbm>> -> memref<65536xf32, #tpu.memory_space<hbm>>
    tpu.enqueue_indirect_dma source(%dma_start3A_193 : memref<65536xf32, #tpu.memory_space<hbm>>) target(%dma_start3A_188 : memref<128xf32, #tpu.memory_space<vmem>>) offsets(%dma_start3A_191 : memref<128xi32, #tpu.memory_space<vmem>>) semaphore(%arg19 : memref<!tpu.dma_semaphore, #tpu.memory_space<semaphore_mem>>)
    %dma_start3A_194 = arith.constant 3 : i32
    %dma_start3A_195 = arith.constant 1 : i32
    %dma_start3A_196 = arith.constant 384 : i32
    %dma_start3A_197 = tpu.memref_slice %arg17[%dma_start3A_195, %dma_start3A_196] : memref<4x1024xf32, #tpu.memory_space<vmem>> -> memref<1x128xf32, #tpu.memory_space<vmem>>
    %dma_start3A_198 = tpu.memref_squeeze %dma_start3A_197 : memref<1x128xf32, #tpu.memory_space<vmem>> -> memref<128xf32, #tpu.memory_space<vmem>>
    %dma_start3A_199 = arith.constant 0 : i32
    %dma_start3A_200 = tpu.memref_slice %arg14[%dma_start3A_194, %dma_start3A_199] : memref<8x128xi32, #tpu.memory_space<vmem>> -> memref<1x128xi32, #tpu.memory_space<vmem>>
    %dma_start3A_201 = tpu.memref_squeeze %dma_start3A_200 : memref<1x128xi32, #tpu.memory_space<vmem>> -> memref<128xi32, #tpu.memory_space<vmem>>
    %dma_start3A_202 = arith.constant 0 : i32
    %dma_start3A_203 = tpu.memref_slice %arg5[%dma_start3A_202] : memref<65536xf32, #tpu.memory_space<hbm>> -> memref<65536xf32, #tpu.memory_space<hbm>>
    tpu.enqueue_indirect_dma source(%dma_start3A_203 : memref<65536xf32, #tpu.memory_space<hbm>>) target(%dma_start3A_198 : memref<128xf32, #tpu.memory_space<vmem>>) offsets(%dma_start3A_201 : memref<128xi32, #tpu.memory_space<vmem>>) semaphore(%arg19 : memref<!tpu.dma_semaphore, #tpu.memory_space<semaphore_mem>>)
    %dma_start3A_204 = arith.constant 4 : i32
    %dma_start3A_205 = arith.constant 1 : i32
    %dma_start3A_206 = arith.constant 512 : i32
    %dma_start3A_207 = tpu.memref_slice %arg17[%dma_start3A_205, %dma_start3A_206] : memref<4x1024xf32, #tpu.memory_space<vmem>> -> memref<1x128xf32, #tpu.memory_space<vmem>>
    %dma_start3A_208 = tpu.memref_squeeze %dma_start3A_207 : memref<1x128xf32, #tpu.memory_space<vmem>> -> memref<128xf32, #tpu.memory_space<vmem>>
    %dma_start3A_209 = arith.constant 0 : i32
    %dma_start3A_210 = tpu.memref_slice %arg14[%dma_start3A_204, %dma_start3A_209] : memref<8x128xi32, #tpu.memory_space<vmem>> -> memref<1x128xi32, #tpu.memory_space<vmem>>
    %dma_start3A_211 = tpu.memref_squeeze %dma_start3A_210 : memref<1x128xi32, #tpu.memory_space<vmem>> -> memref<128xi32, #tpu.memory_space<vmem>>
    %dma_start3A_212 = arith.constant 0 : i32
    %dma_start3A_213 = tpu.memref_slice %arg5[%dma_start3A_212] : memref<65536xf32, #tpu.memory_space<hbm>> -> memref<65536xf32, #tpu.memory_space<hbm>>
    tpu.enqueue_indirect_dma source(%dma_start3A_213 : memref<65536xf32, #tpu.memory_space<hbm>>) target(%dma_start3A_208 : memref<128xf32, #tpu.memory_space<vmem>>) offsets(%dma_start3A_211 : memref<128xi32, #tpu.memory_space<vmem>>) semaphore(%arg19 : memref<!tpu.dma_semaphore, #tpu.memory_space<semaphore_mem>>)
    %dma_start3A_214 = arith.constant 5 : i32
    %dma_start3A_215 = arith.constant 1 : i32
    %dma_start3A_216 = arith.constant 640 : i32
    %dma_start3A_217 = tpu.memref_slice %arg17[%dma_start3A_215, %dma_start3A_216] : memref<4x1024xf32, #tpu.memory_space<vmem>> -> memref<1x128xf32, #tpu.memory_space<vmem>>
    %dma_start3A_218 = tpu.memref_squeeze %dma_start3A_217 : memref<1x128xf32, #tpu.memory_space<vmem>> -> memref<128xf32, #tpu.memory_space<vmem>>
    %dma_start3A_219 = arith.constant 0 : i32
    %dma_start3A_220 = tpu.memref_slice %arg14[%dma_start3A_214, %dma_start3A_219] : memref<8x128xi32, #tpu.memory_space<vmem>> -> memref<1x128xi32, #tpu.memory_space<vmem>>
    %dma_start3A_221 = tpu.memref_squeeze %dma_start3A_220 : memref<1x128xi32, #tpu.memory_space<vmem>> -> memref<128xi32, #tpu.memory_space<vmem>>
    %dma_start3A_222 = arith.constant 0 : i32
    %dma_start3A_223 = tpu.memref_slice %arg5[%dma_start3A_222] : memref<65536xf32, #tpu.memory_space<hbm>> -> memref<65536xf32, #tpu.memory_space<hbm>>
    tpu.enqueue_indirect_dma source(%dma_start3A_223 : memref<65536xf32, #tpu.memory_space<hbm>>) target(%dma_start3A_218 : memref<128xf32, #tpu.memory_space<vmem>>) offsets(%dma_start3A_221 : memref<128xi32, #tpu.memory_space<vmem>>) semaphore(%arg19 : memref<!tpu.dma_semaphore, #tpu.memory_space<semaphore_mem>>)
    %dma_start3A_224 = arith.constant 6 : i32
    %dma_start3A_225 = arith.constant 1 : i32
    %dma_start3A_226 = arith.constant 768 : i32
    %dma_start3A_227 = tpu.memref_slice %arg17[%dma_start3A_225, %dma_start3A_226] : memref<4x1024xf32, #tpu.memory_space<vmem>> -> memref<1x128xf32, #tpu.memory_space<vmem>>
    %dma_start3A_228 = tpu.memref_squeeze %dma_start3A_227 : memref<1x128xf32, #tpu.memory_space<vmem>> -> memref<128xf32, #tpu.memory_space<vmem>>
    %dma_start3A_229 = arith.constant 0 : i32
    %dma_start3A_230 = tpu.memref_slice %arg14[%dma_start3A_224, %dma_start3A_229] : memref<8x128xi32, #tpu.memory_space<vmem>> -> memref<1x128xi32, #tpu.memory_space<vmem>>
    %dma_start3A_231 = tpu.memref_squeeze %dma_start3A_230 : memref<1x128xi32, #tpu.memory_space<vmem>> -> memref<128xi32, #tpu.memory_space<vmem>>
    %dma_start3A_232 = arith.constant 0 : i32
    %dma_start3A_233 = tpu.memref_slice %arg5[%dma_start3A_232] : memref<65536xf32, #tpu.memory_space<hbm>> -> memref<65536xf32, #tpu.memory_space<hbm>>
    tpu.enqueue_indirect_dma source(%dma_start3A_233 : memref<65536xf32, #tpu.memory_space<hbm>>) target(%dma_start3A_228 : memref<128xf32, #tpu.memory_space<vmem>>) offsets(%dma_start3A_231 : memref<128xi32, #tpu.memory_space<vmem>>) semaphore(%arg19 : memref<!tpu.dma_semaphore, #tpu.memory_space<semaphore_mem>>)
    %dma_start3A_234 = arith.constant 7 : i32
    %dma_start3A_235 = arith.constant 1 : i32
    %dma_start3A_236 = arith.constant 896 : i32
    %dma_start3A_237 = tpu.memref_slice %arg17[%dma_start3A_235, %dma_start3A_236] : memref<4x1024xf32, #tpu.memory_space<vmem>> -> memref<1x128xf32, #tpu.memory_space<vmem>>
    %dma_start3A_238 = tpu.memref_squeeze %dma_start3A_237 : memref<1x128xf32, #tpu.memory_space<vmem>> -> memref<128xf32, #tpu.memory_space<vmem>>
    %dma_start3A_239 = arith.constant 0 : i32
    %dma_start3A_240 = tpu.memref_slice %arg14[%dma_start3A_234, %dma_start3A_239] : memref<8x128xi32, #tpu.memory_space<vmem>> -> memref<1x128xi32, #tpu.memory_space<vmem>>
    %dma_start3A_241 = tpu.memref_squeeze %dma_start3A_240 : memref<1x128xi32, #tpu.memory_space<vmem>> -> memref<128xi32, #tpu.memory_space<vmem>>
    %dma_start3A_242 = arith.constant 0 : i32
    %dma_start3A_243 = tpu.memref_slice %arg5[%dma_start3A_242] : memref<65536xf32, #tpu.memory_space<hbm>> -> memref<65536xf32, #tpu.memory_space<hbm>>
    tpu.enqueue_indirect_dma source(%dma_start3A_243 : memref<65536xf32, #tpu.memory_space<hbm>>) target(%dma_start3A_238 : memref<128xf32, #tpu.memory_space<vmem>>) offsets(%dma_start3A_241 : memref<128xi32, #tpu.memory_space<vmem>>) semaphore(%arg19 : memref<!tpu.dma_semaphore, #tpu.memory_space<semaphore_mem>>)
    %dma_start3A_244 = arith.constant 0 : i32
    %dma_start3A_245 = arith.constant 2 : i32
    %dma_start3A_246 = arith.constant 0 : i32
    %dma_start3A_247 = tpu.memref_slice %arg17[%dma_start3A_245, %dma_start3A_246] : memref<4x1024xf32, #tpu.memory_space<vmem>> -> memref<1x128xf32, #tpu.memory_space<vmem>>
    %dma_start3A_248 = tpu.memref_squeeze %dma_start3A_247 : memref<1x128xf32, #tpu.memory_space<vmem>> -> memref<128xf32, #tpu.memory_space<vmem>>
    %dma_start3A_249 = arith.constant 0 : i32
    %dma_start3A_250 = tpu.memref_slice %arg14[%dma_start3A_244, %dma_start3A_249] : memref<8x128xi32, #tpu.memory_space<vmem>> -> memref<1x128xi32, #tpu.memory_space<vmem>>
    %dma_start3A_251 = tpu.memref_squeeze %dma_start3A_250 : memref<1x128xi32, #tpu.memory_space<vmem>> -> memref<128xi32, #tpu.memory_space<vmem>>
    %dma_start3A_252 = arith.constant 0 : i32
    %dma_start3A_253 = tpu.memref_slice %arg6[%dma_start3A_252] : memref<65536xf32, #tpu.memory_space<hbm>> -> memref<65536xf32, #tpu.memory_space<hbm>>
    tpu.enqueue_indirect_dma source(%dma_start3A_253 : memref<65536xf32, #tpu.memory_space<hbm>>) target(%dma_start3A_248 : memref<128xf32, #tpu.memory_space<vmem>>) offsets(%dma_start3A_251 : memref<128xi32, #tpu.memory_space<vmem>>) semaphore(%arg19 : memref<!tpu.dma_semaphore, #tpu.memory_space<semaphore_mem>>)
    %dma_start3A_254 = arith.constant 1 : i32
    %dma_start3A_255 = arith.constant 2 : i32
    %dma_start3A_256 = arith.constant 128 : i32
    %dma_start3A_257 = tpu.memref_slice %arg17[%dma_start3A_255, %dma_start3A_256] : memref<4x1024xf32, #tpu.memory_space<vmem>> -> memref<1x128xf32, #tpu.memory_space<vmem>>
    %dma_start3A_258 = tpu.memref_squeeze %dma_start3A_257 : memref<1x128xf32, #tpu.memory_space<vmem>> -> memref<128xf32, #tpu.memory_space<vmem>>
    %dma_start3A_259 = arith.constant 0 : i32
    %dma_start3A_260 = tpu.memref_slice %arg14[%dma_start3A_254, %dma_start3A_259] : memref<8x128xi32, #tpu.memory_space<vmem>> -> memref<1x128xi32, #tpu.memory_space<vmem>>
    %dma_start3A_261 = tpu.memref_squeeze %dma_start3A_260 : memref<1x128xi32, #tpu.memory_space<vmem>> -> memref<128xi32, #tpu.memory_space<vmem>>
    %dma_start3A_262 = arith.constant 0 : i32
    %dma_start3A_263 = tpu.memref_slice %arg6[%dma_start3A_262] : memref<65536xf32, #tpu.memory_space<hbm>> -> memref<65536xf32, #tpu.memory_space<hbm>>
    tpu.enqueue_indirect_dma source(%dma_start3A_263 : memref<65536xf32, #tpu.memory_space<hbm>>) target(%dma_start3A_258 : memref<128xf32, #tpu.memory_space<vmem>>) offsets(%dma_start3A_261 : memref<128xi32, #tpu.memory_space<vmem>>) semaphore(%arg19 : memref<!tpu.dma_semaphore, #tpu.memory_space<semaphore_mem>>)
    %dma_start3A_264 = arith.constant 2 : i32
    %dma_start3A_265 = arith.constant 2 : i32
    %dma_start3A_266 = arith.constant 256 : i32
    %dma_start3A_267 = tpu.memref_slice %arg17[%dma_start3A_265, %dma_start3A_266] : memref<4x1024xf32, #tpu.memory_space<vmem>> -> memref<1x128xf32, #tpu.memory_space<vmem>>
    %dma_start3A_268 = tpu.memref_squeeze %dma_start3A_267 : memref<1x128xf32, #tpu.memory_space<vmem>> -> memref<128xf32, #tpu.memory_space<vmem>>
    %dma_start3A_269 = arith.constant 0 : i32
    %dma_start3A_270 = tpu.memref_slice %arg14[%dma_start3A_264, %dma_start3A_269] : memref<8x128xi32, #tpu.memory_space<vmem>> -> memref<1x128xi32, #tpu.memory_space<vmem>>
    %dma_start3A_271 = tpu.memref_squeeze %dma_start3A_270 : memref<1x128xi32, #tpu.memory_space<vmem>> -> memref<128xi32, #tpu.memory_space<vmem>>
    %dma_start3A_272 = arith.constant 0 : i32
    %dma_start3A_273 = tpu.memref_slice %arg6[%dma_start3A_272] : memref<65536xf32, #tpu.memory_space<hbm>> -> memref<65536xf32, #tpu.memory_space<hbm>>
    tpu.enqueue_indirect_dma source(%dma_start3A_273 : memref<65536xf32, #tpu.memory_space<hbm>>) target(%dma_start3A_268 : memref<128xf32, #tpu.memory_space<vmem>>) offsets(%dma_start3A_271 : memref<128xi32, #tpu.memory_space<vmem>>) semaphore(%arg19 : memref<!tpu.dma_semaphore, #tpu.memory_space<semaphore_mem>>)
    %dma_start3A_274 = arith.constant 3 : i32
    %dma_start3A_275 = arith.constant 2 : i32
    %dma_start3A_276 = arith.constant 384 : i32
    %dma_start3A_277 = tpu.memref_slice %arg17[%dma_start3A_275, %dma_start3A_276] : memref<4x1024xf32, #tpu.memory_space<vmem>> -> memref<1x128xf32, #tpu.memory_space<vmem>>
    %dma_start3A_278 = tpu.memref_squeeze %dma_start3A_277 : memref<1x128xf32, #tpu.memory_space<vmem>> -> memref<128xf32, #tpu.memory_space<vmem>>
    %dma_start3A_279 = arith.constant 0 : i32
    %dma_start3A_280 = tpu.memref_slice %arg14[%dma_start3A_274, %dma_start3A_279] : memref<8x128xi32, #tpu.memory_space<vmem>> -> memref<1x128xi32, #tpu.memory_space<vmem>>
    %dma_start3A_281 = tpu.memref_squeeze %dma_start3A_280 : memref<1x128xi32, #tpu.memory_space<vmem>> -> memref<128xi32, #tpu.memory_space<vmem>>
    %dma_start3A_282 = arith.constant 0 : i32
    %dma_start3A_283 = tpu.memref_slice %arg6[%dma_start3A_282] : memref<65536xf32, #tpu.memory_space<hbm>> -> memref<65536xf32, #tpu.memory_space<hbm>>
    tpu.enqueue_indirect_dma source(%dma_start3A_283 : memref<65536xf32, #tpu.memory_space<hbm>>) target(%dma_start3A_278 : memref<128xf32, #tpu.memory_space<vmem>>) offsets(%dma_start3A_281 : memref<128xi32, #tpu.memory_space<vmem>>) semaphore(%arg19 : memref<!tpu.dma_semaphore, #tpu.memory_space<semaphore_mem>>)
    %dma_start3A_284 = arith.constant 4 : i32
    %dma_start3A_285 = arith.constant 2 : i32
    %dma_start3A_286 = arith.constant 512 : i32
    %dma_start3A_287 = tpu.memref_slice %arg17[%dma_start3A_285, %dma_start3A_286] : memref<4x1024xf32, #tpu.memory_space<vmem>> -> memref<1x128xf32, #tpu.memory_space<vmem>>
    %dma_start3A_288 = tpu.memref_squeeze %dma_start3A_287 : memref<1x128xf32, #tpu.memory_space<vmem>> -> memref<128xf32, #tpu.memory_space<vmem>>
    %dma_start3A_289 = arith.constant 0 : i32
    %dma_start3A_290 = tpu.memref_slice %arg14[%dma_start3A_284, %dma_start3A_289] : memref<8x128xi32, #tpu.memory_space<vmem>> -> memref<1x128xi32, #tpu.memory_space<vmem>>
    %dma_start3A_291 = tpu.memref_squeeze %dma_start3A_290 : memref<1x128xi32, #tpu.memory_space<vmem>> -> memref<128xi32, #tpu.memory_space<vmem>>
    %dma_start3A_292 = arith.constant 0 : i32
    %dma_start3A_293 = tpu.memref_slice %arg6[%dma_start3A_292] : memref<65536xf32, #tpu.memory_space<hbm>> -> memref<65536xf32, #tpu.memory_space<hbm>>
    tpu.enqueue_indirect_dma source(%dma_start3A_293 : memref<65536xf32, #tpu.memory_space<hbm>>) target(%dma_start3A_288 : memref<128xf32, #tpu.memory_space<vmem>>) offsets(%dma_start3A_291 : memref<128xi32, #tpu.memory_space<vmem>>) semaphore(%arg19 : memref<!tpu.dma_semaphore, #tpu.memory_space<semaphore_mem>>)
    %dma_start3A_294 = arith.constant 5 : i32
    %dma_start3A_295 = arith.constant 2 : i32
    %dma_start3A_296 = arith.constant 640 : i32
    %dma_start3A_297 = tpu.memref_slice %arg17[%dma_start3A_295, %dma_start3A_296] : memref<4x1024xf32, #tpu.memory_space<vmem>> -> memref<1x128xf32, #tpu.memory_space<vmem>>
    %dma_start3A_298 = tpu.memref_squeeze %dma_start3A_297 : memref<1x128xf32, #tpu.memory_space<vmem>> -> memref<128xf32, #tpu.memory_space<vmem>>
    %dma_start3A_299 = arith.constant 0 : i32
    %dma_start3A_300 = tpu.memref_slice %arg14[%dma_start3A_294, %dma_start3A_299] : memref<8x128xi32, #tpu.memory_space<vmem>> -> memref<1x128xi32, #tpu.memory_space<vmem>>
    %dma_start3A_301 = tpu.memref_squeeze %dma_start3A_300 : memref<1x128xi32, #tpu.memory_space<vmem>> -> memref<128xi32, #tpu.memory_space<vmem>>
    %dma_start3A_302 = arith.constant 0 : i32
    %dma_start3A_303 = tpu.memref_slice %arg6[%dma_start3A_302] : memref<65536xf32, #tpu.memory_space<hbm>> -> memref<65536xf32, #tpu.memory_space<hbm>>
    tpu.enqueue_indirect_dma source(%dma_start3A_303 : memref<65536xf32, #tpu.memory_space<hbm>>) target(%dma_start3A_298 : memref<128xf32, #tpu.memory_space<vmem>>) offsets(%dma_start3A_301 : memref<128xi32, #tpu.memory_space<vmem>>) semaphore(%arg19 : memref<!tpu.dma_semaphore, #tpu.memory_space<semaphore_mem>>)
    %dma_start3A_304 = arith.constant 6 : i32
    %dma_start3A_305 = arith.constant 2 : i32
    %dma_start3A_306 = arith.constant 768 : i32
    %dma_start3A_307 = tpu.memref_slice %arg17[%dma_start3A_305, %dma_start3A_306] : memref<4x1024xf32, #tpu.memory_space<vmem>> -> memref<1x128xf32, #tpu.memory_space<vmem>>
    %dma_start3A_308 = tpu.memref_squeeze %dma_start3A_307 : memref<1x128xf32, #tpu.memory_space<vmem>> -> memref<128xf32, #tpu.memory_space<vmem>>
    %dma_start3A_309 = arith.constant 0 : i32
    %dma_start3A_310 = tpu.memref_slice %arg14[%dma_start3A_304, %dma_start3A_309] : memref<8x128xi32, #tpu.memory_space<vmem>> -> memref<1x128xi32, #tpu.memory_space<vmem>>
    %dma_start3A_311 = tpu.memref_squeeze %dma_start3A_310 : memref<1x128xi32, #tpu.memory_space<vmem>> -> memref<128xi32, #tpu.memory_space<vmem>>
    %dma_start3A_312 = arith.constant 0 : i32
    %dma_start3A_313 = tpu.memref_slice %arg6[%dma_start3A_312] : memref<65536xf32, #tpu.memory_space<hbm>> -> memref<65536xf32, #tpu.memory_space<hbm>>
    tpu.enqueue_indirect_dma source(%dma_start3A_313 : memref<65536xf32, #tpu.memory_space<hbm>>) target(%dma_start3A_308 : memref<128xf32, #tpu.memory_space<vmem>>) offsets(%dma_start3A_311 : memref<128xi32, #tpu.memory_space<vmem>>) semaphore(%arg19 : memref<!tpu.dma_semaphore, #tpu.memory_space<semaphore_mem>>)
    %dma_start3A_314 = arith.constant 7 : i32
    %dma_start3A_315 = arith.constant 2 : i32
    %dma_start3A_316 = arith.constant 896 : i32
    %dma_start3A_317 = tpu.memref_slice %arg17[%dma_start3A_315, %dma_start3A_316] : memref<4x1024xf32, #tpu.memory_space<vmem>> -> memref<1x128xf32, #tpu.memory_space<vmem>>
    %dma_start3A_318 = tpu.memref_squeeze %dma_start3A_317 : memref<1x128xf32, #tpu.memory_space<vmem>> -> memref<128xf32, #tpu.memory_space<vmem>>
    %dma_start3A_319 = arith.constant 0 : i32
    %dma_start3A_320 = tpu.memref_slice %arg14[%dma_start3A_314, %dma_start3A_319] : memref<8x128xi32, #tpu.memory_space<vmem>> -> memref<1x128xi32, #tpu.memory_space<vmem>>
    %dma_start3A_321 = tpu.memref_squeeze %dma_start3A_320 : memref<1x128xi32, #tpu.memory_space<vmem>> -> memref<128xi32, #tpu.memory_space<vmem>>
    %dma_start3A_322 = arith.constant 0 : i32
    %dma_start3A_323 = tpu.memref_slice %arg6[%dma_start3A_322] : memref<65536xf32, #tpu.memory_space<hbm>> -> memref<65536xf32, #tpu.memory_space<hbm>>
    tpu.enqueue_indirect_dma source(%dma_start3A_323 : memref<65536xf32, #tpu.memory_space<hbm>>) target(%dma_start3A_318 : memref<128xf32, #tpu.memory_space<vmem>>) offsets(%dma_start3A_321 : memref<128xi32, #tpu.memory_space<vmem>>) semaphore(%arg19 : memref<!tpu.dma_semaphore, #tpu.memory_space<semaphore_mem>>)
    %dma_start3A_324 = arith.constant 0 : i32
    %dma_start3A_325 = arith.constant 3 : i32
    %dma_start3A_326 = arith.constant 0 : i32
    %dma_start3A_327 = tpu.memref_slice %arg17[%dma_start3A_325, %dma_start3A_326] : memref<4x1024xf32, #tpu.memory_space<vmem>> -> memref<1x128xf32, #tpu.memory_space<vmem>>
    %dma_start3A_328 = tpu.memref_squeeze %dma_start3A_327 : memref<1x128xf32, #tpu.memory_space<vmem>> -> memref<128xf32, #tpu.memory_space<vmem>>
    %dma_start3A_329 = arith.constant 0 : i32
    %dma_start3A_330 = tpu.memref_slice %arg14[%dma_start3A_324, %dma_start3A_329] : memref<8x128xi32, #tpu.memory_space<vmem>> -> memref<1x128xi32, #tpu.memory_space<vmem>>
    %dma_start3A_331 = tpu.memref_squeeze %dma_start3A_330 : memref<1x128xi32, #tpu.memory_space<vmem>> -> memref<128xi32, #tpu.memory_space<vmem>>
    %dma_start3A_332 = arith.constant 0 : i32
    %dma_start3A_333 = tpu.memref_slice %arg7[%dma_start3A_332] : memref<65536xf32, #tpu.memory_space<hbm>> -> memref<65536xf32, #tpu.memory_space<hbm>>
    tpu.enqueue_indirect_dma source(%dma_start3A_333 : memref<65536xf32, #tpu.memory_space<hbm>>) target(%dma_start3A_328 : memref<128xf32, #tpu.memory_space<vmem>>) offsets(%dma_start3A_331 : memref<128xi32, #tpu.memory_space<vmem>>) semaphore(%arg19 : memref<!tpu.dma_semaphore, #tpu.memory_space<semaphore_mem>>)
    %dma_start3A_334 = arith.constant 1 : i32
    %dma_start3A_335 = arith.constant 3 : i32
    %dma_start3A_336 = arith.constant 128 : i32
    %dma_start3A_337 = tpu.memref_slice %arg17[%dma_start3A_335, %dma_start3A_336] : memref<4x1024xf32, #tpu.memory_space<vmem>> -> memref<1x128xf32, #tpu.memory_space<vmem>>
    %dma_start3A_338 = tpu.memref_squeeze %dma_start3A_337 : memref<1x128xf32, #tpu.memory_space<vmem>> -> memref<128xf32, #tpu.memory_space<vmem>>
    %dma_start3A_339 = arith.constant 0 : i32
    %dma_start3A_340 = tpu.memref_slice %arg14[%dma_start3A_334, %dma_start3A_339] : memref<8x128xi32, #tpu.memory_space<vmem>> -> memref<1x128xi32, #tpu.memory_space<vmem>>
    %dma_start3A_341 = tpu.memref_squeeze %dma_start3A_340 : memref<1x128xi32, #tpu.memory_space<vmem>> -> memref<128xi32, #tpu.memory_space<vmem>>
    %dma_start3A_342 = arith.constant 0 : i32
    %dma_start3A_343 = tpu.memref_slice %arg7[%dma_start3A_342] : memref<65536xf32, #tpu.memory_space<hbm>> -> memref<65536xf32, #tpu.memory_space<hbm>>
    tpu.enqueue_indirect_dma source(%dma_start3A_343 : memref<65536xf32, #tpu.memory_space<hbm>>) target(%dma_start3A_338 : memref<128xf32, #tpu.memory_space<vmem>>) offsets(%dma_start3A_341 : memref<128xi32, #tpu.memory_space<vmem>>) semaphore(%arg19 : memref<!tpu.dma_semaphore, #tpu.memory_space<semaphore_mem>>)
    %dma_start3A_344 = arith.constant 2 : i32
    %dma_start3A_345 = arith.constant 3 : i32
    %dma_start3A_346 = arith.constant 256 : i32
    %dma_start3A_347 = tpu.memref_slice %arg17[%dma_start3A_345, %dma_start3A_346] : memref<4x1024xf32, #tpu.memory_space<vmem>> -> memref<1x128xf32, #tpu.memory_space<vmem>>
    %dma_start3A_348 = tpu.memref_squeeze %dma_start3A_347 : memref<1x128xf32, #tpu.memory_space<vmem>> -> memref<128xf32, #tpu.memory_space<vmem>>
    %dma_start3A_349 = arith.constant 0 : i32
    %dma_start3A_350 = tpu.memref_slice %arg14[%dma_start3A_344, %dma_start3A_349] : memref<8x128xi32, #tpu.memory_space<vmem>> -> memref<1x128xi32, #tpu.memory_space<vmem>>
    %dma_start3A_351 = tpu.memref_squeeze %dma_start3A_350 : memref<1x128xi32, #tpu.memory_space<vmem>> -> memref<128xi32, #tpu.memory_space<vmem>>
    %dma_start3A_352 = arith.constant 0 : i32
    %dma_start3A_353 = tpu.memref_slice %arg7[%dma_start3A_352] : memref<65536xf32, #tpu.memory_space<hbm>> -> memref<65536xf32, #tpu.memory_space<hbm>>
    tpu.enqueue_indirect_dma source(%dma_start3A_353 : memref<65536xf32, #tpu.memory_space<hbm>>) target(%dma_start3A_348 : memref<128xf32, #tpu.memory_space<vmem>>) offsets(%dma_start3A_351 : memref<128xi32, #tpu.memory_space<vmem>>) semaphore(%arg19 : memref<!tpu.dma_semaphore, #tpu.memory_space<semaphore_mem>>)
    %dma_start3A_354 = arith.constant 3 : i32
    %dma_start3A_355 = arith.constant 3 : i32
    %dma_start3A_356 = arith.constant 384 : i32
    %dma_start3A_357 = tpu.memref_slice %arg17[%dma_start3A_355, %dma_start3A_356] : memref<4x1024xf32, #tpu.memory_space<vmem>> -> memref<1x128xf32, #tpu.memory_space<vmem>>
    %dma_start3A_358 = tpu.memref_squeeze %dma_start3A_357 : memref<1x128xf32, #tpu.memory_space<vmem>> -> memref<128xf32, #tpu.memory_space<vmem>>
    %dma_start3A_359 = arith.constant 0 : i32
    %dma_start3A_360 = tpu.memref_slice %arg14[%dma_start3A_354, %dma_start3A_359] : memref<8x128xi32, #tpu.memory_space<vmem>> -> memref<1x128xi32, #tpu.memory_space<vmem>>
    %dma_start3A_361 = tpu.memref_squeeze %dma_start3A_360 : memref<1x128xi32, #tpu.memory_space<vmem>> -> memref<128xi32, #tpu.memory_space<vmem>>
    %dma_start3A_362 = arith.constant 0 : i32
    %dma_start3A_363 = tpu.memref_slice %arg7[%dma_start3A_362] : memref<65536xf32, #tpu.memory_space<hbm>> -> memref<65536xf32, #tpu.memory_space<hbm>>
    tpu.enqueue_indirect_dma source(%dma_start3A_363 : memref<65536xf32, #tpu.memory_space<hbm>>) target(%dma_start3A_358 : memref<128xf32, #tpu.memory_space<vmem>>) offsets(%dma_start3A_361 : memref<128xi32, #tpu.memory_space<vmem>>) semaphore(%arg19 : memref<!tpu.dma_semaphore, #tpu.memory_space<semaphore_mem>>)
    %dma_start3A_364 = arith.constant 4 : i32
    %dma_start3A_365 = arith.constant 3 : i32
    %dma_start3A_366 = arith.constant 512 : i32
    %dma_start3A_367 = tpu.memref_slice %arg17[%dma_start3A_365, %dma_start3A_366] : memref<4x1024xf32, #tpu.memory_space<vmem>> -> memref<1x128xf32, #tpu.memory_space<vmem>>
    %dma_start3A_368 = tpu.memref_squeeze %dma_start3A_367 : memref<1x128xf32, #tpu.memory_space<vmem>> -> memref<128xf32, #tpu.memory_space<vmem>>
    %dma_start3A_369 = arith.constant 0 : i32
    %dma_start3A_370 = tpu.memref_slice %arg14[%dma_start3A_364, %dma_start3A_369] : memref<8x128xi32, #tpu.memory_space<vmem>> -> memref<1x128xi32, #tpu.memory_space<vmem>>
    %dma_start3A_371 = tpu.memref_squeeze %dma_start3A_370 : memref<1x128xi32, #tpu.memory_space<vmem>> -> memref<128xi32, #tpu.memory_space<vmem>>
    %dma_start3A_372 = arith.constant 0 : i32
    %dma_start3A_373 = tpu.memref_slice %arg7[%dma_start3A_372] : memref<65536xf32, #tpu.memory_space<hbm>> -> memref<65536xf32, #tpu.memory_space<hbm>>
    tpu.enqueue_indirect_dma source(%dma_start3A_373 : memref<65536xf32, #tpu.memory_space<hbm>>) target(%dma_start3A_368 : memref<128xf32, #tpu.memory_space<vmem>>) offsets(%dma_start3A_371 : memref<128xi32, #tpu.memory_space<vmem>>) semaphore(%arg19 : memref<!tpu.dma_semaphore, #tpu.memory_space<semaphore_mem>>)
    %dma_start3A_374 = arith.constant 5 : i32
    %dma_start3A_375 = arith.constant 3 : i32
    %dma_start3A_376 = arith.constant 640 : i32
    %dma_start3A_377 = tpu.memref_slice %arg17[%dma_start3A_375, %dma_start3A_376] : memref<4x1024xf32, #tpu.memory_space<vmem>> -> memref<1x128xf32, #tpu.memory_space<vmem>>
    %dma_start3A_378 = tpu.memref_squeeze %dma_start3A_377 : memref<1x128xf32, #tpu.memory_space<vmem>> -> memref<128xf32, #tpu.memory_space<vmem>>
    %dma_start3A_379 = arith.constant 0 : i32
    %dma_start3A_380 = tpu.memref_slice %arg14[%dma_start3A_374, %dma_start3A_379] : memref<8x128xi32, #tpu.memory_space<vmem>> -> memref<1x128xi32, #tpu.memory_space<vmem>>
    %dma_start3A_381 = tpu.memref_squeeze %dma_start3A_380 : memref<1x128xi32, #tpu.memory_space<vmem>> -> memref<128xi32, #tpu.memory_space<vmem>>
    %dma_start3A_382 = arith.constant 0 : i32
    %dma_start3A_383 = tpu.memref_slice %arg7[%dma_start3A_382] : memref<65536xf32, #tpu.memory_space<hbm>> -> memref<65536xf32, #tpu.memory_space<hbm>>
    tpu.enqueue_indirect_dma source(%dma_start3A_383 : memref<65536xf32, #tpu.memory_space<hbm>>) target(%dma_start3A_378 : memref<128xf32, #tpu.memory_space<vmem>>) offsets(%dma_start3A_381 : memref<128xi32, #tpu.memory_space<vmem>>) semaphore(%arg19 : memref<!tpu.dma_semaphore, #tpu.memory_space<semaphore_mem>>)
    %dma_start3A_384 = arith.constant 6 : i32
    %dma_start3A_385 = arith.constant 3 : i32
    %dma_start3A_386 = arith.constant 768 : i32
    %dma_start3A_387 = tpu.memref_slice %arg17[%dma_start3A_385, %dma_start3A_386] : memref<4x1024xf32, #tpu.memory_space<vmem>> -> memref<1x128xf32, #tpu.memory_space<vmem>>
    %dma_start3A_388 = tpu.memref_squeeze %dma_start3A_387 : memref<1x128xf32, #tpu.memory_space<vmem>> -> memref<128xf32, #tpu.memory_space<vmem>>
    %dma_start3A_389 = arith.constant 0 : i32
    %dma_start3A_390 = tpu.memref_slice %arg14[%dma_start3A_384, %dma_start3A_389] : memref<8x128xi32, #tpu.memory_space<vmem>> -> memref<1x128xi32, #tpu.memory_space<vmem>>
    %dma_start3A_391 = tpu.memref_squeeze %dma_start3A_390 : memref<1x128xi32, #tpu.memory_space<vmem>> -> memref<128xi32, #tpu.memory_space<vmem>>
    %dma_start3A_392 = arith.constant 0 : i32
    %dma_start3A_393 = tpu.memref_slice %arg7[%dma_start3A_392] : memref<65536xf32, #tpu.memory_space<hbm>> -> memref<65536xf32, #tpu.memory_space<hbm>>
    tpu.enqueue_indirect_dma source(%dma_start3A_393 : memref<65536xf32, #tpu.memory_space<hbm>>) target(%dma_start3A_388 : memref<128xf32, #tpu.memory_space<vmem>>) offsets(%dma_start3A_391 : memref<128xi32, #tpu.memory_space<vmem>>) semaphore(%arg19 : memref<!tpu.dma_semaphore, #tpu.memory_space<semaphore_mem>>)
    %dma_start3A_394 = arith.constant 7 : i32
    %dma_start3A_395 = arith.constant 3 : i32
    %dma_start3A_396 = arith.constant 896 : i32
    %dma_start3A_397 = tpu.memref_slice %arg17[%dma_start3A_395, %dma_start3A_396] : memref<4x1024xf32, #tpu.memory_space<vmem>> -> memref<1x128xf32, #tpu.memory_space<vmem>>
    %dma_start3A_398 = tpu.memref_squeeze %dma_start3A_397 : memref<1x128xf32, #tpu.memory_space<vmem>> -> memref<128xf32, #tpu.memory_space<vmem>>
    %dma_start3A_399 = arith.constant 0 : i32
    %dma_start3A_400 = tpu.memref_slice %arg14[%dma_start3A_394, %dma_start3A_399] : memref<8x128xi32, #tpu.memory_space<vmem>> -> memref<1x128xi32, #tpu.memory_space<vmem>>
    %dma_start3A_401 = tpu.memref_squeeze %dma_start3A_400 : memref<1x128xi32, #tpu.memory_space<vmem>> -> memref<128xi32, #tpu.memory_space<vmem>>
    %dma_start3A_402 = arith.constant 0 : i32
    %dma_start3A_403 = tpu.memref_slice %arg7[%dma_start3A_402] : memref<65536xf32, #tpu.memory_space<hbm>> -> memref<65536xf32, #tpu.memory_space<hbm>>
    tpu.enqueue_indirect_dma source(%dma_start3A_403 : memref<65536xf32, #tpu.memory_space<hbm>>) target(%dma_start3A_398 : memref<128xf32, #tpu.memory_space<vmem>>) offsets(%dma_start3A_401 : memref<128xi32, #tpu.memory_space<vmem>>) semaphore(%arg19 : memref<!tpu.dma_semaphore, #tpu.memory_space<semaphore_mem>>)
    %dma_wait3A = arith.constant 0 : i32
    %dma_wait3A_404 = arith.constant 0 : i32
    %dma_wait3A_405 = arith.constant 0 : i32
    %dma_wait3A_406 = tpu.memref_slice %arg15[%dma_wait3A_404, %dma_wait3A_405] : memref<8x128xi32, #tpu.memory_space<vmem>> -> memref<1x128xi32, #tpu.memory_space<vmem>>
    %dma_wait3A_407 = tpu.memref_squeeze %dma_wait3A_406 : memref<1x128xi32, #tpu.memory_space<vmem>> -> memref<128xi32, #tpu.memory_space<vmem>>
    %dma_wait3A_408 = arith.constant 0 : i32
    %dma_wait3A_409 = tpu.memref_slice %arg14[%dma_wait3A, %dma_wait3A_408] : memref<8x128xi32, #tpu.memory_space<vmem>> -> memref<1x128xi32, #tpu.memory_space<vmem>>
    %dma_wait3A_410 = tpu.memref_squeeze %dma_wait3A_409 : memref<1x128xi32, #tpu.memory_space<vmem>> -> memref<128xi32, #tpu.memory_space<vmem>>
    %dma_wait3A_411 = arith.constant 0 : i32
    %dma_wait3A_412 = tpu.memref_slice %arg3[%dma_wait3A_411] : memref<65536xi32, #tpu.memory_space<hbm>> -> memref<65536xi32, #tpu.memory_space<hbm>>
    tpu.wait_indirect_dma semaphore(%arg20 : memref<!tpu.dma_semaphore, #tpu.memory_space<semaphore_mem>>) src(%dma_wait3A_412 : memref<65536xi32, #tpu.memory_space<hbm>>) dst(%dma_wait3A_407 : memref<128xi32, #tpu.memory_space<vmem>>)
    %dma_wait3A_413 = arith.constant 1 : i32
    %dma_wait3A_414 = arith.constant 1 : i32
    %dma_wait3A_415 = arith.constant 0 : i32
    %dma_wait3A_416 = tpu.memref_slice %arg15[%dma_wait3A_414, %dma_wait3A_415] : memref<8x128xi32, #tpu.memory_space<vmem>> -> memref<1x128xi32, #tpu.memory_space<vmem>>
    %dma_wait3A_417 = tpu.memref_squeeze %dma_wait3A_416 : memref<1x128xi32, #tpu.memory_space<vmem>> -> memref<128xi32, #tpu.memory_space<vmem>>
    %dma_wait3A_418 = arith.constant 0 : i32
    %dma_wait3A_419 = tpu.memref_slice %arg14[%dma_wait3A_413, %dma_wait3A_418] : memref<8x128xi32, #tpu.memory_space<vmem>> -> memref<1x128xi32, #tpu.memory_space<vmem>>
    %dma_wait3A_420 = tpu.memref_squeeze %dma_wait3A_419 : memref<1x128xi32, #tpu.memory_space<vmem>> -> memref<128xi32, #tpu.memory_space<vmem>>
    %dma_wait3A_421 = arith.constant 0 : i32
    %dma_wait3A_422 = tpu.memref_slice %arg3[%dma_wait3A_421] : memref<65536xi32, #tpu.memory_space<hbm>> -> memref<65536xi32, #tpu.memory_space<hbm>>
    tpu.wait_indirect_dma semaphore(%arg20 : memref<!tpu.dma_semaphore, #tpu.memory_space<semaphore_mem>>) src(%dma_wait3A_422 : memref<65536xi32, #tpu.memory_space<hbm>>) dst(%dma_wait3A_417 : memref<128xi32, #tpu.memory_space<vmem>>)
    %dma_wait3A_423 = arith.constant 2 : i32
    %dma_wait3A_424 = arith.constant 2 : i32
    %dma_wait3A_425 = arith.constant 0 : i32
    %dma_wait3A_426 = tpu.memref_slice %arg15[%dma_wait3A_424, %dma_wait3A_425] : memref<8x128xi32, #tpu.memory_space<vmem>> -> memref<1x128xi32, #tpu.memory_space<vmem>>
    %dma_wait3A_427 = tpu.memref_squeeze %dma_wait3A_426 : memref<1x128xi32, #tpu.memory_space<vmem>> -> memref<128xi32, #tpu.memory_space<vmem>>
    %dma_wait3A_428 = arith.constant 0 : i32
    %dma_wait3A_429 = tpu.memref_slice %arg14[%dma_wait3A_423, %dma_wait3A_428] : memref<8x128xi32, #tpu.memory_space<vmem>> -> memref<1x128xi32, #tpu.memory_space<vmem>>
    %dma_wait3A_430 = tpu.memref_squeeze %dma_wait3A_429 : memref<1x128xi32, #tpu.memory_space<vmem>> -> memref<128xi32, #tpu.memory_space<vmem>>
    %dma_wait3A_431 = arith.constant 0 : i32
    %dma_wait3A_432 = tpu.memref_slice %arg3[%dma_wait3A_431] : memref<65536xi32, #tpu.memory_space<hbm>> -> memref<65536xi32, #tpu.memory_space<hbm>>
    tpu.wait_indirect_dma semaphore(%arg20 : memref<!tpu.dma_semaphore, #tpu.memory_space<semaphore_mem>>) src(%dma_wait3A_432 : memref<65536xi32, #tpu.memory_space<hbm>>) dst(%dma_wait3A_427 : memref<128xi32, #tpu.memory_space<vmem>>)
    %dma_wait3A_433 = arith.constant 3 : i32
    %dma_wait3A_434 = arith.constant 3 : i32
    %dma_wait3A_435 = arith.constant 0 : i32
    %dma_wait3A_436 = tpu.memref_slice %arg15[%dma_wait3A_434, %dma_wait3A_435] : memref<8x128xi32, #tpu.memory_space<vmem>> -> memref<1x128xi32, #tpu.memory_space<vmem>>
    %dma_wait3A_437 = tpu.memref_squeeze %dma_wait3A_436 : memref<1x128xi32, #tpu.memory_space<vmem>> -> memref<128xi32, #tpu.memory_space<vmem>>
    %dma_wait3A_438 = arith.constant 0 : i32
    %dma_wait3A_439 = tpu.memref_slice %arg14[%dma_wait3A_433, %dma_wait3A_438] : memref<8x128xi32, #tpu.memory_space<vmem>> -> memref<1x128xi32, #tpu.memory_space<vmem>>
    %dma_wait3A_440 = tpu.memref_squeeze %dma_wait3A_439 : memref<1x128xi32, #tpu.memory_space<vmem>> -> memref<128xi32, #tpu.memory_space<vmem>>
    %dma_wait3A_441 = arith.constant 0 : i32
    %dma_wait3A_442 = tpu.memref_slice %arg3[%dma_wait3A_441] : memref<65536xi32, #tpu.memory_space<hbm>> -> memref<65536xi32, #tpu.memory_space<hbm>>
    tpu.wait_indirect_dma semaphore(%arg20 : memref<!tpu.dma_semaphore, #tpu.memory_space<semaphore_mem>>) src(%dma_wait3A_442 : memref<65536xi32, #tpu.memory_space<hbm>>) dst(%dma_wait3A_437 : memref<128xi32, #tpu.memory_space<vmem>>)
    %dma_wait3A_443 = arith.constant 4 : i32
    %dma_wait3A_444 = arith.constant 4 : i32
    %dma_wait3A_445 = arith.constant 0 : i32
    %dma_wait3A_446 = tpu.memref_slice %arg15[%dma_wait3A_444, %dma_wait3A_445] : memref<8x128xi32, #tpu.memory_space<vmem>> -> memref<1x128xi32, #tpu.memory_space<vmem>>
    %dma_wait3A_447 = tpu.memref_squeeze %dma_wait3A_446 : memref<1x128xi32, #tpu.memory_space<vmem>> -> memref<128xi32, #tpu.memory_space<vmem>>
    %dma_wait3A_448 = arith.constant 0 : i32
    %dma_wait3A_449 = tpu.memref_slice %arg14[%dma_wait3A_443, %dma_wait3A_448] : memref<8x128xi32, #tpu.memory_space<vmem>> -> memref<1x128xi32, #tpu.memory_space<vmem>>
    %dma_wait3A_450 = tpu.memref_squeeze %dma_wait3A_449 : memref<1x128xi32, #tpu.memory_space<vmem>> -> memref<128xi32, #tpu.memory_space<vmem>>
    %dma_wait3A_451 = arith.constant 0 : i32
    %dma_wait3A_452 = tpu.memref_slice %arg3[%dma_wait3A_451] : memref<65536xi32, #tpu.memory_space<hbm>> -> memref<65536xi32, #tpu.memory_space<hbm>>
    tpu.wait_indirect_dma semaphore(%arg20 : memref<!tpu.dma_semaphore, #tpu.memory_space<semaphore_mem>>) src(%dma_wait3A_452 : memref<65536xi32, #tpu.memory_space<hbm>>) dst(%dma_wait3A_447 : memref<128xi32, #tpu.memory_space<vmem>>)
    %dma_wait3A_453 = arith.constant 5 : i32
    %dma_wait3A_454 = arith.constant 5 : i32
    %dma_wait3A_455 = arith.constant 0 : i32
    %dma_wait3A_456 = tpu.memref_slice %arg15[%dma_wait3A_454, %dma_wait3A_455] : memref<8x128xi32, #tpu.memory_space<vmem>> -> memref<1x128xi32, #tpu.memory_space<vmem>>
    %dma_wait3A_457 = tpu.memref_squeeze %dma_wait3A_456 : memref<1x128xi32, #tpu.memory_space<vmem>> -> memref<128xi32, #tpu.memory_space<vmem>>
    %dma_wait3A_458 = arith.constant 0 : i32
    %dma_wait3A_459 = tpu.memref_slice %arg14[%dma_wait3A_453, %dma_wait3A_458] : memref<8x128xi32, #tpu.memory_space<vmem>> -> memref<1x128xi32, #tpu.memory_space<vmem>>
    %dma_wait3A_460 = tpu.memref_squeeze %dma_wait3A_459 : memref<1x128xi32, #tpu.memory_space<vmem>> -> memref<128xi32, #tpu.memory_space<vmem>>
    %dma_wait3A_461 = arith.constant 0 : i32
    %dma_wait3A_462 = tpu.memref_slice %arg3[%dma_wait3A_461] : memref<65536xi32, #tpu.memory_space<hbm>> -> memref<65536xi32, #tpu.memory_space<hbm>>
    tpu.wait_indirect_dma semaphore(%arg20 : memref<!tpu.dma_semaphore, #tpu.memory_space<semaphore_mem>>) src(%dma_wait3A_462 : memref<65536xi32, #tpu.memory_space<hbm>>) dst(%dma_wait3A_457 : memref<128xi32, #tpu.memory_space<vmem>>)
    %dma_wait3A_463 = arith.constant 6 : i32
    %dma_wait3A_464 = arith.constant 6 : i32
    %dma_wait3A_465 = arith.constant 0 : i32
    %dma_wait3A_466 = tpu.memref_slice %arg15[%dma_wait3A_464, %dma_wait3A_465] : memref<8x128xi32, #tpu.memory_space<vmem>> -> memref<1x128xi32, #tpu.memory_space<vmem>>
    %dma_wait3A_467 = tpu.memref_squeeze %dma_wait3A_466 : memref<1x128xi32, #tpu.memory_space<vmem>> -> memref<128xi32, #tpu.memory_space<vmem>>
    %dma_wait3A_468 = arith.constant 0 : i32
    %dma_wait3A_469 = tpu.memref_slice %arg14[%dma_wait3A_463, %dma_wait3A_468] : memref<8x128xi32, #tpu.memory_space<vmem>> -> memref<1x128xi32, #tpu.memory_space<vmem>>
    %dma_wait3A_470 = tpu.memref_squeeze %dma_wait3A_469 : memref<1x128xi32, #tpu.memory_space<vmem>> -> memref<128xi32, #tpu.memory_space<vmem>>
    %dma_wait3A_471 = arith.constant 0 : i32
    %dma_wait3A_472 = tpu.memref_slice %arg3[%dma_wait3A_471] : memref<65536xi32, #tpu.memory_space<hbm>> -> memref<65536xi32, #tpu.memory_space<hbm>>
    tpu.wait_indirect_dma semaphore(%arg20 : memref<!tpu.dma_semaphore, #tpu.memory_space<semaphore_mem>>) src(%dma_wait3A_472 : memref<65536xi32, #tpu.memory_space<hbm>>) dst(%dma_wait3A_467 : memref<128xi32, #tpu.memory_space<vmem>>)
    %dma_wait3A_473 = arith.constant 7 : i32
    %dma_wait3A_474 = arith.constant 7 : i32
    %dma_wait3A_475 = arith.constant 0 : i32
    %dma_wait3A_476 = tpu.memref_slice %arg15[%dma_wait3A_474, %dma_wait3A_475] : memref<8x128xi32, #tpu.memory_space<vmem>> -> memref<1x128xi32, #tpu.memory_space<vmem>>
    %dma_wait3A_477 = tpu.memref_squeeze %dma_wait3A_476 : memref<1x128xi32, #tpu.memory_space<vmem>> -> memref<128xi32, #tpu.memory_space<vmem>>
    %dma_wait3A_478 = arith.constant 0 : i32
    %dma_wait3A_479 = tpu.memref_slice %arg14[%dma_wait3A_473, %dma_wait3A_478] : memref<8x128xi32, #tpu.memory_space<vmem>> -> memref<1x128xi32, #tpu.memory_space<vmem>>
    %dma_wait3A_480 = tpu.memref_squeeze %dma_wait3A_479 : memref<1x128xi32, #tpu.memory_space<vmem>> -> memref<128xi32, #tpu.memory_space<vmem>>
    %dma_wait3A_481 = arith.constant 0 : i32
    %dma_wait3A_482 = tpu.memref_slice %arg3[%dma_wait3A_481] : memref<65536xi32, #tpu.memory_space<hbm>> -> memref<65536xi32, #tpu.memory_space<hbm>>
    tpu.wait_indirect_dma semaphore(%arg20 : memref<!tpu.dma_semaphore, #tpu.memory_space<semaphore_mem>>) src(%dma_wait3A_482 : memref<65536xi32, #tpu.memory_space<hbm>>) dst(%dma_wait3A_477 : memref<128xi32, #tpu.memory_space<vmem>>)
    %dma_start3A_483 = arith.constant 0 : i32
    %dma_start3A_484 = arith.constant 0 : i32
    %dma_start3A_485 = arith.constant 0 : i32
    %dma_start3A_486 = tpu.memref_slice %arg16[%dma_start3A_484, %dma_start3A_485] : memref<1024x32xf32, #tpu.memory_space<vmem>> -> memref<128x32xf32, #tpu.memory_space<vmem>>
    %dma_start3A_487 = arith.constant 0 : i32
    %dma_start3A_488 = tpu.memref_slice %arg15[%dma_start3A_483, %dma_start3A_487] : memref<8x128xi32, #tpu.memory_space<vmem>> -> memref<1x128xi32, #tpu.memory_space<vmem>>
    %dma_start3A_489 = tpu.memref_squeeze %dma_start3A_488 : memref<1x128xi32, #tpu.memory_space<vmem>> -> memref<128xi32, #tpu.memory_space<vmem>>
    %dma_start3A_490 = arith.constant 0 : i32
    %dma_start3A_491 = arith.constant 0 : i32
    %dma_start3A_492 = tpu.memref_slice %arg2[%dma_start3A_490, %dma_start3A_491] : memref<1000000x32xf32, #tpu.memory_space<hbm>> -> memref<1000000x32xf32, #tpu.memory_space<hbm>>
    tpu.enqueue_indirect_dma source(%dma_start3A_492 : memref<1000000x32xf32, #tpu.memory_space<hbm>>) target(%dma_start3A_486 : memref<128x32xf32, #tpu.memory_space<vmem>>) offsets(%dma_start3A_489 : memref<128xi32, #tpu.memory_space<vmem>>) semaphore(%arg18 : memref<!tpu.dma_semaphore, #tpu.memory_space<semaphore_mem>>)
    %dma_start3A_493 = arith.constant 1 : i32
    %dma_start3A_494 = arith.constant 128 : i32
    %dma_start3A_495 = arith.constant 0 : i32
    %dma_start3A_496 = tpu.memref_slice %arg16[%dma_start3A_494, %dma_start3A_495] : memref<1024x32xf32, #tpu.memory_space<vmem>> -> memref<128x32xf32, #tpu.memory_space<vmem>>
    %dma_start3A_497 = arith.constant 0 : i32
    %dma_start3A_498 = tpu.memref_slice %arg15[%dma_start3A_493, %dma_start3A_497] : memref<8x128xi32, #tpu.memory_space<vmem>> -> memref<1x128xi32, #tpu.memory_space<vmem>>
    %dma_start3A_499 = tpu.memref_squeeze %dma_start3A_498 : memref<1x128xi32, #tpu.memory_space<vmem>> -> memref<128xi32, #tpu.memory_space<vmem>>
    %dma_start3A_500 = arith.constant 0 : i32
    %dma_start3A_501 = arith.constant 0 : i32
    %dma_start3A_502 = tpu.memref_slice %arg2[%dma_start3A_500, %dma_start3A_501] : memref<1000000x32xf32, #tpu.memory_space<hbm>> -> memref<1000000x32xf32, #tpu.memory_space<hbm>>
    tpu.enqueue_indirect_dma source(%dma_start3A_502 : memref<1000000x32xf32, #tpu.memory_space<hbm>>) target(%dma_start3A_496 : memref<128x32xf32, #tpu.memory_space<vmem>>) offsets(%dma_start3A_499 : memref<128xi32, #tpu.memory_space<vmem>>) semaphore(%arg18 : memref<!tpu.dma_semaphore, #tpu.memory_space<semaphore_mem>>)
    %dma_start3A_503 = arith.constant 2 : i32
    %dma_start3A_504 = arith.constant 256 : i32
    %dma_start3A_505 = arith.constant 0 : i32
    %dma_start3A_506 = tpu.memref_slice %arg16[%dma_start3A_504, %dma_start3A_505] : memref<1024x32xf32, #tpu.memory_space<vmem>> -> memref<128x32xf32, #tpu.memory_space<vmem>>
    %dma_start3A_507 = arith.constant 0 : i32
    %dma_start3A_508 = tpu.memref_slice %arg15[%dma_start3A_503, %dma_start3A_507] : memref<8x128xi32, #tpu.memory_space<vmem>> -> memref<1x128xi32, #tpu.memory_space<vmem>>
    %dma_start3A_509 = tpu.memref_squeeze %dma_start3A_508 : memref<1x128xi32, #tpu.memory_space<vmem>> -> memref<128xi32, #tpu.memory_space<vmem>>
    %dma_start3A_510 = arith.constant 0 : i32
    %dma_start3A_511 = arith.constant 0 : i32
    %dma_start3A_512 = tpu.memref_slice %arg2[%dma_start3A_510, %dma_start3A_511] : memref<1000000x32xf32, #tpu.memory_space<hbm>> -> memref<1000000x32xf32, #tpu.memory_space<hbm>>
    tpu.enqueue_indirect_dma source(%dma_start3A_512 : memref<1000000x32xf32, #tpu.memory_space<hbm>>) target(%dma_start3A_506 : memref<128x32xf32, #tpu.memory_space<vmem>>) offsets(%dma_start3A_509 : memref<128xi32, #tpu.memory_space<vmem>>) semaphore(%arg18 : memref<!tpu.dma_semaphore, #tpu.memory_space<semaphore_mem>>)
    %dma_start3A_513 = arith.constant 3 : i32
    %dma_start3A_514 = arith.constant 384 : i32
    %dma_start3A_515 = arith.constant 0 : i32
    %dma_start3A_516 = tpu.memref_slice %arg16[%dma_start3A_514, %dma_start3A_515] : memref<1024x32xf32, #tpu.memory_space<vmem>> -> memref<128x32xf32, #tpu.memory_space<vmem>>
    %dma_start3A_517 = arith.constant 0 : i32
    %dma_start3A_518 = tpu.memref_slice %arg15[%dma_start3A_513, %dma_start3A_517] : memref<8x128xi32, #tpu.memory_space<vmem>> -> memref<1x128xi32, #tpu.memory_space<vmem>>
    %dma_start3A_519 = tpu.memref_squeeze %dma_start3A_518 : memref<1x128xi32, #tpu.memory_space<vmem>> -> memref<128xi32, #tpu.memory_space<vmem>>
    %dma_start3A_520 = arith.constant 0 : i32
    %dma_start3A_521 = arith.constant 0 : i32
    %dma_start3A_522 = tpu.memref_slice %arg2[%dma_start3A_520, %dma_start3A_521] : memref<1000000x32xf32, #tpu.memory_space<hbm>> -> memref<1000000x32xf32, #tpu.memory_space<hbm>>
    tpu.enqueue_indirect_dma source(%dma_start3A_522 : memref<1000000x32xf32, #tpu.memory_space<hbm>>) target(%dma_start3A_516 : memref<128x32xf32, #tpu.memory_space<vmem>>) offsets(%dma_start3A_519 : memref<128xi32, #tpu.memory_space<vmem>>) semaphore(%arg18 : memref<!tpu.dma_semaphore, #tpu.memory_space<semaphore_mem>>)
    %dma_start3A_523 = arith.constant 4 : i32
    %dma_start3A_524 = arith.constant 512 : i32
    %dma_start3A_525 = arith.constant 0 : i32
    %dma_start3A_526 = tpu.memref_slice %arg16[%dma_start3A_524, %dma_start3A_525] : memref<1024x32xf32, #tpu.memory_space<vmem>> -> memref<128x32xf32, #tpu.memory_space<vmem>>
    %dma_start3A_527 = arith.constant 0 : i32
    %dma_start3A_528 = tpu.memref_slice %arg15[%dma_start3A_523, %dma_start3A_527] : memref<8x128xi32, #tpu.memory_space<vmem>> -> memref<1x128xi32, #tpu.memory_space<vmem>>
    %dma_start3A_529 = tpu.memref_squeeze %dma_start3A_528 : memref<1x128xi32, #tpu.memory_space<vmem>> -> memref<128xi32, #tpu.memory_space<vmem>>
    %dma_start3A_530 = arith.constant 0 : i32
    %dma_start3A_531 = arith.constant 0 : i32
    %dma_start3A_532 = tpu.memref_slice %arg2[%dma_start3A_530, %dma_start3A_531] : memref<1000000x32xf32, #tpu.memory_space<hbm>> -> memref<1000000x32xf32, #tpu.memory_space<hbm>>
    tpu.enqueue_indirect_dma source(%dma_start3A_532 : memref<1000000x32xf32, #tpu.memory_space<hbm>>) target(%dma_start3A_526 : memref<128x32xf32, #tpu.memory_space<vmem>>) offsets(%dma_start3A_529 : memref<128xi32, #tpu.memory_space<vmem>>) semaphore(%arg18 : memref<!tpu.dma_semaphore, #tpu.memory_space<semaphore_mem>>)
    %dma_start3A_533 = arith.constant 5 : i32
    %dma_start3A_534 = arith.constant 640 : i32
    %dma_start3A_535 = arith.constant 0 : i32
    %dma_start3A_536 = tpu.memref_slice %arg16[%dma_start3A_534, %dma_start3A_535] : memref<1024x32xf32, #tpu.memory_space<vmem>> -> memref<128x32xf32, #tpu.memory_space<vmem>>
    %dma_start3A_537 = arith.constant 0 : i32
    %dma_start3A_538 = tpu.memref_slice %arg15[%dma_start3A_533, %dma_start3A_537] : memref<8x128xi32, #tpu.memory_space<vmem>> -> memref<1x128xi32, #tpu.memory_space<vmem>>
    %dma_start3A_539 = tpu.memref_squeeze %dma_start3A_538 : memref<1x128xi32, #tpu.memory_space<vmem>> -> memref<128xi32, #tpu.memory_space<vmem>>
    %dma_start3A_540 = arith.constant 0 : i32
    %dma_start3A_541 = arith.constant 0 : i32
    %dma_start3A_542 = tpu.memref_slice %arg2[%dma_start3A_540, %dma_start3A_541] : memref<1000000x32xf32, #tpu.memory_space<hbm>> -> memref<1000000x32xf32, #tpu.memory_space<hbm>>
    tpu.enqueue_indirect_dma source(%dma_start3A_542 : memref<1000000x32xf32, #tpu.memory_space<hbm>>) target(%dma_start3A_536 : memref<128x32xf32, #tpu.memory_space<vmem>>) offsets(%dma_start3A_539 : memref<128xi32, #tpu.memory_space<vmem>>) semaphore(%arg18 : memref<!tpu.dma_semaphore, #tpu.memory_space<semaphore_mem>>)
    %dma_start3A_543 = arith.constant 6 : i32
    %dma_start3A_544 = arith.constant 768 : i32
    %dma_start3A_545 = arith.constant 0 : i32
    %dma_start3A_546 = tpu.memref_slice %arg16[%dma_start3A_544, %dma_start3A_545] : memref<1024x32xf32, #tpu.memory_space<vmem>> -> memref<128x32xf32, #tpu.memory_space<vmem>>
    %dma_start3A_547 = arith.constant 0 : i32
    %dma_start3A_548 = tpu.memref_slice %arg15[%dma_start3A_543, %dma_start3A_547] : memref<8x128xi32, #tpu.memory_space<vmem>> -> memref<1x128xi32, #tpu.memory_space<vmem>>
    %dma_start3A_549 = tpu.memref_squeeze %dma_start3A_548 : memref<1x128xi32, #tpu.memory_space<vmem>> -> memref<128xi32, #tpu.memory_space<vmem>>
    %dma_start3A_550 = arith.constant 0 : i32
    %dma_start3A_551 = arith.constant 0 : i32
    %dma_start3A_552 = tpu.memref_slice %arg2[%dma_start3A_550, %dma_start3A_551] : memref<1000000x32xf32, #tpu.memory_space<hbm>> -> memref<1000000x32xf32, #tpu.memory_space<hbm>>
    tpu.enqueue_indirect_dma source(%dma_start3A_552 : memref<1000000x32xf32, #tpu.memory_space<hbm>>) target(%dma_start3A_546 : memref<128x32xf32, #tpu.memory_space<vmem>>) offsets(%dma_start3A_549 : memref<128xi32, #tpu.memory_space<vmem>>) semaphore(%arg18 : memref<!tpu.dma_semaphore, #tpu.memory_space<semaphore_mem>>)
    %dma_start3A_553 = arith.constant 7 : i32
    %dma_start3A_554 = arith.constant 896 : i32
    %dma_start3A_555 = arith.constant 0 : i32
    %dma_start3A_556 = tpu.memref_slice %arg16[%dma_start3A_554, %dma_start3A_555] : memref<1024x32xf32, #tpu.memory_space<vmem>> -> memref<128x32xf32, #tpu.memory_space<vmem>>
    %dma_start3A_557 = arith.constant 0 : i32
    %dma_start3A_558 = tpu.memref_slice %arg15[%dma_start3A_553, %dma_start3A_557] : memref<8x128xi32, #tpu.memory_space<vmem>> -> memref<1x128xi32, #tpu.memory_space<vmem>>
    %dma_start3A_559 = tpu.memref_squeeze %dma_start3A_558 : memref<1x128xi32, #tpu.memory_space<vmem>> -> memref<128xi32, #tpu.memory_space<vmem>>
    %dma_start3A_560 = arith.constant 0 : i32
    %dma_start3A_561 = arith.constant 0 : i32
    %dma_start3A_562 = tpu.memref_slice %arg2[%dma_start3A_560, %dma_start3A_561] : memref<1000000x32xf32, #tpu.memory_space<hbm>> -> memref<1000000x32xf32, #tpu.memory_space<hbm>>
    tpu.enqueue_indirect_dma source(%dma_start3A_562 : memref<1000000x32xf32, #tpu.memory_space<hbm>>) target(%dma_start3A_556 : memref<128x32xf32, #tpu.memory_space<vmem>>) offsets(%dma_start3A_559 : memref<128xi32, #tpu.memory_space<vmem>>) semaphore(%arg18 : memref<!tpu.dma_semaphore, #tpu.memory_space<semaphore_mem>>)
    %dma_wait3A_563 = arith.constant 0 : i32
    %dma_wait3A_564 = arith.constant 0 : i32
    %dma_wait3A_565 = arith.constant 0 : i32
    %dma_wait3A_566 = tpu.memref_slice %arg17[%dma_wait3A_564, %dma_wait3A_565] : memref<4x1024xf32, #tpu.memory_space<vmem>> -> memref<1x128xf32, #tpu.memory_space<vmem>>
    %dma_wait3A_567 = tpu.memref_squeeze %dma_wait3A_566 : memref<1x128xf32, #tpu.memory_space<vmem>> -> memref<128xf32, #tpu.memory_space<vmem>>
    %dma_wait3A_568 = arith.constant 0 : i32
    %dma_wait3A_569 = tpu.memref_slice %arg14[%dma_wait3A_563, %dma_wait3A_568] : memref<8x128xi32, #tpu.memory_space<vmem>> -> memref<1x128xi32, #tpu.memory_space<vmem>>
    %dma_wait3A_570 = tpu.memref_squeeze %dma_wait3A_569 : memref<1x128xi32, #tpu.memory_space<vmem>> -> memref<128xi32, #tpu.memory_space<vmem>>
    %dma_wait3A_571 = arith.constant 0 : i32
    %dma_wait3A_572 = tpu.memref_slice %arg4[%dma_wait3A_571] : memref<65536xf32, #tpu.memory_space<hbm>> -> memref<65536xf32, #tpu.memory_space<hbm>>
    tpu.wait_indirect_dma semaphore(%arg19 : memref<!tpu.dma_semaphore, #tpu.memory_space<semaphore_mem>>) src(%dma_wait3A_572 : memref<65536xf32, #tpu.memory_space<hbm>>) dst(%dma_wait3A_567 : memref<128xf32, #tpu.memory_space<vmem>>)
    %dma_wait3A_573 = arith.constant 1 : i32
    %dma_wait3A_574 = arith.constant 0 : i32
    %dma_wait3A_575 = arith.constant 128 : i32
    %dma_wait3A_576 = tpu.memref_slice %arg17[%dma_wait3A_574, %dma_wait3A_575] : memref<4x1024xf32, #tpu.memory_space<vmem>> -> memref<1x128xf32, #tpu.memory_space<vmem>>
    %dma_wait3A_577 = tpu.memref_squeeze %dma_wait3A_576 : memref<1x128xf32, #tpu.memory_space<vmem>> -> memref<128xf32, #tpu.memory_space<vmem>>
    %dma_wait3A_578 = arith.constant 0 : i32
    %dma_wait3A_579 = tpu.memref_slice %arg14[%dma_wait3A_573, %dma_wait3A_578] : memref<8x128xi32, #tpu.memory_space<vmem>> -> memref<1x128xi32, #tpu.memory_space<vmem>>
    %dma_wait3A_580 = tpu.memref_squeeze %dma_wait3A_579 : memref<1x128xi32, #tpu.memory_space<vmem>> -> memref<128xi32, #tpu.memory_space<vmem>>
    %dma_wait3A_581 = arith.constant 0 : i32
    %dma_wait3A_582 = tpu.memref_slice %arg4[%dma_wait3A_581] : memref<65536xf32, #tpu.memory_space<hbm>> -> memref<65536xf32, #tpu.memory_space<hbm>>
    tpu.wait_indirect_dma semaphore(%arg19 : memref<!tpu.dma_semaphore, #tpu.memory_space<semaphore_mem>>) src(%dma_wait3A_582 : memref<65536xf32, #tpu.memory_space<hbm>>) dst(%dma_wait3A_577 : memref<128xf32, #tpu.memory_space<vmem>>)
    %dma_wait3A_583 = arith.constant 2 : i32
    %dma_wait3A_584 = arith.constant 0 : i32
    %dma_wait3A_585 = arith.constant 256 : i32
    %dma_wait3A_586 = tpu.memref_slice %arg17[%dma_wait3A_584, %dma_wait3A_585] : memref<4x1024xf32, #tpu.memory_space<vmem>> -> memref<1x128xf32, #tpu.memory_space<vmem>>
    %dma_wait3A_587 = tpu.memref_squeeze %dma_wait3A_586 : memref<1x128xf32, #tpu.memory_space<vmem>> -> memref<128xf32, #tpu.memory_space<vmem>>
    %dma_wait3A_588 = arith.constant 0 : i32
    %dma_wait3A_589 = tpu.memref_slice %arg14[%dma_wait3A_583, %dma_wait3A_588] : memref<8x128xi32, #tpu.memory_space<vmem>> -> memref<1x128xi32, #tpu.memory_space<vmem>>
    %dma_wait3A_590 = tpu.memref_squeeze %dma_wait3A_589 : memref<1x128xi32, #tpu.memory_space<vmem>> -> memref<128xi32, #tpu.memory_space<vmem>>
    %dma_wait3A_591 = arith.constant 0 : i32
    %dma_wait3A_592 = tpu.memref_slice %arg4[%dma_wait3A_591] : memref<65536xf32, #tpu.memory_space<hbm>> -> memref<65536xf32, #tpu.memory_space<hbm>>
    tpu.wait_indirect_dma semaphore(%arg19 : memref<!tpu.dma_semaphore, #tpu.memory_space<semaphore_mem>>) src(%dma_wait3A_592 : memref<65536xf32, #tpu.memory_space<hbm>>) dst(%dma_wait3A_587 : memref<128xf32, #tpu.memory_space<vmem>>)
    %dma_wait3A_593 = arith.constant 3 : i32
    %dma_wait3A_594 = arith.constant 0 : i32
    %dma_wait3A_595 = arith.constant 384 : i32
    %dma_wait3A_596 = tpu.memref_slice %arg17[%dma_wait3A_594, %dma_wait3A_595] : memref<4x1024xf32, #tpu.memory_space<vmem>> -> memref<1x128xf32, #tpu.memory_space<vmem>>
    %dma_wait3A_597 = tpu.memref_squeeze %dma_wait3A_596 : memref<1x128xf32, #tpu.memory_space<vmem>> -> memref<128xf32, #tpu.memory_space<vmem>>
    %dma_wait3A_598 = arith.constant 0 : i32
    %dma_wait3A_599 = tpu.memref_slice %arg14[%dma_wait3A_593, %dma_wait3A_598] : memref<8x128xi32, #tpu.memory_space<vmem>> -> memref<1x128xi32, #tpu.memory_space<vmem>>
    %dma_wait3A_600 = tpu.memref_squeeze %dma_wait3A_599 : memref<1x128xi32, #tpu.memory_space<vmem>> -> memref<128xi32, #tpu.memory_space<vmem>>
    %dma_wait3A_601 = arith.constant 0 : i32
    %dma_wait3A_602 = tpu.memref_slice %arg4[%dma_wait3A_601] : memref<65536xf32, #tpu.memory_space<hbm>> -> memref<65536xf32, #tpu.memory_space<hbm>>
    tpu.wait_indirect_dma semaphore(%arg19 : memref<!tpu.dma_semaphore, #tpu.memory_space<semaphore_mem>>) src(%dma_wait3A_602 : memref<65536xf32, #tpu.memory_space<hbm>>) dst(%dma_wait3A_597 : memref<128xf32, #tpu.memory_space<vmem>>)
    %dma_wait3A_603 = arith.constant 4 : i32
    %dma_wait3A_604 = arith.constant 0 : i32
    %dma_wait3A_605 = arith.constant 512 : i32
    %dma_wait3A_606 = tpu.memref_slice %arg17[%dma_wait3A_604, %dma_wait3A_605] : memref<4x1024xf32, #tpu.memory_space<vmem>> -> memref<1x128xf32, #tpu.memory_space<vmem>>
    %dma_wait3A_607 = tpu.memref_squeeze %dma_wait3A_606 : memref<1x128xf32, #tpu.memory_space<vmem>> -> memref<128xf32, #tpu.memory_space<vmem>>
    %dma_wait3A_608 = arith.constant 0 : i32
    %dma_wait3A_609 = tpu.memref_slice %arg14[%dma_wait3A_603, %dma_wait3A_608] : memref<8x128xi32, #tpu.memory_space<vmem>> -> memref<1x128xi32, #tpu.memory_space<vmem>>
    %dma_wait3A_610 = tpu.memref_squeeze %dma_wait3A_609 : memref<1x128xi32, #tpu.memory_space<vmem>> -> memref<128xi32, #tpu.memory_space<vmem>>
    %dma_wait3A_611 = arith.constant 0 : i32
    %dma_wait3A_612 = tpu.memref_slice %arg4[%dma_wait3A_611] : memref<65536xf32, #tpu.memory_space<hbm>> -> memref<65536xf32, #tpu.memory_space<hbm>>
    tpu.wait_indirect_dma semaphore(%arg19 : memref<!tpu.dma_semaphore, #tpu.memory_space<semaphore_mem>>) src(%dma_wait3A_612 : memref<65536xf32, #tpu.memory_space<hbm>>) dst(%dma_wait3A_607 : memref<128xf32, #tpu.memory_space<vmem>>)
    %dma_wait3A_613 = arith.constant 5 : i32
    %dma_wait3A_614 = arith.constant 0 : i32
    %dma_wait3A_615 = arith.constant 640 : i32
    %dma_wait3A_616 = tpu.memref_slice %arg17[%dma_wait3A_614, %dma_wait3A_615] : memref<4x1024xf32, #tpu.memory_space<vmem>> -> memref<1x128xf32, #tpu.memory_space<vmem>>
    %dma_wait3A_617 = tpu.memref_squeeze %dma_wait3A_616 : memref<1x128xf32, #tpu.memory_space<vmem>> -> memref<128xf32, #tpu.memory_space<vmem>>
    %dma_wait3A_618 = arith.constant 0 : i32
    %dma_wait3A_619 = tpu.memref_slice %arg14[%dma_wait3A_613, %dma_wait3A_618] : memref<8x128xi32, #tpu.memory_space<vmem>> -> memref<1x128xi32, #tpu.memory_space<vmem>>
    %dma_wait3A_620 = tpu.memref_squeeze %dma_wait3A_619 : memref<1x128xi32, #tpu.memory_space<vmem>> -> memref<128xi32, #tpu.memory_space<vmem>>
    %dma_wait3A_621 = arith.constant 0 : i32
    %dma_wait3A_622 = tpu.memref_slice %arg4[%dma_wait3A_621] : memref<65536xf32, #tpu.memory_space<hbm>> -> memref<65536xf32, #tpu.memory_space<hbm>>
    tpu.wait_indirect_dma semaphore(%arg19 : memref<!tpu.dma_semaphore, #tpu.memory_space<semaphore_mem>>) src(%dma_wait3A_622 : memref<65536xf32, #tpu.memory_space<hbm>>) dst(%dma_wait3A_617 : memref<128xf32, #tpu.memory_space<vmem>>)
    %dma_wait3A_623 = arith.constant 6 : i32
    %dma_wait3A_624 = arith.constant 0 : i32
    %dma_wait3A_625 = arith.constant 768 : i32
    %dma_wait3A_626 = tpu.memref_slice %arg17[%dma_wait3A_624, %dma_wait3A_625] : memref<4x1024xf32, #tpu.memory_space<vmem>> -> memref<1x128xf32, #tpu.memory_space<vmem>>
    %dma_wait3A_627 = tpu.memref_squeeze %dma_wait3A_626 : memref<1x128xf32, #tpu.memory_space<vmem>> -> memref<128xf32, #tpu.memory_space<vmem>>
    %dma_wait3A_628 = arith.constant 0 : i32
    %dma_wait3A_629 = tpu.memref_slice %arg14[%dma_wait3A_623, %dma_wait3A_628] : memref<8x128xi32, #tpu.memory_space<vmem>> -> memref<1x128xi32, #tpu.memory_space<vmem>>
    %dma_wait3A_630 = tpu.memref_squeeze %dma_wait3A_629 : memref<1x128xi32, #tpu.memory_space<vmem>> -> memref<128xi32, #tpu.memory_space<vmem>>
    %dma_wait3A_631 = arith.constant 0 : i32
    %dma_wait3A_632 = tpu.memref_slice %arg4[%dma_wait3A_631] : memref<65536xf32, #tpu.memory_space<hbm>> -> memref<65536xf32, #tpu.memory_space<hbm>>
    tpu.wait_indirect_dma semaphore(%arg19 : memref<!tpu.dma_semaphore, #tpu.memory_space<semaphore_mem>>) src(%dma_wait3A_632 : memref<65536xf32, #tpu.memory_space<hbm>>) dst(%dma_wait3A_627 : memref<128xf32, #tpu.memory_space<vmem>>)
    %dma_wait3A_633 = arith.constant 7 : i32
    %dma_wait3A_634 = arith.constant 0 : i32
    %dma_wait3A_635 = arith.constant 896 : i32
    %dma_wait3A_636 = tpu.memref_slice %arg17[%dma_wait3A_634, %dma_wait3A_635] : memref<4x1024xf32, #tpu.memory_space<vmem>> -> memref<1x128xf32, #tpu.memory_space<vmem>>
    %dma_wait3A_637 = tpu.memref_squeeze %dma_wait3A_636 : memref<1x128xf32, #tpu.memory_space<vmem>> -> memref<128xf32, #tpu.memory_space<vmem>>
    %dma_wait3A_638 = arith.constant 0 : i32
    %dma_wait3A_639 = tpu.memref_slice %arg14[%dma_wait3A_633, %dma_wait3A_638] : memref<8x128xi32, #tpu.memory_space<vmem>> -> memref<1x128xi32, #tpu.memory_space<vmem>>
    %dma_wait3A_640 = tpu.memref_squeeze %dma_wait3A_639 : memref<1x128xi32, #tpu.memory_space<vmem>> -> memref<128xi32, #tpu.memory_space<vmem>>
    %dma_wait3A_641 = arith.constant 0 : i32
    %dma_wait3A_642 = tpu.memref_slice %arg4[%dma_wait3A_641] : memref<65536xf32, #tpu.memory_space<hbm>> -> memref<65536xf32, #tpu.memory_space<hbm>>
    tpu.wait_indirect_dma semaphore(%arg19 : memref<!tpu.dma_semaphore, #tpu.memory_space<semaphore_mem>>) src(%dma_wait3A_642 : memref<65536xf32, #tpu.memory_space<hbm>>) dst(%dma_wait3A_637 : memref<128xf32, #tpu.memory_space<vmem>>)
    %dma_wait3A_643 = arith.constant 0 : i32
    %dma_wait3A_644 = arith.constant 1 : i32
    %dma_wait3A_645 = arith.constant 0 : i32
    %dma_wait3A_646 = tpu.memref_slice %arg17[%dma_wait3A_644, %dma_wait3A_645] : memref<4x1024xf32, #tpu.memory_space<vmem>> -> memref<1x128xf32, #tpu.memory_space<vmem>>
    %dma_wait3A_647 = tpu.memref_squeeze %dma_wait3A_646 : memref<1x128xf32, #tpu.memory_space<vmem>> -> memref<128xf32, #tpu.memory_space<vmem>>
    %dma_wait3A_648 = arith.constant 0 : i32
    %dma_wait3A_649 = tpu.memref_slice %arg14[%dma_wait3A_643, %dma_wait3A_648] : memref<8x128xi32, #tpu.memory_space<vmem>> -> memref<1x128xi32, #tpu.memory_space<vmem>>
    %dma_wait3A_650 = tpu.memref_squeeze %dma_wait3A_649 : memref<1x128xi32, #tpu.memory_space<vmem>> -> memref<128xi32, #tpu.memory_space<vmem>>
    %dma_wait3A_651 = arith.constant 0 : i32
    %dma_wait3A_652 = tpu.memref_slice %arg5[%dma_wait3A_651] : memref<65536xf32, #tpu.memory_space<hbm>> -> memref<65536xf32, #tpu.memory_space<hbm>>
    tpu.wait_indirect_dma semaphore(%arg19 : memref<!tpu.dma_semaphore, #tpu.memory_space<semaphore_mem>>) src(%dma_wait3A_652 : memref<65536xf32, #tpu.memory_space<hbm>>) dst(%dma_wait3A_647 : memref<128xf32, #tpu.memory_space<vmem>>)
    %dma_wait3A_653 = arith.constant 1 : i32
    %dma_wait3A_654 = arith.constant 1 : i32
    %dma_wait3A_655 = arith.constant 128 : i32
    %dma_wait3A_656 = tpu.memref_slice %arg17[%dma_wait3A_654, %dma_wait3A_655] : memref<4x1024xf32, #tpu.memory_space<vmem>> -> memref<1x128xf32, #tpu.memory_space<vmem>>
    %dma_wait3A_657 = tpu.memref_squeeze %dma_wait3A_656 : memref<1x128xf32, #tpu.memory_space<vmem>> -> memref<128xf32, #tpu.memory_space<vmem>>
    %dma_wait3A_658 = arith.constant 0 : i32
    %dma_wait3A_659 = tpu.memref_slice %arg14[%dma_wait3A_653, %dma_wait3A_658] : memref<8x128xi32, #tpu.memory_space<vmem>> -> memref<1x128xi32, #tpu.memory_space<vmem>>
    %dma_wait3A_660 = tpu.memref_squeeze %dma_wait3A_659 : memref<1x128xi32, #tpu.memory_space<vmem>> -> memref<128xi32, #tpu.memory_space<vmem>>
    %dma_wait3A_661 = arith.constant 0 : i32
    %dma_wait3A_662 = tpu.memref_slice %arg5[%dma_wait3A_661] : memref<65536xf32, #tpu.memory_space<hbm>> -> memref<65536xf32, #tpu.memory_space<hbm>>
    tpu.wait_indirect_dma semaphore(%arg19 : memref<!tpu.dma_semaphore, #tpu.memory_space<semaphore_mem>>) src(%dma_wait3A_662 : memref<65536xf32, #tpu.memory_space<hbm>>) dst(%dma_wait3A_657 : memref<128xf32, #tpu.memory_space<vmem>>)
    %dma_wait3A_663 = arith.constant 2 : i32
    %dma_wait3A_664 = arith.constant 1 : i32
    %dma_wait3A_665 = arith.constant 256 : i32
    %dma_wait3A_666 = tpu.memref_slice %arg17[%dma_wait3A_664, %dma_wait3A_665] : memref<4x1024xf32, #tpu.memory_space<vmem>> -> memref<1x128xf32, #tpu.memory_space<vmem>>
    %dma_wait3A_667 = tpu.memref_squeeze %dma_wait3A_666 : memref<1x128xf32, #tpu.memory_space<vmem>> -> memref<128xf32, #tpu.memory_space<vmem>>
    %dma_wait3A_668 = arith.constant 0 : i32
    %dma_wait3A_669 = tpu.memref_slice %arg14[%dma_wait3A_663, %dma_wait3A_668] : memref<8x128xi32, #tpu.memory_space<vmem>> -> memref<1x128xi32, #tpu.memory_space<vmem>>
    %dma_wait3A_670 = tpu.memref_squeeze %dma_wait3A_669 : memref<1x128xi32, #tpu.memory_space<vmem>> -> memref<128xi32, #tpu.memory_space<vmem>>
    %dma_wait3A_671 = arith.constant 0 : i32
    %dma_wait3A_672 = tpu.memref_slice %arg5[%dma_wait3A_671] : memref<65536xf32, #tpu.memory_space<hbm>> -> memref<65536xf32, #tpu.memory_space<hbm>>
    tpu.wait_indirect_dma semaphore(%arg19 : memref<!tpu.dma_semaphore, #tpu.memory_space<semaphore_mem>>) src(%dma_wait3A_672 : memref<65536xf32, #tpu.memory_space<hbm>>) dst(%dma_wait3A_667 : memref<128xf32, #tpu.memory_space<vmem>>)
    %dma_wait3A_673 = arith.constant 3 : i32
    %dma_wait3A_674 = arith.constant 1 : i32
    %dma_wait3A_675 = arith.constant 384 : i32
    %dma_wait3A_676 = tpu.memref_slice %arg17[%dma_wait3A_674, %dma_wait3A_675] : memref<4x1024xf32, #tpu.memory_space<vmem>> -> memref<1x128xf32, #tpu.memory_space<vmem>>
    %dma_wait3A_677 = tpu.memref_squeeze %dma_wait3A_676 : memref<1x128xf32, #tpu.memory_space<vmem>> -> memref<128xf32, #tpu.memory_space<vmem>>
    %dma_wait3A_678 = arith.constant 0 : i32
    %dma_wait3A_679 = tpu.memref_slice %arg14[%dma_wait3A_673, %dma_wait3A_678] : memref<8x128xi32, #tpu.memory_space<vmem>> -> memref<1x128xi32, #tpu.memory_space<vmem>>
    %dma_wait3A_680 = tpu.memref_squeeze %dma_wait3A_679 : memref<1x128xi32, #tpu.memory_space<vmem>> -> memref<128xi32, #tpu.memory_space<vmem>>
    %dma_wait3A_681 = arith.constant 0 : i32
    %dma_wait3A_682 = tpu.memref_slice %arg5[%dma_wait3A_681] : memref<65536xf32, #tpu.memory_space<hbm>> -> memref<65536xf32, #tpu.memory_space<hbm>>
    tpu.wait_indirect_dma semaphore(%arg19 : memref<!tpu.dma_semaphore, #tpu.memory_space<semaphore_mem>>) src(%dma_wait3A_682 : memref<65536xf32, #tpu.memory_space<hbm>>) dst(%dma_wait3A_677 : memref<128xf32, #tpu.memory_space<vmem>>)
    %dma_wait3A_683 = arith.constant 4 : i32
    %dma_wait3A_684 = arith.constant 1 : i32
    %dma_wait3A_685 = arith.constant 512 : i32
    %dma_wait3A_686 = tpu.memref_slice %arg17[%dma_wait3A_684, %dma_wait3A_685] : memref<4x1024xf32, #tpu.memory_space<vmem>> -> memref<1x128xf32, #tpu.memory_space<vmem>>
    %dma_wait3A_687 = tpu.memref_squeeze %dma_wait3A_686 : memref<1x128xf32, #tpu.memory_space<vmem>> -> memref<128xf32, #tpu.memory_space<vmem>>
    %dma_wait3A_688 = arith.constant 0 : i32
    %dma_wait3A_689 = tpu.memref_slice %arg14[%dma_wait3A_683, %dma_wait3A_688] : memref<8x128xi32, #tpu.memory_space<vmem>> -> memref<1x128xi32, #tpu.memory_space<vmem>>
    %dma_wait3A_690 = tpu.memref_squeeze %dma_wait3A_689 : memref<1x128xi32, #tpu.memory_space<vmem>> -> memref<128xi32, #tpu.memory_space<vmem>>
    %dma_wait3A_691 = arith.constant 0 : i32
    %dma_wait3A_692 = tpu.memref_slice %arg5[%dma_wait3A_691] : memref<65536xf32, #tpu.memory_space<hbm>> -> memref<65536xf32, #tpu.memory_space<hbm>>
    tpu.wait_indirect_dma semaphore(%arg19 : memref<!tpu.dma_semaphore, #tpu.memory_space<semaphore_mem>>) src(%dma_wait3A_692 : memref<65536xf32, #tpu.memory_space<hbm>>) dst(%dma_wait3A_687 : memref<128xf32, #tpu.memory_space<vmem>>)
    %dma_wait3A_693 = arith.constant 5 : i32
    %dma_wait3A_694 = arith.constant 1 : i32
    %dma_wait3A_695 = arith.constant 640 : i32
    %dma_wait3A_696 = tpu.memref_slice %arg17[%dma_wait3A_694, %dma_wait3A_695] : memref<4x1024xf32, #tpu.memory_space<vmem>> -> memref<1x128xf32, #tpu.memory_space<vmem>>
    %dma_wait3A_697 = tpu.memref_squeeze %dma_wait3A_696 : memref<1x128xf32, #tpu.memory_space<vmem>> -> memref<128xf32, #tpu.memory_space<vmem>>
    %dma_wait3A_698 = arith.constant 0 : i32
    %dma_wait3A_699 = tpu.memref_slice %arg14[%dma_wait3A_693, %dma_wait3A_698] : memref<8x128xi32, #tpu.memory_space<vmem>> -> memref<1x128xi32, #tpu.memory_space<vmem>>
    %dma_wait3A_700 = tpu.memref_squeeze %dma_wait3A_699 : memref<1x128xi32, #tpu.memory_space<vmem>> -> memref<128xi32, #tpu.memory_space<vmem>>
    %dma_wait3A_701 = arith.constant 0 : i32
    %dma_wait3A_702 = tpu.memref_slice %arg5[%dma_wait3A_701] : memref<65536xf32, #tpu.memory_space<hbm>> -> memref<65536xf32, #tpu.memory_space<hbm>>
    tpu.wait_indirect_dma semaphore(%arg19 : memref<!tpu.dma_semaphore, #tpu.memory_space<semaphore_mem>>) src(%dma_wait3A_702 : memref<65536xf32, #tpu.memory_space<hbm>>) dst(%dma_wait3A_697 : memref<128xf32, #tpu.memory_space<vmem>>)
    %dma_wait3A_703 = arith.constant 6 : i32
    %dma_wait3A_704 = arith.constant 1 : i32
    %dma_wait3A_705 = arith.constant 768 : i32
    %dma_wait3A_706 = tpu.memref_slice %arg17[%dma_wait3A_704, %dma_wait3A_705] : memref<4x1024xf32, #tpu.memory_space<vmem>> -> memref<1x128xf32, #tpu.memory_space<vmem>>
    %dma_wait3A_707 = tpu.memref_squeeze %dma_wait3A_706 : memref<1x128xf32, #tpu.memory_space<vmem>> -> memref<128xf32, #tpu.memory_space<vmem>>
    %dma_wait3A_708 = arith.constant 0 : i32
    %dma_wait3A_709 = tpu.memref_slice %arg14[%dma_wait3A_703, %dma_wait3A_708] : memref<8x128xi32, #tpu.memory_space<vmem>> -> memref<1x128xi32, #tpu.memory_space<vmem>>
    %dma_wait3A_710 = tpu.memref_squeeze %dma_wait3A_709 : memref<1x128xi32, #tpu.memory_space<vmem>> -> memref<128xi32, #tpu.memory_space<vmem>>
    %dma_wait3A_711 = arith.constant 0 : i32
    %dma_wait3A_712 = tpu.memref_slice %arg5[%dma_wait3A_711] : memref<65536xf32, #tpu.memory_space<hbm>> -> memref<65536xf32, #tpu.memory_space<hbm>>
    tpu.wait_indirect_dma semaphore(%arg19 : memref<!tpu.dma_semaphore, #tpu.memory_space<semaphore_mem>>) src(%dma_wait3A_712 : memref<65536xf32, #tpu.memory_space<hbm>>) dst(%dma_wait3A_707 : memref<128xf32, #tpu.memory_space<vmem>>)
    %dma_wait3A_713 = arith.constant 7 : i32
    %dma_wait3A_714 = arith.constant 1 : i32
    %dma_wait3A_715 = arith.constant 896 : i32
    %dma_wait3A_716 = tpu.memref_slice %arg17[%dma_wait3A_714, %dma_wait3A_715] : memref<4x1024xf32, #tpu.memory_space<vmem>> -> memref<1x128xf32, #tpu.memory_space<vmem>>
    %dma_wait3A_717 = tpu.memref_squeeze %dma_wait3A_716 : memref<1x128xf32, #tpu.memory_space<vmem>> -> memref<128xf32, #tpu.memory_space<vmem>>
    %dma_wait3A_718 = arith.constant 0 : i32
    %dma_wait3A_719 = tpu.memref_slice %arg14[%dma_wait3A_713, %dma_wait3A_718] : memref<8x128xi32, #tpu.memory_space<vmem>> -> memref<1x128xi32, #tpu.memory_space<vmem>>
    %dma_wait3A_720 = tpu.memref_squeeze %dma_wait3A_719 : memref<1x128xi32, #tpu.memory_space<vmem>> -> memref<128xi32, #tpu.memory_space<vmem>>
    %dma_wait3A_721 = arith.constant 0 : i32
    %dma_wait3A_722 = tpu.memref_slice %arg5[%dma_wait3A_721] : memref<65536xf32, #tpu.memory_space<hbm>> -> memref<65536xf32, #tpu.memory_space<hbm>>
    tpu.wait_indirect_dma semaphore(%arg19 : memref<!tpu.dma_semaphore, #tpu.memory_space<semaphore_mem>>) src(%dma_wait3A_722 : memref<65536xf32, #tpu.memory_space<hbm>>) dst(%dma_wait3A_717 : memref<128xf32, #tpu.memory_space<vmem>>)
    %dma_wait3A_723 = arith.constant 0 : i32
    %dma_wait3A_724 = arith.constant 2 : i32
    %dma_wait3A_725 = arith.constant 0 : i32
    %dma_wait3A_726 = tpu.memref_slice %arg17[%dma_wait3A_724, %dma_wait3A_725] : memref<4x1024xf32, #tpu.memory_space<vmem>> -> memref<1x128xf32, #tpu.memory_space<vmem>>
    %dma_wait3A_727 = tpu.memref_squeeze %dma_wait3A_726 : memref<1x128xf32, #tpu.memory_space<vmem>> -> memref<128xf32, #tpu.memory_space<vmem>>
    %dma_wait3A_728 = arith.constant 0 : i32
    %dma_wait3A_729 = tpu.memref_slice %arg14[%dma_wait3A_723, %dma_wait3A_728] : memref<8x128xi32, #tpu.memory_space<vmem>> -> memref<1x128xi32, #tpu.memory_space<vmem>>
    %dma_wait3A_730 = tpu.memref_squeeze %dma_wait3A_729 : memref<1x128xi32, #tpu.memory_space<vmem>> -> memref<128xi32, #tpu.memory_space<vmem>>
    %dma_wait3A_731 = arith.constant 0 : i32
    %dma_wait3A_732 = tpu.memref_slice %arg6[%dma_wait3A_731] : memref<65536xf32, #tpu.memory_space<hbm>> -> memref<65536xf32, #tpu.memory_space<hbm>>
    tpu.wait_indirect_dma semaphore(%arg19 : memref<!tpu.dma_semaphore, #tpu.memory_space<semaphore_mem>>) src(%dma_wait3A_732 : memref<65536xf32, #tpu.memory_space<hbm>>) dst(%dma_wait3A_727 : memref<128xf32, #tpu.memory_space<vmem>>)
    %dma_wait3A_733 = arith.constant 1 : i32
    %dma_wait3A_734 = arith.constant 2 : i32
    %dma_wait3A_735 = arith.constant 128 : i32
    %dma_wait3A_736 = tpu.memref_slice %arg17[%dma_wait3A_734, %dma_wait3A_735] : memref<4x1024xf32, #tpu.memory_space<vmem>> -> memref<1x128xf32, #tpu.memory_space<vmem>>
    %dma_wait3A_737 = tpu.memref_squeeze %dma_wait3A_736 : memref<1x128xf32, #tpu.memory_space<vmem>> -> memref<128xf32, #tpu.memory_space<vmem>>
    %dma_wait3A_738 = arith.constant 0 : i32
    %dma_wait3A_739 = tpu.memref_slice %arg14[%dma_wait3A_733, %dma_wait3A_738] : memref<8x128xi32, #tpu.memory_space<vmem>> -> memref<1x128xi32, #tpu.memory_space<vmem>>
    %dma_wait3A_740 = tpu.memref_squeeze %dma_wait3A_739 : memref<1x128xi32, #tpu.memory_space<vmem>> -> memref<128xi32, #tpu.memory_space<vmem>>
    %dma_wait3A_741 = arith.constant 0 : i32
    %dma_wait3A_742 = tpu.memref_slice %arg6[%dma_wait3A_741] : memref<65536xf32, #tpu.memory_space<hbm>> -> memref<65536xf32, #tpu.memory_space<hbm>>
    tpu.wait_indirect_dma semaphore(%arg19 : memref<!tpu.dma_semaphore, #tpu.memory_space<semaphore_mem>>) src(%dma_wait3A_742 : memref<65536xf32, #tpu.memory_space<hbm>>) dst(%dma_wait3A_737 : memref<128xf32, #tpu.memory_space<vmem>>)
    %dma_wait3A_743 = arith.constant 2 : i32
    %dma_wait3A_744 = arith.constant 2 : i32
    %dma_wait3A_745 = arith.constant 256 : i32
    %dma_wait3A_746 = tpu.memref_slice %arg17[%dma_wait3A_744, %dma_wait3A_745] : memref<4x1024xf32, #tpu.memory_space<vmem>> -> memref<1x128xf32, #tpu.memory_space<vmem>>
    %dma_wait3A_747 = tpu.memref_squeeze %dma_wait3A_746 : memref<1x128xf32, #tpu.memory_space<vmem>> -> memref<128xf32, #tpu.memory_space<vmem>>
    %dma_wait3A_748 = arith.constant 0 : i32
    %dma_wait3A_749 = tpu.memref_slice %arg14[%dma_wait3A_743, %dma_wait3A_748] : memref<8x128xi32, #tpu.memory_space<vmem>> -> memref<1x128xi32, #tpu.memory_space<vmem>>
    %dma_wait3A_750 = tpu.memref_squeeze %dma_wait3A_749 : memref<1x128xi32, #tpu.memory_space<vmem>> -> memref<128xi32, #tpu.memory_space<vmem>>
    %dma_wait3A_751 = arith.constant 0 : i32
    %dma_wait3A_752 = tpu.memref_slice %arg6[%dma_wait3A_751] : memref<65536xf32, #tpu.memory_space<hbm>> -> memref<65536xf32, #tpu.memory_space<hbm>>
    tpu.wait_indirect_dma semaphore(%arg19 : memref<!tpu.dma_semaphore, #tpu.memory_space<semaphore_mem>>) src(%dma_wait3A_752 : memref<65536xf32, #tpu.memory_space<hbm>>) dst(%dma_wait3A_747 : memref<128xf32, #tpu.memory_space<vmem>>)
    %dma_wait3A_753 = arith.constant 3 : i32
    %dma_wait3A_754 = arith.constant 2 : i32
    %dma_wait3A_755 = arith.constant 384 : i32
    %dma_wait3A_756 = tpu.memref_slice %arg17[%dma_wait3A_754, %dma_wait3A_755] : memref<4x1024xf32, #tpu.memory_space<vmem>> -> memref<1x128xf32, #tpu.memory_space<vmem>>
    %dma_wait3A_757 = tpu.memref_squeeze %dma_wait3A_756 : memref<1x128xf32, #tpu.memory_space<vmem>> -> memref<128xf32, #tpu.memory_space<vmem>>
    %dma_wait3A_758 = arith.constant 0 : i32
    %dma_wait3A_759 = tpu.memref_slice %arg14[%dma_wait3A_753, %dma_wait3A_758] : memref<8x128xi32, #tpu.memory_space<vmem>> -> memref<1x128xi32, #tpu.memory_space<vmem>>
    %dma_wait3A_760 = tpu.memref_squeeze %dma_wait3A_759 : memref<1x128xi32, #tpu.memory_space<vmem>> -> memref<128xi32, #tpu.memory_space<vmem>>
    %dma_wait3A_761 = arith.constant 0 : i32
    %dma_wait3A_762 = tpu.memref_slice %arg6[%dma_wait3A_761] : memref<65536xf32, #tpu.memory_space<hbm>> -> memref<65536xf32, #tpu.memory_space<hbm>>
    tpu.wait_indirect_dma semaphore(%arg19 : memref<!tpu.dma_semaphore, #tpu.memory_space<semaphore_mem>>) src(%dma_wait3A_762 : memref<65536xf32, #tpu.memory_space<hbm>>) dst(%dma_wait3A_757 : memref<128xf32, #tpu.memory_space<vmem>>)
    %dma_wait3A_763 = arith.constant 4 : i32
    %dma_wait3A_764 = arith.constant 2 : i32
    %dma_wait3A_765 = arith.constant 512 : i32
    %dma_wait3A_766 = tpu.memref_slice %arg17[%dma_wait3A_764, %dma_wait3A_765] : memref<4x1024xf32, #tpu.memory_space<vmem>> -> memref<1x128xf32, #tpu.memory_space<vmem>>
    %dma_wait3A_767 = tpu.memref_squeeze %dma_wait3A_766 : memref<1x128xf32, #tpu.memory_space<vmem>> -> memref<128xf32, #tpu.memory_space<vmem>>
    %dma_wait3A_768 = arith.constant 0 : i32
    %dma_wait3A_769 = tpu.memref_slice %arg14[%dma_wait3A_763, %dma_wait3A_768] : memref<8x128xi32, #tpu.memory_space<vmem>> -> memref<1x128xi32, #tpu.memory_space<vmem>>
    %dma_wait3A_770 = tpu.memref_squeeze %dma_wait3A_769 : memref<1x128xi32, #tpu.memory_space<vmem>> -> memref<128xi32, #tpu.memory_space<vmem>>
    %dma_wait3A_771 = arith.constant 0 : i32
    %dma_wait3A_772 = tpu.memref_slice %arg6[%dma_wait3A_771] : memref<65536xf32, #tpu.memory_space<hbm>> -> memref<65536xf32, #tpu.memory_space<hbm>>
    tpu.wait_indirect_dma semaphore(%arg19 : memref<!tpu.dma_semaphore, #tpu.memory_space<semaphore_mem>>) src(%dma_wait3A_772 : memref<65536xf32, #tpu.memory_space<hbm>>) dst(%dma_wait3A_767 : memref<128xf32, #tpu.memory_space<vmem>>)
    %dma_wait3A_773 = arith.constant 5 : i32
    %dma_wait3A_774 = arith.constant 2 : i32
    %dma_wait3A_775 = arith.constant 640 : i32
    %dma_wait3A_776 = tpu.memref_slice %arg17[%dma_wait3A_774, %dma_wait3A_775] : memref<4x1024xf32, #tpu.memory_space<vmem>> -> memref<1x128xf32, #tpu.memory_space<vmem>>
    %dma_wait3A_777 = tpu.memref_squeeze %dma_wait3A_776 : memref<1x128xf32, #tpu.memory_space<vmem>> -> memref<128xf32, #tpu.memory_space<vmem>>
    %dma_wait3A_778 = arith.constant 0 : i32
    %dma_wait3A_779 = tpu.memref_slice %arg14[%dma_wait3A_773, %dma_wait3A_778] : memref<8x128xi32, #tpu.memory_space<vmem>> -> memref<1x128xi32, #tpu.memory_space<vmem>>
    %dma_wait3A_780 = tpu.memref_squeeze %dma_wait3A_779 : memref<1x128xi32, #tpu.memory_space<vmem>> -> memref<128xi32, #tpu.memory_space<vmem>>
    %dma_wait3A_781 = arith.constant 0 : i32
    %dma_wait3A_782 = tpu.memref_slice %arg6[%dma_wait3A_781] : memref<65536xf32, #tpu.memory_space<hbm>> -> memref<65536xf32, #tpu.memory_space<hbm>>
    tpu.wait_indirect_dma semaphore(%arg19 : memref<!tpu.dma_semaphore, #tpu.memory_space<semaphore_mem>>) src(%dma_wait3A_782 : memref<65536xf32, #tpu.memory_space<hbm>>) dst(%dma_wait3A_777 : memref<128xf32, #tpu.memory_space<vmem>>)
    %dma_wait3A_783 = arith.constant 6 : i32
    %dma_wait3A_784 = arith.constant 2 : i32
    %dma_wait3A_785 = arith.constant 768 : i32
    %dma_wait3A_786 = tpu.memref_slice %arg17[%dma_wait3A_784, %dma_wait3A_785] : memref<4x1024xf32, #tpu.memory_space<vmem>> -> memref<1x128xf32, #tpu.memory_space<vmem>>
    %dma_wait3A_787 = tpu.memref_squeeze %dma_wait3A_786 : memref<1x128xf32, #tpu.memory_space<vmem>> -> memref<128xf32, #tpu.memory_space<vmem>>
    %dma_wait3A_788 = arith.constant 0 : i32
    %dma_wait3A_789 = tpu.memref_slice %arg14[%dma_wait3A_783, %dma_wait3A_788] : memref<8x128xi32, #tpu.memory_space<vmem>> -> memref<1x128xi32, #tpu.memory_space<vmem>>
    %dma_wait3A_790 = tpu.memref_squeeze %dma_wait3A_789 : memref<1x128xi32, #tpu.memory_space<vmem>> -> memref<128xi32, #tpu.memory_space<vmem>>
    %dma_wait3A_791 = arith.constant 0 : i32
    %dma_wait3A_792 = tpu.memref_slice %arg6[%dma_wait3A_791] : memref<65536xf32, #tpu.memory_space<hbm>> -> memref<65536xf32, #tpu.memory_space<hbm>>
    tpu.wait_indirect_dma semaphore(%arg19 : memref<!tpu.dma_semaphore, #tpu.memory_space<semaphore_mem>>) src(%dma_wait3A_792 : memref<65536xf32, #tpu.memory_space<hbm>>) dst(%dma_wait3A_787 : memref<128xf32, #tpu.memory_space<vmem>>)
    %dma_wait3A_793 = arith.constant 7 : i32
    %dma_wait3A_794 = arith.constant 2 : i32
    %dma_wait3A_795 = arith.constant 896 : i32
    %dma_wait3A_796 = tpu.memref_slice %arg17[%dma_wait3A_794, %dma_wait3A_795] : memref<4x1024xf32, #tpu.memory_space<vmem>> -> memref<1x128xf32, #tpu.memory_space<vmem>>
    %dma_wait3A_797 = tpu.memref_squeeze %dma_wait3A_796 : memref<1x128xf32, #tpu.memory_space<vmem>> -> memref<128xf32, #tpu.memory_space<vmem>>
    %dma_wait3A_798 = arith.constant 0 : i32
    %dma_wait3A_799 = tpu.memref_slice %arg14[%dma_wait3A_793, %dma_wait3A_798] : memref<8x128xi32, #tpu.memory_space<vmem>> -> memref<1x128xi32, #tpu.memory_space<vmem>>
    %dma_wait3A_800 = tpu.memref_squeeze %dma_wait3A_799 : memref<1x128xi32, #tpu.memory_space<vmem>> -> memref<128xi32, #tpu.memory_space<vmem>>
    %dma_wait3A_801 = arith.constant 0 : i32
    %dma_wait3A_802 = tpu.memref_slice %arg6[%dma_wait3A_801] : memref<65536xf32, #tpu.memory_space<hbm>> -> memref<65536xf32, #tpu.memory_space<hbm>>
    tpu.wait_indirect_dma semaphore(%arg19 : memref<!tpu.dma_semaphore, #tpu.memory_space<semaphore_mem>>) src(%dma_wait3A_802 : memref<65536xf32, #tpu.memory_space<hbm>>) dst(%dma_wait3A_797 : memref<128xf32, #tpu.memory_space<vmem>>)
    %dma_wait3A_803 = arith.constant 0 : i32
    %dma_wait3A_804 = arith.constant 3 : i32
    %dma_wait3A_805 = arith.constant 0 : i32
    %dma_wait3A_806 = tpu.memref_slice %arg17[%dma_wait3A_804, %dma_wait3A_805] : memref<4x1024xf32, #tpu.memory_space<vmem>> -> memref<1x128xf32, #tpu.memory_space<vmem>>
    %dma_wait3A_807 = tpu.memref_squeeze %dma_wait3A_806 : memref<1x128xf32, #tpu.memory_space<vmem>> -> memref<128xf32, #tpu.memory_space<vmem>>
    %dma_wait3A_808 = arith.constant 0 : i32
    %dma_wait3A_809 = tpu.memref_slice %arg14[%dma_wait3A_803, %dma_wait3A_808] : memref<8x128xi32, #tpu.memory_space<vmem>> -> memref<1x128xi32, #tpu.memory_space<vmem>>
    %dma_wait3A_810 = tpu.memref_squeeze %dma_wait3A_809 : memref<1x128xi32, #tpu.memory_space<vmem>> -> memref<128xi32, #tpu.memory_space<vmem>>
    %dma_wait3A_811 = arith.constant 0 : i32
    %dma_wait3A_812 = tpu.memref_slice %arg7[%dma_wait3A_811] : memref<65536xf32, #tpu.memory_space<hbm>> -> memref<65536xf32, #tpu.memory_space<hbm>>
    tpu.wait_indirect_dma semaphore(%arg19 : memref<!tpu.dma_semaphore, #tpu.memory_space<semaphore_mem>>) src(%dma_wait3A_812 : memref<65536xf32, #tpu.memory_space<hbm>>) dst(%dma_wait3A_807 : memref<128xf32, #tpu.memory_space<vmem>>)
    %dma_wait3A_813 = arith.constant 1 : i32
    %dma_wait3A_814 = arith.constant 3 : i32
    %dma_wait3A_815 = arith.constant 128 : i32
    %dma_wait3A_816 = tpu.memref_slice %arg17[%dma_wait3A_814, %dma_wait3A_815] : memref<4x1024xf32, #tpu.memory_space<vmem>> -> memref<1x128xf32, #tpu.memory_space<vmem>>
    %dma_wait3A_817 = tpu.memref_squeeze %dma_wait3A_816 : memref<1x128xf32, #tpu.memory_space<vmem>> -> memref<128xf32, #tpu.memory_space<vmem>>
    %dma_wait3A_818 = arith.constant 0 : i32
    %dma_wait3A_819 = tpu.memref_slice %arg14[%dma_wait3A_813, %dma_wait3A_818] : memref<8x128xi32, #tpu.memory_space<vmem>> -> memref<1x128xi32, #tpu.memory_space<vmem>>
    %dma_wait3A_820 = tpu.memref_squeeze %dma_wait3A_819 : memref<1x128xi32, #tpu.memory_space<vmem>> -> memref<128xi32, #tpu.memory_space<vmem>>
    %dma_wait3A_821 = arith.constant 0 : i32
    %dma_wait3A_822 = tpu.memref_slice %arg7[%dma_wait3A_821] : memref<65536xf32, #tpu.memory_space<hbm>> -> memref<65536xf32, #tpu.memory_space<hbm>>
    tpu.wait_indirect_dma semaphore(%arg19 : memref<!tpu.dma_semaphore, #tpu.memory_space<semaphore_mem>>) src(%dma_wait3A_822 : memref<65536xf32, #tpu.memory_space<hbm>>) dst(%dma_wait3A_817 : memref<128xf32, #tpu.memory_space<vmem>>)
    %dma_wait3A_823 = arith.constant 2 : i32
    %dma_wait3A_824 = arith.constant 3 : i32
    %dma_wait3A_825 = arith.constant 256 : i32
    %dma_wait3A_826 = tpu.memref_slice %arg17[%dma_wait3A_824, %dma_wait3A_825] : memref<4x1024xf32, #tpu.memory_space<vmem>> -> memref<1x128xf32, #tpu.memory_space<vmem>>
    %dma_wait3A_827 = tpu.memref_squeeze %dma_wait3A_826 : memref<1x128xf32, #tpu.memory_space<vmem>> -> memref<128xf32, #tpu.memory_space<vmem>>
    %dma_wait3A_828 = arith.constant 0 : i32
    %dma_wait3A_829 = tpu.memref_slice %arg14[%dma_wait3A_823, %dma_wait3A_828] : memref<8x128xi32, #tpu.memory_space<vmem>> -> memref<1x128xi32, #tpu.memory_space<vmem>>
    %dma_wait3A_830 = tpu.memref_squeeze %dma_wait3A_829 : memref<1x128xi32, #tpu.memory_space<vmem>> -> memref<128xi32, #tpu.memory_space<vmem>>
    %dma_wait3A_831 = arith.constant 0 : i32
    %dma_wait3A_832 = tpu.memref_slice %arg7[%dma_wait3A_831] : memref<65536xf32, #tpu.memory_space<hbm>> -> memref<65536xf32, #tpu.memory_space<hbm>>
    tpu.wait_indirect_dma semaphore(%arg19 : memref<!tpu.dma_semaphore, #tpu.memory_space<semaphore_mem>>) src(%dma_wait3A_832 : memref<65536xf32, #tpu.memory_space<hbm>>) dst(%dma_wait3A_827 : memref<128xf32, #tpu.memory_space<vmem>>)
    %dma_wait3A_833 = arith.constant 3 : i32
    %dma_wait3A_834 = arith.constant 3 : i32
    %dma_wait3A_835 = arith.constant 384 : i32
    %dma_wait3A_836 = tpu.memref_slice %arg17[%dma_wait3A_834, %dma_wait3A_835] : memref<4x1024xf32, #tpu.memory_space<vmem>> -> memref<1x128xf32, #tpu.memory_space<vmem>>
    %dma_wait3A_837 = tpu.memref_squeeze %dma_wait3A_836 : memref<1x128xf32, #tpu.memory_space<vmem>> -> memref<128xf32, #tpu.memory_space<vmem>>
    %dma_wait3A_838 = arith.constant 0 : i32
    %dma_wait3A_839 = tpu.memref_slice %arg14[%dma_wait3A_833, %dma_wait3A_838] : memref<8x128xi32, #tpu.memory_space<vmem>> -> memref<1x128xi32, #tpu.memory_space<vmem>>
    %dma_wait3A_840 = tpu.memref_squeeze %dma_wait3A_839 : memref<1x128xi32, #tpu.memory_space<vmem>> -> memref<128xi32, #tpu.memory_space<vmem>>
    %dma_wait3A_841 = arith.constant 0 : i32
    %dma_wait3A_842 = tpu.memref_slice %arg7[%dma_wait3A_841] : memref<65536xf32, #tpu.memory_space<hbm>> -> memref<65536xf32, #tpu.memory_space<hbm>>
    tpu.wait_indirect_dma semaphore(%arg19 : memref<!tpu.dma_semaphore, #tpu.memory_space<semaphore_mem>>) src(%dma_wait3A_842 : memref<65536xf32, #tpu.memory_space<hbm>>) dst(%dma_wait3A_837 : memref<128xf32, #tpu.memory_space<vmem>>)
    %dma_wait3A_843 = arith.constant 4 : i32
    %dma_wait3A_844 = arith.constant 3 : i32
    %dma_wait3A_845 = arith.constant 512 : i32
    %dma_wait3A_846 = tpu.memref_slice %arg17[%dma_wait3A_844, %dma_wait3A_845] : memref<4x1024xf32, #tpu.memory_space<vmem>> -> memref<1x128xf32, #tpu.memory_space<vmem>>
    %dma_wait3A_847 = tpu.memref_squeeze %dma_wait3A_846 : memref<1x128xf32, #tpu.memory_space<vmem>> -> memref<128xf32, #tpu.memory_space<vmem>>
    %dma_wait3A_848 = arith.constant 0 : i32
    %dma_wait3A_849 = tpu.memref_slice %arg14[%dma_wait3A_843, %dma_wait3A_848] : memref<8x128xi32, #tpu.memory_space<vmem>> -> memref<1x128xi32, #tpu.memory_space<vmem>>
    %dma_wait3A_850 = tpu.memref_squeeze %dma_wait3A_849 : memref<1x128xi32, #tpu.memory_space<vmem>> -> memref<128xi32, #tpu.memory_space<vmem>>
    %dma_wait3A_851 = arith.constant 0 : i32
    %dma_wait3A_852 = tpu.memref_slice %arg7[%dma_wait3A_851] : memref<65536xf32, #tpu.memory_space<hbm>> -> memref<65536xf32, #tpu.memory_space<hbm>>
    tpu.wait_indirect_dma semaphore(%arg19 : memref<!tpu.dma_semaphore, #tpu.memory_space<semaphore_mem>>) src(%dma_wait3A_852 : memref<65536xf32, #tpu.memory_space<hbm>>) dst(%dma_wait3A_847 : memref<128xf32, #tpu.memory_space<vmem>>)
    %dma_wait3A_853 = arith.constant 5 : i32
    %dma_wait3A_854 = arith.constant 3 : i32
    %dma_wait3A_855 = arith.constant 640 : i32
    %dma_wait3A_856 = tpu.memref_slice %arg17[%dma_wait3A_854, %dma_wait3A_855] : memref<4x1024xf32, #tpu.memory_space<vmem>> -> memref<1x128xf32, #tpu.memory_space<vmem>>
    %dma_wait3A_857 = tpu.memref_squeeze %dma_wait3A_856 : memref<1x128xf32, #tpu.memory_space<vmem>> -> memref<128xf32, #tpu.memory_space<vmem>>
    %dma_wait3A_858 = arith.constant 0 : i32
    %dma_wait3A_859 = tpu.memref_slice %arg14[%dma_wait3A_853, %dma_wait3A_858] : memref<8x128xi32, #tpu.memory_space<vmem>> -> memref<1x128xi32, #tpu.memory_space<vmem>>
    %dma_wait3A_860 = tpu.memref_squeeze %dma_wait3A_859 : memref<1x128xi32, #tpu.memory_space<vmem>> -> memref<128xi32, #tpu.memory_space<vmem>>
    %dma_wait3A_861 = arith.constant 0 : i32
    %dma_wait3A_862 = tpu.memref_slice %arg7[%dma_wait3A_861] : memref<65536xf32, #tpu.memory_space<hbm>> -> memref<65536xf32, #tpu.memory_space<hbm>>
    tpu.wait_indirect_dma semaphore(%arg19 : memref<!tpu.dma_semaphore, #tpu.memory_space<semaphore_mem>>) src(%dma_wait3A_862 : memref<65536xf32, #tpu.memory_space<hbm>>) dst(%dma_wait3A_857 : memref<128xf32, #tpu.memory_space<vmem>>)
    %dma_wait3A_863 = arith.constant 6 : i32
    %dma_wait3A_864 = arith.constant 3 : i32
    %dma_wait3A_865 = arith.constant 768 : i32
    %dma_wait3A_866 = tpu.memref_slice %arg17[%dma_wait3A_864, %dma_wait3A_865] : memref<4x1024xf32, #tpu.memory_space<vmem>> -> memref<1x128xf32, #tpu.memory_space<vmem>>
    %dma_wait3A_867 = tpu.memref_squeeze %dma_wait3A_866 : memref<1x128xf32, #tpu.memory_space<vmem>> -> memref<128xf32, #tpu.memory_space<vmem>>
    %dma_wait3A_868 = arith.constant 0 : i32
    %dma_wait3A_869 = tpu.memref_slice %arg14[%dma_wait3A_863, %dma_wait3A_868] : memref<8x128xi32, #tpu.memory_space<vmem>> -> memref<1x128xi32, #tpu.memory_space<vmem>>
    %dma_wait3A_870 = tpu.memref_squeeze %dma_wait3A_869 : memref<1x128xi32, #tpu.memory_space<vmem>> -> memref<128xi32, #tpu.memory_space<vmem>>
    %dma_wait3A_871 = arith.constant 0 : i32
    %dma_wait3A_872 = tpu.memref_slice %arg7[%dma_wait3A_871] : memref<65536xf32, #tpu.memory_space<hbm>> -> memref<65536xf32, #tpu.memory_space<hbm>>
    tpu.wait_indirect_dma semaphore(%arg19 : memref<!tpu.dma_semaphore, #tpu.memory_space<semaphore_mem>>) src(%dma_wait3A_872 : memref<65536xf32, #tpu.memory_space<hbm>>) dst(%dma_wait3A_867 : memref<128xf32, #tpu.memory_space<vmem>>)
    %dma_wait3A_873 = arith.constant 7 : i32
    %dma_wait3A_874 = arith.constant 3 : i32
    %dma_wait3A_875 = arith.constant 896 : i32
    %dma_wait3A_876 = tpu.memref_slice %arg17[%dma_wait3A_874, %dma_wait3A_875] : memref<4x1024xf32, #tpu.memory_space<vmem>> -> memref<1x128xf32, #tpu.memory_space<vmem>>
    %dma_wait3A_877 = tpu.memref_squeeze %dma_wait3A_876 : memref<1x128xf32, #tpu.memory_space<vmem>> -> memref<128xf32, #tpu.memory_space<vmem>>
    %dma_wait3A_878 = arith.constant 0 : i32
    %dma_wait3A_879 = tpu.memref_slice %arg14[%dma_wait3A_873, %dma_wait3A_878] : memref<8x128xi32, #tpu.memory_space<vmem>> -> memref<1x128xi32, #tpu.memory_space<vmem>>
    %dma_wait3A_880 = tpu.memref_squeeze %dma_wait3A_879 : memref<1x128xi32, #tpu.memory_space<vmem>> -> memref<128xi32, #tpu.memory_space<vmem>>
    %dma_wait3A_881 = arith.constant 0 : i32
    %dma_wait3A_882 = tpu.memref_slice %arg7[%dma_wait3A_881] : memref<65536xf32, #tpu.memory_space<hbm>> -> memref<65536xf32, #tpu.memory_space<hbm>>
    tpu.wait_indirect_dma semaphore(%arg19 : memref<!tpu.dma_semaphore, #tpu.memory_space<semaphore_mem>>) src(%dma_wait3A_882 : memref<65536xf32, #tpu.memory_space<hbm>>) dst(%dma_wait3A_877 : memref<128xf32, #tpu.memory_space<vmem>>)
    %dma_wait3A_883 = arith.constant 0 : i32
    %dma_wait3A_884 = arith.constant 0 : i32
    %dma_wait3A_885 = arith.constant 0 : i32
    %dma_wait3A_886 = tpu.memref_slice %arg16[%dma_wait3A_884, %dma_wait3A_885] : memref<1024x32xf32, #tpu.memory_space<vmem>> -> memref<128x32xf32, #tpu.memory_space<vmem>>
    %dma_wait3A_887 = arith.constant 0 : i32
    %dma_wait3A_888 = tpu.memref_slice %arg15[%dma_wait3A_883, %dma_wait3A_887] : memref<8x128xi32, #tpu.memory_space<vmem>> -> memref<1x128xi32, #tpu.memory_space<vmem>>
    %dma_wait3A_889 = tpu.memref_squeeze %dma_wait3A_888 : memref<1x128xi32, #tpu.memory_space<vmem>> -> memref<128xi32, #tpu.memory_space<vmem>>
    %dma_wait3A_890 = arith.constant 0 : i32
    %dma_wait3A_891 = arith.constant 0 : i32
    %dma_wait3A_892 = tpu.memref_slice %arg2[%dma_wait3A_890, %dma_wait3A_891] : memref<1000000x32xf32, #tpu.memory_space<hbm>> -> memref<1000000x32xf32, #tpu.memory_space<hbm>>
    tpu.wait_indirect_dma semaphore(%arg18 : memref<!tpu.dma_semaphore, #tpu.memory_space<semaphore_mem>>) src(%dma_wait3A_892 : memref<1000000x32xf32, #tpu.memory_space<hbm>>) dst(%dma_wait3A_886 : memref<128x32xf32, #tpu.memory_space<vmem>>)
    %dma_wait3A_893 = arith.constant 1 : i32
    %dma_wait3A_894 = arith.constant 128 : i32
    %dma_wait3A_895 = arith.constant 0 : i32
    %dma_wait3A_896 = tpu.memref_slice %arg16[%dma_wait3A_894, %dma_wait3A_895] : memref<1024x32xf32, #tpu.memory_space<vmem>> -> memref<128x32xf32, #tpu.memory_space<vmem>>
    %dma_wait3A_897 = arith.constant 0 : i32
    %dma_wait3A_898 = tpu.memref_slice %arg15[%dma_wait3A_893, %dma_wait3A_897] : memref<8x128xi32, #tpu.memory_space<vmem>> -> memref<1x128xi32, #tpu.memory_space<vmem>>
    %dma_wait3A_899 = tpu.memref_squeeze %dma_wait3A_898 : memref<1x128xi32, #tpu.memory_space<vmem>> -> memref<128xi32, #tpu.memory_space<vmem>>
    %dma_wait3A_900 = arith.constant 0 : i32
    %dma_wait3A_901 = arith.constant 0 : i32
    %dma_wait3A_902 = tpu.memref_slice %arg2[%dma_wait3A_900, %dma_wait3A_901] : memref<1000000x32xf32, #tpu.memory_space<hbm>> -> memref<1000000x32xf32, #tpu.memory_space<hbm>>
    tpu.wait_indirect_dma semaphore(%arg18 : memref<!tpu.dma_semaphore, #tpu.memory_space<semaphore_mem>>) src(%dma_wait3A_902 : memref<1000000x32xf32, #tpu.memory_space<hbm>>) dst(%dma_wait3A_896 : memref<128x32xf32, #tpu.memory_space<vmem>>)
    %dma_wait3A_903 = arith.constant 2 : i32
    %dma_wait3A_904 = arith.constant 256 : i32
    %dma_wait3A_905 = arith.constant 0 : i32
    %dma_wait3A_906 = tpu.memref_slice %arg16[%dma_wait3A_904, %dma_wait3A_905] : memref<1024x32xf32, #tpu.memory_space<vmem>> -> memref<128x32xf32, #tpu.memory_space<vmem>>
    %dma_wait3A_907 = arith.constant 0 : i32
    %dma_wait3A_908 = tpu.memref_slice %arg15[%dma_wait3A_903, %dma_wait3A_907] : memref<8x128xi32, #tpu.memory_space<vmem>> -> memref<1x128xi32, #tpu.memory_space<vmem>>
    %dma_wait3A_909 = tpu.memref_squeeze %dma_wait3A_908 : memref<1x128xi32, #tpu.memory_space<vmem>> -> memref<128xi32, #tpu.memory_space<vmem>>
    %dma_wait3A_910 = arith.constant 0 : i32
    %dma_wait3A_911 = arith.constant 0 : i32
    %dma_wait3A_912 = tpu.memref_slice %arg2[%dma_wait3A_910, %dma_wait3A_911] : memref<1000000x32xf32, #tpu.memory_space<hbm>> -> memref<1000000x32xf32, #tpu.memory_space<hbm>>
    tpu.wait_indirect_dma semaphore(%arg18 : memref<!tpu.dma_semaphore, #tpu.memory_space<semaphore_mem>>) src(%dma_wait3A_912 : memref<1000000x32xf32, #tpu.memory_space<hbm>>) dst(%dma_wait3A_906 : memref<128x32xf32, #tpu.memory_space<vmem>>)
    %dma_wait3A_913 = arith.constant 3 : i32
    %dma_wait3A_914 = arith.constant 384 : i32
    %dma_wait3A_915 = arith.constant 0 : i32
    %dma_wait3A_916 = tpu.memref_slice %arg16[%dma_wait3A_914, %dma_wait3A_915] : memref<1024x32xf32, #tpu.memory_space<vmem>> -> memref<128x32xf32, #tpu.memory_space<vmem>>
    %dma_wait3A_917 = arith.constant 0 : i32
    %dma_wait3A_918 = tpu.memref_slice %arg15[%dma_wait3A_913, %dma_wait3A_917] : memref<8x128xi32, #tpu.memory_space<vmem>> -> memref<1x128xi32, #tpu.memory_space<vmem>>
    %dma_wait3A_919 = tpu.memref_squeeze %dma_wait3A_918 : memref<1x128xi32, #tpu.memory_space<vmem>> -> memref<128xi32, #tpu.memory_space<vmem>>
    %dma_wait3A_920 = arith.constant 0 : i32
    %dma_wait3A_921 = arith.constant 0 : i32
    %dma_wait3A_922 = tpu.memref_slice %arg2[%dma_wait3A_920, %dma_wait3A_921] : memref<1000000x32xf32, #tpu.memory_space<hbm>> -> memref<1000000x32xf32, #tpu.memory_space<hbm>>
    tpu.wait_indirect_dma semaphore(%arg18 : memref<!tpu.dma_semaphore, #tpu.memory_space<semaphore_mem>>) src(%dma_wait3A_922 : memref<1000000x32xf32, #tpu.memory_space<hbm>>) dst(%dma_wait3A_916 : memref<128x32xf32, #tpu.memory_space<vmem>>)
    %dma_wait3A_923 = arith.constant 4 : i32
    %dma_wait3A_924 = arith.constant 512 : i32
    %dma_wait3A_925 = arith.constant 0 : i32
    %dma_wait3A_926 = tpu.memref_slice %arg16[%dma_wait3A_924, %dma_wait3A_925] : memref<1024x32xf32, #tpu.memory_space<vmem>> -> memref<128x32xf32, #tpu.memory_space<vmem>>
    %dma_wait3A_927 = arith.constant 0 : i32
    %dma_wait3A_928 = tpu.memref_slice %arg15[%dma_wait3A_923, %dma_wait3A_927] : memref<8x128xi32, #tpu.memory_space<vmem>> -> memref<1x128xi32, #tpu.memory_space<vmem>>
    %dma_wait3A_929 = tpu.memref_squeeze %dma_wait3A_928 : memref<1x128xi32, #tpu.memory_space<vmem>> -> memref<128xi32, #tpu.memory_space<vmem>>
    %dma_wait3A_930 = arith.constant 0 : i32
    %dma_wait3A_931 = arith.constant 0 : i32
    %dma_wait3A_932 = tpu.memref_slice %arg2[%dma_wait3A_930, %dma_wait3A_931] : memref<1000000x32xf32, #tpu.memory_space<hbm>> -> memref<1000000x32xf32, #tpu.memory_space<hbm>>
    tpu.wait_indirect_dma semaphore(%arg18 : memref<!tpu.dma_semaphore, #tpu.memory_space<semaphore_mem>>) src(%dma_wait3A_932 : memref<1000000x32xf32, #tpu.memory_space<hbm>>) dst(%dma_wait3A_926 : memref<128x32xf32, #tpu.memory_space<vmem>>)
    %dma_wait3A_933 = arith.constant 5 : i32
    %dma_wait3A_934 = arith.constant 640 : i32
    %dma_wait3A_935 = arith.constant 0 : i32
    %dma_wait3A_936 = tpu.memref_slice %arg16[%dma_wait3A_934, %dma_wait3A_935] : memref<1024x32xf32, #tpu.memory_space<vmem>> -> memref<128x32xf32, #tpu.memory_space<vmem>>
    %dma_wait3A_937 = arith.constant 0 : i32
    %dma_wait3A_938 = tpu.memref_slice %arg15[%dma_wait3A_933, %dma_wait3A_937] : memref<8x128xi32, #tpu.memory_space<vmem>> -> memref<1x128xi32, #tpu.memory_space<vmem>>
    %dma_wait3A_939 = tpu.memref_squeeze %dma_wait3A_938 : memref<1x128xi32, #tpu.memory_space<vmem>> -> memref<128xi32, #tpu.memory_space<vmem>>
    %dma_wait3A_940 = arith.constant 0 : i32
    %dma_wait3A_941 = arith.constant 0 : i32
    %dma_wait3A_942 = tpu.memref_slice %arg2[%dma_wait3A_940, %dma_wait3A_941] : memref<1000000x32xf32, #tpu.memory_space<hbm>> -> memref<1000000x32xf32, #tpu.memory_space<hbm>>
    tpu.wait_indirect_dma semaphore(%arg18 : memref<!tpu.dma_semaphore, #tpu.memory_space<semaphore_mem>>) src(%dma_wait3A_942 : memref<1000000x32xf32, #tpu.memory_space<hbm>>) dst(%dma_wait3A_936 : memref<128x32xf32, #tpu.memory_space<vmem>>)
    %dma_wait3A_943 = arith.constant 6 : i32
    %dma_wait3A_944 = arith.constant 768 : i32
    %dma_wait3A_945 = arith.constant 0 : i32
    %dma_wait3A_946 = tpu.memref_slice %arg16[%dma_wait3A_944, %dma_wait3A_945] : memref<1024x32xf32, #tpu.memory_space<vmem>> -> memref<128x32xf32, #tpu.memory_space<vmem>>
    %dma_wait3A_947 = arith.constant 0 : i32
    %dma_wait3A_948 = tpu.memref_slice %arg15[%dma_wait3A_943, %dma_wait3A_947] : memref<8x128xi32, #tpu.memory_space<vmem>> -> memref<1x128xi32, #tpu.memory_space<vmem>>
    %dma_wait3A_949 = tpu.memref_squeeze %dma_wait3A_948 : memref<1x128xi32, #tpu.memory_space<vmem>> -> memref<128xi32, #tpu.memory_space<vmem>>
    %dma_wait3A_950 = arith.constant 0 : i32
    %dma_wait3A_951 = arith.constant 0 : i32
    %dma_wait3A_952 = tpu.memref_slice %arg2[%dma_wait3A_950, %dma_wait3A_951] : memref<1000000x32xf32, #tpu.memory_space<hbm>> -> memref<1000000x32xf32, #tpu.memory_space<hbm>>
    tpu.wait_indirect_dma semaphore(%arg18 : memref<!tpu.dma_semaphore, #tpu.memory_space<semaphore_mem>>) src(%dma_wait3A_952 : memref<1000000x32xf32, #tpu.memory_space<hbm>>) dst(%dma_wait3A_946 : memref<128x32xf32, #tpu.memory_space<vmem>>)
    %dma_wait3A_953 = arith.constant 7 : i32
    %dma_wait3A_954 = arith.constant 896 : i32
    %dma_wait3A_955 = arith.constant 0 : i32
    %dma_wait3A_956 = tpu.memref_slice %arg16[%dma_wait3A_954, %dma_wait3A_955] : memref<1024x32xf32, #tpu.memory_space<vmem>> -> memref<128x32xf32, #tpu.memory_space<vmem>>
    %dma_wait3A_957 = arith.constant 0 : i32
    %dma_wait3A_958 = tpu.memref_slice %arg15[%dma_wait3A_953, %dma_wait3A_957] : memref<8x128xi32, #tpu.memory_space<vmem>> -> memref<1x128xi32, #tpu.memory_space<vmem>>
    %dma_wait3A_959 = tpu.memref_squeeze %dma_wait3A_958 : memref<1x128xi32, #tpu.memory_space<vmem>> -> memref<128xi32, #tpu.memory_space<vmem>>
    %dma_wait3A_960 = arith.constant 0 : i32
    %dma_wait3A_961 = arith.constant 0 : i32
    %dma_wait3A_962 = tpu.memref_slice %arg2[%dma_wait3A_960, %dma_wait3A_961] : memref<1000000x32xf32, #tpu.memory_space<hbm>> -> memref<1000000x32xf32, #tpu.memory_space<hbm>>
    tpu.wait_indirect_dma semaphore(%arg18 : memref<!tpu.dma_semaphore, #tpu.memory_space<semaphore_mem>>) src(%dma_wait3A_962 : memref<1000000x32xf32, #tpu.memory_space<hbm>>) dst(%dma_wait3A_956 : memref<128x32xf32, #tpu.memory_space<vmem>>)
    "tpu.region"() ({
      %run_scoped3A_1938 = tpu.sem_alloc : memref<!tpu.dma_semaphore, #tpu.memory_space<semaphore_mem>>
      %dma_start3A_1939 = arith.constant 0 : i32
      %dma_start3A_1940 = tpu.memref_slice %arg10[%mul3A_2, %dma_start3A_1939] : memref<32768x32xf32, #tpu.memory_space<hbm>> -> memref<1024x32xf32, #tpu.memory_space<hbm>>
      %dma_start3A_1941 = arith.constant 0 : i32
      %dma_start3A_1942 = tpu.memref_slice %arg10[%mul3A_2, %dma_start3A_1941] : memref<32768x32xf32, #tpu.memory_space<hbm>> -> memref<1024x32xf32, #tpu.memory_space<hbm>>
      tpu.enqueue_dma source(%arg16 : memref<1024x32xf32, #tpu.memory_space<vmem>>) target(%dma_start3A_1942 : memref<1024x32xf32, #tpu.memory_space<hbm>>) target_semaphore(%run_scoped3A_1938 : memref<!tpu.dma_semaphore, #tpu.memory_space<semaphore_mem>>)
      %dma_wait3A_1943 = arith.constant 0 : i32
      %dma_wait3A_1944 = tpu.memref_slice %arg10[%mul3A_2, %dma_wait3A_1943] : memref<32768x32xf32, #tpu.memory_space<hbm>> -> memref<1024x32xf32, #tpu.memory_space<hbm>>
      %dma_wait3A_1945 = arith.constant 0 : i32
      %dma_wait3A_1946 = tpu.memref_slice %arg10[%mul3A_2, %dma_wait3A_1945] : memref<32768x32xf32, #tpu.memory_space<hbm>> -> memref<1024x32xf32, #tpu.memory_space<hbm>>
      tpu.wait_dma2 semaphore(%run_scoped3A_1938 : memref<!tpu.dma_semaphore, #tpu.memory_space<semaphore_mem>>) src(%arg16 : memref<1024x32xf32, #tpu.memory_space<vmem>>) dst(%dma_wait3A_1946 : memref<1024x32xf32, #tpu.memory_space<hbm>>)
      tpu.yield
    }) : () -> ()
    %run_scoped3A = arith.constant 0 : i32
    %run_scoped3A_963 = arith.constant 0 : i32
    "tpu.region"() ({
      %run_scoped3A_1938 = tpu.sem_alloc : memref<!tpu.dma_semaphore, #tpu.memory_space<semaphore_mem>>
      %dma_start3A_1939 = arith.constant 0 : i32
      %dma_start3A_1940 = tpu.memref_slice %arg17[%run_scoped3A, %dma_start3A_1939] : memref<4x1024xf32, #tpu.memory_space<vmem>> -> memref<1x1024xf32, #tpu.memory_space<vmem>>
      %dma_start3A_1941 = tpu.memref_squeeze %dma_start3A_1940 : memref<1x1024xf32, #tpu.memory_space<vmem>> -> memref<1024xf32, #tpu.memory_space<vmem>>
      %dma_start3A_1942 = tpu.memref_slice %arg12[%run_scoped3A_963, %mul3A_2] : memref<4x32768xf32, #tpu.memory_space<hbm>> -> memref<1x1024xf32, #tpu.memory_space<hbm>>
      %dma_start3A_1943 = tpu.memref_squeeze %dma_start3A_1942 : memref<1x1024xf32, #tpu.memory_space<hbm>> -> memref<1024xf32, #tpu.memory_space<hbm>>
      %dma_start3A_1944 = tpu.memref_slice %arg12[%run_scoped3A_963, %mul3A_2] : memref<4x32768xf32, #tpu.memory_space<hbm>> -> memref<1x1024xf32, #tpu.memory_space<hbm>>
      %dma_start3A_1945 = tpu.memref_squeeze %dma_start3A_1944 : memref<1x1024xf32, #tpu.memory_space<hbm>> -> memref<1024xf32, #tpu.memory_space<hbm>>
      %dma_start3A_1946 = arith.constant 0 : i32
      %dma_start3A_1947 = tpu.memref_slice %arg17[%run_scoped3A, %dma_start3A_1946] : memref<4x1024xf32, #tpu.memory_space<vmem>> -> memref<1x1024xf32, #tpu.memory_space<vmem>>
      %dma_start3A_1948 = tpu.memref_squeeze %dma_start3A_1947 : memref<1x1024xf32, #tpu.memory_space<vmem>> -> memref<1024xf32, #tpu.memory_space<vmem>>
      tpu.enqueue_dma source(%dma_start3A_1948 : memref<1024xf32, #tpu.memory_space<vmem>>) target(%dma_start3A_1945 : memref<1024xf32, #tpu.memory_space<hbm>>) target_semaphore(%run_scoped3A_1938 : memref<!tpu.dma_semaphore, #tpu.memory_space<semaphore_mem>>)
      %dma_wait3A_1949 = arith.constant 0 : i32
      %dma_wait3A_1950 = tpu.memref_slice %arg17[%run_scoped3A, %dma_wait3A_1949] : memref<4x1024xf32, #tpu.memory_space<vmem>> -> memref<1x1024xf32, #tpu.memory_space<vmem>>
      %dma_wait3A_1951 = tpu.memref_squeeze %dma_wait3A_1950 : memref<1x1024xf32, #tpu.memory_space<vmem>> -> memref<1024xf32, #tpu.memory_space<vmem>>
      %dma_wait3A_1952 = tpu.memref_slice %arg12[%run_scoped3A_963, %mul3A_2] : memref<4x32768xf32, #tpu.memory_space<hbm>> -> memref<1x1024xf32, #tpu.memory_space<hbm>>
      %dma_wait3A_1953 = tpu.memref_squeeze %dma_wait3A_1952 : memref<1x1024xf32, #tpu.memory_space<hbm>> -> memref<1024xf32, #tpu.memory_space<hbm>>
      %dma_wait3A_1954 = tpu.memref_slice %arg12[%run_scoped3A_963, %mul3A_2] : memref<4x32768xf32, #tpu.memory_space<hbm>> -> memref<1x1024xf32, #tpu.memory_space<hbm>>
      %dma_wait3A_1955 = tpu.memref_squeeze %dma_wait3A_1954 : memref<1x1024xf32, #tpu.memory_space<hbm>> -> memref<1024xf32, #tpu.memory_space<hbm>>
      %dma_wait3A_1956 = arith.constant 0 : i32
      %dma_wait3A_1957 = tpu.memref_slice %arg17[%run_scoped3A, %dma_wait3A_1956] : memref<4x1024xf32, #tpu.memory_space<vmem>> -> memref<1x1024xf32, #tpu.memory_space<vmem>>
      %dma_wait3A_1958 = tpu.memref_squeeze %dma_wait3A_1957 : memref<1x1024xf32, #tpu.memory_space<vmem>> -> memref<1024xf32, #tpu.memory_space<vmem>>
      tpu.wait_dma2 semaphore(%run_scoped3A_1938 : memref<!tpu.dma_semaphore, #tpu.memory_space<semaphore_mem>>) src(%dma_wait3A_1958 : memref<1024xf32, #tpu.memory_space<vmem>>) dst(%dma_wait3A_1955 : memref<1024xf32, #tpu.memory_space<hbm>>)
      tpu.yield
    }) : () -> ()
    %run_scoped3A_964 = arith.constant 1 : i32
    %run_scoped3A_965 = arith.constant 1 : i32
    "tpu.region"() ({
      %run_scoped3A_1938 = tpu.sem_alloc : memref<!tpu.dma_semaphore, #tpu.memory_space<semaphore_mem>>
      %dma_start3A_1939 = arith.constant 0 : i32
      %dma_start3A_1940 = tpu.memref_slice %arg17[%run_scoped3A_964, %dma_start3A_1939] : memref<4x1024xf32, #tpu.memory_space<vmem>> -> memref<1x1024xf32, #tpu.memory_space<vmem>>
      %dma_start3A_1941 = tpu.memref_squeeze %dma_start3A_1940 : memref<1x1024xf32, #tpu.memory_space<vmem>> -> memref<1024xf32, #tpu.memory_space<vmem>>
      %dma_start3A_1942 = tpu.memref_slice %arg12[%run_scoped3A_965, %mul3A_2] : memref<4x32768xf32, #tpu.memory_space<hbm>> -> memref<1x1024xf32, #tpu.memory_space<hbm>>
      %dma_start3A_1943 = tpu.memref_squeeze %dma_start3A_1942 : memref<1x1024xf32, #tpu.memory_space<hbm>> -> memref<1024xf32, #tpu.memory_space<hbm>>
      %dma_start3A_1944 = tpu.memref_slice %arg12[%run_scoped3A_965, %mul3A_2] : memref<4x32768xf32, #tpu.memory_space<hbm>> -> memref<1x1024xf32, #tpu.memory_space<hbm>>
      %dma_start3A_1945 = tpu.memref_squeeze %dma_start3A_1944 : memref<1x1024xf32, #tpu.memory_space<hbm>> -> memref<1024xf32, #tpu.memory_space<hbm>>
      %dma_start3A_1946 = arith.constant 0 : i32
      %dma_start3A_1947 = tpu.memref_slice %arg17[%run_scoped3A_964, %dma_start3A_1946] : memref<4x1024xf32, #tpu.memory_space<vmem>> -> memref<1x1024xf32, #tpu.memory_space<vmem>>
      %dma_start3A_1948 = tpu.memref_squeeze %dma_start3A_1947 : memref<1x1024xf32, #tpu.memory_space<vmem>> -> memref<1024xf32, #tpu.memory_space<vmem>>
      tpu.enqueue_dma source(%dma_start3A_1948 : memref<1024xf32, #tpu.memory_space<vmem>>) target(%dma_start3A_1945 : memref<1024xf32, #tpu.memory_space<hbm>>) target_semaphore(%run_scoped3A_1938 : memref<!tpu.dma_semaphore, #tpu.memory_space<semaphore_mem>>)
      %dma_wait3A_1949 = arith.constant 0 : i32
      %dma_wait3A_1950 = tpu.memref_slice %arg17[%run_scoped3A_964, %dma_wait3A_1949] : memref<4x1024xf32, #tpu.memory_space<vmem>> -> memref<1x1024xf32, #tpu.memory_space<vmem>>
      %dma_wait3A_1951 = tpu.memref_squeeze %dma_wait3A_1950 : memref<1x1024xf32, #tpu.memory_space<vmem>> -> memref<1024xf32, #tpu.memory_space<vmem>>
      %dma_wait3A_1952 = tpu.memref_slice %arg12[%run_scoped3A_965, %mul3A_2] : memref<4x32768xf32, #tpu.memory_space<hbm>> -> memref<1x1024xf32, #tpu.memory_space<hbm>>
      %dma_wait3A_1953 = tpu.memref_squeeze %dma_wait3A_1952 : memref<1x1024xf32, #tpu.memory_space<hbm>> -> memref<1024xf32, #tpu.memory_space<hbm>>
      %dma_wait3A_1954 = tpu.memref_slice %arg12[%run_scoped3A_965, %mul3A_2] : memref<4x32768xf32, #tpu.memory_space<hbm>> -> memref<1x1024xf32, #tpu.memory_space<hbm>>
      %dma_wait3A_1955 = tpu.memref_squeeze %dma_wait3A_1954 : memref<1x1024xf32, #tpu.memory_space<hbm>> -> memref<1024xf32, #tpu.memory_space<hbm>>
      %dma_wait3A_1956 = arith.constant 0 : i32
      %dma_wait3A_1957 = tpu.memref_slice %arg17[%run_scoped3A_964, %dma_wait3A_1956] : memref<4x1024xf32, #tpu.memory_space<vmem>> -> memref<1x1024xf32, #tpu.memory_space<vmem>>
      %dma_wait3A_1958 = tpu.memref_squeeze %dma_wait3A_1957 : memref<1x1024xf32, #tpu.memory_space<vmem>> -> memref<1024xf32, #tpu.memory_space<vmem>>
      tpu.wait_dma2 semaphore(%run_scoped3A_1938 : memref<!tpu.dma_semaphore, #tpu.memory_space<semaphore_mem>>) src(%dma_wait3A_1958 : memref<1024xf32, #tpu.memory_space<vmem>>) dst(%dma_wait3A_1955 : memref<1024xf32, #tpu.memory_space<hbm>>)
      tpu.yield
    }) : () -> ()
    %run_scoped3A_966 = arith.constant 2 : i32
    %run_scoped3A_967 = arith.constant 2 : i32
    "tpu.region"() ({
      %run_scoped3A_1938 = tpu.sem_alloc : memref<!tpu.dma_semaphore, #tpu.memory_space<semaphore_mem>>
      %dma_start3A_1939 = arith.constant 0 : i32
      %dma_start3A_1940 = tpu.memref_slice %arg17[%run_scoped3A_966, %dma_start3A_1939] : memref<4x1024xf32, #tpu.memory_space<vmem>> -> memref<1x1024xf32, #tpu.memory_space<vmem>>
      %dma_start3A_1941 = tpu.memref_squeeze %dma_start3A_1940 : memref<1x1024xf32, #tpu.memory_space<vmem>> -> memref<1024xf32, #tpu.memory_space<vmem>>
      %dma_start3A_1942 = tpu.memref_slice %arg12[%run_scoped3A_967, %mul3A_2] : memref<4x32768xf32, #tpu.memory_space<hbm>> -> memref<1x1024xf32, #tpu.memory_space<hbm>>
      %dma_start3A_1943 = tpu.memref_squeeze %dma_start3A_1942 : memref<1x1024xf32, #tpu.memory_space<hbm>> -> memref<1024xf32, #tpu.memory_space<hbm>>
      %dma_start3A_1944 = tpu.memref_slice %arg12[%run_scoped3A_967, %mul3A_2] : memref<4x32768xf32, #tpu.memory_space<hbm>> -> memref<1x1024xf32, #tpu.memory_space<hbm>>
      %dma_start3A_1945 = tpu.memref_squeeze %dma_start3A_1944 : memref<1x1024xf32, #tpu.memory_space<hbm>> -> memref<1024xf32, #tpu.memory_space<hbm>>
      %dma_start3A_1946 = arith.constant 0 : i32
      %dma_start3A_1947 = tpu.memref_slice %arg17[%run_scoped3A_966, %dma_start3A_1946] : memref<4x1024xf32, #tpu.memory_space<vmem>> -> memref<1x1024xf32, #tpu.memory_space<vmem>>
      %dma_start3A_1948 = tpu.memref_squeeze %dma_start3A_1947 : memref<1x1024xf32, #tpu.memory_space<vmem>> -> memref<1024xf32, #tpu.memory_space<vmem>>
      tpu.enqueue_dma source(%dma_start3A_1948 : memref<1024xf32, #tpu.memory_space<vmem>>) target(%dma_start3A_1945 : memref<1024xf32, #tpu.memory_space<hbm>>) target_semaphore(%run_scoped3A_1938 : memref<!tpu.dma_semaphore, #tpu.memory_space<semaphore_mem>>)
      %dma_wait3A_1949 = arith.constant 0 : i32
      %dma_wait3A_1950 = tpu.memref_slice %arg17[%run_scoped3A_966, %dma_wait3A_1949] : memref<4x1024xf32, #tpu.memory_space<vmem>> -> memref<1x1024xf32, #tpu.memory_space<vmem>>
      %dma_wait3A_1951 = tpu.memref_squeeze %dma_wait3A_1950 : memref<1x1024xf32, #tpu.memory_space<vmem>> -> memref<1024xf32, #tpu.memory_space<vmem>>
      %dma_wait3A_1952 = tpu.memref_slice %arg12[%run_scoped3A_967, %mul3A_2] : memref<4x32768xf32, #tpu.memory_space<hbm>> -> memref<1x1024xf32, #tpu.memory_space<hbm>>
      %dma_wait3A_1953 = tpu.memref_squeeze %dma_wait3A_1952 : memref<1x1024xf32, #tpu.memory_space<hbm>> -> memref<1024xf32, #tpu.memory_space<hbm>>
      %dma_wait3A_1954 = tpu.memref_slice %arg12[%run_scoped3A_967, %mul3A_2] : memref<4x32768xf32, #tpu.memory_space<hbm>> -> memref<1x1024xf32, #tpu.memory_space<hbm>>
      %dma_wait3A_1955 = tpu.memref_squeeze %dma_wait3A_1954 : memref<1x1024xf32, #tpu.memory_space<hbm>> -> memref<1024xf32, #tpu.memory_space<hbm>>
      %dma_wait3A_1956 = arith.constant 0 : i32
      %dma_wait3A_1957 = tpu.memref_slice %arg17[%run_scoped3A_966, %dma_wait3A_1956] : memref<4x1024xf32, #tpu.memory_space<vmem>> -> memref<1x1024xf32, #tpu.memory_space<vmem>>
      %dma_wait3A_1958 = tpu.memref_squeeze %dma_wait3A_1957 : memref<1x1024xf32, #tpu.memory_space<vmem>> -> memref<1024xf32, #tpu.memory_space<vmem>>
      tpu.wait_dma2 semaphore(%run_scoped3A_1938 : memref<!tpu.dma_semaphore, #tpu.memory_space<semaphore_mem>>) src(%dma_wait3A_1958 : memref<1024xf32, #tpu.memory_space<vmem>>) dst(%dma_wait3A_1955 : memref<1024xf32, #tpu.memory_space<hbm>>)
      tpu.yield
    }) : () -> ()
    %run_scoped3A_968 = arith.constant 3 : i32
    %run_scoped3A_969 = arith.constant 3 : i32
    "tpu.region"() ({
      %run_scoped3A_1938 = tpu.sem_alloc : memref<!tpu.dma_semaphore, #tpu.memory_space<semaphore_mem>>
      %dma_start3A_1939 = arith.constant 0 : i32
      %dma_start3A_1940 = tpu.memref_slice %arg17[%run_scoped3A_968, %dma_start3A_1939] : memref<4x1024xf32, #tpu.memory_space<vmem>> -> memref<1x1024xf32, #tpu.memory_space<vmem>>
      %dma_start3A_1941 = tpu.memref_squeeze %dma_start3A_1940 : memref<1x1024xf32, #tpu.memory_space<vmem>> -> memref<1024xf32, #tpu.memory_space<vmem>>
      %dma_start3A_1942 = tpu.memref_slice %arg12[%run_scoped3A_969, %mul3A_2] : memref<4x32768xf32, #tpu.memory_space<hbm>> -> memref<1x1024xf32, #tpu.memory_space<hbm>>
      %dma_start3A_1943 = tpu.memref_squeeze %dma_start3A_1942 : memref<1x1024xf32, #tpu.memory_space<hbm>> -> memref<1024xf32, #tpu.memory_space<hbm>>
      %dma_start3A_1944 = tpu.memref_slice %arg12[%run_scoped3A_969, %mul3A_2] : memref<4x32768xf32, #tpu.memory_space<hbm>> -> memref<1x1024xf32, #tpu.memory_space<hbm>>
      %dma_start3A_1945 = tpu.memref_squeeze %dma_start3A_1944 : memref<1x1024xf32, #tpu.memory_space<hbm>> -> memref<1024xf32, #tpu.memory_space<hbm>>
      %dma_start3A_1946 = arith.constant 0 : i32
      %dma_start3A_1947 = tpu.memref_slice %arg17[%run_scoped3A_968, %dma_start3A_1946] : memref<4x1024xf32, #tpu.memory_space<vmem>> -> memref<1x1024xf32, #tpu.memory_space<vmem>>
      %dma_start3A_1948 = tpu.memref_squeeze %dma_start3A_1947 : memref<1x1024xf32, #tpu.memory_space<vmem>> -> memref<1024xf32, #tpu.memory_space<vmem>>
      tpu.enqueue_dma source(%dma_start3A_1948 : memref<1024xf32, #tpu.memory_space<vmem>>) target(%dma_start3A_1945 : memref<1024xf32, #tpu.memory_space<hbm>>) target_semaphore(%run_scoped3A_1938 : memref<!tpu.dma_semaphore, #tpu.memory_space<semaphore_mem>>)
      %dma_wait3A_1949 = arith.constant 0 : i32
      %dma_wait3A_1950 = tpu.memref_slice %arg17[%run_scoped3A_968, %dma_wait3A_1949] : memref<4x1024xf32, #tpu.memory_space<vmem>> -> memref<1x1024xf32, #tpu.memory_space<vmem>>
      %dma_wait3A_1951 = tpu.memref_squeeze %dma_wait3A_1950 : memref<1x1024xf32, #tpu.memory_space<vmem>> -> memref<1024xf32, #tpu.memory_space<vmem>>
      %dma_wait3A_1952 = tpu.memref_slice %arg12[%run_scoped3A_969, %mul3A_2] : memref<4x32768xf32, #tpu.memory_space<hbm>> -> memref<1x1024xf32, #tpu.memory_space<hbm>>
      %dma_wait3A_1953 = tpu.memref_squeeze %dma_wait3A_1952 : memref<1x1024xf32, #tpu.memory_space<hbm>> -> memref<1024xf32, #tpu.memory_space<hbm>>
      %dma_wait3A_1954 = tpu.memref_slice %arg12[%run_scoped3A_969, %mul3A_2] : memref<4x32768xf32, #tpu.memory_space<hbm>> -> memref<1x1024xf32, #tpu.memory_space<hbm>>
      %dma_wait3A_1955 = tpu.memref_squeeze %dma_wait3A_1954 : memref<1x1024xf32, #tpu.memory_space<hbm>> -> memref<1024xf32, #tpu.memory_space<hbm>>
      %dma_wait3A_1956 = arith.constant 0 : i32
      %dma_wait3A_1957 = tpu.memref_slice %arg17[%run_scoped3A_968, %dma_wait3A_1956] : memref<4x1024xf32, #tpu.memory_space<vmem>> -> memref<1x1024xf32, #tpu.memory_space<vmem>>
      %dma_wait3A_1958 = tpu.memref_squeeze %dma_wait3A_1957 : memref<1x1024xf32, #tpu.memory_space<vmem>> -> memref<1024xf32, #tpu.memory_space<vmem>>
      tpu.wait_dma2 semaphore(%run_scoped3A_1938 : memref<!tpu.dma_semaphore, #tpu.memory_space<semaphore_mem>>) src(%dma_wait3A_1958 : memref<1024xf32, #tpu.memory_space<vmem>>) dst(%dma_wait3A_1955 : memref<1024xf32, #tpu.memory_space<hbm>>)
      tpu.yield
    }) : () -> ()
    "tpu.region"() ({
      %run_scoped3A_1938 = tpu.sem_alloc : memref<!tpu.dma_semaphore, #tpu.memory_space<semaphore_mem>>
      %dma_start3A_1939 = arith.constant 0 : i32
      %dma_start3A_1940 = tpu.memref_slice %arg9[%mul3A_4, %dma_start3A_1939] : memref<256x128xi32, #tpu.memory_space<hbm>> -> memref<8x128xi32, #tpu.memory_space<hbm>>
      %dma_start3A_1941 = arith.constant 0 : i32
      %dma_start3A_1942 = tpu.memref_slice %arg9[%mul3A_4, %dma_start3A_1941] : memref<256x128xi32, #tpu.memory_space<hbm>> -> memref<8x128xi32, #tpu.memory_space<hbm>>
      tpu.enqueue_dma source(%dma_start3A_1942 : memref<8x128xi32, #tpu.memory_space<hbm>>) target(%arg14 : memref<8x128xi32, #tpu.memory_space<vmem>>) target_semaphore(%run_scoped3A_1938 : memref<!tpu.dma_semaphore, #tpu.memory_space<semaphore_mem>>)
      %dma_wait3A_1943 = arith.constant 0 : i32
      %dma_wait3A_1944 = tpu.memref_slice %arg9[%mul3A_4, %dma_wait3A_1943] : memref<256x128xi32, #tpu.memory_space<hbm>> -> memref<8x128xi32, #tpu.memory_space<hbm>>
      %dma_wait3A_1945 = arith.constant 0 : i32
      %dma_wait3A_1946 = tpu.memref_slice %arg9[%mul3A_4, %dma_wait3A_1945] : memref<256x128xi32, #tpu.memory_space<hbm>> -> memref<8x128xi32, #tpu.memory_space<hbm>>
      tpu.wait_dma2 semaphore(%run_scoped3A_1938 : memref<!tpu.dma_semaphore, #tpu.memory_space<semaphore_mem>>) src(%dma_wait3A_1946 : memref<8x128xi32, #tpu.memory_space<hbm>>) dst(%arg14 : memref<8x128xi32, #tpu.memory_space<vmem>>)
      tpu.yield
    }) : () -> ()
    %dma_start3A_970 = arith.constant 0 : i32
    %dma_start3A_971 = arith.constant 0 : i32
    %dma_start3A_972 = arith.constant 0 : i32
    %dma_start3A_973 = tpu.memref_slice %arg15[%dma_start3A_971, %dma_start3A_972] : memref<8x128xi32, #tpu.memory_space<vmem>> -> memref<1x128xi32, #tpu.memory_space<vmem>>
    %dma_start3A_974 = tpu.memref_squeeze %dma_start3A_973 : memref<1x128xi32, #tpu.memory_space<vmem>> -> memref<128xi32, #tpu.memory_space<vmem>>
    %dma_start3A_975 = arith.constant 0 : i32
    %dma_start3A_976 = tpu.memref_slice %arg14[%dma_start3A_970, %dma_start3A_975] : memref<8x128xi32, #tpu.memory_space<vmem>> -> memref<1x128xi32, #tpu.memory_space<vmem>>
    %dma_start3A_977 = tpu.memref_squeeze %dma_start3A_976 : memref<1x128xi32, #tpu.memory_space<vmem>> -> memref<128xi32, #tpu.memory_space<vmem>>
    %dma_start3A_978 = arith.constant 0 : i32
    %dma_start3A_979 = tpu.memref_slice %arg3[%dma_start3A_978] : memref<65536xi32, #tpu.memory_space<hbm>> -> memref<65536xi32, #tpu.memory_space<hbm>>
    tpu.enqueue_indirect_dma source(%dma_start3A_979 : memref<65536xi32, #tpu.memory_space<hbm>>) target(%dma_start3A_974 : memref<128xi32, #tpu.memory_space<vmem>>) offsets(%dma_start3A_977 : memref<128xi32, #tpu.memory_space<vmem>>) semaphore(%arg20 : memref<!tpu.dma_semaphore, #tpu.memory_space<semaphore_mem>>)
    %dma_start3A_980 = arith.constant 1 : i32
    %dma_start3A_981 = arith.constant 1 : i32
    %dma_start3A_982 = arith.constant 0 : i32
    %dma_start3A_983 = tpu.memref_slice %arg15[%dma_start3A_981, %dma_start3A_982] : memref<8x128xi32, #tpu.memory_space<vmem>> -> memref<1x128xi32, #tpu.memory_space<vmem>>
    %dma_start3A_984 = tpu.memref_squeeze %dma_start3A_983 : memref<1x128xi32, #tpu.memory_space<vmem>> -> memref<128xi32, #tpu.memory_space<vmem>>
    %dma_start3A_985 = arith.constant 0 : i32
    %dma_start3A_986 = tpu.memref_slice %arg14[%dma_start3A_980, %dma_start3A_985] : memref<8x128xi32, #tpu.memory_space<vmem>> -> memref<1x128xi32, #tpu.memory_space<vmem>>
    %dma_start3A_987 = tpu.memref_squeeze %dma_start3A_986 : memref<1x128xi32, #tpu.memory_space<vmem>> -> memref<128xi32, #tpu.memory_space<vmem>>
    %dma_start3A_988 = arith.constant 0 : i32
    %dma_start3A_989 = tpu.memref_slice %arg3[%dma_start3A_988] : memref<65536xi32, #tpu.memory_space<hbm>> -> memref<65536xi32, #tpu.memory_space<hbm>>
    tpu.enqueue_indirect_dma source(%dma_start3A_989 : memref<65536xi32, #tpu.memory_space<hbm>>) target(%dma_start3A_984 : memref<128xi32, #tpu.memory_space<vmem>>) offsets(%dma_start3A_987 : memref<128xi32, #tpu.memory_space<vmem>>) semaphore(%arg20 : memref<!tpu.dma_semaphore, #tpu.memory_space<semaphore_mem>>)
    %dma_start3A_990 = arith.constant 2 : i32
    %dma_start3A_991 = arith.constant 2 : i32
    %dma_start3A_992 = arith.constant 0 : i32
    %dma_start3A_993 = tpu.memref_slice %arg15[%dma_start3A_991, %dma_start3A_992] : memref<8x128xi32, #tpu.memory_space<vmem>> -> memref<1x128xi32, #tpu.memory_space<vmem>>
    %dma_start3A_994 = tpu.memref_squeeze %dma_start3A_993 : memref<1x128xi32, #tpu.memory_space<vmem>> -> memref<128xi32, #tpu.memory_space<vmem>>
    %dma_start3A_995 = arith.constant 0 : i32
    %dma_start3A_996 = tpu.memref_slice %arg14[%dma_start3A_990, %dma_start3A_995] : memref<8x128xi32, #tpu.memory_space<vmem>> -> memref<1x128xi32, #tpu.memory_space<vmem>>
    %dma_start3A_997 = tpu.memref_squeeze %dma_start3A_996 : memref<1x128xi32, #tpu.memory_space<vmem>> -> memref<128xi32, #tpu.memory_space<vmem>>
    %dma_start3A_998 = arith.constant 0 : i32
    %dma_start3A_999 = tpu.memref_slice %arg3[%dma_start3A_998] : memref<65536xi32, #tpu.memory_space<hbm>> -> memref<65536xi32, #tpu.memory_space<hbm>>
    tpu.enqueue_indirect_dma source(%dma_start3A_999 : memref<65536xi32, #tpu.memory_space<hbm>>) target(%dma_start3A_994 : memref<128xi32, #tpu.memory_space<vmem>>) offsets(%dma_start3A_997 : memref<128xi32, #tpu.memory_space<vmem>>) semaphore(%arg20 : memref<!tpu.dma_semaphore, #tpu.memory_space<semaphore_mem>>)
    %dma_start3A_1000 = arith.constant 3 : i32
    %dma_start3A_1001 = arith.constant 3 : i32
    %dma_start3A_1002 = arith.constant 0 : i32
    %dma_start3A_1003 = tpu.memref_slice %arg15[%dma_start3A_1001, %dma_start3A_1002] : memref<8x128xi32, #tpu.memory_space<vmem>> -> memref<1x128xi32, #tpu.memory_space<vmem>>
    %dma_start3A_1004 = tpu.memref_squeeze %dma_start3A_1003 : memref<1x128xi32, #tpu.memory_space<vmem>> -> memref<128xi32, #tpu.memory_space<vmem>>
    %dma_start3A_1005 = arith.constant 0 : i32
    %dma_start3A_1006 = tpu.memref_slice %arg14[%dma_start3A_1000, %dma_start3A_1005] : memref<8x128xi32, #tpu.memory_space<vmem>> -> memref<1x128xi32, #tpu.memory_space<vmem>>
    %dma_start3A_1007 = tpu.memref_squeeze %dma_start3A_1006 : memref<1x128xi32, #tpu.memory_space<vmem>> -> memref<128xi32, #tpu.memory_space<vmem>>
    %dma_start3A_1008 = arith.constant 0 : i32
    %dma_start3A_1009 = tpu.memref_slice %arg3[%dma_start3A_1008] : memref<65536xi32, #tpu.memory_space<hbm>> -> memref<65536xi32, #tpu.memory_space<hbm>>
    tpu.enqueue_indirect_dma source(%dma_start3A_1009 : memref<65536xi32, #tpu.memory_space<hbm>>) target(%dma_start3A_1004 : memref<128xi32, #tpu.memory_space<vmem>>) offsets(%dma_start3A_1007 : memref<128xi32, #tpu.memory_space<vmem>>) semaphore(%arg20 : memref<!tpu.dma_semaphore, #tpu.memory_space<semaphore_mem>>)
    %dma_start3A_1010 = arith.constant 4 : i32
    %dma_start3A_1011 = arith.constant 4 : i32
    %dma_start3A_1012 = arith.constant 0 : i32
    %dma_start3A_1013 = tpu.memref_slice %arg15[%dma_start3A_1011, %dma_start3A_1012] : memref<8x128xi32, #tpu.memory_space<vmem>> -> memref<1x128xi32, #tpu.memory_space<vmem>>
    %dma_start3A_1014 = tpu.memref_squeeze %dma_start3A_1013 : memref<1x128xi32, #tpu.memory_space<vmem>> -> memref<128xi32, #tpu.memory_space<vmem>>
    %dma_start3A_1015 = arith.constant 0 : i32
    %dma_start3A_1016 = tpu.memref_slice %arg14[%dma_start3A_1010, %dma_start3A_1015] : memref<8x128xi32, #tpu.memory_space<vmem>> -> memref<1x128xi32, #tpu.memory_space<vmem>>
    %dma_start3A_1017 = tpu.memref_squeeze %dma_start3A_1016 : memref<1x128xi32, #tpu.memory_space<vmem>> -> memref<128xi32, #tpu.memory_space<vmem>>
    %dma_start3A_1018 = arith.constant 0 : i32
    %dma_start3A_1019 = tpu.memref_slice %arg3[%dma_start3A_1018] : memref<65536xi32, #tpu.memory_space<hbm>> -> memref<65536xi32, #tpu.memory_space<hbm>>
    tpu.enqueue_indirect_dma source(%dma_start3A_1019 : memref<65536xi32, #tpu.memory_space<hbm>>) target(%dma_start3A_1014 : memref<128xi32, #tpu.memory_space<vmem>>) offsets(%dma_start3A_1017 : memref<128xi32, #tpu.memory_space<vmem>>) semaphore(%arg20 : memref<!tpu.dma_semaphore, #tpu.memory_space<semaphore_mem>>)
    %dma_start3A_1020 = arith.constant 5 : i32
    %dma_start3A_1021 = arith.constant 5 : i32
    %dma_start3A_1022 = arith.constant 0 : i32
    %dma_start3A_1023 = tpu.memref_slice %arg15[%dma_start3A_1021, %dma_start3A_1022] : memref<8x128xi32, #tpu.memory_space<vmem>> -> memref<1x128xi32, #tpu.memory_space<vmem>>
    %dma_start3A_1024 = tpu.memref_squeeze %dma_start3A_1023 : memref<1x128xi32, #tpu.memory_space<vmem>> -> memref<128xi32, #tpu.memory_space<vmem>>
    %dma_start3A_1025 = arith.constant 0 : i32
    %dma_start3A_1026 = tpu.memref_slice %arg14[%dma_start3A_1020, %dma_start3A_1025] : memref<8x128xi32, #tpu.memory_space<vmem>> -> memref<1x128xi32, #tpu.memory_space<vmem>>
    %dma_start3A_1027 = tpu.memref_squeeze %dma_start3A_1026 : memref<1x128xi32, #tpu.memory_space<vmem>> -> memref<128xi32, #tpu.memory_space<vmem>>
    %dma_start3A_1028 = arith.constant 0 : i32
    %dma_start3A_1029 = tpu.memref_slice %arg3[%dma_start3A_1028] : memref<65536xi32, #tpu.memory_space<hbm>> -> memref<65536xi32, #tpu.memory_space<hbm>>
    tpu.enqueue_indirect_dma source(%dma_start3A_1029 : memref<65536xi32, #tpu.memory_space<hbm>>) target(%dma_start3A_1024 : memref<128xi32, #tpu.memory_space<vmem>>) offsets(%dma_start3A_1027 : memref<128xi32, #tpu.memory_space<vmem>>) semaphore(%arg20 : memref<!tpu.dma_semaphore, #tpu.memory_space<semaphore_mem>>)
    %dma_start3A_1030 = arith.constant 6 : i32
    %dma_start3A_1031 = arith.constant 6 : i32
    %dma_start3A_1032 = arith.constant 0 : i32
    %dma_start3A_1033 = tpu.memref_slice %arg15[%dma_start3A_1031, %dma_start3A_1032] : memref<8x128xi32, #tpu.memory_space<vmem>> -> memref<1x128xi32, #tpu.memory_space<vmem>>
    %dma_start3A_1034 = tpu.memref_squeeze %dma_start3A_1033 : memref<1x128xi32, #tpu.memory_space<vmem>> -> memref<128xi32, #tpu.memory_space<vmem>>
    %dma_start3A_1035 = arith.constant 0 : i32
    %dma_start3A_1036 = tpu.memref_slice %arg14[%dma_start3A_1030, %dma_start3A_1035] : memref<8x128xi32, #tpu.memory_space<vmem>> -> memref<1x128xi32, #tpu.memory_space<vmem>>
    %dma_start3A_1037 = tpu.memref_squeeze %dma_start3A_1036 : memref<1x128xi32, #tpu.memory_space<vmem>> -> memref<128xi32, #tpu.memory_space<vmem>>
    %dma_start3A_1038 = arith.constant 0 : i32
    %dma_start3A_1039 = tpu.memref_slice %arg3[%dma_start3A_1038] : memref<65536xi32, #tpu.memory_space<hbm>> -> memref<65536xi32, #tpu.memory_space<hbm>>
    tpu.enqueue_indirect_dma source(%dma_start3A_1039 : memref<65536xi32, #tpu.memory_space<hbm>>) target(%dma_start3A_1034 : memref<128xi32, #tpu.memory_space<vmem>>) offsets(%dma_start3A_1037 : memref<128xi32, #tpu.memory_space<vmem>>) semaphore(%arg20 : memref<!tpu.dma_semaphore, #tpu.memory_space<semaphore_mem>>)
    %dma_start3A_1040 = arith.constant 7 : i32
    %dma_start3A_1041 = arith.constant 7 : i32
    %dma_start3A_1042 = arith.constant 0 : i32
    %dma_start3A_1043 = tpu.memref_slice %arg15[%dma_start3A_1041, %dma_start3A_1042] : memref<8x128xi32, #tpu.memory_space<vmem>> -> memref<1x128xi32, #tpu.memory_space<vmem>>
    %dma_start3A_1044 = tpu.memref_squeeze %dma_start3A_1043 : memref<1x128xi32, #tpu.memory_space<vmem>> -> memref<128xi32, #tpu.memory_space<vmem>>
    %dma_start3A_1045 = arith.constant 0 : i32
    %dma_start3A_1046 = tpu.memref_slice %arg14[%dma_start3A_1040, %dma_start3A_1045] : memref<8x128xi32, #tpu.memory_space<vmem>> -> memref<1x128xi32, #tpu.memory_space<vmem>>
    %dma_start3A_1047 = tpu.memref_squeeze %dma_start3A_1046 : memref<1x128xi32, #tpu.memory_space<vmem>> -> memref<128xi32, #tpu.memory_space<vmem>>
    %dma_start3A_1048 = arith.constant 0 : i32
    %dma_start3A_1049 = tpu.memref_slice %arg3[%dma_start3A_1048] : memref<65536xi32, #tpu.memory_space<hbm>> -> memref<65536xi32, #tpu.memory_space<hbm>>
    tpu.enqueue_indirect_dma source(%dma_start3A_1049 : memref<65536xi32, #tpu.memory_space<hbm>>) target(%dma_start3A_1044 : memref<128xi32, #tpu.memory_space<vmem>>) offsets(%dma_start3A_1047 : memref<128xi32, #tpu.memory_space<vmem>>) semaphore(%arg20 : memref<!tpu.dma_semaphore, #tpu.memory_space<semaphore_mem>>)
    %dma_start3A_1050 = arith.constant 0 : i32
    %dma_start3A_1051 = arith.constant 0 : i32
    %dma_start3A_1052 = arith.constant 0 : i32
    %dma_start3A_1053 = tpu.memref_slice %arg17[%dma_start3A_1051, %dma_start3A_1052] : memref<4x1024xf32, #tpu.memory_space<vmem>> -> memref<1x128xf32, #tpu.memory_space<vmem>>
    %dma_start3A_1054 = tpu.memref_squeeze %dma_start3A_1053 : memref<1x128xf32, #tpu.memory_space<vmem>> -> memref<128xf32, #tpu.memory_space<vmem>>
    %dma_start3A_1055 = arith.constant 0 : i32
    %dma_start3A_1056 = tpu.memref_slice %arg14[%dma_start3A_1050, %dma_start3A_1055] : memref<8x128xi32, #tpu.memory_space<vmem>> -> memref<1x128xi32, #tpu.memory_space<vmem>>
    %dma_start3A_1057 = tpu.memref_squeeze %dma_start3A_1056 : memref<1x128xi32, #tpu.memory_space<vmem>> -> memref<128xi32, #tpu.memory_space<vmem>>
    %dma_start3A_1058 = arith.constant 0 : i32
    %dma_start3A_1059 = tpu.memref_slice %arg4[%dma_start3A_1058] : memref<65536xf32, #tpu.memory_space<hbm>> -> memref<65536xf32, #tpu.memory_space<hbm>>
    tpu.enqueue_indirect_dma source(%dma_start3A_1059 : memref<65536xf32, #tpu.memory_space<hbm>>) target(%dma_start3A_1054 : memref<128xf32, #tpu.memory_space<vmem>>) offsets(%dma_start3A_1057 : memref<128xi32, #tpu.memory_space<vmem>>) semaphore(%arg19 : memref<!tpu.dma_semaphore, #tpu.memory_space<semaphore_mem>>)
    %dma_start3A_1060 = arith.constant 1 : i32
    %dma_start3A_1061 = arith.constant 0 : i32
    %dma_start3A_1062 = arith.constant 128 : i32
    %dma_start3A_1063 = tpu.memref_slice %arg17[%dma_start3A_1061, %dma_start3A_1062] : memref<4x1024xf32, #tpu.memory_space<vmem>> -> memref<1x128xf32, #tpu.memory_space<vmem>>
    %dma_start3A_1064 = tpu.memref_squeeze %dma_start3A_1063 : memref<1x128xf32, #tpu.memory_space<vmem>> -> memref<128xf32, #tpu.memory_space<vmem>>
    %dma_start3A_1065 = arith.constant 0 : i32
    %dma_start3A_1066 = tpu.memref_slice %arg14[%dma_start3A_1060, %dma_start3A_1065] : memref<8x128xi32, #tpu.memory_space<vmem>> -> memref<1x128xi32, #tpu.memory_space<vmem>>
    %dma_start3A_1067 = tpu.memref_squeeze %dma_start3A_1066 : memref<1x128xi32, #tpu.memory_space<vmem>> -> memref<128xi32, #tpu.memory_space<vmem>>
    %dma_start3A_1068 = arith.constant 0 : i32
    %dma_start3A_1069 = tpu.memref_slice %arg4[%dma_start3A_1068] : memref<65536xf32, #tpu.memory_space<hbm>> -> memref<65536xf32, #tpu.memory_space<hbm>>
    tpu.enqueue_indirect_dma source(%dma_start3A_1069 : memref<65536xf32, #tpu.memory_space<hbm>>) target(%dma_start3A_1064 : memref<128xf32, #tpu.memory_space<vmem>>) offsets(%dma_start3A_1067 : memref<128xi32, #tpu.memory_space<vmem>>) semaphore(%arg19 : memref<!tpu.dma_semaphore, #tpu.memory_space<semaphore_mem>>)
    %dma_start3A_1070 = arith.constant 2 : i32
    %dma_start3A_1071 = arith.constant 0 : i32
    %dma_start3A_1072 = arith.constant 256 : i32
    %dma_start3A_1073 = tpu.memref_slice %arg17[%dma_start3A_1071, %dma_start3A_1072] : memref<4x1024xf32, #tpu.memory_space<vmem>> -> memref<1x128xf32, #tpu.memory_space<vmem>>
    %dma_start3A_1074 = tpu.memref_squeeze %dma_start3A_1073 : memref<1x128xf32, #tpu.memory_space<vmem>> -> memref<128xf32, #tpu.memory_space<vmem>>
    %dma_start3A_1075 = arith.constant 0 : i32
    %dma_start3A_1076 = tpu.memref_slice %arg14[%dma_start3A_1070, %dma_start3A_1075] : memref<8x128xi32, #tpu.memory_space<vmem>> -> memref<1x128xi32, #tpu.memory_space<vmem>>
    %dma_start3A_1077 = tpu.memref_squeeze %dma_start3A_1076 : memref<1x128xi32, #tpu.memory_space<vmem>> -> memref<128xi32, #tpu.memory_space<vmem>>
    %dma_start3A_1078 = arith.constant 0 : i32
    %dma_start3A_1079 = tpu.memref_slice %arg4[%dma_start3A_1078] : memref<65536xf32, #tpu.memory_space<hbm>> -> memref<65536xf32, #tpu.memory_space<hbm>>
    tpu.enqueue_indirect_dma source(%dma_start3A_1079 : memref<65536xf32, #tpu.memory_space<hbm>>) target(%dma_start3A_1074 : memref<128xf32, #tpu.memory_space<vmem>>) offsets(%dma_start3A_1077 : memref<128xi32, #tpu.memory_space<vmem>>) semaphore(%arg19 : memref<!tpu.dma_semaphore, #tpu.memory_space<semaphore_mem>>)
    %dma_start3A_1080 = arith.constant 3 : i32
    %dma_start3A_1081 = arith.constant 0 : i32
    %dma_start3A_1082 = arith.constant 384 : i32
    %dma_start3A_1083 = tpu.memref_slice %arg17[%dma_start3A_1081, %dma_start3A_1082] : memref<4x1024xf32, #tpu.memory_space<vmem>> -> memref<1x128xf32, #tpu.memory_space<vmem>>
    %dma_start3A_1084 = tpu.memref_squeeze %dma_start3A_1083 : memref<1x128xf32, #tpu.memory_space<vmem>> -> memref<128xf32, #tpu.memory_space<vmem>>
    %dma_start3A_1085 = arith.constant 0 : i32
    %dma_start3A_1086 = tpu.memref_slice %arg14[%dma_start3A_1080, %dma_start3A_1085] : memref<8x128xi32, #tpu.memory_space<vmem>> -> memref<1x128xi32, #tpu.memory_space<vmem>>
    %dma_start3A_1087 = tpu.memref_squeeze %dma_start3A_1086 : memref<1x128xi32, #tpu.memory_space<vmem>> -> memref<128xi32, #tpu.memory_space<vmem>>
    %dma_start3A_1088 = arith.constant 0 : i32
    %dma_start3A_1089 = tpu.memref_slice %arg4[%dma_start3A_1088] : memref<65536xf32, #tpu.memory_space<hbm>> -> memref<65536xf32, #tpu.memory_space<hbm>>
    tpu.enqueue_indirect_dma source(%dma_start3A_1089 : memref<65536xf32, #tpu.memory_space<hbm>>) target(%dma_start3A_1084 : memref<128xf32, #tpu.memory_space<vmem>>) offsets(%dma_start3A_1087 : memref<128xi32, #tpu.memory_space<vmem>>) semaphore(%arg19 : memref<!tpu.dma_semaphore, #tpu.memory_space<semaphore_mem>>)
    %dma_start3A_1090 = arith.constant 4 : i32
    %dma_start3A_1091 = arith.constant 0 : i32
    %dma_start3A_1092 = arith.constant 512 : i32
    %dma_start3A_1093 = tpu.memref_slice %arg17[%dma_start3A_1091, %dma_start3A_1092] : memref<4x1024xf32, #tpu.memory_space<vmem>> -> memref<1x128xf32, #tpu.memory_space<vmem>>
    %dma_start3A_1094 = tpu.memref_squeeze %dma_start3A_1093 : memref<1x128xf32, #tpu.memory_space<vmem>> -> memref<128xf32, #tpu.memory_space<vmem>>
    %dma_start3A_1095 = arith.constant 0 : i32
    %dma_start3A_1096 = tpu.memref_slice %arg14[%dma_start3A_1090, %dma_start3A_1095] : memref<8x128xi32, #tpu.memory_space<vmem>> -> memref<1x128xi32, #tpu.memory_space<vmem>>
    %dma_start3A_1097 = tpu.memref_squeeze %dma_start3A_1096 : memref<1x128xi32, #tpu.memory_space<vmem>> -> memref<128xi32, #tpu.memory_space<vmem>>
    %dma_start3A_1098 = arith.constant 0 : i32
    %dma_start3A_1099 = tpu.memref_slice %arg4[%dma_start3A_1098] : memref<65536xf32, #tpu.memory_space<hbm>> -> memref<65536xf32, #tpu.memory_space<hbm>>
    tpu.enqueue_indirect_dma source(%dma_start3A_1099 : memref<65536xf32, #tpu.memory_space<hbm>>) target(%dma_start3A_1094 : memref<128xf32, #tpu.memory_space<vmem>>) offsets(%dma_start3A_1097 : memref<128xi32, #tpu.memory_space<vmem>>) semaphore(%arg19 : memref<!tpu.dma_semaphore, #tpu.memory_space<semaphore_mem>>)
    %dma_start3A_1100 = arith.constant 5 : i32
    %dma_start3A_1101 = arith.constant 0 : i32
    %dma_start3A_1102 = arith.constant 640 : i32
    %dma_start3A_1103 = tpu.memref_slice %arg17[%dma_start3A_1101, %dma_start3A_1102] : memref<4x1024xf32, #tpu.memory_space<vmem>> -> memref<1x128xf32, #tpu.memory_space<vmem>>
    %dma_start3A_1104 = tpu.memref_squeeze %dma_start3A_1103 : memref<1x128xf32, #tpu.memory_space<vmem>> -> memref<128xf32, #tpu.memory_space<vmem>>
    %dma_start3A_1105 = arith.constant 0 : i32
    %dma_start3A_1106 = tpu.memref_slice %arg14[%dma_start3A_1100, %dma_start3A_1105] : memref<8x128xi32, #tpu.memory_space<vmem>> -> memref<1x128xi32, #tpu.memory_space<vmem>>
    %dma_start3A_1107 = tpu.memref_squeeze %dma_start3A_1106 : memref<1x128xi32, #tpu.memory_space<vmem>> -> memref<128xi32, #tpu.memory_space<vmem>>
    %dma_start3A_1108 = arith.constant 0 : i32
    %dma_start3A_1109 = tpu.memref_slice %arg4[%dma_start3A_1108] : memref<65536xf32, #tpu.memory_space<hbm>> -> memref<65536xf32, #tpu.memory_space<hbm>>
    tpu.enqueue_indirect_dma source(%dma_start3A_1109 : memref<65536xf32, #tpu.memory_space<hbm>>) target(%dma_start3A_1104 : memref<128xf32, #tpu.memory_space<vmem>>) offsets(%dma_start3A_1107 : memref<128xi32, #tpu.memory_space<vmem>>) semaphore(%arg19 : memref<!tpu.dma_semaphore, #tpu.memory_space<semaphore_mem>>)
    %dma_start3A_1110 = arith.constant 6 : i32
    %dma_start3A_1111 = arith.constant 0 : i32
    %dma_start3A_1112 = arith.constant 768 : i32
    %dma_start3A_1113 = tpu.memref_slice %arg17[%dma_start3A_1111, %dma_start3A_1112] : memref<4x1024xf32, #tpu.memory_space<vmem>> -> memref<1x128xf32, #tpu.memory_space<vmem>>
    %dma_start3A_1114 = tpu.memref_squeeze %dma_start3A_1113 : memref<1x128xf32, #tpu.memory_space<vmem>> -> memref<128xf32, #tpu.memory_space<vmem>>
    %dma_start3A_1115 = arith.constant 0 : i32
    %dma_start3A_1116 = tpu.memref_slice %arg14[%dma_start3A_1110, %dma_start3A_1115] : memref<8x128xi32, #tpu.memory_space<vmem>> -> memref<1x128xi32, #tpu.memory_space<vmem>>
    %dma_start3A_1117 = tpu.memref_squeeze %dma_start3A_1116 : memref<1x128xi32, #tpu.memory_space<vmem>> -> memref<128xi32, #tpu.memory_space<vmem>>
    %dma_start3A_1118 = arith.constant 0 : i32
    %dma_start3A_1119 = tpu.memref_slice %arg4[%dma_start3A_1118] : memref<65536xf32, #tpu.memory_space<hbm>> -> memref<65536xf32, #tpu.memory_space<hbm>>
    tpu.enqueue_indirect_dma source(%dma_start3A_1119 : memref<65536xf32, #tpu.memory_space<hbm>>) target(%dma_start3A_1114 : memref<128xf32, #tpu.memory_space<vmem>>) offsets(%dma_start3A_1117 : memref<128xi32, #tpu.memory_space<vmem>>) semaphore(%arg19 : memref<!tpu.dma_semaphore, #tpu.memory_space<semaphore_mem>>)
    %dma_start3A_1120 = arith.constant 7 : i32
    %dma_start3A_1121 = arith.constant 0 : i32
    %dma_start3A_1122 = arith.constant 896 : i32
    %dma_start3A_1123 = tpu.memref_slice %arg17[%dma_start3A_1121, %dma_start3A_1122] : memref<4x1024xf32, #tpu.memory_space<vmem>> -> memref<1x128xf32, #tpu.memory_space<vmem>>
    %dma_start3A_1124 = tpu.memref_squeeze %dma_start3A_1123 : memref<1x128xf32, #tpu.memory_space<vmem>> -> memref<128xf32, #tpu.memory_space<vmem>>
    %dma_start3A_1125 = arith.constant 0 : i32
    %dma_start3A_1126 = tpu.memref_slice %arg14[%dma_start3A_1120, %dma_start3A_1125] : memref<8x128xi32, #tpu.memory_space<vmem>> -> memref<1x128xi32, #tpu.memory_space<vmem>>
    %dma_start3A_1127 = tpu.memref_squeeze %dma_start3A_1126 : memref<1x128xi32, #tpu.memory_space<vmem>> -> memref<128xi32, #tpu.memory_space<vmem>>
    %dma_start3A_1128 = arith.constant 0 : i32
    %dma_start3A_1129 = tpu.memref_slice %arg4[%dma_start3A_1128] : memref<65536xf32, #tpu.memory_space<hbm>> -> memref<65536xf32, #tpu.memory_space<hbm>>
    tpu.enqueue_indirect_dma source(%dma_start3A_1129 : memref<65536xf32, #tpu.memory_space<hbm>>) target(%dma_start3A_1124 : memref<128xf32, #tpu.memory_space<vmem>>) offsets(%dma_start3A_1127 : memref<128xi32, #tpu.memory_space<vmem>>) semaphore(%arg19 : memref<!tpu.dma_semaphore, #tpu.memory_space<semaphore_mem>>)
    %dma_start3A_1130 = arith.constant 0 : i32
    %dma_start3A_1131 = arith.constant 1 : i32
    %dma_start3A_1132 = arith.constant 0 : i32
    %dma_start3A_1133 = tpu.memref_slice %arg17[%dma_start3A_1131, %dma_start3A_1132] : memref<4x1024xf32, #tpu.memory_space<vmem>> -> memref<1x128xf32, #tpu.memory_space<vmem>>
    %dma_start3A_1134 = tpu.memref_squeeze %dma_start3A_1133 : memref<1x128xf32, #tpu.memory_space<vmem>> -> memref<128xf32, #tpu.memory_space<vmem>>
    %dma_start3A_1135 = arith.constant 0 : i32
    %dma_start3A_1136 = tpu.memref_slice %arg14[%dma_start3A_1130, %dma_start3A_1135] : memref<8x128xi32, #tpu.memory_space<vmem>> -> memref<1x128xi32, #tpu.memory_space<vmem>>
    %dma_start3A_1137 = tpu.memref_squeeze %dma_start3A_1136 : memref<1x128xi32, #tpu.memory_space<vmem>> -> memref<128xi32, #tpu.memory_space<vmem>>
    %dma_start3A_1138 = arith.constant 0 : i32
    %dma_start3A_1139 = tpu.memref_slice %arg5[%dma_start3A_1138] : memref<65536xf32, #tpu.memory_space<hbm>> -> memref<65536xf32, #tpu.memory_space<hbm>>
    tpu.enqueue_indirect_dma source(%dma_start3A_1139 : memref<65536xf32, #tpu.memory_space<hbm>>) target(%dma_start3A_1134 : memref<128xf32, #tpu.memory_space<vmem>>) offsets(%dma_start3A_1137 : memref<128xi32, #tpu.memory_space<vmem>>) semaphore(%arg19 : memref<!tpu.dma_semaphore, #tpu.memory_space<semaphore_mem>>)
    %dma_start3A_1140 = arith.constant 1 : i32
    %dma_start3A_1141 = arith.constant 1 : i32
    %dma_start3A_1142 = arith.constant 128 : i32
    %dma_start3A_1143 = tpu.memref_slice %arg17[%dma_start3A_1141, %dma_start3A_1142] : memref<4x1024xf32, #tpu.memory_space<vmem>> -> memref<1x128xf32, #tpu.memory_space<vmem>>
    %dma_start3A_1144 = tpu.memref_squeeze %dma_start3A_1143 : memref<1x128xf32, #tpu.memory_space<vmem>> -> memref<128xf32, #tpu.memory_space<vmem>>
    %dma_start3A_1145 = arith.constant 0 : i32
    %dma_start3A_1146 = tpu.memref_slice %arg14[%dma_start3A_1140, %dma_start3A_1145] : memref<8x128xi32, #tpu.memory_space<vmem>> -> memref<1x128xi32, #tpu.memory_space<vmem>>
    %dma_start3A_1147 = tpu.memref_squeeze %dma_start3A_1146 : memref<1x128xi32, #tpu.memory_space<vmem>> -> memref<128xi32, #tpu.memory_space<vmem>>
    %dma_start3A_1148 = arith.constant 0 : i32
    %dma_start3A_1149 = tpu.memref_slice %arg5[%dma_start3A_1148] : memref<65536xf32, #tpu.memory_space<hbm>> -> memref<65536xf32, #tpu.memory_space<hbm>>
    tpu.enqueue_indirect_dma source(%dma_start3A_1149 : memref<65536xf32, #tpu.memory_space<hbm>>) target(%dma_start3A_1144 : memref<128xf32, #tpu.memory_space<vmem>>) offsets(%dma_start3A_1147 : memref<128xi32, #tpu.memory_space<vmem>>) semaphore(%arg19 : memref<!tpu.dma_semaphore, #tpu.memory_space<semaphore_mem>>)
    %dma_start3A_1150 = arith.constant 2 : i32
    %dma_start3A_1151 = arith.constant 1 : i32
    %dma_start3A_1152 = arith.constant 256 : i32
    %dma_start3A_1153 = tpu.memref_slice %arg17[%dma_start3A_1151, %dma_start3A_1152] : memref<4x1024xf32, #tpu.memory_space<vmem>> -> memref<1x128xf32, #tpu.memory_space<vmem>>
    %dma_start3A_1154 = tpu.memref_squeeze %dma_start3A_1153 : memref<1x128xf32, #tpu.memory_space<vmem>> -> memref<128xf32, #tpu.memory_space<vmem>>
    %dma_start3A_1155 = arith.constant 0 : i32
    %dma_start3A_1156 = tpu.memref_slice %arg14[%dma_start3A_1150, %dma_start3A_1155] : memref<8x128xi32, #tpu.memory_space<vmem>> -> memref<1x128xi32, #tpu.memory_space<vmem>>
    %dma_start3A_1157 = tpu.memref_squeeze %dma_start3A_1156 : memref<1x128xi32, #tpu.memory_space<vmem>> -> memref<128xi32, #tpu.memory_space<vmem>>
    %dma_start3A_1158 = arith.constant 0 : i32
    %dma_start3A_1159 = tpu.memref_slice %arg5[%dma_start3A_1158] : memref<65536xf32, #tpu.memory_space<hbm>> -> memref<65536xf32, #tpu.memory_space<hbm>>
    tpu.enqueue_indirect_dma source(%dma_start3A_1159 : memref<65536xf32, #tpu.memory_space<hbm>>) target(%dma_start3A_1154 : memref<128xf32, #tpu.memory_space<vmem>>) offsets(%dma_start3A_1157 : memref<128xi32, #tpu.memory_space<vmem>>) semaphore(%arg19 : memref<!tpu.dma_semaphore, #tpu.memory_space<semaphore_mem>>)
    %dma_start3A_1160 = arith.constant 3 : i32
    %dma_start3A_1161 = arith.constant 1 : i32
    %dma_start3A_1162 = arith.constant 384 : i32
    %dma_start3A_1163 = tpu.memref_slice %arg17[%dma_start3A_1161, %dma_start3A_1162] : memref<4x1024xf32, #tpu.memory_space<vmem>> -> memref<1x128xf32, #tpu.memory_space<vmem>>
    %dma_start3A_1164 = tpu.memref_squeeze %dma_start3A_1163 : memref<1x128xf32, #tpu.memory_space<vmem>> -> memref<128xf32, #tpu.memory_space<vmem>>
    %dma_start3A_1165 = arith.constant 0 : i32
    %dma_start3A_1166 = tpu.memref_slice %arg14[%dma_start3A_1160, %dma_start3A_1165] : memref<8x128xi32, #tpu.memory_space<vmem>> -> memref<1x128xi32, #tpu.memory_space<vmem>>
    %dma_start3A_1167 = tpu.memref_squeeze %dma_start3A_1166 : memref<1x128xi32, #tpu.memory_space<vmem>> -> memref<128xi32, #tpu.memory_space<vmem>>
    %dma_start3A_1168 = arith.constant 0 : i32
    %dma_start3A_1169 = tpu.memref_slice %arg5[%dma_start3A_1168] : memref<65536xf32, #tpu.memory_space<hbm>> -> memref<65536xf32, #tpu.memory_space<hbm>>
    tpu.enqueue_indirect_dma source(%dma_start3A_1169 : memref<65536xf32, #tpu.memory_space<hbm>>) target(%dma_start3A_1164 : memref<128xf32, #tpu.memory_space<vmem>>) offsets(%dma_start3A_1167 : memref<128xi32, #tpu.memory_space<vmem>>) semaphore(%arg19 : memref<!tpu.dma_semaphore, #tpu.memory_space<semaphore_mem>>)
    %dma_start3A_1170 = arith.constant 4 : i32
    %dma_start3A_1171 = arith.constant 1 : i32
    %dma_start3A_1172 = arith.constant 512 : i32
    %dma_start3A_1173 = tpu.memref_slice %arg17[%dma_start3A_1171, %dma_start3A_1172] : memref<4x1024xf32, #tpu.memory_space<vmem>> -> memref<1x128xf32, #tpu.memory_space<vmem>>
    %dma_start3A_1174 = tpu.memref_squeeze %dma_start3A_1173 : memref<1x128xf32, #tpu.memory_space<vmem>> -> memref<128xf32, #tpu.memory_space<vmem>>
    %dma_start3A_1175 = arith.constant 0 : i32
    %dma_start3A_1176 = tpu.memref_slice %arg14[%dma_start3A_1170, %dma_start3A_1175] : memref<8x128xi32, #tpu.memory_space<vmem>> -> memref<1x128xi32, #tpu.memory_space<vmem>>
    %dma_start3A_1177 = tpu.memref_squeeze %dma_start3A_1176 : memref<1x128xi32, #tpu.memory_space<vmem>> -> memref<128xi32, #tpu.memory_space<vmem>>
    %dma_start3A_1178 = arith.constant 0 : i32
    %dma_start3A_1179 = tpu.memref_slice %arg5[%dma_start3A_1178] : memref<65536xf32, #tpu.memory_space<hbm>> -> memref<65536xf32, #tpu.memory_space<hbm>>
    tpu.enqueue_indirect_dma source(%dma_start3A_1179 : memref<65536xf32, #tpu.memory_space<hbm>>) target(%dma_start3A_1174 : memref<128xf32, #tpu.memory_space<vmem>>) offsets(%dma_start3A_1177 : memref<128xi32, #tpu.memory_space<vmem>>) semaphore(%arg19 : memref<!tpu.dma_semaphore, #tpu.memory_space<semaphore_mem>>)
    %dma_start3A_1180 = arith.constant 5 : i32
    %dma_start3A_1181 = arith.constant 1 : i32
    %dma_start3A_1182 = arith.constant 640 : i32
    %dma_start3A_1183 = tpu.memref_slice %arg17[%dma_start3A_1181, %dma_start3A_1182] : memref<4x1024xf32, #tpu.memory_space<vmem>> -> memref<1x128xf32, #tpu.memory_space<vmem>>
    %dma_start3A_1184 = tpu.memref_squeeze %dma_start3A_1183 : memref<1x128xf32, #tpu.memory_space<vmem>> -> memref<128xf32, #tpu.memory_space<vmem>>
    %dma_start3A_1185 = arith.constant 0 : i32
    %dma_start3A_1186 = tpu.memref_slice %arg14[%dma_start3A_1180, %dma_start3A_1185] : memref<8x128xi32, #tpu.memory_space<vmem>> -> memref<1x128xi32, #tpu.memory_space<vmem>>
    %dma_start3A_1187 = tpu.memref_squeeze %dma_start3A_1186 : memref<1x128xi32, #tpu.memory_space<vmem>> -> memref<128xi32, #tpu.memory_space<vmem>>
    %dma_start3A_1188 = arith.constant 0 : i32
    %dma_start3A_1189 = tpu.memref_slice %arg5[%dma_start3A_1188] : memref<65536xf32, #tpu.memory_space<hbm>> -> memref<65536xf32, #tpu.memory_space<hbm>>
    tpu.enqueue_indirect_dma source(%dma_start3A_1189 : memref<65536xf32, #tpu.memory_space<hbm>>) target(%dma_start3A_1184 : memref<128xf32, #tpu.memory_space<vmem>>) offsets(%dma_start3A_1187 : memref<128xi32, #tpu.memory_space<vmem>>) semaphore(%arg19 : memref<!tpu.dma_semaphore, #tpu.memory_space<semaphore_mem>>)
    %dma_start3A_1190 = arith.constant 6 : i32
    %dma_start3A_1191 = arith.constant 1 : i32
    %dma_start3A_1192 = arith.constant 768 : i32
    %dma_start3A_1193 = tpu.memref_slice %arg17[%dma_start3A_1191, %dma_start3A_1192] : memref<4x1024xf32, #tpu.memory_space<vmem>> -> memref<1x128xf32, #tpu.memory_space<vmem>>
    %dma_start3A_1194 = tpu.memref_squeeze %dma_start3A_1193 : memref<1x128xf32, #tpu.memory_space<vmem>> -> memref<128xf32, #tpu.memory_space<vmem>>
    %dma_start3A_1195 = arith.constant 0 : i32
    %dma_start3A_1196 = tpu.memref_slice %arg14[%dma_start3A_1190, %dma_start3A_1195] : memref<8x128xi32, #tpu.memory_space<vmem>> -> memref<1x128xi32, #tpu.memory_space<vmem>>
    %dma_start3A_1197 = tpu.memref_squeeze %dma_start3A_1196 : memref<1x128xi32, #tpu.memory_space<vmem>> -> memref<128xi32, #tpu.memory_space<vmem>>
    %dma_start3A_1198 = arith.constant 0 : i32
    %dma_start3A_1199 = tpu.memref_slice %arg5[%dma_start3A_1198] : memref<65536xf32, #tpu.memory_space<hbm>> -> memref<65536xf32, #tpu.memory_space<hbm>>
    tpu.enqueue_indirect_dma source(%dma_start3A_1199 : memref<65536xf32, #tpu.memory_space<hbm>>) target(%dma_start3A_1194 : memref<128xf32, #tpu.memory_space<vmem>>) offsets(%dma_start3A_1197 : memref<128xi32, #tpu.memory_space<vmem>>) semaphore(%arg19 : memref<!tpu.dma_semaphore, #tpu.memory_space<semaphore_mem>>)
    %dma_start3A_1200 = arith.constant 7 : i32
    %dma_start3A_1201 = arith.constant 1 : i32
    %dma_start3A_1202 = arith.constant 896 : i32
    %dma_start3A_1203 = tpu.memref_slice %arg17[%dma_start3A_1201, %dma_start3A_1202] : memref<4x1024xf32, #tpu.memory_space<vmem>> -> memref<1x128xf32, #tpu.memory_space<vmem>>
    %dma_start3A_1204 = tpu.memref_squeeze %dma_start3A_1203 : memref<1x128xf32, #tpu.memory_space<vmem>> -> memref<128xf32, #tpu.memory_space<vmem>>
    %dma_start3A_1205 = arith.constant 0 : i32
    %dma_start3A_1206 = tpu.memref_slice %arg14[%dma_start3A_1200, %dma_start3A_1205] : memref<8x128xi32, #tpu.memory_space<vmem>> -> memref<1x128xi32, #tpu.memory_space<vmem>>
    %dma_start3A_1207 = tpu.memref_squeeze %dma_start3A_1206 : memref<1x128xi32, #tpu.memory_space<vmem>> -> memref<128xi32, #tpu.memory_space<vmem>>
    %dma_start3A_1208 = arith.constant 0 : i32
    %dma_start3A_1209 = tpu.memref_slice %arg5[%dma_start3A_1208] : memref<65536xf32, #tpu.memory_space<hbm>> -> memref<65536xf32, #tpu.memory_space<hbm>>
    tpu.enqueue_indirect_dma source(%dma_start3A_1209 : memref<65536xf32, #tpu.memory_space<hbm>>) target(%dma_start3A_1204 : memref<128xf32, #tpu.memory_space<vmem>>) offsets(%dma_start3A_1207 : memref<128xi32, #tpu.memory_space<vmem>>) semaphore(%arg19 : memref<!tpu.dma_semaphore, #tpu.memory_space<semaphore_mem>>)
    %dma_start3A_1210 = arith.constant 0 : i32
    %dma_start3A_1211 = arith.constant 2 : i32
    %dma_start3A_1212 = arith.constant 0 : i32
    %dma_start3A_1213 = tpu.memref_slice %arg17[%dma_start3A_1211, %dma_start3A_1212] : memref<4x1024xf32, #tpu.memory_space<vmem>> -> memref<1x128xf32, #tpu.memory_space<vmem>>
    %dma_start3A_1214 = tpu.memref_squeeze %dma_start3A_1213 : memref<1x128xf32, #tpu.memory_space<vmem>> -> memref<128xf32, #tpu.memory_space<vmem>>
    %dma_start3A_1215 = arith.constant 0 : i32
    %dma_start3A_1216 = tpu.memref_slice %arg14[%dma_start3A_1210, %dma_start3A_1215] : memref<8x128xi32, #tpu.memory_space<vmem>> -> memref<1x128xi32, #tpu.memory_space<vmem>>
    %dma_start3A_1217 = tpu.memref_squeeze %dma_start3A_1216 : memref<1x128xi32, #tpu.memory_space<vmem>> -> memref<128xi32, #tpu.memory_space<vmem>>
    %dma_start3A_1218 = arith.constant 0 : i32
    %dma_start3A_1219 = tpu.memref_slice %arg6[%dma_start3A_1218] : memref<65536xf32, #tpu.memory_space<hbm>> -> memref<65536xf32, #tpu.memory_space<hbm>>
    tpu.enqueue_indirect_dma source(%dma_start3A_1219 : memref<65536xf32, #tpu.memory_space<hbm>>) target(%dma_start3A_1214 : memref<128xf32, #tpu.memory_space<vmem>>) offsets(%dma_start3A_1217 : memref<128xi32, #tpu.memory_space<vmem>>) semaphore(%arg19 : memref<!tpu.dma_semaphore, #tpu.memory_space<semaphore_mem>>)
    %dma_start3A_1220 = arith.constant 1 : i32
    %dma_start3A_1221 = arith.constant 2 : i32
    %dma_start3A_1222 = arith.constant 128 : i32
    %dma_start3A_1223 = tpu.memref_slice %arg17[%dma_start3A_1221, %dma_start3A_1222] : memref<4x1024xf32, #tpu.memory_space<vmem>> -> memref<1x128xf32, #tpu.memory_space<vmem>>
    %dma_start3A_1224 = tpu.memref_squeeze %dma_start3A_1223 : memref<1x128xf32, #tpu.memory_space<vmem>> -> memref<128xf32, #tpu.memory_space<vmem>>
    %dma_start3A_1225 = arith.constant 0 : i32
    %dma_start3A_1226 = tpu.memref_slice %arg14[%dma_start3A_1220, %dma_start3A_1225] : memref<8x128xi32, #tpu.memory_space<vmem>> -> memref<1x128xi32, #tpu.memory_space<vmem>>
    %dma_start3A_1227 = tpu.memref_squeeze %dma_start3A_1226 : memref<1x128xi32, #tpu.memory_space<vmem>> -> memref<128xi32, #tpu.memory_space<vmem>>
    %dma_start3A_1228 = arith.constant 0 : i32
    %dma_start3A_1229 = tpu.memref_slice %arg6[%dma_start3A_1228] : memref<65536xf32, #tpu.memory_space<hbm>> -> memref<65536xf32, #tpu.memory_space<hbm>>
    tpu.enqueue_indirect_dma source(%dma_start3A_1229 : memref<65536xf32, #tpu.memory_space<hbm>>) target(%dma_start3A_1224 : memref<128xf32, #tpu.memory_space<vmem>>) offsets(%dma_start3A_1227 : memref<128xi32, #tpu.memory_space<vmem>>) semaphore(%arg19 : memref<!tpu.dma_semaphore, #tpu.memory_space<semaphore_mem>>)
    %dma_start3A_1230 = arith.constant 2 : i32
    %dma_start3A_1231 = arith.constant 2 : i32
    %dma_start3A_1232 = arith.constant 256 : i32
    %dma_start3A_1233 = tpu.memref_slice %arg17[%dma_start3A_1231, %dma_start3A_1232] : memref<4x1024xf32, #tpu.memory_space<vmem>> -> memref<1x128xf32, #tpu.memory_space<vmem>>
    %dma_start3A_1234 = tpu.memref_squeeze %dma_start3A_1233 : memref<1x128xf32, #tpu.memory_space<vmem>> -> memref<128xf32, #tpu.memory_space<vmem>>
    %dma_start3A_1235 = arith.constant 0 : i32
    %dma_start3A_1236 = tpu.memref_slice %arg14[%dma_start3A_1230, %dma_start3A_1235] : memref<8x128xi32, #tpu.memory_space<vmem>> -> memref<1x128xi32, #tpu.memory_space<vmem>>
    %dma_start3A_1237 = tpu.memref_squeeze %dma_start3A_1236 : memref<1x128xi32, #tpu.memory_space<vmem>> -> memref<128xi32, #tpu.memory_space<vmem>>
    %dma_start3A_1238 = arith.constant 0 : i32
    %dma_start3A_1239 = tpu.memref_slice %arg6[%dma_start3A_1238] : memref<65536xf32, #tpu.memory_space<hbm>> -> memref<65536xf32, #tpu.memory_space<hbm>>
    tpu.enqueue_indirect_dma source(%dma_start3A_1239 : memref<65536xf32, #tpu.memory_space<hbm>>) target(%dma_start3A_1234 : memref<128xf32, #tpu.memory_space<vmem>>) offsets(%dma_start3A_1237 : memref<128xi32, #tpu.memory_space<vmem>>) semaphore(%arg19 : memref<!tpu.dma_semaphore, #tpu.memory_space<semaphore_mem>>)
    %dma_start3A_1240 = arith.constant 3 : i32
    %dma_start3A_1241 = arith.constant 2 : i32
    %dma_start3A_1242 = arith.constant 384 : i32
    %dma_start3A_1243 = tpu.memref_slice %arg17[%dma_start3A_1241, %dma_start3A_1242] : memref<4x1024xf32, #tpu.memory_space<vmem>> -> memref<1x128xf32, #tpu.memory_space<vmem>>
    %dma_start3A_1244 = tpu.memref_squeeze %dma_start3A_1243 : memref<1x128xf32, #tpu.memory_space<vmem>> -> memref<128xf32, #tpu.memory_space<vmem>>
    %dma_start3A_1245 = arith.constant 0 : i32
    %dma_start3A_1246 = tpu.memref_slice %arg14[%dma_start3A_1240, %dma_start3A_1245] : memref<8x128xi32, #tpu.memory_space<vmem>> -> memref<1x128xi32, #tpu.memory_space<vmem>>
    %dma_start3A_1247 = tpu.memref_squeeze %dma_start3A_1246 : memref<1x128xi32, #tpu.memory_space<vmem>> -> memref<128xi32, #tpu.memory_space<vmem>>
    %dma_start3A_1248 = arith.constant 0 : i32
    %dma_start3A_1249 = tpu.memref_slice %arg6[%dma_start3A_1248] : memref<65536xf32, #tpu.memory_space<hbm>> -> memref<65536xf32, #tpu.memory_space<hbm>>
    tpu.enqueue_indirect_dma source(%dma_start3A_1249 : memref<65536xf32, #tpu.memory_space<hbm>>) target(%dma_start3A_1244 : memref<128xf32, #tpu.memory_space<vmem>>) offsets(%dma_start3A_1247 : memref<128xi32, #tpu.memory_space<vmem>>) semaphore(%arg19 : memref<!tpu.dma_semaphore, #tpu.memory_space<semaphore_mem>>)
    %dma_start3A_1250 = arith.constant 4 : i32
    %dma_start3A_1251 = arith.constant 2 : i32
    %dma_start3A_1252 = arith.constant 512 : i32
    %dma_start3A_1253 = tpu.memref_slice %arg17[%dma_start3A_1251, %dma_start3A_1252] : memref<4x1024xf32, #tpu.memory_space<vmem>> -> memref<1x128xf32, #tpu.memory_space<vmem>>
    %dma_start3A_1254 = tpu.memref_squeeze %dma_start3A_1253 : memref<1x128xf32, #tpu.memory_space<vmem>> -> memref<128xf32, #tpu.memory_space<vmem>>
    %dma_start3A_1255 = arith.constant 0 : i32
    %dma_start3A_1256 = tpu.memref_slice %arg14[%dma_start3A_1250, %dma_start3A_1255] : memref<8x128xi32, #tpu.memory_space<vmem>> -> memref<1x128xi32, #tpu.memory_space<vmem>>
    %dma_start3A_1257 = tpu.memref_squeeze %dma_start3A_1256 : memref<1x128xi32, #tpu.memory_space<vmem>> -> memref<128xi32, #tpu.memory_space<vmem>>
    %dma_start3A_1258 = arith.constant 0 : i32
    %dma_start3A_1259 = tpu.memref_slice %arg6[%dma_start3A_1258] : memref<65536xf32, #tpu.memory_space<hbm>> -> memref<65536xf32, #tpu.memory_space<hbm>>
    tpu.enqueue_indirect_dma source(%dma_start3A_1259 : memref<65536xf32, #tpu.memory_space<hbm>>) target(%dma_start3A_1254 : memref<128xf32, #tpu.memory_space<vmem>>) offsets(%dma_start3A_1257 : memref<128xi32, #tpu.memory_space<vmem>>) semaphore(%arg19 : memref<!tpu.dma_semaphore, #tpu.memory_space<semaphore_mem>>)
    %dma_start3A_1260 = arith.constant 5 : i32
    %dma_start3A_1261 = arith.constant 2 : i32
    %dma_start3A_1262 = arith.constant 640 : i32
    %dma_start3A_1263 = tpu.memref_slice %arg17[%dma_start3A_1261, %dma_start3A_1262] : memref<4x1024xf32, #tpu.memory_space<vmem>> -> memref<1x128xf32, #tpu.memory_space<vmem>>
    %dma_start3A_1264 = tpu.memref_squeeze %dma_start3A_1263 : memref<1x128xf32, #tpu.memory_space<vmem>> -> memref<128xf32, #tpu.memory_space<vmem>>
    %dma_start3A_1265 = arith.constant 0 : i32
    %dma_start3A_1266 = tpu.memref_slice %arg14[%dma_start3A_1260, %dma_start3A_1265] : memref<8x128xi32, #tpu.memory_space<vmem>> -> memref<1x128xi32, #tpu.memory_space<vmem>>
    %dma_start3A_1267 = tpu.memref_squeeze %dma_start3A_1266 : memref<1x128xi32, #tpu.memory_space<vmem>> -> memref<128xi32, #tpu.memory_space<vmem>>
    %dma_start3A_1268 = arith.constant 0 : i32
    %dma_start3A_1269 = tpu.memref_slice %arg6[%dma_start3A_1268] : memref<65536xf32, #tpu.memory_space<hbm>> -> memref<65536xf32, #tpu.memory_space<hbm>>
    tpu.enqueue_indirect_dma source(%dma_start3A_1269 : memref<65536xf32, #tpu.memory_space<hbm>>) target(%dma_start3A_1264 : memref<128xf32, #tpu.memory_space<vmem>>) offsets(%dma_start3A_1267 : memref<128xi32, #tpu.memory_space<vmem>>) semaphore(%arg19 : memref<!tpu.dma_semaphore, #tpu.memory_space<semaphore_mem>>)
    %dma_start3A_1270 = arith.constant 6 : i32
    %dma_start3A_1271 = arith.constant 2 : i32
    %dma_start3A_1272 = arith.constant 768 : i32
    %dma_start3A_1273 = tpu.memref_slice %arg17[%dma_start3A_1271, %dma_start3A_1272] : memref<4x1024xf32, #tpu.memory_space<vmem>> -> memref<1x128xf32, #tpu.memory_space<vmem>>
    %dma_start3A_1274 = tpu.memref_squeeze %dma_start3A_1273 : memref<1x128xf32, #tpu.memory_space<vmem>> -> memref<128xf32, #tpu.memory_space<vmem>>
    %dma_start3A_1275 = arith.constant 0 : i32
    %dma_start3A_1276 = tpu.memref_slice %arg14[%dma_start3A_1270, %dma_start3A_1275] : memref<8x128xi32, #tpu.memory_space<vmem>> -> memref<1x128xi32, #tpu.memory_space<vmem>>
    %dma_start3A_1277 = tpu.memref_squeeze %dma_start3A_1276 : memref<1x128xi32, #tpu.memory_space<vmem>> -> memref<128xi32, #tpu.memory_space<vmem>>
    %dma_start3A_1278 = arith.constant 0 : i32
    %dma_start3A_1279 = tpu.memref_slice %arg6[%dma_start3A_1278] : memref<65536xf32, #tpu.memory_space<hbm>> -> memref<65536xf32, #tpu.memory_space<hbm>>
    tpu.enqueue_indirect_dma source(%dma_start3A_1279 : memref<65536xf32, #tpu.memory_space<hbm>>) target(%dma_start3A_1274 : memref<128xf32, #tpu.memory_space<vmem>>) offsets(%dma_start3A_1277 : memref<128xi32, #tpu.memory_space<vmem>>) semaphore(%arg19 : memref<!tpu.dma_semaphore, #tpu.memory_space<semaphore_mem>>)
    %dma_start3A_1280 = arith.constant 7 : i32
    %dma_start3A_1281 = arith.constant 2 : i32
    %dma_start3A_1282 = arith.constant 896 : i32
    %dma_start3A_1283 = tpu.memref_slice %arg17[%dma_start3A_1281, %dma_start3A_1282] : memref<4x1024xf32, #tpu.memory_space<vmem>> -> memref<1x128xf32, #tpu.memory_space<vmem>>
    %dma_start3A_1284 = tpu.memref_squeeze %dma_start3A_1283 : memref<1x128xf32, #tpu.memory_space<vmem>> -> memref<128xf32, #tpu.memory_space<vmem>>
    %dma_start3A_1285 = arith.constant 0 : i32
    %dma_start3A_1286 = tpu.memref_slice %arg14[%dma_start3A_1280, %dma_start3A_1285] : memref<8x128xi32, #tpu.memory_space<vmem>> -> memref<1x128xi32, #tpu.memory_space<vmem>>
    %dma_start3A_1287 = tpu.memref_squeeze %dma_start3A_1286 : memref<1x128xi32, #tpu.memory_space<vmem>> -> memref<128xi32, #tpu.memory_space<vmem>>
    %dma_start3A_1288 = arith.constant 0 : i32
    %dma_start3A_1289 = tpu.memref_slice %arg6[%dma_start3A_1288] : memref<65536xf32, #tpu.memory_space<hbm>> -> memref<65536xf32, #tpu.memory_space<hbm>>
    tpu.enqueue_indirect_dma source(%dma_start3A_1289 : memref<65536xf32, #tpu.memory_space<hbm>>) target(%dma_start3A_1284 : memref<128xf32, #tpu.memory_space<vmem>>) offsets(%dma_start3A_1287 : memref<128xi32, #tpu.memory_space<vmem>>) semaphore(%arg19 : memref<!tpu.dma_semaphore, #tpu.memory_space<semaphore_mem>>)
    %dma_start3A_1290 = arith.constant 0 : i32
    %dma_start3A_1291 = arith.constant 3 : i32
    %dma_start3A_1292 = arith.constant 0 : i32
    %dma_start3A_1293 = tpu.memref_slice %arg17[%dma_start3A_1291, %dma_start3A_1292] : memref<4x1024xf32, #tpu.memory_space<vmem>> -> memref<1x128xf32, #tpu.memory_space<vmem>>
    %dma_start3A_1294 = tpu.memref_squeeze %dma_start3A_1293 : memref<1x128xf32, #tpu.memory_space<vmem>> -> memref<128xf32, #tpu.memory_space<vmem>>
    %dma_start3A_1295 = arith.constant 0 : i32
    %dma_start3A_1296 = tpu.memref_slice %arg14[%dma_start3A_1290, %dma_start3A_1295] : memref<8x128xi32, #tpu.memory_space<vmem>> -> memref<1x128xi32, #tpu.memory_space<vmem>>
    %dma_start3A_1297 = tpu.memref_squeeze %dma_start3A_1296 : memref<1x128xi32, #tpu.memory_space<vmem>> -> memref<128xi32, #tpu.memory_space<vmem>>
    %dma_start3A_1298 = arith.constant 0 : i32
    %dma_start3A_1299 = tpu.memref_slice %arg7[%dma_start3A_1298] : memref<65536xf32, #tpu.memory_space<hbm>> -> memref<65536xf32, #tpu.memory_space<hbm>>
    tpu.enqueue_indirect_dma source(%dma_start3A_1299 : memref<65536xf32, #tpu.memory_space<hbm>>) target(%dma_start3A_1294 : memref<128xf32, #tpu.memory_space<vmem>>) offsets(%dma_start3A_1297 : memref<128xi32, #tpu.memory_space<vmem>>) semaphore(%arg19 : memref<!tpu.dma_semaphore, #tpu.memory_space<semaphore_mem>>)
    %dma_start3A_1300 = arith.constant 1 : i32
    %dma_start3A_1301 = arith.constant 3 : i32
    %dma_start3A_1302 = arith.constant 128 : i32
    %dma_start3A_1303 = tpu.memref_slice %arg17[%dma_start3A_1301, %dma_start3A_1302] : memref<4x1024xf32, #tpu.memory_space<vmem>> -> memref<1x128xf32, #tpu.memory_space<vmem>>
    %dma_start3A_1304 = tpu.memref_squeeze %dma_start3A_1303 : memref<1x128xf32, #tpu.memory_space<vmem>> -> memref<128xf32, #tpu.memory_space<vmem>>
    %dma_start3A_1305 = arith.constant 0 : i32
    %dma_start3A_1306 = tpu.memref_slice %arg14[%dma_start3A_1300, %dma_start3A_1305] : memref<8x128xi32, #tpu.memory_space<vmem>> -> memref<1x128xi32, #tpu.memory_space<vmem>>
    %dma_start3A_1307 = tpu.memref_squeeze %dma_start3A_1306 : memref<1x128xi32, #tpu.memory_space<vmem>> -> memref<128xi32, #tpu.memory_space<vmem>>
    %dma_start3A_1308 = arith.constant 0 : i32
    %dma_start3A_1309 = tpu.memref_slice %arg7[%dma_start3A_1308] : memref<65536xf32, #tpu.memory_space<hbm>> -> memref<65536xf32, #tpu.memory_space<hbm>>
    tpu.enqueue_indirect_dma source(%dma_start3A_1309 : memref<65536xf32, #tpu.memory_space<hbm>>) target(%dma_start3A_1304 : memref<128xf32, #tpu.memory_space<vmem>>) offsets(%dma_start3A_1307 : memref<128xi32, #tpu.memory_space<vmem>>) semaphore(%arg19 : memref<!tpu.dma_semaphore, #tpu.memory_space<semaphore_mem>>)
    %dma_start3A_1310 = arith.constant 2 : i32
    %dma_start3A_1311 = arith.constant 3 : i32
    %dma_start3A_1312 = arith.constant 256 : i32
    %dma_start3A_1313 = tpu.memref_slice %arg17[%dma_start3A_1311, %dma_start3A_1312] : memref<4x1024xf32, #tpu.memory_space<vmem>> -> memref<1x128xf32, #tpu.memory_space<vmem>>
    %dma_start3A_1314 = tpu.memref_squeeze %dma_start3A_1313 : memref<1x128xf32, #tpu.memory_space<vmem>> -> memref<128xf32, #tpu.memory_space<vmem>>
    %dma_start3A_1315 = arith.constant 0 : i32
    %dma_start3A_1316 = tpu.memref_slice %arg14[%dma_start3A_1310, %dma_start3A_1315] : memref<8x128xi32, #tpu.memory_space<vmem>> -> memref<1x128xi32, #tpu.memory_space<vmem>>
    %dma_start3A_1317 = tpu.memref_squeeze %dma_start3A_1316 : memref<1x128xi32, #tpu.memory_space<vmem>> -> memref<128xi32, #tpu.memory_space<vmem>>
    %dma_start3A_1318 = arith.constant 0 : i32
    %dma_start3A_1319 = tpu.memref_slice %arg7[%dma_start3A_1318] : memref<65536xf32, #tpu.memory_space<hbm>> -> memref<65536xf32, #tpu.memory_space<hbm>>
    tpu.enqueue_indirect_dma source(%dma_start3A_1319 : memref<65536xf32, #tpu.memory_space<hbm>>) target(%dma_start3A_1314 : memref<128xf32, #tpu.memory_space<vmem>>) offsets(%dma_start3A_1317 : memref<128xi32, #tpu.memory_space<vmem>>) semaphore(%arg19 : memref<!tpu.dma_semaphore, #tpu.memory_space<semaphore_mem>>)
    %dma_start3A_1320 = arith.constant 3 : i32
    %dma_start3A_1321 = arith.constant 3 : i32
    %dma_start3A_1322 = arith.constant 384 : i32
    %dma_start3A_1323 = tpu.memref_slice %arg17[%dma_start3A_1321, %dma_start3A_1322] : memref<4x1024xf32, #tpu.memory_space<vmem>> -> memref<1x128xf32, #tpu.memory_space<vmem>>
    %dma_start3A_1324 = tpu.memref_squeeze %dma_start3A_1323 : memref<1x128xf32, #tpu.memory_space<vmem>> -> memref<128xf32, #tpu.memory_space<vmem>>
    %dma_start3A_1325 = arith.constant 0 : i32
    %dma_start3A_1326 = tpu.memref_slice %arg14[%dma_start3A_1320, %dma_start3A_1325] : memref<8x128xi32, #tpu.memory_space<vmem>> -> memref<1x128xi32, #tpu.memory_space<vmem>>
    %dma_start3A_1327 = tpu.memref_squeeze %dma_start3A_1326 : memref<1x128xi32, #tpu.memory_space<vmem>> -> memref<128xi32, #tpu.memory_space<vmem>>
    %dma_start3A_1328 = arith.constant 0 : i32
    %dma_start3A_1329 = tpu.memref_slice %arg7[%dma_start3A_1328] : memref<65536xf32, #tpu.memory_space<hbm>> -> memref<65536xf32, #tpu.memory_space<hbm>>
    tpu.enqueue_indirect_dma source(%dma_start3A_1329 : memref<65536xf32, #tpu.memory_space<hbm>>) target(%dma_start3A_1324 : memref<128xf32, #tpu.memory_space<vmem>>) offsets(%dma_start3A_1327 : memref<128xi32, #tpu.memory_space<vmem>>) semaphore(%arg19 : memref<!tpu.dma_semaphore, #tpu.memory_space<semaphore_mem>>)
    %dma_start3A_1330 = arith.constant 4 : i32
    %dma_start3A_1331 = arith.constant 3 : i32
    %dma_start3A_1332 = arith.constant 512 : i32
    %dma_start3A_1333 = tpu.memref_slice %arg17[%dma_start3A_1331, %dma_start3A_1332] : memref<4x1024xf32, #tpu.memory_space<vmem>> -> memref<1x128xf32, #tpu.memory_space<vmem>>
    %dma_start3A_1334 = tpu.memref_squeeze %dma_start3A_1333 : memref<1x128xf32, #tpu.memory_space<vmem>> -> memref<128xf32, #tpu.memory_space<vmem>>
    %dma_start3A_1335 = arith.constant 0 : i32
    %dma_start3A_1336 = tpu.memref_slice %arg14[%dma_start3A_1330, %dma_start3A_1335] : memref<8x128xi32, #tpu.memory_space<vmem>> -> memref<1x128xi32, #tpu.memory_space<vmem>>
    %dma_start3A_1337 = tpu.memref_squeeze %dma_start3A_1336 : memref<1x128xi32, #tpu.memory_space<vmem>> -> memref<128xi32, #tpu.memory_space<vmem>>
    %dma_start3A_1338 = arith.constant 0 : i32
    %dma_start3A_1339 = tpu.memref_slice %arg7[%dma_start3A_1338] : memref<65536xf32, #tpu.memory_space<hbm>> -> memref<65536xf32, #tpu.memory_space<hbm>>
    tpu.enqueue_indirect_dma source(%dma_start3A_1339 : memref<65536xf32, #tpu.memory_space<hbm>>) target(%dma_start3A_1334 : memref<128xf32, #tpu.memory_space<vmem>>) offsets(%dma_start3A_1337 : memref<128xi32, #tpu.memory_space<vmem>>) semaphore(%arg19 : memref<!tpu.dma_semaphore, #tpu.memory_space<semaphore_mem>>)
    %dma_start3A_1340 = arith.constant 5 : i32
    %dma_start3A_1341 = arith.constant 3 : i32
    %dma_start3A_1342 = arith.constant 640 : i32
    %dma_start3A_1343 = tpu.memref_slice %arg17[%dma_start3A_1341, %dma_start3A_1342] : memref<4x1024xf32, #tpu.memory_space<vmem>> -> memref<1x128xf32, #tpu.memory_space<vmem>>
    %dma_start3A_1344 = tpu.memref_squeeze %dma_start3A_1343 : memref<1x128xf32, #tpu.memory_space<vmem>> -> memref<128xf32, #tpu.memory_space<vmem>>
    %dma_start3A_1345 = arith.constant 0 : i32
    %dma_start3A_1346 = tpu.memref_slice %arg14[%dma_start3A_1340, %dma_start3A_1345] : memref<8x128xi32, #tpu.memory_space<vmem>> -> memref<1x128xi32, #tpu.memory_space<vmem>>
    %dma_start3A_1347 = tpu.memref_squeeze %dma_start3A_1346 : memref<1x128xi32, #tpu.memory_space<vmem>> -> memref<128xi32, #tpu.memory_space<vmem>>
    %dma_start3A_1348 = arith.constant 0 : i32
    %dma_start3A_1349 = tpu.memref_slice %arg7[%dma_start3A_1348] : memref<65536xf32, #tpu.memory_space<hbm>> -> memref<65536xf32, #tpu.memory_space<hbm>>
    tpu.enqueue_indirect_dma source(%dma_start3A_1349 : memref<65536xf32, #tpu.memory_space<hbm>>) target(%dma_start3A_1344 : memref<128xf32, #tpu.memory_space<vmem>>) offsets(%dma_start3A_1347 : memref<128xi32, #tpu.memory_space<vmem>>) semaphore(%arg19 : memref<!tpu.dma_semaphore, #tpu.memory_space<semaphore_mem>>)
    %dma_start3A_1350 = arith.constant 6 : i32
    %dma_start3A_1351 = arith.constant 3 : i32
    %dma_start3A_1352 = arith.constant 768 : i32
    %dma_start3A_1353 = tpu.memref_slice %arg17[%dma_start3A_1351, %dma_start3A_1352] : memref<4x1024xf32, #tpu.memory_space<vmem>> -> memref<1x128xf32, #tpu.memory_space<vmem>>
    %dma_start3A_1354 = tpu.memref_squeeze %dma_start3A_1353 : memref<1x128xf32, #tpu.memory_space<vmem>> -> memref<128xf32, #tpu.memory_space<vmem>>
    %dma_start3A_1355 = arith.constant 0 : i32
    %dma_start3A_1356 = tpu.memref_slice %arg14[%dma_start3A_1350, %dma_start3A_1355] : memref<8x128xi32, #tpu.memory_space<vmem>> -> memref<1x128xi32, #tpu.memory_space<vmem>>
    %dma_start3A_1357 = tpu.memref_squeeze %dma_start3A_1356 : memref<1x128xi32, #tpu.memory_space<vmem>> -> memref<128xi32, #tpu.memory_space<vmem>>
    %dma_start3A_1358 = arith.constant 0 : i32
    %dma_start3A_1359 = tpu.memref_slice %arg7[%dma_start3A_1358] : memref<65536xf32, #tpu.memory_space<hbm>> -> memref<65536xf32, #tpu.memory_space<hbm>>
    tpu.enqueue_indirect_dma source(%dma_start3A_1359 : memref<65536xf32, #tpu.memory_space<hbm>>) target(%dma_start3A_1354 : memref<128xf32, #tpu.memory_space<vmem>>) offsets(%dma_start3A_1357 : memref<128xi32, #tpu.memory_space<vmem>>) semaphore(%arg19 : memref<!tpu.dma_semaphore, #tpu.memory_space<semaphore_mem>>)
    %dma_start3A_1360 = arith.constant 7 : i32
    %dma_start3A_1361 = arith.constant 3 : i32
    %dma_start3A_1362 = arith.constant 896 : i32
    %dma_start3A_1363 = tpu.memref_slice %arg17[%dma_start3A_1361, %dma_start3A_1362] : memref<4x1024xf32, #tpu.memory_space<vmem>> -> memref<1x128xf32, #tpu.memory_space<vmem>>
    %dma_start3A_1364 = tpu.memref_squeeze %dma_start3A_1363 : memref<1x128xf32, #tpu.memory_space<vmem>> -> memref<128xf32, #tpu.memory_space<vmem>>
    %dma_start3A_1365 = arith.constant 0 : i32
    %dma_start3A_1366 = tpu.memref_slice %arg14[%dma_start3A_1360, %dma_start3A_1365] : memref<8x128xi32, #tpu.memory_space<vmem>> -> memref<1x128xi32, #tpu.memory_space<vmem>>
    %dma_start3A_1367 = tpu.memref_squeeze %dma_start3A_1366 : memref<1x128xi32, #tpu.memory_space<vmem>> -> memref<128xi32, #tpu.memory_space<vmem>>
    %dma_start3A_1368 = arith.constant 0 : i32
    %dma_start3A_1369 = tpu.memref_slice %arg7[%dma_start3A_1368] : memref<65536xf32, #tpu.memory_space<hbm>> -> memref<65536xf32, #tpu.memory_space<hbm>>
    tpu.enqueue_indirect_dma source(%dma_start3A_1369 : memref<65536xf32, #tpu.memory_space<hbm>>) target(%dma_start3A_1364 : memref<128xf32, #tpu.memory_space<vmem>>) offsets(%dma_start3A_1367 : memref<128xi32, #tpu.memory_space<vmem>>) semaphore(%arg19 : memref<!tpu.dma_semaphore, #tpu.memory_space<semaphore_mem>>)
    %dma_wait3A_1370 = arith.constant 0 : i32
    %dma_wait3A_1371 = arith.constant 0 : i32
    %dma_wait3A_1372 = arith.constant 0 : i32
    %dma_wait3A_1373 = tpu.memref_slice %arg15[%dma_wait3A_1371, %dma_wait3A_1372] : memref<8x128xi32, #tpu.memory_space<vmem>> -> memref<1x128xi32, #tpu.memory_space<vmem>>
    %dma_wait3A_1374 = tpu.memref_squeeze %dma_wait3A_1373 : memref<1x128xi32, #tpu.memory_space<vmem>> -> memref<128xi32, #tpu.memory_space<vmem>>
    %dma_wait3A_1375 = arith.constant 0 : i32
    %dma_wait3A_1376 = tpu.memref_slice %arg14[%dma_wait3A_1370, %dma_wait3A_1375] : memref<8x128xi32, #tpu.memory_space<vmem>> -> memref<1x128xi32, #tpu.memory_space<vmem>>
    %dma_wait3A_1377 = tpu.memref_squeeze %dma_wait3A_1376 : memref<1x128xi32, #tpu.memory_space<vmem>> -> memref<128xi32, #tpu.memory_space<vmem>>
    %dma_wait3A_1378 = arith.constant 0 : i32
    %dma_wait3A_1379 = tpu.memref_slice %arg3[%dma_wait3A_1378] : memref<65536xi32, #tpu.memory_space<hbm>> -> memref<65536xi32, #tpu.memory_space<hbm>>
    tpu.wait_indirect_dma semaphore(%arg20 : memref<!tpu.dma_semaphore, #tpu.memory_space<semaphore_mem>>) src(%dma_wait3A_1379 : memref<65536xi32, #tpu.memory_space<hbm>>) dst(%dma_wait3A_1374 : memref<128xi32, #tpu.memory_space<vmem>>)
    %dma_wait3A_1380 = arith.constant 1 : i32
    %dma_wait3A_1381 = arith.constant 1 : i32
    %dma_wait3A_1382 = arith.constant 0 : i32
    %dma_wait3A_1383 = tpu.memref_slice %arg15[%dma_wait3A_1381, %dma_wait3A_1382] : memref<8x128xi32, #tpu.memory_space<vmem>> -> memref<1x128xi32, #tpu.memory_space<vmem>>
    %dma_wait3A_1384 = tpu.memref_squeeze %dma_wait3A_1383 : memref<1x128xi32, #tpu.memory_space<vmem>> -> memref<128xi32, #tpu.memory_space<vmem>>
    %dma_wait3A_1385 = arith.constant 0 : i32
    %dma_wait3A_1386 = tpu.memref_slice %arg14[%dma_wait3A_1380, %dma_wait3A_1385] : memref<8x128xi32, #tpu.memory_space<vmem>> -> memref<1x128xi32, #tpu.memory_space<vmem>>
    %dma_wait3A_1387 = tpu.memref_squeeze %dma_wait3A_1386 : memref<1x128xi32, #tpu.memory_space<vmem>> -> memref<128xi32, #tpu.memory_space<vmem>>
    %dma_wait3A_1388 = arith.constant 0 : i32
    %dma_wait3A_1389 = tpu.memref_slice %arg3[%dma_wait3A_1388] : memref<65536xi32, #tpu.memory_space<hbm>> -> memref<65536xi32, #tpu.memory_space<hbm>>
    tpu.wait_indirect_dma semaphore(%arg20 : memref<!tpu.dma_semaphore, #tpu.memory_space<semaphore_mem>>) src(%dma_wait3A_1389 : memref<65536xi32, #tpu.memory_space<hbm>>) dst(%dma_wait3A_1384 : memref<128xi32, #tpu.memory_space<vmem>>)
    %dma_wait3A_1390 = arith.constant 2 : i32
    %dma_wait3A_1391 = arith.constant 2 : i32
    %dma_wait3A_1392 = arith.constant 0 : i32
    %dma_wait3A_1393 = tpu.memref_slice %arg15[%dma_wait3A_1391, %dma_wait3A_1392] : memref<8x128xi32, #tpu.memory_space<vmem>> -> memref<1x128xi32, #tpu.memory_space<vmem>>
    %dma_wait3A_1394 = tpu.memref_squeeze %dma_wait3A_1393 : memref<1x128xi32, #tpu.memory_space<vmem>> -> memref<128xi32, #tpu.memory_space<vmem>>
    %dma_wait3A_1395 = arith.constant 0 : i32
    %dma_wait3A_1396 = tpu.memref_slice %arg14[%dma_wait3A_1390, %dma_wait3A_1395] : memref<8x128xi32, #tpu.memory_space<vmem>> -> memref<1x128xi32, #tpu.memory_space<vmem>>
    %dma_wait3A_1397 = tpu.memref_squeeze %dma_wait3A_1396 : memref<1x128xi32, #tpu.memory_space<vmem>> -> memref<128xi32, #tpu.memory_space<vmem>>
    %dma_wait3A_1398 = arith.constant 0 : i32
    %dma_wait3A_1399 = tpu.memref_slice %arg3[%dma_wait3A_1398] : memref<65536xi32, #tpu.memory_space<hbm>> -> memref<65536xi32, #tpu.memory_space<hbm>>
    tpu.wait_indirect_dma semaphore(%arg20 : memref<!tpu.dma_semaphore, #tpu.memory_space<semaphore_mem>>) src(%dma_wait3A_1399 : memref<65536xi32, #tpu.memory_space<hbm>>) dst(%dma_wait3A_1394 : memref<128xi32, #tpu.memory_space<vmem>>)
    %dma_wait3A_1400 = arith.constant 3 : i32
    %dma_wait3A_1401 = arith.constant 3 : i32
    %dma_wait3A_1402 = arith.constant 0 : i32
    %dma_wait3A_1403 = tpu.memref_slice %arg15[%dma_wait3A_1401, %dma_wait3A_1402] : memref<8x128xi32, #tpu.memory_space<vmem>> -> memref<1x128xi32, #tpu.memory_space<vmem>>
    %dma_wait3A_1404 = tpu.memref_squeeze %dma_wait3A_1403 : memref<1x128xi32, #tpu.memory_space<vmem>> -> memref<128xi32, #tpu.memory_space<vmem>>
    %dma_wait3A_1405 = arith.constant 0 : i32
    %dma_wait3A_1406 = tpu.memref_slice %arg14[%dma_wait3A_1400, %dma_wait3A_1405] : memref<8x128xi32, #tpu.memory_space<vmem>> -> memref<1x128xi32, #tpu.memory_space<vmem>>
    %dma_wait3A_1407 = tpu.memref_squeeze %dma_wait3A_1406 : memref<1x128xi32, #tpu.memory_space<vmem>> -> memref<128xi32, #tpu.memory_space<vmem>>
    %dma_wait3A_1408 = arith.constant 0 : i32
    %dma_wait3A_1409 = tpu.memref_slice %arg3[%dma_wait3A_1408] : memref<65536xi32, #tpu.memory_space<hbm>> -> memref<65536xi32, #tpu.memory_space<hbm>>
    tpu.wait_indirect_dma semaphore(%arg20 : memref<!tpu.dma_semaphore, #tpu.memory_space<semaphore_mem>>) src(%dma_wait3A_1409 : memref<65536xi32, #tpu.memory_space<hbm>>) dst(%dma_wait3A_1404 : memref<128xi32, #tpu.memory_space<vmem>>)
    %dma_wait3A_1410 = arith.constant 4 : i32
    %dma_wait3A_1411 = arith.constant 4 : i32
    %dma_wait3A_1412 = arith.constant 0 : i32
    %dma_wait3A_1413 = tpu.memref_slice %arg15[%dma_wait3A_1411, %dma_wait3A_1412] : memref<8x128xi32, #tpu.memory_space<vmem>> -> memref<1x128xi32, #tpu.memory_space<vmem>>
    %dma_wait3A_1414 = tpu.memref_squeeze %dma_wait3A_1413 : memref<1x128xi32, #tpu.memory_space<vmem>> -> memref<128xi32, #tpu.memory_space<vmem>>
    %dma_wait3A_1415 = arith.constant 0 : i32
    %dma_wait3A_1416 = tpu.memref_slice %arg14[%dma_wait3A_1410, %dma_wait3A_1415] : memref<8x128xi32, #tpu.memory_space<vmem>> -> memref<1x128xi32, #tpu.memory_space<vmem>>
    %dma_wait3A_1417 = tpu.memref_squeeze %dma_wait3A_1416 : memref<1x128xi32, #tpu.memory_space<vmem>> -> memref<128xi32, #tpu.memory_space<vmem>>
    %dma_wait3A_1418 = arith.constant 0 : i32
    %dma_wait3A_1419 = tpu.memref_slice %arg3[%dma_wait3A_1418] : memref<65536xi32, #tpu.memory_space<hbm>> -> memref<65536xi32, #tpu.memory_space<hbm>>
    tpu.wait_indirect_dma semaphore(%arg20 : memref<!tpu.dma_semaphore, #tpu.memory_space<semaphore_mem>>) src(%dma_wait3A_1419 : memref<65536xi32, #tpu.memory_space<hbm>>) dst(%dma_wait3A_1414 : memref<128xi32, #tpu.memory_space<vmem>>)
    %dma_wait3A_1420 = arith.constant 5 : i32
    %dma_wait3A_1421 = arith.constant 5 : i32
    %dma_wait3A_1422 = arith.constant 0 : i32
    %dma_wait3A_1423 = tpu.memref_slice %arg15[%dma_wait3A_1421, %dma_wait3A_1422] : memref<8x128xi32, #tpu.memory_space<vmem>> -> memref<1x128xi32, #tpu.memory_space<vmem>>
    %dma_wait3A_1424 = tpu.memref_squeeze %dma_wait3A_1423 : memref<1x128xi32, #tpu.memory_space<vmem>> -> memref<128xi32, #tpu.memory_space<vmem>>
    %dma_wait3A_1425 = arith.constant 0 : i32
    %dma_wait3A_1426 = tpu.memref_slice %arg14[%dma_wait3A_1420, %dma_wait3A_1425] : memref<8x128xi32, #tpu.memory_space<vmem>> -> memref<1x128xi32, #tpu.memory_space<vmem>>
    %dma_wait3A_1427 = tpu.memref_squeeze %dma_wait3A_1426 : memref<1x128xi32, #tpu.memory_space<vmem>> -> memref<128xi32, #tpu.memory_space<vmem>>
    %dma_wait3A_1428 = arith.constant 0 : i32
    %dma_wait3A_1429 = tpu.memref_slice %arg3[%dma_wait3A_1428] : memref<65536xi32, #tpu.memory_space<hbm>> -> memref<65536xi32, #tpu.memory_space<hbm>>
    tpu.wait_indirect_dma semaphore(%arg20 : memref<!tpu.dma_semaphore, #tpu.memory_space<semaphore_mem>>) src(%dma_wait3A_1429 : memref<65536xi32, #tpu.memory_space<hbm>>) dst(%dma_wait3A_1424 : memref<128xi32, #tpu.memory_space<vmem>>)
    %dma_wait3A_1430 = arith.constant 6 : i32
    %dma_wait3A_1431 = arith.constant 6 : i32
    %dma_wait3A_1432 = arith.constant 0 : i32
    %dma_wait3A_1433 = tpu.memref_slice %arg15[%dma_wait3A_1431, %dma_wait3A_1432] : memref<8x128xi32, #tpu.memory_space<vmem>> -> memref<1x128xi32, #tpu.memory_space<vmem>>
    %dma_wait3A_1434 = tpu.memref_squeeze %dma_wait3A_1433 : memref<1x128xi32, #tpu.memory_space<vmem>> -> memref<128xi32, #tpu.memory_space<vmem>>
    %dma_wait3A_1435 = arith.constant 0 : i32
    %dma_wait3A_1436 = tpu.memref_slice %arg14[%dma_wait3A_1430, %dma_wait3A_1435] : memref<8x128xi32, #tpu.memory_space<vmem>> -> memref<1x128xi32, #tpu.memory_space<vmem>>
    %dma_wait3A_1437 = tpu.memref_squeeze %dma_wait3A_1436 : memref<1x128xi32, #tpu.memory_space<vmem>> -> memref<128xi32, #tpu.memory_space<vmem>>
    %dma_wait3A_1438 = arith.constant 0 : i32
    %dma_wait3A_1439 = tpu.memref_slice %arg3[%dma_wait3A_1438] : memref<65536xi32, #tpu.memory_space<hbm>> -> memref<65536xi32, #tpu.memory_space<hbm>>
    tpu.wait_indirect_dma semaphore(%arg20 : memref<!tpu.dma_semaphore, #tpu.memory_space<semaphore_mem>>) src(%dma_wait3A_1439 : memref<65536xi32, #tpu.memory_space<hbm>>) dst(%dma_wait3A_1434 : memref<128xi32, #tpu.memory_space<vmem>>)
    %dma_wait3A_1440 = arith.constant 7 : i32
    %dma_wait3A_1441 = arith.constant 7 : i32
    %dma_wait3A_1442 = arith.constant 0 : i32
    %dma_wait3A_1443 = tpu.memref_slice %arg15[%dma_wait3A_1441, %dma_wait3A_1442] : memref<8x128xi32, #tpu.memory_space<vmem>> -> memref<1x128xi32, #tpu.memory_space<vmem>>
    %dma_wait3A_1444 = tpu.memref_squeeze %dma_wait3A_1443 : memref<1x128xi32, #tpu.memory_space<vmem>> -> memref<128xi32, #tpu.memory_space<vmem>>
    %dma_wait3A_1445 = arith.constant 0 : i32
    %dma_wait3A_1446 = tpu.memref_slice %arg14[%dma_wait3A_1440, %dma_wait3A_1445] : memref<8x128xi32, #tpu.memory_space<vmem>> -> memref<1x128xi32, #tpu.memory_space<vmem>>
    %dma_wait3A_1447 = tpu.memref_squeeze %dma_wait3A_1446 : memref<1x128xi32, #tpu.memory_space<vmem>> -> memref<128xi32, #tpu.memory_space<vmem>>
    %dma_wait3A_1448 = arith.constant 0 : i32
    %dma_wait3A_1449 = tpu.memref_slice %arg3[%dma_wait3A_1448] : memref<65536xi32, #tpu.memory_space<hbm>> -> memref<65536xi32, #tpu.memory_space<hbm>>
    tpu.wait_indirect_dma semaphore(%arg20 : memref<!tpu.dma_semaphore, #tpu.memory_space<semaphore_mem>>) src(%dma_wait3A_1449 : memref<65536xi32, #tpu.memory_space<hbm>>) dst(%dma_wait3A_1444 : memref<128xi32, #tpu.memory_space<vmem>>)
    %dma_start3A_1450 = arith.constant 0 : i32
    %dma_start3A_1451 = arith.constant 0 : i32
    %dma_start3A_1452 = arith.constant 0 : i32
    %dma_start3A_1453 = tpu.memref_slice %arg16[%dma_start3A_1451, %dma_start3A_1452] : memref<1024x32xf32, #tpu.memory_space<vmem>> -> memref<128x32xf32, #tpu.memory_space<vmem>>
    %dma_start3A_1454 = arith.constant 0 : i32
    %dma_start3A_1455 = tpu.memref_slice %arg15[%dma_start3A_1450, %dma_start3A_1454] : memref<8x128xi32, #tpu.memory_space<vmem>> -> memref<1x128xi32, #tpu.memory_space<vmem>>
    %dma_start3A_1456 = tpu.memref_squeeze %dma_start3A_1455 : memref<1x128xi32, #tpu.memory_space<vmem>> -> memref<128xi32, #tpu.memory_space<vmem>>
    %dma_start3A_1457 = arith.constant 0 : i32
    %dma_start3A_1458 = arith.constant 0 : i32
    %dma_start3A_1459 = tpu.memref_slice %arg2[%dma_start3A_1457, %dma_start3A_1458] : memref<1000000x32xf32, #tpu.memory_space<hbm>> -> memref<1000000x32xf32, #tpu.memory_space<hbm>>
    tpu.enqueue_indirect_dma source(%dma_start3A_1459 : memref<1000000x32xf32, #tpu.memory_space<hbm>>) target(%dma_start3A_1453 : memref<128x32xf32, #tpu.memory_space<vmem>>) offsets(%dma_start3A_1456 : memref<128xi32, #tpu.memory_space<vmem>>) semaphore(%arg18 : memref<!tpu.dma_semaphore, #tpu.memory_space<semaphore_mem>>)
    %dma_start3A_1460 = arith.constant 1 : i32
    %dma_start3A_1461 = arith.constant 128 : i32
    %dma_start3A_1462 = arith.constant 0 : i32
    %dma_start3A_1463 = tpu.memref_slice %arg16[%dma_start3A_1461, %dma_start3A_1462] : memref<1024x32xf32, #tpu.memory_space<vmem>> -> memref<128x32xf32, #tpu.memory_space<vmem>>
    %dma_start3A_1464 = arith.constant 0 : i32
    %dma_start3A_1465 = tpu.memref_slice %arg15[%dma_start3A_1460, %dma_start3A_1464] : memref<8x128xi32, #tpu.memory_space<vmem>> -> memref<1x128xi32, #tpu.memory_space<vmem>>
    %dma_start3A_1466 = tpu.memref_squeeze %dma_start3A_1465 : memref<1x128xi32, #tpu.memory_space<vmem>> -> memref<128xi32, #tpu.memory_space<vmem>>
    %dma_start3A_1467 = arith.constant 0 : i32
    %dma_start3A_1468 = arith.constant 0 : i32
    %dma_start3A_1469 = tpu.memref_slice %arg2[%dma_start3A_1467, %dma_start3A_1468] : memref<1000000x32xf32, #tpu.memory_space<hbm>> -> memref<1000000x32xf32, #tpu.memory_space<hbm>>
    tpu.enqueue_indirect_dma source(%dma_start3A_1469 : memref<1000000x32xf32, #tpu.memory_space<hbm>>) target(%dma_start3A_1463 : memref<128x32xf32, #tpu.memory_space<vmem>>) offsets(%dma_start3A_1466 : memref<128xi32, #tpu.memory_space<vmem>>) semaphore(%arg18 : memref<!tpu.dma_semaphore, #tpu.memory_space<semaphore_mem>>)
    %dma_start3A_1470 = arith.constant 2 : i32
    %dma_start3A_1471 = arith.constant 256 : i32
    %dma_start3A_1472 = arith.constant 0 : i32
    %dma_start3A_1473 = tpu.memref_slice %arg16[%dma_start3A_1471, %dma_start3A_1472] : memref<1024x32xf32, #tpu.memory_space<vmem>> -> memref<128x32xf32, #tpu.memory_space<vmem>>
    %dma_start3A_1474 = arith.constant 0 : i32
    %dma_start3A_1475 = tpu.memref_slice %arg15[%dma_start3A_1470, %dma_start3A_1474] : memref<8x128xi32, #tpu.memory_space<vmem>> -> memref<1x128xi32, #tpu.memory_space<vmem>>
    %dma_start3A_1476 = tpu.memref_squeeze %dma_start3A_1475 : memref<1x128xi32, #tpu.memory_space<vmem>> -> memref<128xi32, #tpu.memory_space<vmem>>
    %dma_start3A_1477 = arith.constant 0 : i32
    %dma_start3A_1478 = arith.constant 0 : i32
    %dma_start3A_1479 = tpu.memref_slice %arg2[%dma_start3A_1477, %dma_start3A_1478] : memref<1000000x32xf32, #tpu.memory_space<hbm>> -> memref<1000000x32xf32, #tpu.memory_space<hbm>>
    tpu.enqueue_indirect_dma source(%dma_start3A_1479 : memref<1000000x32xf32, #tpu.memory_space<hbm>>) target(%dma_start3A_1473 : memref<128x32xf32, #tpu.memory_space<vmem>>) offsets(%dma_start3A_1476 : memref<128xi32, #tpu.memory_space<vmem>>) semaphore(%arg18 : memref<!tpu.dma_semaphore, #tpu.memory_space<semaphore_mem>>)
    %dma_start3A_1480 = arith.constant 3 : i32
    %dma_start3A_1481 = arith.constant 384 : i32
    %dma_start3A_1482 = arith.constant 0 : i32
    %dma_start3A_1483 = tpu.memref_slice %arg16[%dma_start3A_1481, %dma_start3A_1482] : memref<1024x32xf32, #tpu.memory_space<vmem>> -> memref<128x32xf32, #tpu.memory_space<vmem>>
    %dma_start3A_1484 = arith.constant 0 : i32
    %dma_start3A_1485 = tpu.memref_slice %arg15[%dma_start3A_1480, %dma_start3A_1484] : memref<8x128xi32, #tpu.memory_space<vmem>> -> memref<1x128xi32, #tpu.memory_space<vmem>>
    %dma_start3A_1486 = tpu.memref_squeeze %dma_start3A_1485 : memref<1x128xi32, #tpu.memory_space<vmem>> -> memref<128xi32, #tpu.memory_space<vmem>>
    %dma_start3A_1487 = arith.constant 0 : i32
    %dma_start3A_1488 = arith.constant 0 : i32
    %dma_start3A_1489 = tpu.memref_slice %arg2[%dma_start3A_1487, %dma_start3A_1488] : memref<1000000x32xf32, #tpu.memory_space<hbm>> -> memref<1000000x32xf32, #tpu.memory_space<hbm>>
    tpu.enqueue_indirect_dma source(%dma_start3A_1489 : memref<1000000x32xf32, #tpu.memory_space<hbm>>) target(%dma_start3A_1483 : memref<128x32xf32, #tpu.memory_space<vmem>>) offsets(%dma_start3A_1486 : memref<128xi32, #tpu.memory_space<vmem>>) semaphore(%arg18 : memref<!tpu.dma_semaphore, #tpu.memory_space<semaphore_mem>>)
    %dma_start3A_1490 = arith.constant 4 : i32
    %dma_start3A_1491 = arith.constant 512 : i32
    %dma_start3A_1492 = arith.constant 0 : i32
    %dma_start3A_1493 = tpu.memref_slice %arg16[%dma_start3A_1491, %dma_start3A_1492] : memref<1024x32xf32, #tpu.memory_space<vmem>> -> memref<128x32xf32, #tpu.memory_space<vmem>>
    %dma_start3A_1494 = arith.constant 0 : i32
    %dma_start3A_1495 = tpu.memref_slice %arg15[%dma_start3A_1490, %dma_start3A_1494] : memref<8x128xi32, #tpu.memory_space<vmem>> -> memref<1x128xi32, #tpu.memory_space<vmem>>
    %dma_start3A_1496 = tpu.memref_squeeze %dma_start3A_1495 : memref<1x128xi32, #tpu.memory_space<vmem>> -> memref<128xi32, #tpu.memory_space<vmem>>
    %dma_start3A_1497 = arith.constant 0 : i32
    %dma_start3A_1498 = arith.constant 0 : i32
    %dma_start3A_1499 = tpu.memref_slice %arg2[%dma_start3A_1497, %dma_start3A_1498] : memref<1000000x32xf32, #tpu.memory_space<hbm>> -> memref<1000000x32xf32, #tpu.memory_space<hbm>>
    tpu.enqueue_indirect_dma source(%dma_start3A_1499 : memref<1000000x32xf32, #tpu.memory_space<hbm>>) target(%dma_start3A_1493 : memref<128x32xf32, #tpu.memory_space<vmem>>) offsets(%dma_start3A_1496 : memref<128xi32, #tpu.memory_space<vmem>>) semaphore(%arg18 : memref<!tpu.dma_semaphore, #tpu.memory_space<semaphore_mem>>)
    %dma_start3A_1500 = arith.constant 5 : i32
    %dma_start3A_1501 = arith.constant 640 : i32
    %dma_start3A_1502 = arith.constant 0 : i32
    %dma_start3A_1503 = tpu.memref_slice %arg16[%dma_start3A_1501, %dma_start3A_1502] : memref<1024x32xf32, #tpu.memory_space<vmem>> -> memref<128x32xf32, #tpu.memory_space<vmem>>
    %dma_start3A_1504 = arith.constant 0 : i32
    %dma_start3A_1505 = tpu.memref_slice %arg15[%dma_start3A_1500, %dma_start3A_1504] : memref<8x128xi32, #tpu.memory_space<vmem>> -> memref<1x128xi32, #tpu.memory_space<vmem>>
    %dma_start3A_1506 = tpu.memref_squeeze %dma_start3A_1505 : memref<1x128xi32, #tpu.memory_space<vmem>> -> memref<128xi32, #tpu.memory_space<vmem>>
    %dma_start3A_1507 = arith.constant 0 : i32
    %dma_start3A_1508 = arith.constant 0 : i32
    %dma_start3A_1509 = tpu.memref_slice %arg2[%dma_start3A_1507, %dma_start3A_1508] : memref<1000000x32xf32, #tpu.memory_space<hbm>> -> memref<1000000x32xf32, #tpu.memory_space<hbm>>
    tpu.enqueue_indirect_dma source(%dma_start3A_1509 : memref<1000000x32xf32, #tpu.memory_space<hbm>>) target(%dma_start3A_1503 : memref<128x32xf32, #tpu.memory_space<vmem>>) offsets(%dma_start3A_1506 : memref<128xi32, #tpu.memory_space<vmem>>) semaphore(%arg18 : memref<!tpu.dma_semaphore, #tpu.memory_space<semaphore_mem>>)
    %dma_start3A_1510 = arith.constant 6 : i32
    %dma_start3A_1511 = arith.constant 768 : i32
    %dma_start3A_1512 = arith.constant 0 : i32
    %dma_start3A_1513 = tpu.memref_slice %arg16[%dma_start3A_1511, %dma_start3A_1512] : memref<1024x32xf32, #tpu.memory_space<vmem>> -> memref<128x32xf32, #tpu.memory_space<vmem>>
    %dma_start3A_1514 = arith.constant 0 : i32
    %dma_start3A_1515 = tpu.memref_slice %arg15[%dma_start3A_1510, %dma_start3A_1514] : memref<8x128xi32, #tpu.memory_space<vmem>> -> memref<1x128xi32, #tpu.memory_space<vmem>>
    %dma_start3A_1516 = tpu.memref_squeeze %dma_start3A_1515 : memref<1x128xi32, #tpu.memory_space<vmem>> -> memref<128xi32, #tpu.memory_space<vmem>>
    %dma_start3A_1517 = arith.constant 0 : i32
    %dma_start3A_1518 = arith.constant 0 : i32
    %dma_start3A_1519 = tpu.memref_slice %arg2[%dma_start3A_1517, %dma_start3A_1518] : memref<1000000x32xf32, #tpu.memory_space<hbm>> -> memref<1000000x32xf32, #tpu.memory_space<hbm>>
    tpu.enqueue_indirect_dma source(%dma_start3A_1519 : memref<1000000x32xf32, #tpu.memory_space<hbm>>) target(%dma_start3A_1513 : memref<128x32xf32, #tpu.memory_space<vmem>>) offsets(%dma_start3A_1516 : memref<128xi32, #tpu.memory_space<vmem>>) semaphore(%arg18 : memref<!tpu.dma_semaphore, #tpu.memory_space<semaphore_mem>>)
    %dma_start3A_1520 = arith.constant 7 : i32
    %dma_start3A_1521 = arith.constant 896 : i32
    %dma_start3A_1522 = arith.constant 0 : i32
    %dma_start3A_1523 = tpu.memref_slice %arg16[%dma_start3A_1521, %dma_start3A_1522] : memref<1024x32xf32, #tpu.memory_space<vmem>> -> memref<128x32xf32, #tpu.memory_space<vmem>>
    %dma_start3A_1524 = arith.constant 0 : i32
    %dma_start3A_1525 = tpu.memref_slice %arg15[%dma_start3A_1520, %dma_start3A_1524] : memref<8x128xi32, #tpu.memory_space<vmem>> -> memref<1x128xi32, #tpu.memory_space<vmem>>
    %dma_start3A_1526 = tpu.memref_squeeze %dma_start3A_1525 : memref<1x128xi32, #tpu.memory_space<vmem>> -> memref<128xi32, #tpu.memory_space<vmem>>
    %dma_start3A_1527 = arith.constant 0 : i32
    %dma_start3A_1528 = arith.constant 0 : i32
    %dma_start3A_1529 = tpu.memref_slice %arg2[%dma_start3A_1527, %dma_start3A_1528] : memref<1000000x32xf32, #tpu.memory_space<hbm>> -> memref<1000000x32xf32, #tpu.memory_space<hbm>>
    tpu.enqueue_indirect_dma source(%dma_start3A_1529 : memref<1000000x32xf32, #tpu.memory_space<hbm>>) target(%dma_start3A_1523 : memref<128x32xf32, #tpu.memory_space<vmem>>) offsets(%dma_start3A_1526 : memref<128xi32, #tpu.memory_space<vmem>>) semaphore(%arg18 : memref<!tpu.dma_semaphore, #tpu.memory_space<semaphore_mem>>)
    %dma_wait3A_1530 = arith.constant 0 : i32
    %dma_wait3A_1531 = arith.constant 0 : i32
    %dma_wait3A_1532 = arith.constant 0 : i32
    %dma_wait3A_1533 = tpu.memref_slice %arg17[%dma_wait3A_1531, %dma_wait3A_1532] : memref<4x1024xf32, #tpu.memory_space<vmem>> -> memref<1x128xf32, #tpu.memory_space<vmem>>
    %dma_wait3A_1534 = tpu.memref_squeeze %dma_wait3A_1533 : memref<1x128xf32, #tpu.memory_space<vmem>> -> memref<128xf32, #tpu.memory_space<vmem>>
    %dma_wait3A_1535 = arith.constant 0 : i32
    %dma_wait3A_1536 = tpu.memref_slice %arg14[%dma_wait3A_1530, %dma_wait3A_1535] : memref<8x128xi32, #tpu.memory_space<vmem>> -> memref<1x128xi32, #tpu.memory_space<vmem>>
    %dma_wait3A_1537 = tpu.memref_squeeze %dma_wait3A_1536 : memref<1x128xi32, #tpu.memory_space<vmem>> -> memref<128xi32, #tpu.memory_space<vmem>>
    %dma_wait3A_1538 = arith.constant 0 : i32
    %dma_wait3A_1539 = tpu.memref_slice %arg4[%dma_wait3A_1538] : memref<65536xf32, #tpu.memory_space<hbm>> -> memref<65536xf32, #tpu.memory_space<hbm>>
    tpu.wait_indirect_dma semaphore(%arg19 : memref<!tpu.dma_semaphore, #tpu.memory_space<semaphore_mem>>) src(%dma_wait3A_1539 : memref<65536xf32, #tpu.memory_space<hbm>>) dst(%dma_wait3A_1534 : memref<128xf32, #tpu.memory_space<vmem>>)
    %dma_wait3A_1540 = arith.constant 1 : i32
    %dma_wait3A_1541 = arith.constant 0 : i32
    %dma_wait3A_1542 = arith.constant 128 : i32
    %dma_wait3A_1543 = tpu.memref_slice %arg17[%dma_wait3A_1541, %dma_wait3A_1542] : memref<4x1024xf32, #tpu.memory_space<vmem>> -> memref<1x128xf32, #tpu.memory_space<vmem>>
    %dma_wait3A_1544 = tpu.memref_squeeze %dma_wait3A_1543 : memref<1x128xf32, #tpu.memory_space<vmem>> -> memref<128xf32, #tpu.memory_space<vmem>>
    %dma_wait3A_1545 = arith.constant 0 : i32
    %dma_wait3A_1546 = tpu.memref_slice %arg14[%dma_wait3A_1540, %dma_wait3A_1545] : memref<8x128xi32, #tpu.memory_space<vmem>> -> memref<1x128xi32, #tpu.memory_space<vmem>>
    %dma_wait3A_1547 = tpu.memref_squeeze %dma_wait3A_1546 : memref<1x128xi32, #tpu.memory_space<vmem>> -> memref<128xi32, #tpu.memory_space<vmem>>
    %dma_wait3A_1548 = arith.constant 0 : i32
    %dma_wait3A_1549 = tpu.memref_slice %arg4[%dma_wait3A_1548] : memref<65536xf32, #tpu.memory_space<hbm>> -> memref<65536xf32, #tpu.memory_space<hbm>>
    tpu.wait_indirect_dma semaphore(%arg19 : memref<!tpu.dma_semaphore, #tpu.memory_space<semaphore_mem>>) src(%dma_wait3A_1549 : memref<65536xf32, #tpu.memory_space<hbm>>) dst(%dma_wait3A_1544 : memref<128xf32, #tpu.memory_space<vmem>>)
    %dma_wait3A_1550 = arith.constant 2 : i32
    %dma_wait3A_1551 = arith.constant 0 : i32
    %dma_wait3A_1552 = arith.constant 256 : i32
    %dma_wait3A_1553 = tpu.memref_slice %arg17[%dma_wait3A_1551, %dma_wait3A_1552] : memref<4x1024xf32, #tpu.memory_space<vmem>> -> memref<1x128xf32, #tpu.memory_space<vmem>>
    %dma_wait3A_1554 = tpu.memref_squeeze %dma_wait3A_1553 : memref<1x128xf32, #tpu.memory_space<vmem>> -> memref<128xf32, #tpu.memory_space<vmem>>
    %dma_wait3A_1555 = arith.constant 0 : i32
    %dma_wait3A_1556 = tpu.memref_slice %arg14[%dma_wait3A_1550, %dma_wait3A_1555] : memref<8x128xi32, #tpu.memory_space<vmem>> -> memref<1x128xi32, #tpu.memory_space<vmem>>
    %dma_wait3A_1557 = tpu.memref_squeeze %dma_wait3A_1556 : memref<1x128xi32, #tpu.memory_space<vmem>> -> memref<128xi32, #tpu.memory_space<vmem>>
    %dma_wait3A_1558 = arith.constant 0 : i32
    %dma_wait3A_1559 = tpu.memref_slice %arg4[%dma_wait3A_1558] : memref<65536xf32, #tpu.memory_space<hbm>> -> memref<65536xf32, #tpu.memory_space<hbm>>
    tpu.wait_indirect_dma semaphore(%arg19 : memref<!tpu.dma_semaphore, #tpu.memory_space<semaphore_mem>>) src(%dma_wait3A_1559 : memref<65536xf32, #tpu.memory_space<hbm>>) dst(%dma_wait3A_1554 : memref<128xf32, #tpu.memory_space<vmem>>)
    %dma_wait3A_1560 = arith.constant 3 : i32
    %dma_wait3A_1561 = arith.constant 0 : i32
    %dma_wait3A_1562 = arith.constant 384 : i32
    %dma_wait3A_1563 = tpu.memref_slice %arg17[%dma_wait3A_1561, %dma_wait3A_1562] : memref<4x1024xf32, #tpu.memory_space<vmem>> -> memref<1x128xf32, #tpu.memory_space<vmem>>
    %dma_wait3A_1564 = tpu.memref_squeeze %dma_wait3A_1563 : memref<1x128xf32, #tpu.memory_space<vmem>> -> memref<128xf32, #tpu.memory_space<vmem>>
    %dma_wait3A_1565 = arith.constant 0 : i32
    %dma_wait3A_1566 = tpu.memref_slice %arg14[%dma_wait3A_1560, %dma_wait3A_1565] : memref<8x128xi32, #tpu.memory_space<vmem>> -> memref<1x128xi32, #tpu.memory_space<vmem>>
    %dma_wait3A_1567 = tpu.memref_squeeze %dma_wait3A_1566 : memref<1x128xi32, #tpu.memory_space<vmem>> -> memref<128xi32, #tpu.memory_space<vmem>>
    %dma_wait3A_1568 = arith.constant 0 : i32
    %dma_wait3A_1569 = tpu.memref_slice %arg4[%dma_wait3A_1568] : memref<65536xf32, #tpu.memory_space<hbm>> -> memref<65536xf32, #tpu.memory_space<hbm>>
    tpu.wait_indirect_dma semaphore(%arg19 : memref<!tpu.dma_semaphore, #tpu.memory_space<semaphore_mem>>) src(%dma_wait3A_1569 : memref<65536xf32, #tpu.memory_space<hbm>>) dst(%dma_wait3A_1564 : memref<128xf32, #tpu.memory_space<vmem>>)
    %dma_wait3A_1570 = arith.constant 4 : i32
    %dma_wait3A_1571 = arith.constant 0 : i32
    %dma_wait3A_1572 = arith.constant 512 : i32
    %dma_wait3A_1573 = tpu.memref_slice %arg17[%dma_wait3A_1571, %dma_wait3A_1572] : memref<4x1024xf32, #tpu.memory_space<vmem>> -> memref<1x128xf32, #tpu.memory_space<vmem>>
    %dma_wait3A_1574 = tpu.memref_squeeze %dma_wait3A_1573 : memref<1x128xf32, #tpu.memory_space<vmem>> -> memref<128xf32, #tpu.memory_space<vmem>>
    %dma_wait3A_1575 = arith.constant 0 : i32
    %dma_wait3A_1576 = tpu.memref_slice %arg14[%dma_wait3A_1570, %dma_wait3A_1575] : memref<8x128xi32, #tpu.memory_space<vmem>> -> memref<1x128xi32, #tpu.memory_space<vmem>>
    %dma_wait3A_1577 = tpu.memref_squeeze %dma_wait3A_1576 : memref<1x128xi32, #tpu.memory_space<vmem>> -> memref<128xi32, #tpu.memory_space<vmem>>
    %dma_wait3A_1578 = arith.constant 0 : i32
    %dma_wait3A_1579 = tpu.memref_slice %arg4[%dma_wait3A_1578] : memref<65536xf32, #tpu.memory_space<hbm>> -> memref<65536xf32, #tpu.memory_space<hbm>>
    tpu.wait_indirect_dma semaphore(%arg19 : memref<!tpu.dma_semaphore, #tpu.memory_space<semaphore_mem>>) src(%dma_wait3A_1579 : memref<65536xf32, #tpu.memory_space<hbm>>) dst(%dma_wait3A_1574 : memref<128xf32, #tpu.memory_space<vmem>>)
    %dma_wait3A_1580 = arith.constant 5 : i32
    %dma_wait3A_1581 = arith.constant 0 : i32
    %dma_wait3A_1582 = arith.constant 640 : i32
    %dma_wait3A_1583 = tpu.memref_slice %arg17[%dma_wait3A_1581, %dma_wait3A_1582] : memref<4x1024xf32, #tpu.memory_space<vmem>> -> memref<1x128xf32, #tpu.memory_space<vmem>>
    %dma_wait3A_1584 = tpu.memref_squeeze %dma_wait3A_1583 : memref<1x128xf32, #tpu.memory_space<vmem>> -> memref<128xf32, #tpu.memory_space<vmem>>
    %dma_wait3A_1585 = arith.constant 0 : i32
    %dma_wait3A_1586 = tpu.memref_slice %arg14[%dma_wait3A_1580, %dma_wait3A_1585] : memref<8x128xi32, #tpu.memory_space<vmem>> -> memref<1x128xi32, #tpu.memory_space<vmem>>
    %dma_wait3A_1587 = tpu.memref_squeeze %dma_wait3A_1586 : memref<1x128xi32, #tpu.memory_space<vmem>> -> memref<128xi32, #tpu.memory_space<vmem>>
    %dma_wait3A_1588 = arith.constant 0 : i32
    %dma_wait3A_1589 = tpu.memref_slice %arg4[%dma_wait3A_1588] : memref<65536xf32, #tpu.memory_space<hbm>> -> memref<65536xf32, #tpu.memory_space<hbm>>
    tpu.wait_indirect_dma semaphore(%arg19 : memref<!tpu.dma_semaphore, #tpu.memory_space<semaphore_mem>>) src(%dma_wait3A_1589 : memref<65536xf32, #tpu.memory_space<hbm>>) dst(%dma_wait3A_1584 : memref<128xf32, #tpu.memory_space<vmem>>)
    %dma_wait3A_1590 = arith.constant 6 : i32
    %dma_wait3A_1591 = arith.constant 0 : i32
    %dma_wait3A_1592 = arith.constant 768 : i32
    %dma_wait3A_1593 = tpu.memref_slice %arg17[%dma_wait3A_1591, %dma_wait3A_1592] : memref<4x1024xf32, #tpu.memory_space<vmem>> -> memref<1x128xf32, #tpu.memory_space<vmem>>
    %dma_wait3A_1594 = tpu.memref_squeeze %dma_wait3A_1593 : memref<1x128xf32, #tpu.memory_space<vmem>> -> memref<128xf32, #tpu.memory_space<vmem>>
    %dma_wait3A_1595 = arith.constant 0 : i32
    %dma_wait3A_1596 = tpu.memref_slice %arg14[%dma_wait3A_1590, %dma_wait3A_1595] : memref<8x128xi32, #tpu.memory_space<vmem>> -> memref<1x128xi32, #tpu.memory_space<vmem>>
    %dma_wait3A_1597 = tpu.memref_squeeze %dma_wait3A_1596 : memref<1x128xi32, #tpu.memory_space<vmem>> -> memref<128xi32, #tpu.memory_space<vmem>>
    %dma_wait3A_1598 = arith.constant 0 : i32
    %dma_wait3A_1599 = tpu.memref_slice %arg4[%dma_wait3A_1598] : memref<65536xf32, #tpu.memory_space<hbm>> -> memref<65536xf32, #tpu.memory_space<hbm>>
    tpu.wait_indirect_dma semaphore(%arg19 : memref<!tpu.dma_semaphore, #tpu.memory_space<semaphore_mem>>) src(%dma_wait3A_1599 : memref<65536xf32, #tpu.memory_space<hbm>>) dst(%dma_wait3A_1594 : memref<128xf32, #tpu.memory_space<vmem>>)
    %dma_wait3A_1600 = arith.constant 7 : i32
    %dma_wait3A_1601 = arith.constant 0 : i32
    %dma_wait3A_1602 = arith.constant 896 : i32
    %dma_wait3A_1603 = tpu.memref_slice %arg17[%dma_wait3A_1601, %dma_wait3A_1602] : memref<4x1024xf32, #tpu.memory_space<vmem>> -> memref<1x128xf32, #tpu.memory_space<vmem>>
    %dma_wait3A_1604 = tpu.memref_squeeze %dma_wait3A_1603 : memref<1x128xf32, #tpu.memory_space<vmem>> -> memref<128xf32, #tpu.memory_space<vmem>>
    %dma_wait3A_1605 = arith.constant 0 : i32
    %dma_wait3A_1606 = tpu.memref_slice %arg14[%dma_wait3A_1600, %dma_wait3A_1605] : memref<8x128xi32, #tpu.memory_space<vmem>> -> memref<1x128xi32, #tpu.memory_space<vmem>>
    %dma_wait3A_1607 = tpu.memref_squeeze %dma_wait3A_1606 : memref<1x128xi32, #tpu.memory_space<vmem>> -> memref<128xi32, #tpu.memory_space<vmem>>
    %dma_wait3A_1608 = arith.constant 0 : i32
    %dma_wait3A_1609 = tpu.memref_slice %arg4[%dma_wait3A_1608] : memref<65536xf32, #tpu.memory_space<hbm>> -> memref<65536xf32, #tpu.memory_space<hbm>>
    tpu.wait_indirect_dma semaphore(%arg19 : memref<!tpu.dma_semaphore, #tpu.memory_space<semaphore_mem>>) src(%dma_wait3A_1609 : memref<65536xf32, #tpu.memory_space<hbm>>) dst(%dma_wait3A_1604 : memref<128xf32, #tpu.memory_space<vmem>>)
    %dma_wait3A_1610 = arith.constant 0 : i32
    %dma_wait3A_1611 = arith.constant 1 : i32
    %dma_wait3A_1612 = arith.constant 0 : i32
    %dma_wait3A_1613 = tpu.memref_slice %arg17[%dma_wait3A_1611, %dma_wait3A_1612] : memref<4x1024xf32, #tpu.memory_space<vmem>> -> memref<1x128xf32, #tpu.memory_space<vmem>>
    %dma_wait3A_1614 = tpu.memref_squeeze %dma_wait3A_1613 : memref<1x128xf32, #tpu.memory_space<vmem>> -> memref<128xf32, #tpu.memory_space<vmem>>
    %dma_wait3A_1615 = arith.constant 0 : i32
    %dma_wait3A_1616 = tpu.memref_slice %arg14[%dma_wait3A_1610, %dma_wait3A_1615] : memref<8x128xi32, #tpu.memory_space<vmem>> -> memref<1x128xi32, #tpu.memory_space<vmem>>
    %dma_wait3A_1617 = tpu.memref_squeeze %dma_wait3A_1616 : memref<1x128xi32, #tpu.memory_space<vmem>> -> memref<128xi32, #tpu.memory_space<vmem>>
    %dma_wait3A_1618 = arith.constant 0 : i32
    %dma_wait3A_1619 = tpu.memref_slice %arg5[%dma_wait3A_1618] : memref<65536xf32, #tpu.memory_space<hbm>> -> memref<65536xf32, #tpu.memory_space<hbm>>
    tpu.wait_indirect_dma semaphore(%arg19 : memref<!tpu.dma_semaphore, #tpu.memory_space<semaphore_mem>>) src(%dma_wait3A_1619 : memref<65536xf32, #tpu.memory_space<hbm>>) dst(%dma_wait3A_1614 : memref<128xf32, #tpu.memory_space<vmem>>)
    %dma_wait3A_1620 = arith.constant 1 : i32
    %dma_wait3A_1621 = arith.constant 1 : i32
    %dma_wait3A_1622 = arith.constant 128 : i32
    %dma_wait3A_1623 = tpu.memref_slice %arg17[%dma_wait3A_1621, %dma_wait3A_1622] : memref<4x1024xf32, #tpu.memory_space<vmem>> -> memref<1x128xf32, #tpu.memory_space<vmem>>
    %dma_wait3A_1624 = tpu.memref_squeeze %dma_wait3A_1623 : memref<1x128xf32, #tpu.memory_space<vmem>> -> memref<128xf32, #tpu.memory_space<vmem>>
    %dma_wait3A_1625 = arith.constant 0 : i32
    %dma_wait3A_1626 = tpu.memref_slice %arg14[%dma_wait3A_1620, %dma_wait3A_1625] : memref<8x128xi32, #tpu.memory_space<vmem>> -> memref<1x128xi32, #tpu.memory_space<vmem>>
    %dma_wait3A_1627 = tpu.memref_squeeze %dma_wait3A_1626 : memref<1x128xi32, #tpu.memory_space<vmem>> -> memref<128xi32, #tpu.memory_space<vmem>>
    %dma_wait3A_1628 = arith.constant 0 : i32
    %dma_wait3A_1629 = tpu.memref_slice %arg5[%dma_wait3A_1628] : memref<65536xf32, #tpu.memory_space<hbm>> -> memref<65536xf32, #tpu.memory_space<hbm>>
    tpu.wait_indirect_dma semaphore(%arg19 : memref<!tpu.dma_semaphore, #tpu.memory_space<semaphore_mem>>) src(%dma_wait3A_1629 : memref<65536xf32, #tpu.memory_space<hbm>>) dst(%dma_wait3A_1624 : memref<128xf32, #tpu.memory_space<vmem>>)
    %dma_wait3A_1630 = arith.constant 2 : i32
    %dma_wait3A_1631 = arith.constant 1 : i32
    %dma_wait3A_1632 = arith.constant 256 : i32
    %dma_wait3A_1633 = tpu.memref_slice %arg17[%dma_wait3A_1631, %dma_wait3A_1632] : memref<4x1024xf32, #tpu.memory_space<vmem>> -> memref<1x128xf32, #tpu.memory_space<vmem>>
    %dma_wait3A_1634 = tpu.memref_squeeze %dma_wait3A_1633 : memref<1x128xf32, #tpu.memory_space<vmem>> -> memref<128xf32, #tpu.memory_space<vmem>>
    %dma_wait3A_1635 = arith.constant 0 : i32
    %dma_wait3A_1636 = tpu.memref_slice %arg14[%dma_wait3A_1630, %dma_wait3A_1635] : memref<8x128xi32, #tpu.memory_space<vmem>> -> memref<1x128xi32, #tpu.memory_space<vmem>>
    %dma_wait3A_1637 = tpu.memref_squeeze %dma_wait3A_1636 : memref<1x128xi32, #tpu.memory_space<vmem>> -> memref<128xi32, #tpu.memory_space<vmem>>
    %dma_wait3A_1638 = arith.constant 0 : i32
    %dma_wait3A_1639 = tpu.memref_slice %arg5[%dma_wait3A_1638] : memref<65536xf32, #tpu.memory_space<hbm>> -> memref<65536xf32, #tpu.memory_space<hbm>>
    tpu.wait_indirect_dma semaphore(%arg19 : memref<!tpu.dma_semaphore, #tpu.memory_space<semaphore_mem>>) src(%dma_wait3A_1639 : memref<65536xf32, #tpu.memory_space<hbm>>) dst(%dma_wait3A_1634 : memref<128xf32, #tpu.memory_space<vmem>>)
    %dma_wait3A_1640 = arith.constant 3 : i32
    %dma_wait3A_1641 = arith.constant 1 : i32
    %dma_wait3A_1642 = arith.constant 384 : i32
    %dma_wait3A_1643 = tpu.memref_slice %arg17[%dma_wait3A_1641, %dma_wait3A_1642] : memref<4x1024xf32, #tpu.memory_space<vmem>> -> memref<1x128xf32, #tpu.memory_space<vmem>>
    %dma_wait3A_1644 = tpu.memref_squeeze %dma_wait3A_1643 : memref<1x128xf32, #tpu.memory_space<vmem>> -> memref<128xf32, #tpu.memory_space<vmem>>
    %dma_wait3A_1645 = arith.constant 0 : i32
    %dma_wait3A_1646 = tpu.memref_slice %arg14[%dma_wait3A_1640, %dma_wait3A_1645] : memref<8x128xi32, #tpu.memory_space<vmem>> -> memref<1x128xi32, #tpu.memory_space<vmem>>
    %dma_wait3A_1647 = tpu.memref_squeeze %dma_wait3A_1646 : memref<1x128xi32, #tpu.memory_space<vmem>> -> memref<128xi32, #tpu.memory_space<vmem>>
    %dma_wait3A_1648 = arith.constant 0 : i32
    %dma_wait3A_1649 = tpu.memref_slice %arg5[%dma_wait3A_1648] : memref<65536xf32, #tpu.memory_space<hbm>> -> memref<65536xf32, #tpu.memory_space<hbm>>
    tpu.wait_indirect_dma semaphore(%arg19 : memref<!tpu.dma_semaphore, #tpu.memory_space<semaphore_mem>>) src(%dma_wait3A_1649 : memref<65536xf32, #tpu.memory_space<hbm>>) dst(%dma_wait3A_1644 : memref<128xf32, #tpu.memory_space<vmem>>)
    %dma_wait3A_1650 = arith.constant 4 : i32
    %dma_wait3A_1651 = arith.constant 1 : i32
    %dma_wait3A_1652 = arith.constant 512 : i32
    %dma_wait3A_1653 = tpu.memref_slice %arg17[%dma_wait3A_1651, %dma_wait3A_1652] : memref<4x1024xf32, #tpu.memory_space<vmem>> -> memref<1x128xf32, #tpu.memory_space<vmem>>
    %dma_wait3A_1654 = tpu.memref_squeeze %dma_wait3A_1653 : memref<1x128xf32, #tpu.memory_space<vmem>> -> memref<128xf32, #tpu.memory_space<vmem>>
    %dma_wait3A_1655 = arith.constant 0 : i32
    %dma_wait3A_1656 = tpu.memref_slice %arg14[%dma_wait3A_1650, %dma_wait3A_1655] : memref<8x128xi32, #tpu.memory_space<vmem>> -> memref<1x128xi32, #tpu.memory_space<vmem>>
    %dma_wait3A_1657 = tpu.memref_squeeze %dma_wait3A_1656 : memref<1x128xi32, #tpu.memory_space<vmem>> -> memref<128xi32, #tpu.memory_space<vmem>>
    %dma_wait3A_1658 = arith.constant 0 : i32
    %dma_wait3A_1659 = tpu.memref_slice %arg5[%dma_wait3A_1658] : memref<65536xf32, #tpu.memory_space<hbm>> -> memref<65536xf32, #tpu.memory_space<hbm>>
    tpu.wait_indirect_dma semaphore(%arg19 : memref<!tpu.dma_semaphore, #tpu.memory_space<semaphore_mem>>) src(%dma_wait3A_1659 : memref<65536xf32, #tpu.memory_space<hbm>>) dst(%dma_wait3A_1654 : memref<128xf32, #tpu.memory_space<vmem>>)
    %dma_wait3A_1660 = arith.constant 5 : i32
    %dma_wait3A_1661 = arith.constant 1 : i32
    %dma_wait3A_1662 = arith.constant 640 : i32
    %dma_wait3A_1663 = tpu.memref_slice %arg17[%dma_wait3A_1661, %dma_wait3A_1662] : memref<4x1024xf32, #tpu.memory_space<vmem>> -> memref<1x128xf32, #tpu.memory_space<vmem>>
    %dma_wait3A_1664 = tpu.memref_squeeze %dma_wait3A_1663 : memref<1x128xf32, #tpu.memory_space<vmem>> -> memref<128xf32, #tpu.memory_space<vmem>>
    %dma_wait3A_1665 = arith.constant 0 : i32
    %dma_wait3A_1666 = tpu.memref_slice %arg14[%dma_wait3A_1660, %dma_wait3A_1665] : memref<8x128xi32, #tpu.memory_space<vmem>> -> memref<1x128xi32, #tpu.memory_space<vmem>>
    %dma_wait3A_1667 = tpu.memref_squeeze %dma_wait3A_1666 : memref<1x128xi32, #tpu.memory_space<vmem>> -> memref<128xi32, #tpu.memory_space<vmem>>
    %dma_wait3A_1668 = arith.constant 0 : i32
    %dma_wait3A_1669 = tpu.memref_slice %arg5[%dma_wait3A_1668] : memref<65536xf32, #tpu.memory_space<hbm>> -> memref<65536xf32, #tpu.memory_space<hbm>>
    tpu.wait_indirect_dma semaphore(%arg19 : memref<!tpu.dma_semaphore, #tpu.memory_space<semaphore_mem>>) src(%dma_wait3A_1669 : memref<65536xf32, #tpu.memory_space<hbm>>) dst(%dma_wait3A_1664 : memref<128xf32, #tpu.memory_space<vmem>>)
    %dma_wait3A_1670 = arith.constant 6 : i32
    %dma_wait3A_1671 = arith.constant 1 : i32
    %dma_wait3A_1672 = arith.constant 768 : i32
    %dma_wait3A_1673 = tpu.memref_slice %arg17[%dma_wait3A_1671, %dma_wait3A_1672] : memref<4x1024xf32, #tpu.memory_space<vmem>> -> memref<1x128xf32, #tpu.memory_space<vmem>>
    %dma_wait3A_1674 = tpu.memref_squeeze %dma_wait3A_1673 : memref<1x128xf32, #tpu.memory_space<vmem>> -> memref<128xf32, #tpu.memory_space<vmem>>
    %dma_wait3A_1675 = arith.constant 0 : i32
    %dma_wait3A_1676 = tpu.memref_slice %arg14[%dma_wait3A_1670, %dma_wait3A_1675] : memref<8x128xi32, #tpu.memory_space<vmem>> -> memref<1x128xi32, #tpu.memory_space<vmem>>
    %dma_wait3A_1677 = tpu.memref_squeeze %dma_wait3A_1676 : memref<1x128xi32, #tpu.memory_space<vmem>> -> memref<128xi32, #tpu.memory_space<vmem>>
    %dma_wait3A_1678 = arith.constant 0 : i32
    %dma_wait3A_1679 = tpu.memref_slice %arg5[%dma_wait3A_1678] : memref<65536xf32, #tpu.memory_space<hbm>> -> memref<65536xf32, #tpu.memory_space<hbm>>
    tpu.wait_indirect_dma semaphore(%arg19 : memref<!tpu.dma_semaphore, #tpu.memory_space<semaphore_mem>>) src(%dma_wait3A_1679 : memref<65536xf32, #tpu.memory_space<hbm>>) dst(%dma_wait3A_1674 : memref<128xf32, #tpu.memory_space<vmem>>)
    %dma_wait3A_1680 = arith.constant 7 : i32
    %dma_wait3A_1681 = arith.constant 1 : i32
    %dma_wait3A_1682 = arith.constant 896 : i32
    %dma_wait3A_1683 = tpu.memref_slice %arg17[%dma_wait3A_1681, %dma_wait3A_1682] : memref<4x1024xf32, #tpu.memory_space<vmem>> -> memref<1x128xf32, #tpu.memory_space<vmem>>
    %dma_wait3A_1684 = tpu.memref_squeeze %dma_wait3A_1683 : memref<1x128xf32, #tpu.memory_space<vmem>> -> memref<128xf32, #tpu.memory_space<vmem>>
    %dma_wait3A_1685 = arith.constant 0 : i32
    %dma_wait3A_1686 = tpu.memref_slice %arg14[%dma_wait3A_1680, %dma_wait3A_1685] : memref<8x128xi32, #tpu.memory_space<vmem>> -> memref<1x128xi32, #tpu.memory_space<vmem>>
    %dma_wait3A_1687 = tpu.memref_squeeze %dma_wait3A_1686 : memref<1x128xi32, #tpu.memory_space<vmem>> -> memref<128xi32, #tpu.memory_space<vmem>>
    %dma_wait3A_1688 = arith.constant 0 : i32
    %dma_wait3A_1689 = tpu.memref_slice %arg5[%dma_wait3A_1688] : memref<65536xf32, #tpu.memory_space<hbm>> -> memref<65536xf32, #tpu.memory_space<hbm>>
    tpu.wait_indirect_dma semaphore(%arg19 : memref<!tpu.dma_semaphore, #tpu.memory_space<semaphore_mem>>) src(%dma_wait3A_1689 : memref<65536xf32, #tpu.memory_space<hbm>>) dst(%dma_wait3A_1684 : memref<128xf32, #tpu.memory_space<vmem>>)
    %dma_wait3A_1690 = arith.constant 0 : i32
    %dma_wait3A_1691 = arith.constant 2 : i32
    %dma_wait3A_1692 = arith.constant 0 : i32
    %dma_wait3A_1693 = tpu.memref_slice %arg17[%dma_wait3A_1691, %dma_wait3A_1692] : memref<4x1024xf32, #tpu.memory_space<vmem>> -> memref<1x128xf32, #tpu.memory_space<vmem>>
    %dma_wait3A_1694 = tpu.memref_squeeze %dma_wait3A_1693 : memref<1x128xf32, #tpu.memory_space<vmem>> -> memref<128xf32, #tpu.memory_space<vmem>>
    %dma_wait3A_1695 = arith.constant 0 : i32
    %dma_wait3A_1696 = tpu.memref_slice %arg14[%dma_wait3A_1690, %dma_wait3A_1695] : memref<8x128xi32, #tpu.memory_space<vmem>> -> memref<1x128xi32, #tpu.memory_space<vmem>>
    %dma_wait3A_1697 = tpu.memref_squeeze %dma_wait3A_1696 : memref<1x128xi32, #tpu.memory_space<vmem>> -> memref<128xi32, #tpu.memory_space<vmem>>
    %dma_wait3A_1698 = arith.constant 0 : i32
    %dma_wait3A_1699 = tpu.memref_slice %arg6[%dma_wait3A_1698] : memref<65536xf32, #tpu.memory_space<hbm>> -> memref<65536xf32, #tpu.memory_space<hbm>>
    tpu.wait_indirect_dma semaphore(%arg19 : memref<!tpu.dma_semaphore, #tpu.memory_space<semaphore_mem>>) src(%dma_wait3A_1699 : memref<65536xf32, #tpu.memory_space<hbm>>) dst(%dma_wait3A_1694 : memref<128xf32, #tpu.memory_space<vmem>>)
    %dma_wait3A_1700 = arith.constant 1 : i32
    %dma_wait3A_1701 = arith.constant 2 : i32
    %dma_wait3A_1702 = arith.constant 128 : i32
    %dma_wait3A_1703 = tpu.memref_slice %arg17[%dma_wait3A_1701, %dma_wait3A_1702] : memref<4x1024xf32, #tpu.memory_space<vmem>> -> memref<1x128xf32, #tpu.memory_space<vmem>>
    %dma_wait3A_1704 = tpu.memref_squeeze %dma_wait3A_1703 : memref<1x128xf32, #tpu.memory_space<vmem>> -> memref<128xf32, #tpu.memory_space<vmem>>
    %dma_wait3A_1705 = arith.constant 0 : i32
    %dma_wait3A_1706 = tpu.memref_slice %arg14[%dma_wait3A_1700, %dma_wait3A_1705] : memref<8x128xi32, #tpu.memory_space<vmem>> -> memref<1x128xi32, #tpu.memory_space<vmem>>
    %dma_wait3A_1707 = tpu.memref_squeeze %dma_wait3A_1706 : memref<1x128xi32, #tpu.memory_space<vmem>> -> memref<128xi32, #tpu.memory_space<vmem>>
    %dma_wait3A_1708 = arith.constant 0 : i32
    %dma_wait3A_1709 = tpu.memref_slice %arg6[%dma_wait3A_1708] : memref<65536xf32, #tpu.memory_space<hbm>> -> memref<65536xf32, #tpu.memory_space<hbm>>
    tpu.wait_indirect_dma semaphore(%arg19 : memref<!tpu.dma_semaphore, #tpu.memory_space<semaphore_mem>>) src(%dma_wait3A_1709 : memref<65536xf32, #tpu.memory_space<hbm>>) dst(%dma_wait3A_1704 : memref<128xf32, #tpu.memory_space<vmem>>)
    %dma_wait3A_1710 = arith.constant 2 : i32
    %dma_wait3A_1711 = arith.constant 2 : i32
    %dma_wait3A_1712 = arith.constant 256 : i32
    %dma_wait3A_1713 = tpu.memref_slice %arg17[%dma_wait3A_1711, %dma_wait3A_1712] : memref<4x1024xf32, #tpu.memory_space<vmem>> -> memref<1x128xf32, #tpu.memory_space<vmem>>
    %dma_wait3A_1714 = tpu.memref_squeeze %dma_wait3A_1713 : memref<1x128xf32, #tpu.memory_space<vmem>> -> memref<128xf32, #tpu.memory_space<vmem>>
    %dma_wait3A_1715 = arith.constant 0 : i32
    %dma_wait3A_1716 = tpu.memref_slice %arg14[%dma_wait3A_1710, %dma_wait3A_1715] : memref<8x128xi32, #tpu.memory_space<vmem>> -> memref<1x128xi32, #tpu.memory_space<vmem>>
    %dma_wait3A_1717 = tpu.memref_squeeze %dma_wait3A_1716 : memref<1x128xi32, #tpu.memory_space<vmem>> -> memref<128xi32, #tpu.memory_space<vmem>>
    %dma_wait3A_1718 = arith.constant 0 : i32
    %dma_wait3A_1719 = tpu.memref_slice %arg6[%dma_wait3A_1718] : memref<65536xf32, #tpu.memory_space<hbm>> -> memref<65536xf32, #tpu.memory_space<hbm>>
    tpu.wait_indirect_dma semaphore(%arg19 : memref<!tpu.dma_semaphore, #tpu.memory_space<semaphore_mem>>) src(%dma_wait3A_1719 : memref<65536xf32, #tpu.memory_space<hbm>>) dst(%dma_wait3A_1714 : memref<128xf32, #tpu.memory_space<vmem>>)
    %dma_wait3A_1720 = arith.constant 3 : i32
    %dma_wait3A_1721 = arith.constant 2 : i32
    %dma_wait3A_1722 = arith.constant 384 : i32
    %dma_wait3A_1723 = tpu.memref_slice %arg17[%dma_wait3A_1721, %dma_wait3A_1722] : memref<4x1024xf32, #tpu.memory_space<vmem>> -> memref<1x128xf32, #tpu.memory_space<vmem>>
    %dma_wait3A_1724 = tpu.memref_squeeze %dma_wait3A_1723 : memref<1x128xf32, #tpu.memory_space<vmem>> -> memref<128xf32, #tpu.memory_space<vmem>>
    %dma_wait3A_1725 = arith.constant 0 : i32
    %dma_wait3A_1726 = tpu.memref_slice %arg14[%dma_wait3A_1720, %dma_wait3A_1725] : memref<8x128xi32, #tpu.memory_space<vmem>> -> memref<1x128xi32, #tpu.memory_space<vmem>>
    %dma_wait3A_1727 = tpu.memref_squeeze %dma_wait3A_1726 : memref<1x128xi32, #tpu.memory_space<vmem>> -> memref<128xi32, #tpu.memory_space<vmem>>
    %dma_wait3A_1728 = arith.constant 0 : i32
    %dma_wait3A_1729 = tpu.memref_slice %arg6[%dma_wait3A_1728] : memref<65536xf32, #tpu.memory_space<hbm>> -> memref<65536xf32, #tpu.memory_space<hbm>>
    tpu.wait_indirect_dma semaphore(%arg19 : memref<!tpu.dma_semaphore, #tpu.memory_space<semaphore_mem>>) src(%dma_wait3A_1729 : memref<65536xf32, #tpu.memory_space<hbm>>) dst(%dma_wait3A_1724 : memref<128xf32, #tpu.memory_space<vmem>>)
    %dma_wait3A_1730 = arith.constant 4 : i32
    %dma_wait3A_1731 = arith.constant 2 : i32
    %dma_wait3A_1732 = arith.constant 512 : i32
    %dma_wait3A_1733 = tpu.memref_slice %arg17[%dma_wait3A_1731, %dma_wait3A_1732] : memref<4x1024xf32, #tpu.memory_space<vmem>> -> memref<1x128xf32, #tpu.memory_space<vmem>>
    %dma_wait3A_1734 = tpu.memref_squeeze %dma_wait3A_1733 : memref<1x128xf32, #tpu.memory_space<vmem>> -> memref<128xf32, #tpu.memory_space<vmem>>
    %dma_wait3A_1735 = arith.constant 0 : i32
    %dma_wait3A_1736 = tpu.memref_slice %arg14[%dma_wait3A_1730, %dma_wait3A_1735] : memref<8x128xi32, #tpu.memory_space<vmem>> -> memref<1x128xi32, #tpu.memory_space<vmem>>
    %dma_wait3A_1737 = tpu.memref_squeeze %dma_wait3A_1736 : memref<1x128xi32, #tpu.memory_space<vmem>> -> memref<128xi32, #tpu.memory_space<vmem>>
    %dma_wait3A_1738 = arith.constant 0 : i32
    %dma_wait3A_1739 = tpu.memref_slice %arg6[%dma_wait3A_1738] : memref<65536xf32, #tpu.memory_space<hbm>> -> memref<65536xf32, #tpu.memory_space<hbm>>
    tpu.wait_indirect_dma semaphore(%arg19 : memref<!tpu.dma_semaphore, #tpu.memory_space<semaphore_mem>>) src(%dma_wait3A_1739 : memref<65536xf32, #tpu.memory_space<hbm>>) dst(%dma_wait3A_1734 : memref<128xf32, #tpu.memory_space<vmem>>)
    %dma_wait3A_1740 = arith.constant 5 : i32
    %dma_wait3A_1741 = arith.constant 2 : i32
    %dma_wait3A_1742 = arith.constant 640 : i32
    %dma_wait3A_1743 = tpu.memref_slice %arg17[%dma_wait3A_1741, %dma_wait3A_1742] : memref<4x1024xf32, #tpu.memory_space<vmem>> -> memref<1x128xf32, #tpu.memory_space<vmem>>
    %dma_wait3A_1744 = tpu.memref_squeeze %dma_wait3A_1743 : memref<1x128xf32, #tpu.memory_space<vmem>> -> memref<128xf32, #tpu.memory_space<vmem>>
    %dma_wait3A_1745 = arith.constant 0 : i32
    %dma_wait3A_1746 = tpu.memref_slice %arg14[%dma_wait3A_1740, %dma_wait3A_1745] : memref<8x128xi32, #tpu.memory_space<vmem>> -> memref<1x128xi32, #tpu.memory_space<vmem>>
    %dma_wait3A_1747 = tpu.memref_squeeze %dma_wait3A_1746 : memref<1x128xi32, #tpu.memory_space<vmem>> -> memref<128xi32, #tpu.memory_space<vmem>>
    %dma_wait3A_1748 = arith.constant 0 : i32
    %dma_wait3A_1749 = tpu.memref_slice %arg6[%dma_wait3A_1748] : memref<65536xf32, #tpu.memory_space<hbm>> -> memref<65536xf32, #tpu.memory_space<hbm>>
    tpu.wait_indirect_dma semaphore(%arg19 : memref<!tpu.dma_semaphore, #tpu.memory_space<semaphore_mem>>) src(%dma_wait3A_1749 : memref<65536xf32, #tpu.memory_space<hbm>>) dst(%dma_wait3A_1744 : memref<128xf32, #tpu.memory_space<vmem>>)
    %dma_wait3A_1750 = arith.constant 6 : i32
    %dma_wait3A_1751 = arith.constant 2 : i32
    %dma_wait3A_1752 = arith.constant 768 : i32
    %dma_wait3A_1753 = tpu.memref_slice %arg17[%dma_wait3A_1751, %dma_wait3A_1752] : memref<4x1024xf32, #tpu.memory_space<vmem>> -> memref<1x128xf32, #tpu.memory_space<vmem>>
    %dma_wait3A_1754 = tpu.memref_squeeze %dma_wait3A_1753 : memref<1x128xf32, #tpu.memory_space<vmem>> -> memref<128xf32, #tpu.memory_space<vmem>>
    %dma_wait3A_1755 = arith.constant 0 : i32
    %dma_wait3A_1756 = tpu.memref_slice %arg14[%dma_wait3A_1750, %dma_wait3A_1755] : memref<8x128xi32, #tpu.memory_space<vmem>> -> memref<1x128xi32, #tpu.memory_space<vmem>>
    %dma_wait3A_1757 = tpu.memref_squeeze %dma_wait3A_1756 : memref<1x128xi32, #tpu.memory_space<vmem>> -> memref<128xi32, #tpu.memory_space<vmem>>
    %dma_wait3A_1758 = arith.constant 0 : i32
    %dma_wait3A_1759 = tpu.memref_slice %arg6[%dma_wait3A_1758] : memref<65536xf32, #tpu.memory_space<hbm>> -> memref<65536xf32, #tpu.memory_space<hbm>>
    tpu.wait_indirect_dma semaphore(%arg19 : memref<!tpu.dma_semaphore, #tpu.memory_space<semaphore_mem>>) src(%dma_wait3A_1759 : memref<65536xf32, #tpu.memory_space<hbm>>) dst(%dma_wait3A_1754 : memref<128xf32, #tpu.memory_space<vmem>>)
    %dma_wait3A_1760 = arith.constant 7 : i32
    %dma_wait3A_1761 = arith.constant 2 : i32
    %dma_wait3A_1762 = arith.constant 896 : i32
    %dma_wait3A_1763 = tpu.memref_slice %arg17[%dma_wait3A_1761, %dma_wait3A_1762] : memref<4x1024xf32, #tpu.memory_space<vmem>> -> memref<1x128xf32, #tpu.memory_space<vmem>>
    %dma_wait3A_1764 = tpu.memref_squeeze %dma_wait3A_1763 : memref<1x128xf32, #tpu.memory_space<vmem>> -> memref<128xf32, #tpu.memory_space<vmem>>
    %dma_wait3A_1765 = arith.constant 0 : i32
    %dma_wait3A_1766 = tpu.memref_slice %arg14[%dma_wait3A_1760, %dma_wait3A_1765] : memref<8x128xi32, #tpu.memory_space<vmem>> -> memref<1x128xi32, #tpu.memory_space<vmem>>
    %dma_wait3A_1767 = tpu.memref_squeeze %dma_wait3A_1766 : memref<1x128xi32, #tpu.memory_space<vmem>> -> memref<128xi32, #tpu.memory_space<vmem>>
    %dma_wait3A_1768 = arith.constant 0 : i32
    %dma_wait3A_1769 = tpu.memref_slice %arg6[%dma_wait3A_1768] : memref<65536xf32, #tpu.memory_space<hbm>> -> memref<65536xf32, #tpu.memory_space<hbm>>
    tpu.wait_indirect_dma semaphore(%arg19 : memref<!tpu.dma_semaphore, #tpu.memory_space<semaphore_mem>>) src(%dma_wait3A_1769 : memref<65536xf32, #tpu.memory_space<hbm>>) dst(%dma_wait3A_1764 : memref<128xf32, #tpu.memory_space<vmem>>)
    %dma_wait3A_1770 = arith.constant 0 : i32
    %dma_wait3A_1771 = arith.constant 3 : i32
    %dma_wait3A_1772 = arith.constant 0 : i32
    %dma_wait3A_1773 = tpu.memref_slice %arg17[%dma_wait3A_1771, %dma_wait3A_1772] : memref<4x1024xf32, #tpu.memory_space<vmem>> -> memref<1x128xf32, #tpu.memory_space<vmem>>
    %dma_wait3A_1774 = tpu.memref_squeeze %dma_wait3A_1773 : memref<1x128xf32, #tpu.memory_space<vmem>> -> memref<128xf32, #tpu.memory_space<vmem>>
    %dma_wait3A_1775 = arith.constant 0 : i32
    %dma_wait3A_1776 = tpu.memref_slice %arg14[%dma_wait3A_1770, %dma_wait3A_1775] : memref<8x128xi32, #tpu.memory_space<vmem>> -> memref<1x128xi32, #tpu.memory_space<vmem>>
    %dma_wait3A_1777 = tpu.memref_squeeze %dma_wait3A_1776 : memref<1x128xi32, #tpu.memory_space<vmem>> -> memref<128xi32, #tpu.memory_space<vmem>>
    %dma_wait3A_1778 = arith.constant 0 : i32
    %dma_wait3A_1779 = tpu.memref_slice %arg7[%dma_wait3A_1778] : memref<65536xf32, #tpu.memory_space<hbm>> -> memref<65536xf32, #tpu.memory_space<hbm>>
    tpu.wait_indirect_dma semaphore(%arg19 : memref<!tpu.dma_semaphore, #tpu.memory_space<semaphore_mem>>) src(%dma_wait3A_1779 : memref<65536xf32, #tpu.memory_space<hbm>>) dst(%dma_wait3A_1774 : memref<128xf32, #tpu.memory_space<vmem>>)
    %dma_wait3A_1780 = arith.constant 1 : i32
    %dma_wait3A_1781 = arith.constant 3 : i32
    %dma_wait3A_1782 = arith.constant 128 : i32
    %dma_wait3A_1783 = tpu.memref_slice %arg17[%dma_wait3A_1781, %dma_wait3A_1782] : memref<4x1024xf32, #tpu.memory_space<vmem>> -> memref<1x128xf32, #tpu.memory_space<vmem>>
    %dma_wait3A_1784 = tpu.memref_squeeze %dma_wait3A_1783 : memref<1x128xf32, #tpu.memory_space<vmem>> -> memref<128xf32, #tpu.memory_space<vmem>>
    %dma_wait3A_1785 = arith.constant 0 : i32
    %dma_wait3A_1786 = tpu.memref_slice %arg14[%dma_wait3A_1780, %dma_wait3A_1785] : memref<8x128xi32, #tpu.memory_space<vmem>> -> memref<1x128xi32, #tpu.memory_space<vmem>>
    %dma_wait3A_1787 = tpu.memref_squeeze %dma_wait3A_1786 : memref<1x128xi32, #tpu.memory_space<vmem>> -> memref<128xi32, #tpu.memory_space<vmem>>
    %dma_wait3A_1788 = arith.constant 0 : i32
    %dma_wait3A_1789 = tpu.memref_slice %arg7[%dma_wait3A_1788] : memref<65536xf32, #tpu.memory_space<hbm>> -> memref<65536xf32, #tpu.memory_space<hbm>>
    tpu.wait_indirect_dma semaphore(%arg19 : memref<!tpu.dma_semaphore, #tpu.memory_space<semaphore_mem>>) src(%dma_wait3A_1789 : memref<65536xf32, #tpu.memory_space<hbm>>) dst(%dma_wait3A_1784 : memref<128xf32, #tpu.memory_space<vmem>>)
    %dma_wait3A_1790 = arith.constant 2 : i32
    %dma_wait3A_1791 = arith.constant 3 : i32
    %dma_wait3A_1792 = arith.constant 256 : i32
    %dma_wait3A_1793 = tpu.memref_slice %arg17[%dma_wait3A_1791, %dma_wait3A_1792] : memref<4x1024xf32, #tpu.memory_space<vmem>> -> memref<1x128xf32, #tpu.memory_space<vmem>>
    %dma_wait3A_1794 = tpu.memref_squeeze %dma_wait3A_1793 : memref<1x128xf32, #tpu.memory_space<vmem>> -> memref<128xf32, #tpu.memory_space<vmem>>
    %dma_wait3A_1795 = arith.constant 0 : i32
    %dma_wait3A_1796 = tpu.memref_slice %arg14[%dma_wait3A_1790, %dma_wait3A_1795] : memref<8x128xi32, #tpu.memory_space<vmem>> -> memref<1x128xi32, #tpu.memory_space<vmem>>
    %dma_wait3A_1797 = tpu.memref_squeeze %dma_wait3A_1796 : memref<1x128xi32, #tpu.memory_space<vmem>> -> memref<128xi32, #tpu.memory_space<vmem>>
    %dma_wait3A_1798 = arith.constant 0 : i32
    %dma_wait3A_1799 = tpu.memref_slice %arg7[%dma_wait3A_1798] : memref<65536xf32, #tpu.memory_space<hbm>> -> memref<65536xf32, #tpu.memory_space<hbm>>
    tpu.wait_indirect_dma semaphore(%arg19 : memref<!tpu.dma_semaphore, #tpu.memory_space<semaphore_mem>>) src(%dma_wait3A_1799 : memref<65536xf32, #tpu.memory_space<hbm>>) dst(%dma_wait3A_1794 : memref<128xf32, #tpu.memory_space<vmem>>)
    %dma_wait3A_1800 = arith.constant 3 : i32
    %dma_wait3A_1801 = arith.constant 3 : i32
    %dma_wait3A_1802 = arith.constant 384 : i32
    %dma_wait3A_1803 = tpu.memref_slice %arg17[%dma_wait3A_1801, %dma_wait3A_1802] : memref<4x1024xf32, #tpu.memory_space<vmem>> -> memref<1x128xf32, #tpu.memory_space<vmem>>
    %dma_wait3A_1804 = tpu.memref_squeeze %dma_wait3A_1803 : memref<1x128xf32, #tpu.memory_space<vmem>> -> memref<128xf32, #tpu.memory_space<vmem>>
    %dma_wait3A_1805 = arith.constant 0 : i32
    %dma_wait3A_1806 = tpu.memref_slice %arg14[%dma_wait3A_1800, %dma_wait3A_1805] : memref<8x128xi32, #tpu.memory_space<vmem>> -> memref<1x128xi32, #tpu.memory_space<vmem>>
    %dma_wait3A_1807 = tpu.memref_squeeze %dma_wait3A_1806 : memref<1x128xi32, #tpu.memory_space<vmem>> -> memref<128xi32, #tpu.memory_space<vmem>>
    %dma_wait3A_1808 = arith.constant 0 : i32
    %dma_wait3A_1809 = tpu.memref_slice %arg7[%dma_wait3A_1808] : memref<65536xf32, #tpu.memory_space<hbm>> -> memref<65536xf32, #tpu.memory_space<hbm>>
    tpu.wait_indirect_dma semaphore(%arg19 : memref<!tpu.dma_semaphore, #tpu.memory_space<semaphore_mem>>) src(%dma_wait3A_1809 : memref<65536xf32, #tpu.memory_space<hbm>>) dst(%dma_wait3A_1804 : memref<128xf32, #tpu.memory_space<vmem>>)
    %dma_wait3A_1810 = arith.constant 4 : i32
    %dma_wait3A_1811 = arith.constant 3 : i32
    %dma_wait3A_1812 = arith.constant 512 : i32
    %dma_wait3A_1813 = tpu.memref_slice %arg17[%dma_wait3A_1811, %dma_wait3A_1812] : memref<4x1024xf32, #tpu.memory_space<vmem>> -> memref<1x128xf32, #tpu.memory_space<vmem>>
    %dma_wait3A_1814 = tpu.memref_squeeze %dma_wait3A_1813 : memref<1x128xf32, #tpu.memory_space<vmem>> -> memref<128xf32, #tpu.memory_space<vmem>>
    %dma_wait3A_1815 = arith.constant 0 : i32
    %dma_wait3A_1816 = tpu.memref_slice %arg14[%dma_wait3A_1810, %dma_wait3A_1815] : memref<8x128xi32, #tpu.memory_space<vmem>> -> memref<1x128xi32, #tpu.memory_space<vmem>>
    %dma_wait3A_1817 = tpu.memref_squeeze %dma_wait3A_1816 : memref<1x128xi32, #tpu.memory_space<vmem>> -> memref<128xi32, #tpu.memory_space<vmem>>
    %dma_wait3A_1818 = arith.constant 0 : i32
    %dma_wait3A_1819 = tpu.memref_slice %arg7[%dma_wait3A_1818] : memref<65536xf32, #tpu.memory_space<hbm>> -> memref<65536xf32, #tpu.memory_space<hbm>>
    tpu.wait_indirect_dma semaphore(%arg19 : memref<!tpu.dma_semaphore, #tpu.memory_space<semaphore_mem>>) src(%dma_wait3A_1819 : memref<65536xf32, #tpu.memory_space<hbm>>) dst(%dma_wait3A_1814 : memref<128xf32, #tpu.memory_space<vmem>>)
    %dma_wait3A_1820 = arith.constant 5 : i32
    %dma_wait3A_1821 = arith.constant 3 : i32
    %dma_wait3A_1822 = arith.constant 640 : i32
    %dma_wait3A_1823 = tpu.memref_slice %arg17[%dma_wait3A_1821, %dma_wait3A_1822] : memref<4x1024xf32, #tpu.memory_space<vmem>> -> memref<1x128xf32, #tpu.memory_space<vmem>>
    %dma_wait3A_1824 = tpu.memref_squeeze %dma_wait3A_1823 : memref<1x128xf32, #tpu.memory_space<vmem>> -> memref<128xf32, #tpu.memory_space<vmem>>
    %dma_wait3A_1825 = arith.constant 0 : i32
    %dma_wait3A_1826 = tpu.memref_slice %arg14[%dma_wait3A_1820, %dma_wait3A_1825] : memref<8x128xi32, #tpu.memory_space<vmem>> -> memref<1x128xi32, #tpu.memory_space<vmem>>
    %dma_wait3A_1827 = tpu.memref_squeeze %dma_wait3A_1826 : memref<1x128xi32, #tpu.memory_space<vmem>> -> memref<128xi32, #tpu.memory_space<vmem>>
    %dma_wait3A_1828 = arith.constant 0 : i32
    %dma_wait3A_1829 = tpu.memref_slice %arg7[%dma_wait3A_1828] : memref<65536xf32, #tpu.memory_space<hbm>> -> memref<65536xf32, #tpu.memory_space<hbm>>
    tpu.wait_indirect_dma semaphore(%arg19 : memref<!tpu.dma_semaphore, #tpu.memory_space<semaphore_mem>>) src(%dma_wait3A_1829 : memref<65536xf32, #tpu.memory_space<hbm>>) dst(%dma_wait3A_1824 : memref<128xf32, #tpu.memory_space<vmem>>)
    %dma_wait3A_1830 = arith.constant 6 : i32
    %dma_wait3A_1831 = arith.constant 3 : i32
    %dma_wait3A_1832 = arith.constant 768 : i32
    %dma_wait3A_1833 = tpu.memref_slice %arg17[%dma_wait3A_1831, %dma_wait3A_1832] : memref<4x1024xf32, #tpu.memory_space<vmem>> -> memref<1x128xf32, #tpu.memory_space<vmem>>
    %dma_wait3A_1834 = tpu.memref_squeeze %dma_wait3A_1833 : memref<1x128xf32, #tpu.memory_space<vmem>> -> memref<128xf32, #tpu.memory_space<vmem>>
    %dma_wait3A_1835 = arith.constant 0 : i32
    %dma_wait3A_1836 = tpu.memref_slice %arg14[%dma_wait3A_1830, %dma_wait3A_1835] : memref<8x128xi32, #tpu.memory_space<vmem>> -> memref<1x128xi32, #tpu.memory_space<vmem>>
    %dma_wait3A_1837 = tpu.memref_squeeze %dma_wait3A_1836 : memref<1x128xi32, #tpu.memory_space<vmem>> -> memref<128xi32, #tpu.memory_space<vmem>>
    %dma_wait3A_1838 = arith.constant 0 : i32
    %dma_wait3A_1839 = tpu.memref_slice %arg7[%dma_wait3A_1838] : memref<65536xf32, #tpu.memory_space<hbm>> -> memref<65536xf32, #tpu.memory_space<hbm>>
    tpu.wait_indirect_dma semaphore(%arg19 : memref<!tpu.dma_semaphore, #tpu.memory_space<semaphore_mem>>) src(%dma_wait3A_1839 : memref<65536xf32, #tpu.memory_space<hbm>>) dst(%dma_wait3A_1834 : memref<128xf32, #tpu.memory_space<vmem>>)
    %dma_wait3A_1840 = arith.constant 7 : i32
    %dma_wait3A_1841 = arith.constant 3 : i32
    %dma_wait3A_1842 = arith.constant 896 : i32
    %dma_wait3A_1843 = tpu.memref_slice %arg17[%dma_wait3A_1841, %dma_wait3A_1842] : memref<4x1024xf32, #tpu.memory_space<vmem>> -> memref<1x128xf32, #tpu.memory_space<vmem>>
    %dma_wait3A_1844 = tpu.memref_squeeze %dma_wait3A_1843 : memref<1x128xf32, #tpu.memory_space<vmem>> -> memref<128xf32, #tpu.memory_space<vmem>>
    %dma_wait3A_1845 = arith.constant 0 : i32
    %dma_wait3A_1846 = tpu.memref_slice %arg14[%dma_wait3A_1840, %dma_wait3A_1845] : memref<8x128xi32, #tpu.memory_space<vmem>> -> memref<1x128xi32, #tpu.memory_space<vmem>>
    %dma_wait3A_1847 = tpu.memref_squeeze %dma_wait3A_1846 : memref<1x128xi32, #tpu.memory_space<vmem>> -> memref<128xi32, #tpu.memory_space<vmem>>
    %dma_wait3A_1848 = arith.constant 0 : i32
    %dma_wait3A_1849 = tpu.memref_slice %arg7[%dma_wait3A_1848] : memref<65536xf32, #tpu.memory_space<hbm>> -> memref<65536xf32, #tpu.memory_space<hbm>>
    tpu.wait_indirect_dma semaphore(%arg19 : memref<!tpu.dma_semaphore, #tpu.memory_space<semaphore_mem>>) src(%dma_wait3A_1849 : memref<65536xf32, #tpu.memory_space<hbm>>) dst(%dma_wait3A_1844 : memref<128xf32, #tpu.memory_space<vmem>>)
    %dma_wait3A_1850 = arith.constant 0 : i32
    %dma_wait3A_1851 = arith.constant 0 : i32
    %dma_wait3A_1852 = arith.constant 0 : i32
    %dma_wait3A_1853 = tpu.memref_slice %arg16[%dma_wait3A_1851, %dma_wait3A_1852] : memref<1024x32xf32, #tpu.memory_space<vmem>> -> memref<128x32xf32, #tpu.memory_space<vmem>>
    %dma_wait3A_1854 = arith.constant 0 : i32
    %dma_wait3A_1855 = tpu.memref_slice %arg15[%dma_wait3A_1850, %dma_wait3A_1854] : memref<8x128xi32, #tpu.memory_space<vmem>> -> memref<1x128xi32, #tpu.memory_space<vmem>>
    %dma_wait3A_1856 = tpu.memref_squeeze %dma_wait3A_1855 : memref<1x128xi32, #tpu.memory_space<vmem>> -> memref<128xi32, #tpu.memory_space<vmem>>
    %dma_wait3A_1857 = arith.constant 0 : i32
    %dma_wait3A_1858 = arith.constant 0 : i32
    %dma_wait3A_1859 = tpu.memref_slice %arg2[%dma_wait3A_1857, %dma_wait3A_1858] : memref<1000000x32xf32, #tpu.memory_space<hbm>> -> memref<1000000x32xf32, #tpu.memory_space<hbm>>
    tpu.wait_indirect_dma semaphore(%arg18 : memref<!tpu.dma_semaphore, #tpu.memory_space<semaphore_mem>>) src(%dma_wait3A_1859 : memref<1000000x32xf32, #tpu.memory_space<hbm>>) dst(%dma_wait3A_1853 : memref<128x32xf32, #tpu.memory_space<vmem>>)
    %dma_wait3A_1860 = arith.constant 1 : i32
    %dma_wait3A_1861 = arith.constant 128 : i32
    %dma_wait3A_1862 = arith.constant 0 : i32
    %dma_wait3A_1863 = tpu.memref_slice %arg16[%dma_wait3A_1861, %dma_wait3A_1862] : memref<1024x32xf32, #tpu.memory_space<vmem>> -> memref<128x32xf32, #tpu.memory_space<vmem>>
    %dma_wait3A_1864 = arith.constant 0 : i32
    %dma_wait3A_1865 = tpu.memref_slice %arg15[%dma_wait3A_1860, %dma_wait3A_1864] : memref<8x128xi32, #tpu.memory_space<vmem>> -> memref<1x128xi32, #tpu.memory_space<vmem>>
    %dma_wait3A_1866 = tpu.memref_squeeze %dma_wait3A_1865 : memref<1x128xi32, #tpu.memory_space<vmem>> -> memref<128xi32, #tpu.memory_space<vmem>>
    %dma_wait3A_1867 = arith.constant 0 : i32
    %dma_wait3A_1868 = arith.constant 0 : i32
    %dma_wait3A_1869 = tpu.memref_slice %arg2[%dma_wait3A_1867, %dma_wait3A_1868] : memref<1000000x32xf32, #tpu.memory_space<hbm>> -> memref<1000000x32xf32, #tpu.memory_space<hbm>>
    tpu.wait_indirect_dma semaphore(%arg18 : memref<!tpu.dma_semaphore, #tpu.memory_space<semaphore_mem>>) src(%dma_wait3A_1869 : memref<1000000x32xf32, #tpu.memory_space<hbm>>) dst(%dma_wait3A_1863 : memref<128x32xf32, #tpu.memory_space<vmem>>)
    %dma_wait3A_1870 = arith.constant 2 : i32
    %dma_wait3A_1871 = arith.constant 256 : i32
    %dma_wait3A_1872 = arith.constant 0 : i32
    %dma_wait3A_1873 = tpu.memref_slice %arg16[%dma_wait3A_1871, %dma_wait3A_1872] : memref<1024x32xf32, #tpu.memory_space<vmem>> -> memref<128x32xf32, #tpu.memory_space<vmem>>
    %dma_wait3A_1874 = arith.constant 0 : i32
    %dma_wait3A_1875 = tpu.memref_slice %arg15[%dma_wait3A_1870, %dma_wait3A_1874] : memref<8x128xi32, #tpu.memory_space<vmem>> -> memref<1x128xi32, #tpu.memory_space<vmem>>
    %dma_wait3A_1876 = tpu.memref_squeeze %dma_wait3A_1875 : memref<1x128xi32, #tpu.memory_space<vmem>> -> memref<128xi32, #tpu.memory_space<vmem>>
    %dma_wait3A_1877 = arith.constant 0 : i32
    %dma_wait3A_1878 = arith.constant 0 : i32
    %dma_wait3A_1879 = tpu.memref_slice %arg2[%dma_wait3A_1877, %dma_wait3A_1878] : memref<1000000x32xf32, #tpu.memory_space<hbm>> -> memref<1000000x32xf32, #tpu.memory_space<hbm>>
    tpu.wait_indirect_dma semaphore(%arg18 : memref<!tpu.dma_semaphore, #tpu.memory_space<semaphore_mem>>) src(%dma_wait3A_1879 : memref<1000000x32xf32, #tpu.memory_space<hbm>>) dst(%dma_wait3A_1873 : memref<128x32xf32, #tpu.memory_space<vmem>>)
    %dma_wait3A_1880 = arith.constant 3 : i32
    %dma_wait3A_1881 = arith.constant 384 : i32
    %dma_wait3A_1882 = arith.constant 0 : i32
    %dma_wait3A_1883 = tpu.memref_slice %arg16[%dma_wait3A_1881, %dma_wait3A_1882] : memref<1024x32xf32, #tpu.memory_space<vmem>> -> memref<128x32xf32, #tpu.memory_space<vmem>>
    %dma_wait3A_1884 = arith.constant 0 : i32
    %dma_wait3A_1885 = tpu.memref_slice %arg15[%dma_wait3A_1880, %dma_wait3A_1884] : memref<8x128xi32, #tpu.memory_space<vmem>> -> memref<1x128xi32, #tpu.memory_space<vmem>>
    %dma_wait3A_1886 = tpu.memref_squeeze %dma_wait3A_1885 : memref<1x128xi32, #tpu.memory_space<vmem>> -> memref<128xi32, #tpu.memory_space<vmem>>
    %dma_wait3A_1887 = arith.constant 0 : i32
    %dma_wait3A_1888 = arith.constant 0 : i32
    %dma_wait3A_1889 = tpu.memref_slice %arg2[%dma_wait3A_1887, %dma_wait3A_1888] : memref<1000000x32xf32, #tpu.memory_space<hbm>> -> memref<1000000x32xf32, #tpu.memory_space<hbm>>
    tpu.wait_indirect_dma semaphore(%arg18 : memref<!tpu.dma_semaphore, #tpu.memory_space<semaphore_mem>>) src(%dma_wait3A_1889 : memref<1000000x32xf32, #tpu.memory_space<hbm>>) dst(%dma_wait3A_1883 : memref<128x32xf32, #tpu.memory_space<vmem>>)
    %dma_wait3A_1890 = arith.constant 4 : i32
    %dma_wait3A_1891 = arith.constant 512 : i32
    %dma_wait3A_1892 = arith.constant 0 : i32
    %dma_wait3A_1893 = tpu.memref_slice %arg16[%dma_wait3A_1891, %dma_wait3A_1892] : memref<1024x32xf32, #tpu.memory_space<vmem>> -> memref<128x32xf32, #tpu.memory_space<vmem>>
    %dma_wait3A_1894 = arith.constant 0 : i32
    %dma_wait3A_1895 = tpu.memref_slice %arg15[%dma_wait3A_1890, %dma_wait3A_1894] : memref<8x128xi32, #tpu.memory_space<vmem>> -> memref<1x128xi32, #tpu.memory_space<vmem>>
    %dma_wait3A_1896 = tpu.memref_squeeze %dma_wait3A_1895 : memref<1x128xi32, #tpu.memory_space<vmem>> -> memref<128xi32, #tpu.memory_space<vmem>>
    %dma_wait3A_1897 = arith.constant 0 : i32
    %dma_wait3A_1898 = arith.constant 0 : i32
    %dma_wait3A_1899 = tpu.memref_slice %arg2[%dma_wait3A_1897, %dma_wait3A_1898] : memref<1000000x32xf32, #tpu.memory_space<hbm>> -> memref<1000000x32xf32, #tpu.memory_space<hbm>>
    tpu.wait_indirect_dma semaphore(%arg18 : memref<!tpu.dma_semaphore, #tpu.memory_space<semaphore_mem>>) src(%dma_wait3A_1899 : memref<1000000x32xf32, #tpu.memory_space<hbm>>) dst(%dma_wait3A_1893 : memref<128x32xf32, #tpu.memory_space<vmem>>)
    %dma_wait3A_1900 = arith.constant 5 : i32
    %dma_wait3A_1901 = arith.constant 640 : i32
    %dma_wait3A_1902 = arith.constant 0 : i32
    %dma_wait3A_1903 = tpu.memref_slice %arg16[%dma_wait3A_1901, %dma_wait3A_1902] : memref<1024x32xf32, #tpu.memory_space<vmem>> -> memref<128x32xf32, #tpu.memory_space<vmem>>
    %dma_wait3A_1904 = arith.constant 0 : i32
    %dma_wait3A_1905 = tpu.memref_slice %arg15[%dma_wait3A_1900, %dma_wait3A_1904] : memref<8x128xi32, #tpu.memory_space<vmem>> -> memref<1x128xi32, #tpu.memory_space<vmem>>
    %dma_wait3A_1906 = tpu.memref_squeeze %dma_wait3A_1905 : memref<1x128xi32, #tpu.memory_space<vmem>> -> memref<128xi32, #tpu.memory_space<vmem>>
    %dma_wait3A_1907 = arith.constant 0 : i32
    %dma_wait3A_1908 = arith.constant 0 : i32
    %dma_wait3A_1909 = tpu.memref_slice %arg2[%dma_wait3A_1907, %dma_wait3A_1908] : memref<1000000x32xf32, #tpu.memory_space<hbm>> -> memref<1000000x32xf32, #tpu.memory_space<hbm>>
    tpu.wait_indirect_dma semaphore(%arg18 : memref<!tpu.dma_semaphore, #tpu.memory_space<semaphore_mem>>) src(%dma_wait3A_1909 : memref<1000000x32xf32, #tpu.memory_space<hbm>>) dst(%dma_wait3A_1903 : memref<128x32xf32, #tpu.memory_space<vmem>>)
    %dma_wait3A_1910 = arith.constant 6 : i32
    %dma_wait3A_1911 = arith.constant 768 : i32
    %dma_wait3A_1912 = arith.constant 0 : i32
    %dma_wait3A_1913 = tpu.memref_slice %arg16[%dma_wait3A_1911, %dma_wait3A_1912] : memref<1024x32xf32, #tpu.memory_space<vmem>> -> memref<128x32xf32, #tpu.memory_space<vmem>>
    %dma_wait3A_1914 = arith.constant 0 : i32
    %dma_wait3A_1915 = tpu.memref_slice %arg15[%dma_wait3A_1910, %dma_wait3A_1914] : memref<8x128xi32, #tpu.memory_space<vmem>> -> memref<1x128xi32, #tpu.memory_space<vmem>>
    %dma_wait3A_1916 = tpu.memref_squeeze %dma_wait3A_1915 : memref<1x128xi32, #tpu.memory_space<vmem>> -> memref<128xi32, #tpu.memory_space<vmem>>
    %dma_wait3A_1917 = arith.constant 0 : i32
    %dma_wait3A_1918 = arith.constant 0 : i32
    %dma_wait3A_1919 = tpu.memref_slice %arg2[%dma_wait3A_1917, %dma_wait3A_1918] : memref<1000000x32xf32, #tpu.memory_space<hbm>> -> memref<1000000x32xf32, #tpu.memory_space<hbm>>
    tpu.wait_indirect_dma semaphore(%arg18 : memref<!tpu.dma_semaphore, #tpu.memory_space<semaphore_mem>>) src(%dma_wait3A_1919 : memref<1000000x32xf32, #tpu.memory_space<hbm>>) dst(%dma_wait3A_1913 : memref<128x32xf32, #tpu.memory_space<vmem>>)
    %dma_wait3A_1920 = arith.constant 7 : i32
    %dma_wait3A_1921 = arith.constant 896 : i32
    %dma_wait3A_1922 = arith.constant 0 : i32
    %dma_wait3A_1923 = tpu.memref_slice %arg16[%dma_wait3A_1921, %dma_wait3A_1922] : memref<1024x32xf32, #tpu.memory_space<vmem>> -> memref<128x32xf32, #tpu.memory_space<vmem>>
    %dma_wait3A_1924 = arith.constant 0 : i32
    %dma_wait3A_1925 = tpu.memref_slice %arg15[%dma_wait3A_1920, %dma_wait3A_1924] : memref<8x128xi32, #tpu.memory_space<vmem>> -> memref<1x128xi32, #tpu.memory_space<vmem>>
    %dma_wait3A_1926 = tpu.memref_squeeze %dma_wait3A_1925 : memref<1x128xi32, #tpu.memory_space<vmem>> -> memref<128xi32, #tpu.memory_space<vmem>>
    %dma_wait3A_1927 = arith.constant 0 : i32
    %dma_wait3A_1928 = arith.constant 0 : i32
    %dma_wait3A_1929 = tpu.memref_slice %arg2[%dma_wait3A_1927, %dma_wait3A_1928] : memref<1000000x32xf32, #tpu.memory_space<hbm>> -> memref<1000000x32xf32, #tpu.memory_space<hbm>>
    tpu.wait_indirect_dma semaphore(%arg18 : memref<!tpu.dma_semaphore, #tpu.memory_space<semaphore_mem>>) src(%dma_wait3A_1929 : memref<1000000x32xf32, #tpu.memory_space<hbm>>) dst(%dma_wait3A_1923 : memref<128x32xf32, #tpu.memory_space<vmem>>)
    "tpu.region"() ({
      %run_scoped3A_1938 = tpu.sem_alloc : memref<!tpu.dma_semaphore, #tpu.memory_space<semaphore_mem>>
      %dma_start3A_1939 = arith.constant 0 : i32
      %dma_start3A_1940 = tpu.memref_slice %arg11[%mul3A_2, %dma_start3A_1939] : memref<32768x32xf32, #tpu.memory_space<hbm>> -> memref<1024x32xf32, #tpu.memory_space<hbm>>
      %dma_start3A_1941 = arith.constant 0 : i32
      %dma_start3A_1942 = tpu.memref_slice %arg11[%mul3A_2, %dma_start3A_1941] : memref<32768x32xf32, #tpu.memory_space<hbm>> -> memref<1024x32xf32, #tpu.memory_space<hbm>>
      tpu.enqueue_dma source(%arg16 : memref<1024x32xf32, #tpu.memory_space<vmem>>) target(%dma_start3A_1942 : memref<1024x32xf32, #tpu.memory_space<hbm>>) target_semaphore(%run_scoped3A_1938 : memref<!tpu.dma_semaphore, #tpu.memory_space<semaphore_mem>>)
      %dma_wait3A_1943 = arith.constant 0 : i32
      %dma_wait3A_1944 = tpu.memref_slice %arg11[%mul3A_2, %dma_wait3A_1943] : memref<32768x32xf32, #tpu.memory_space<hbm>> -> memref<1024x32xf32, #tpu.memory_space<hbm>>
      %dma_wait3A_1945 = arith.constant 0 : i32
      %dma_wait3A_1946 = tpu.memref_slice %arg11[%mul3A_2, %dma_wait3A_1945] : memref<32768x32xf32, #tpu.memory_space<hbm>> -> memref<1024x32xf32, #tpu.memory_space<hbm>>
      tpu.wait_dma2 semaphore(%run_scoped3A_1938 : memref<!tpu.dma_semaphore, #tpu.memory_space<semaphore_mem>>) src(%arg16 : memref<1024x32xf32, #tpu.memory_space<vmem>>) dst(%dma_wait3A_1946 : memref<1024x32xf32, #tpu.memory_space<hbm>>)
      tpu.yield
    }) : () -> ()
    %run_scoped3A_1930 = arith.constant 0 : i32
    %run_scoped3A_1931 = arith.constant 0 : i32
    "tpu.region"() ({
      %run_scoped3A_1938 = tpu.sem_alloc : memref<!tpu.dma_semaphore, #tpu.memory_space<semaphore_mem>>
      %dma_start3A_1939 = arith.constant 0 : i32
      %dma_start3A_1940 = tpu.memref_slice %arg17[%run_scoped3A_1930, %dma_start3A_1939] : memref<4x1024xf32, #tpu.memory_space<vmem>> -> memref<1x1024xf32, #tpu.memory_space<vmem>>
      %dma_start3A_1941 = tpu.memref_squeeze %dma_start3A_1940 : memref<1x1024xf32, #tpu.memory_space<vmem>> -> memref<1024xf32, #tpu.memory_space<vmem>>
      %dma_start3A_1942 = tpu.memref_slice %arg13[%run_scoped3A_1931, %mul3A_2] : memref<4x32768xf32, #tpu.memory_space<hbm>> -> memref<1x1024xf32, #tpu.memory_space<hbm>>
      %dma_start3A_1943 = tpu.memref_squeeze %dma_start3A_1942 : memref<1x1024xf32, #tpu.memory_space<hbm>> -> memref<1024xf32, #tpu.memory_space<hbm>>
      %dma_start3A_1944 = tpu.memref_slice %arg13[%run_scoped3A_1931, %mul3A_2] : memref<4x32768xf32, #tpu.memory_space<hbm>> -> memref<1x1024xf32, #tpu.memory_space<hbm>>
      %dma_start3A_1945 = tpu.memref_squeeze %dma_start3A_1944 : memref<1x1024xf32, #tpu.memory_space<hbm>> -> memref<1024xf32, #tpu.memory_space<hbm>>
      %dma_start3A_1946 = arith.constant 0 : i32
      %dma_start3A_1947 = tpu.memref_slice %arg17[%run_scoped3A_1930, %dma_start3A_1946] : memref<4x1024xf32, #tpu.memory_space<vmem>> -> memref<1x1024xf32, #tpu.memory_space<vmem>>
      %dma_start3A_1948 = tpu.memref_squeeze %dma_start3A_1947 : memref<1x1024xf32, #tpu.memory_space<vmem>> -> memref<1024xf32, #tpu.memory_space<vmem>>
      tpu.enqueue_dma source(%dma_start3A_1948 : memref<1024xf32, #tpu.memory_space<vmem>>) target(%dma_start3A_1945 : memref<1024xf32, #tpu.memory_space<hbm>>) target_semaphore(%run_scoped3A_1938 : memref<!tpu.dma_semaphore, #tpu.memory_space<semaphore_mem>>)
      %dma_wait3A_1949 = arith.constant 0 : i32
      %dma_wait3A_1950 = tpu.memref_slice %arg17[%run_scoped3A_1930, %dma_wait3A_1949] : memref<4x1024xf32, #tpu.memory_space<vmem>> -> memref<1x1024xf32, #tpu.memory_space<vmem>>
      %dma_wait3A_1951 = tpu.memref_squeeze %dma_wait3A_1950 : memref<1x1024xf32, #tpu.memory_space<vmem>> -> memref<1024xf32, #tpu.memory_space<vmem>>
      %dma_wait3A_1952 = tpu.memref_slice %arg13[%run_scoped3A_1931, %mul3A_2] : memref<4x32768xf32, #tpu.memory_space<hbm>> -> memref<1x1024xf32, #tpu.memory_space<hbm>>
      %dma_wait3A_1953 = tpu.memref_squeeze %dma_wait3A_1952 : memref<1x1024xf32, #tpu.memory_space<hbm>> -> memref<1024xf32, #tpu.memory_space<hbm>>
      %dma_wait3A_1954 = tpu.memref_slice %arg13[%run_scoped3A_1931, %mul3A_2] : memref<4x32768xf32, #tpu.memory_space<hbm>> -> memref<1x1024xf32, #tpu.memory_space<hbm>>
      %dma_wait3A_1955 = tpu.memref_squeeze %dma_wait3A_1954 : memref<1x1024xf32, #tpu.memory_space<hbm>> -> memref<1024xf32, #tpu.memory_space<hbm>>
      %dma_wait3A_1956 = arith.constant 0 : i32
      %dma_wait3A_1957 = tpu.memref_slice %arg17[%run_scoped3A_1930, %dma_wait3A_1956] : memref<4x1024xf32, #tpu.memory_space<vmem>> -> memref<1x1024xf32, #tpu.memory_space<vmem>>
      %dma_wait3A_1958 = tpu.memref_squeeze %dma_wait3A_1957 : memref<1x1024xf32, #tpu.memory_space<vmem>> -> memref<1024xf32, #tpu.memory_space<vmem>>
      tpu.wait_dma2 semaphore(%run_scoped3A_1938 : memref<!tpu.dma_semaphore, #tpu.memory_space<semaphore_mem>>) src(%dma_wait3A_1958 : memref<1024xf32, #tpu.memory_space<vmem>>) dst(%dma_wait3A_1955 : memref<1024xf32, #tpu.memory_space<hbm>>)
      tpu.yield
    }) : () -> ()
    %run_scoped3A_1932 = arith.constant 1 : i32
    %run_scoped3A_1933 = arith.constant 1 : i32
    "tpu.region"() ({
      %run_scoped3A_1938 = tpu.sem_alloc : memref<!tpu.dma_semaphore, #tpu.memory_space<semaphore_mem>>
      %dma_start3A_1939 = arith.constant 0 : i32
      %dma_start3A_1940 = tpu.memref_slice %arg17[%run_scoped3A_1932, %dma_start3A_1939] : memref<4x1024xf32, #tpu.memory_space<vmem>> -> memref<1x1024xf32, #tpu.memory_space<vmem>>
      %dma_start3A_1941 = tpu.memref_squeeze %dma_start3A_1940 : memref<1x1024xf32, #tpu.memory_space<vmem>> -> memref<1024xf32, #tpu.memory_space<vmem>>
      %dma_start3A_1942 = tpu.memref_slice %arg13[%run_scoped3A_1933, %mul3A_2] : memref<4x32768xf32, #tpu.memory_space<hbm>> -> memref<1x1024xf32, #tpu.memory_space<hbm>>
      %dma_start3A_1943 = tpu.memref_squeeze %dma_start3A_1942 : memref<1x1024xf32, #tpu.memory_space<hbm>> -> memref<1024xf32, #tpu.memory_space<hbm>>
      %dma_start3A_1944 = tpu.memref_slice %arg13[%run_scoped3A_1933, %mul3A_2] : memref<4x32768xf32, #tpu.memory_space<hbm>> -> memref<1x1024xf32, #tpu.memory_space<hbm>>
      %dma_start3A_1945 = tpu.memref_squeeze %dma_start3A_1944 : memref<1x1024xf32, #tpu.memory_space<hbm>> -> memref<1024xf32, #tpu.memory_space<hbm>>
      %dma_start3A_1946 = arith.constant 0 : i32
      %dma_start3A_1947 = tpu.memref_slice %arg17[%run_scoped3A_1932, %dma_start3A_1946] : memref<4x1024xf32, #tpu.memory_space<vmem>> -> memref<1x1024xf32, #tpu.memory_space<vmem>>
      %dma_start3A_1948 = tpu.memref_squeeze %dma_start3A_1947 : memref<1x1024xf32, #tpu.memory_space<vmem>> -> memref<1024xf32, #tpu.memory_space<vmem>>
      tpu.enqueue_dma source(%dma_start3A_1948 : memref<1024xf32, #tpu.memory_space<vmem>>) target(%dma_start3A_1945 : memref<1024xf32, #tpu.memory_space<hbm>>) target_semaphore(%run_scoped3A_1938 : memref<!tpu.dma_semaphore, #tpu.memory_space<semaphore_mem>>)
      %dma_wait3A_1949 = arith.constant 0 : i32
      %dma_wait3A_1950 = tpu.memref_slice %arg17[%run_scoped3A_1932, %dma_wait3A_1949] : memref<4x1024xf32, #tpu.memory_space<vmem>> -> memref<1x1024xf32, #tpu.memory_space<vmem>>
      %dma_wait3A_1951 = tpu.memref_squeeze %dma_wait3A_1950 : memref<1x1024xf32, #tpu.memory_space<vmem>> -> memref<1024xf32, #tpu.memory_space<vmem>>
      %dma_wait3A_1952 = tpu.memref_slice %arg13[%run_scoped3A_1933, %mul3A_2] : memref<4x32768xf32, #tpu.memory_space<hbm>> -> memref<1x1024xf32, #tpu.memory_space<hbm>>
      %dma_wait3A_1953 = tpu.memref_squeeze %dma_wait3A_1952 : memref<1x1024xf32, #tpu.memory_space<hbm>> -> memref<1024xf32, #tpu.memory_space<hbm>>
      %dma_wait3A_1954 = tpu.memref_slice %arg13[%run_scoped3A_1933, %mul3A_2] : memref<4x32768xf32, #tpu.memory_space<hbm>> -> memref<1x1024xf32, #tpu.memory_space<hbm>>
      %dma_wait3A_1955 = tpu.memref_squeeze %dma_wait3A_1954 : memref<1x1024xf32, #tpu.memory_space<hbm>> -> memref<1024xf32, #tpu.memory_space<hbm>>
      %dma_wait3A_1956 = arith.constant 0 : i32
      %dma_wait3A_1957 = tpu.memref_slice %arg17[%run_scoped3A_1932, %dma_wait3A_1956] : memref<4x1024xf32, #tpu.memory_space<vmem>> -> memref<1x1024xf32, #tpu.memory_space<vmem>>
      %dma_wait3A_1958 = tpu.memref_squeeze %dma_wait3A_1957 : memref<1x1024xf32, #tpu.memory_space<vmem>> -> memref<1024xf32, #tpu.memory_space<vmem>>
      tpu.wait_dma2 semaphore(%run_scoped3A_1938 : memref<!tpu.dma_semaphore, #tpu.memory_space<semaphore_mem>>) src(%dma_wait3A_1958 : memref<1024xf32, #tpu.memory_space<vmem>>) dst(%dma_wait3A_1955 : memref<1024xf32, #tpu.memory_space<hbm>>)
      tpu.yield
    }) : () -> ()
    %run_scoped3A_1934 = arith.constant 2 : i32
    %run_scoped3A_1935 = arith.constant 2 : i32
    "tpu.region"() ({
      %run_scoped3A_1938 = tpu.sem_alloc : memref<!tpu.dma_semaphore, #tpu.memory_space<semaphore_mem>>
      %dma_start3A_1939 = arith.constant 0 : i32
      %dma_start3A_1940 = tpu.memref_slice %arg17[%run_scoped3A_1934, %dma_start3A_1939] : memref<4x1024xf32, #tpu.memory_space<vmem>> -> memref<1x1024xf32, #tpu.memory_space<vmem>>
      %dma_start3A_1941 = tpu.memref_squeeze %dma_start3A_1940 : memref<1x1024xf32, #tpu.memory_space<vmem>> -> memref<1024xf32, #tpu.memory_space<vmem>>
      %dma_start3A_1942 = tpu.memref_slice %arg13[%run_scoped3A_1935, %mul3A_2] : memref<4x32768xf32, #tpu.memory_space<hbm>> -> memref<1x1024xf32, #tpu.memory_space<hbm>>
      %dma_start3A_1943 = tpu.memref_squeeze %dma_start3A_1942 : memref<1x1024xf32, #tpu.memory_space<hbm>> -> memref<1024xf32, #tpu.memory_space<hbm>>
      %dma_start3A_1944 = tpu.memref_slice %arg13[%run_scoped3A_1935, %mul3A_2] : memref<4x32768xf32, #tpu.memory_space<hbm>> -> memref<1x1024xf32, #tpu.memory_space<hbm>>
      %dma_start3A_1945 = tpu.memref_squeeze %dma_start3A_1944 : memref<1x1024xf32, #tpu.memory_space<hbm>> -> memref<1024xf32, #tpu.memory_space<hbm>>
      %dma_start3A_1946 = arith.constant 0 : i32
      %dma_start3A_1947 = tpu.memref_slice %arg17[%run_scoped3A_1934, %dma_start3A_1946] : memref<4x1024xf32, #tpu.memory_space<vmem>> -> memref<1x1024xf32, #tpu.memory_space<vmem>>
      %dma_start3A_1948 = tpu.memref_squeeze %dma_start3A_1947 : memref<1x1024xf32, #tpu.memory_space<vmem>> -> memref<1024xf32, #tpu.memory_space<vmem>>
      tpu.enqueue_dma source(%dma_start3A_1948 : memref<1024xf32, #tpu.memory_space<vmem>>) target(%dma_start3A_1945 : memref<1024xf32, #tpu.memory_space<hbm>>) target_semaphore(%run_scoped3A_1938 : memref<!tpu.dma_semaphore, #tpu.memory_space<semaphore_mem>>)
      %dma_wait3A_1949 = arith.constant 0 : i32
      %dma_wait3A_1950 = tpu.memref_slice %arg17[%run_scoped3A_1934, %dma_wait3A_1949] : memref<4x1024xf32, #tpu.memory_space<vmem>> -> memref<1x1024xf32, #tpu.memory_space<vmem>>
      %dma_wait3A_1951 = tpu.memref_squeeze %dma_wait3A_1950 : memref<1x1024xf32, #tpu.memory_space<vmem>> -> memref<1024xf32, #tpu.memory_space<vmem>>
      %dma_wait3A_1952 = tpu.memref_slice %arg13[%run_scoped3A_1935, %mul3A_2] : memref<4x32768xf32, #tpu.memory_space<hbm>> -> memref<1x1024xf32, #tpu.memory_space<hbm>>
      %dma_wait3A_1953 = tpu.memref_squeeze %dma_wait3A_1952 : memref<1x1024xf32, #tpu.memory_space<hbm>> -> memref<1024xf32, #tpu.memory_space<hbm>>
      %dma_wait3A_1954 = tpu.memref_slice %arg13[%run_scoped3A_1935, %mul3A_2] : memref<4x32768xf32, #tpu.memory_space<hbm>> -> memref<1x1024xf32, #tpu.memory_space<hbm>>
      %dma_wait3A_1955 = tpu.memref_squeeze %dma_wait3A_1954 : memref<1x1024xf32, #tpu.memory_space<hbm>> -> memref<1024xf32, #tpu.memory_space<hbm>>
      %dma_wait3A_1956 = arith.constant 0 : i32
      %dma_wait3A_1957 = tpu.memref_slice %arg17[%run_scoped3A_1934, %dma_wait3A_1956] : memref<4x1024xf32, #tpu.memory_space<vmem>> -> memref<1x1024xf32, #tpu.memory_space<vmem>>
      %dma_wait3A_1958 = tpu.memref_squeeze %dma_wait3A_1957 : memref<1x1024xf32, #tpu.memory_space<vmem>> -> memref<1024xf32, #tpu.memory_space<vmem>>
      tpu.wait_dma2 semaphore(%run_scoped3A_1938 : memref<!tpu.dma_semaphore, #tpu.memory_space<semaphore_mem>>) src(%dma_wait3A_1958 : memref<1024xf32, #tpu.memory_space<vmem>>) dst(%dma_wait3A_1955 : memref<1024xf32, #tpu.memory_space<hbm>>)
      tpu.yield
    }) : () -> ()
    %run_scoped3A_1936 = arith.constant 3 : i32
    %run_scoped3A_1937 = arith.constant 3 : i32
    "tpu.region"() ({
      %run_scoped3A_1938 = tpu.sem_alloc : memref<!tpu.dma_semaphore, #tpu.memory_space<semaphore_mem>>
      %dma_start3A_1939 = arith.constant 0 : i32
      %dma_start3A_1940 = tpu.memref_slice %arg17[%run_scoped3A_1936, %dma_start3A_1939] : memref<4x1024xf32, #tpu.memory_space<vmem>> -> memref<1x1024xf32, #tpu.memory_space<vmem>>
      %dma_start3A_1941 = tpu.memref_squeeze %dma_start3A_1940 : memref<1x1024xf32, #tpu.memory_space<vmem>> -> memref<1024xf32, #tpu.memory_space<vmem>>
      %dma_start3A_1942 = tpu.memref_slice %arg13[%run_scoped3A_1937, %mul3A_2] : memref<4x32768xf32, #tpu.memory_space<hbm>> -> memref<1x1024xf32, #tpu.memory_space<hbm>>
      %dma_start3A_1943 = tpu.memref_squeeze %dma_start3A_1942 : memref<1x1024xf32, #tpu.memory_space<hbm>> -> memref<1024xf32, #tpu.memory_space<hbm>>
      %dma_start3A_1944 = tpu.memref_slice %arg13[%run_scoped3A_1937, %mul3A_2] : memref<4x32768xf32, #tpu.memory_space<hbm>> -> memref<1x1024xf32, #tpu.memory_space<hbm>>
      %dma_start3A_1945 = tpu.memref_squeeze %dma_start3A_1944 : memref<1x1024xf32, #tpu.memory_space<hbm>> -> memref<1024xf32, #tpu.memory_space<hbm>>
      %dma_start3A_1946 = arith.constant 0 : i32
      %dma_start3A_1947 = tpu.memref_slice %arg17[%run_scoped3A_1936, %dma_start3A_1946] : memref<4x1024xf32, #tpu.memory_space<vmem>> -> memref<1x1024xf32, #tpu.memory_space<vmem>>
      %dma_start3A_1948 = tpu.memref_squeeze %dma_start3A_1947 : memref<1x1024xf32, #tpu.memory_space<vmem>> -> memref<1024xf32, #tpu.memory_space<vmem>>
      tpu.enqueue_dma source(%dma_start3A_1948 : memref<1024xf32, #tpu.memory_space<vmem>>) target(%dma_start3A_1945 : memref<1024xf32, #tpu.memory_space<hbm>>) target_semaphore(%run_scoped3A_1938 : memref<!tpu.dma_semaphore, #tpu.memory_space<semaphore_mem>>)
      %dma_wait3A_1949 = arith.constant 0 : i32
      %dma_wait3A_1950 = tpu.memref_slice %arg17[%run_scoped3A_1936, %dma_wait3A_1949] : memref<4x1024xf32, #tpu.memory_space<vmem>> -> memref<1x1024xf32, #tpu.memory_space<vmem>>
      %dma_wait3A_1951 = tpu.memref_squeeze %dma_wait3A_1950 : memref<1x1024xf32, #tpu.memory_space<vmem>> -> memref<1024xf32, #tpu.memory_space<vmem>>
      %dma_wait3A_1952 = tpu.memref_slice %arg13[%run_scoped3A_1937, %mul3A_2] : memref<4x32768xf32, #tpu.memory_space<hbm>> -> memref<1x1024xf32, #tpu.memory_space<hbm>>
      %dma_wait3A_1953 = tpu.memref_squeeze %dma_wait3A_1952 : memref<1x1024xf32, #tpu.memory_space<hbm>> -> memref<1024xf32, #tpu.memory_space<hbm>>
      %dma_wait3A_1954 = tpu.memref_slice %arg13[%run_scoped3A_1937, %mul3A_2] : memref<4x32768xf32, #tpu.memory_space<hbm>> -> memref<1x1024xf32, #tpu.memory_space<hbm>>
      %dma_wait3A_1955 = tpu.memref_squeeze %dma_wait3A_1954 : memref<1x1024xf32, #tpu.memory_space<hbm>> -> memref<1024xf32, #tpu.memory_space<hbm>>
      %dma_wait3A_1956 = arith.constant 0 : i32
      %dma_wait3A_1957 = tpu.memref_slice %arg17[%run_scoped3A_1936, %dma_wait3A_1956] : memref<4x1024xf32, #tpu.memory_space<vmem>> -> memref<1x1024xf32, #tpu.memory_space<vmem>>
      %dma_wait3A_1958 = tpu.memref_squeeze %dma_wait3A_1957 : memref<1x1024xf32, #tpu.memory_space<vmem>> -> memref<1024xf32, #tpu.memory_space<vmem>>
      tpu.wait_dma2 semaphore(%run_scoped3A_1938 : memref<!tpu.dma_semaphore, #tpu.memory_space<semaphore_mem>>) src(%dma_wait3A_1958 : memref<1024xf32, #tpu.memory_space<vmem>>) dst(%dma_wait3A_1955 : memref<1024xf32, #tpu.memory_space<hbm>>)
      tpu.yield
    }) : () -> ()
    return
  }
}

module attributes {stable_mosaic.version = 14 : i64} {
  func.func @_tc_body(%arg0: i32, %arg1: memref<512xi32, #tpu.memory_space<vmem>>, %arg2: memref<512xi32, #tpu.memory_space<vmem>>, %arg3: memref<512x32xf32, #tpu.memory_space<vmem>>, %arg4: memref<512x32xf32, #tpu.memory_space<vmem>>, %arg5: memref<4x512xf32, #tpu.memory_space<vmem>>, %arg6: memref<4x512xf32, #tpu.memory_space<vmem>>, %arg7: memref<32x128xf32, #tpu.memory_space<vmem>>, %arg8: memref<128xf32, #tpu.memory_space<vmem>>, %arg9: memref<4x128xf32, #tpu.memory_space<vmem>>, %arg10: memref<128xf32, #tpu.memory_space<vmem>>, %arg11: memref<512x128xf32, #tpu.memory_space<vmem>>, %arg12: memref<512x128xf32, #tpu.memory_space<vmem>>) attributes {dimension_semantics = [#tpu.dimension_semantics<arbitrary>], iteration_bounds = array<i64: 64>, scalar_prefetch = 0 : i64, scratch_operands = 0 : i64, tpu.core_type = #tpu.core_type<tc>, window_params = [{transform_indices = @transform_0, window_bounds = array<i64: 512>}, {transform_indices = @transform_1, window_bounds = array<i64: 512>}, {transform_indices = @transform_2, window_bounds = array<i64: 512, 32>}, {transform_indices = @transform_3, window_bounds = array<i64: 512, 32>}, {transform_indices = @transform_4, window_bounds = array<i64: 4, 512>}, {transform_indices = @transform_5, window_bounds = array<i64: 4, 512>}, {pipeline_mode = #tpu.pipeline_mode<synchronous>, transform_indices = @transform_6, window_bounds = array<i64: 32, 128>}, {pipeline_mode = #tpu.pipeline_mode<synchronous>, transform_indices = @transform_7, window_bounds = array<i64: 128>}, {pipeline_mode = #tpu.pipeline_mode<synchronous>, transform_indices = @transform_8, window_bounds = array<i64: 4, 128>}, {pipeline_mode = #tpu.pipeline_mode<synchronous>, transform_indices = @transform_9, window_bounds = array<i64: 128>}, {transform_indices = @transform_10, window_bounds = array<i64: 512, 128>}, {transform_indices = @transform_11, window_bounds = array<i64: 512, 128>}]} {
    %get3A = arith.constant 0 : index
    %get3A_0 = arith.constant 0 : index
    %get3A_1 = vector.load %arg7[%get3A, %get3A_0] : memref<32x128xf32, #tpu.memory_space<vmem>>, vector<32x128xf32>
    %get3A_2 = arith.constant 0 : index
    %get3A_3 = vector.load %arg8[%get3A_2] : memref<128xf32, #tpu.memory_space<vmem>>, vector<128xf32>
    %get3A_4 = arith.constant 0 : index
    %get3A_5 = arith.constant 0 : index
    %get3A_6 = vector.load %arg9[%get3A_4, %get3A_5] : memref<4x128xf32, #tpu.memory_space<vmem>>, vector<4x128xf32>
    %get3A_7 = arith.constant 0 : index
    %get3A_8 = vector.load %arg10[%get3A_7] : memref<128xf32, #tpu.memory_space<vmem>>, vector<128xf32>
    %iota3A = tpu.iota {dimensions = array<i32: 1>} : vector<1x128xi32>
    %and3A = arith.constant 1 : i32
    %and3A_9 = vector.broadcast %and3A : i32 to vector<1x128xi32>
    %and3A_10 = arith.andi %iota3A, %and3A_9 : vector<1x128xi32>
    %sub3A = arith.subi %iota3A, %and3A_10 : vector<1x128xi32>
    %convert_element_type3A = arith.sitofp %sub3A : vector<1x128xi32> to vector<1x128xf32>
    %mul3A = arith.constant -0.0719557852 : f32
    %mul3A_11 = vector.broadcast %mul3A : f32 to vector<1x128xf32>
    %mul3A_12 = arith.mulf %convert_element_type3A, %mul3A_11 : vector<1x128xf32>
    %exp3A = math.exp %mul3A_12 : vector<1x128xf32>
    %and3A_13 = arith.constant 1 : i32
    %and3A_14 = vector.broadcast %and3A_13 : i32 to vector<1x128xi32>
    %and3A_15 = arith.andi %iota3A, %and3A_14 : vector<1x128xi32>
    %eq3A = arith.constant 0 : i32
    %eq3A_16 = vector.broadcast %eq3A : i32 to vector<1x128xi32>
    %eq3A_17 = arith.cmpi eq, %and3A_15, %eq3A_16 : vector<1x128xi32>
    %iota3A_18 = tpu.iota {dimensions = array<i32: 0>} : vector<16x1xi32>
    %convert_element_type3A_19 = arith.sitofp %iota3A_18 : vector<16x1xi32> to vector<16x1xf32>
    %mul3A_20 = vector.broadcast %convert_element_type3A_19 : vector<16x1xf32> to vector<16x128xf32>
    %mul3A_21 = vector.broadcast %exp3A : vector<1x128xf32> to vector<16x128xf32>
    %mul3A_22 = arith.mulf %mul3A_20, %mul3A_21 : vector<16x128xf32>
    %sin3A = math.sin %mul3A_22 : vector<16x128xf32>
    %cos3A = math.cos %mul3A_22 : vector<16x128xf32>
    %broadcast_in_dim3A = vector.shape_cast %eq3A_17 : vector<1x128xi1> to vector<1x128xi1>
    %broadcast_in_dim3A_23 = vector.broadcast %broadcast_in_dim3A : vector<1x128xi1> to vector<16x128xi1>
    %select_n3A = arith.select %broadcast_in_dim3A_23, %sin3A, %cos3A : vector<16x128xi1>, vector<16x128xf32>
    %iota3A_24 = tpu.iota {dimensions = array<i32: 1>} : vector<1x16xi32>
    %get3A_25 = arith.constant 0 : index
    %get3A_26 = arith.constant 0 : index
    %get3A_27 = vector.load %arg3[%get3A_25, %get3A_26] : memref<512x32xf32, #tpu.memory_space<vmem>>, vector<512x32xf32>
    %get3A_28 = arith.constant 0 : index
    %get3A_29 = arith.constant 0 : index
    %get3A_30 = vector.load %arg5[%get3A_28, %get3A_29] : memref<4x512xf32, #tpu.memory_space<vmem>>, vector<4x512xf32>
    %get3A_31 = arith.constant 0 : index
    %get3A_32 = vector.load %arg1[%get3A_31] : memref<512xi32, #tpu.memory_space<vmem>>, vector<512xi32>
    %dot_general3A = arith.constant dense<0.000000e+00> : vector<512x128xf32>
    %dot_general3A_33 = tpu.matmul %get3A_27, %get3A_1, %dot_general3A {dimension_numbers = #tpu.dot_dimension_numbers<[1], [0], [0], [1], [0, 0, 1, 1], [], []>, transpose_lhs_hint = false} : vector<512x32xf32>, vector<32x128xf32>, vector<512x128xf32> -> vector<512x128xf32>
    %broadcast_in_dim3A_34 = vector.shape_cast %get3A_3 : vector<128xf32> to vector<1x128xf32>
    %add3A = vector.broadcast %broadcast_in_dim3A_34 : vector<1x128xf32> to vector<512x128xf32>
    %add3A_35 = arith.addf %dot_general3A_33, %add3A : vector<512x128xf32>
    %max3A = arith.constant 0.000000e+00 : f32
    %max3A_36 = vector.broadcast %max3A : f32 to vector<512x128xf32>
    %max3A_37 = arith.maximumf %add3A_35, %max3A_36 : vector<512x128xf32>
    %dot_general3A_38 = arith.constant dense<0.000000e+00> : vector<512x128xf32>
    %dot_general3A_39 = tpu.matmul %get3A_30, %get3A_6, %dot_general3A_38 {dimension_numbers = #tpu.dot_dimension_numbers<[0], [0], [1], [1], [0, 1, 1, 1], [], []>, transpose_lhs_hint = false} : vector<4x512xf32>, vector<4x128xf32>, vector<512x128xf32> -> vector<512x128xf32>
    %broadcast_in_dim3A_40 = vector.shape_cast %get3A_8 : vector<128xf32> to vector<1x128xf32>
    %add3A_41 = vector.broadcast %broadcast_in_dim3A_40 : vector<1x128xf32> to vector<512x128xf32>
    %add3A_42 = arith.addf %dot_general3A_39, %add3A_41 : vector<512x128xf32>
    %max3A_43 = arith.constant 0.000000e+00 : f32
    %max3A_44 = vector.broadcast %max3A_43 : f32 to vector<512x128xf32>
    %max3A_45 = arith.maximumf %add3A_42, %max3A_44 : vector<512x128xf32>
    %reshape3A = vector.shape_cast %get3A_32 : vector<512xi32> to vector<512x1xi32>
    %eq3A_46 = vector.broadcast %reshape3A : vector<512x1xi32> to vector<512x16xi32>
    %eq3A_47 = vector.broadcast %iota3A_24 : vector<1x16xi32> to vector<512x16xi32>
    %eq3A_48 = arith.cmpi eq, %eq3A_46, %eq3A_47 : vector<512x16xi32>
    %convert_element_type3A_49 = arith.extui %eq3A_48 : vector<512x16xi1> to vector<512x16xi32>
    %convert_element_type3A_50 = arith.sitofp %convert_element_type3A_49 : vector<512x16xi32> to vector<512x16xf32>
    %dot_general3A_51 = arith.constant dense<0.000000e+00> : vector<512x128xf32>
    %dot_general3A_52 = tpu.matmul %convert_element_type3A_50, %select_n3A, %dot_general3A_51 {dimension_numbers = #tpu.dot_dimension_numbers<[1], [0], [0], [1], [0, 0, 1, 1], [], []>, transpose_lhs_hint = false} : vector<512x16xf32>, vector<16x128xf32>, vector<512x128xf32> -> vector<512x128xf32>
    %add3A_53 = arith.addf %max3A_37, %max3A_45 : vector<512x128xf32>
    %add3A_54 = arith.addf %add3A_53, %dot_general3A_52 : vector<512x128xf32>
    %swap3A = arith.constant 0 : index
    %swap3A_55 = arith.constant 0 : index
    %swap3A_56 = vector.load %arg11[%swap3A, %swap3A_55] : memref<512x128xf32, #tpu.memory_space<vmem>>, vector<512x128xf32>
    tpu.vector_store %arg11[%swap3A, %swap3A_55], %add3A_54 {strides = array<i32>} : memref<512x128xf32, #tpu.memory_space<vmem>>, vector<512x128xf32>,
    %get3A_57 = arith.constant 0 : index
    %get3A_58 = arith.constant 0 : index
    %get3A_59 = vector.load %arg4[%get3A_57, %get3A_58] : memref<512x32xf32, #tpu.memory_space<vmem>>, vector<512x32xf32>
    %get3A_60 = arith.constant 0 : index
    %get3A_61 = arith.constant 0 : index
    %get3A_62 = vector.load %arg6[%get3A_60, %get3A_61] : memref<4x512xf32, #tpu.memory_space<vmem>>, vector<4x512xf32>
    %get3A_63 = arith.constant 0 : index
    %get3A_64 = vector.load %arg2[%get3A_63] : memref<512xi32, #tpu.memory_space<vmem>>, vector<512xi32>
    %dot_general3A_65 = arith.constant dense<0.000000e+00> : vector<512x128xf32>
    %dot_general3A_66 = tpu.matmul %get3A_59, %get3A_1, %dot_general3A_65 {dimension_numbers = #tpu.dot_dimension_numbers<[1], [0], [0], [1], [0, 0, 1, 1], [], []>, transpose_lhs_hint = false} : vector<512x32xf32>, vector<32x128xf32>, vector<512x128xf32> -> vector<512x128xf32>
    %broadcast_in_dim3A_67 = vector.shape_cast %get3A_3 : vector<128xf32> to vector<1x128xf32>
    %add3A_68 = vector.broadcast %broadcast_in_dim3A_67 : vector<1x128xf32> to vector<512x128xf32>
    %add3A_69 = arith.addf %dot_general3A_66, %add3A_68 : vector<512x128xf32>
    %max3A_70 = arith.constant 0.000000e+00 : f32
    %max3A_71 = vector.broadcast %max3A_70 : f32 to vector<512x128xf32>
    %max3A_72 = arith.maximumf %add3A_69, %max3A_71 : vector<512x128xf32>
    %dot_general3A_73 = arith.constant dense<0.000000e+00> : vector<512x128xf32>
    %dot_general3A_74 = tpu.matmul %get3A_62, %get3A_6, %dot_general3A_73 {dimension_numbers = #tpu.dot_dimension_numbers<[0], [0], [1], [1], [0, 1, 1, 1], [], []>, transpose_lhs_hint = false} : vector<4x512xf32>, vector<4x128xf32>, vector<512x128xf32> -> vector<512x128xf32>
    %broadcast_in_dim3A_75 = vector.shape_cast %get3A_8 : vector<128xf32> to vector<1x128xf32>
    %add3A_76 = vector.broadcast %broadcast_in_dim3A_75 : vector<1x128xf32> to vector<512x128xf32>
    %add3A_77 = arith.addf %dot_general3A_74, %add3A_76 : vector<512x128xf32>
    %max3A_78 = arith.constant 0.000000e+00 : f32
    %max3A_79 = vector.broadcast %max3A_78 : f32 to vector<512x128xf32>
    %max3A_80 = arith.maximumf %add3A_77, %max3A_79 : vector<512x128xf32>
    %reshape3A_81 = vector.shape_cast %get3A_64 : vector<512xi32> to vector<512x1xi32>
    %eq3A_82 = vector.broadcast %reshape3A_81 : vector<512x1xi32> to vector<512x16xi32>
    %eq3A_83 = vector.broadcast %iota3A_24 : vector<1x16xi32> to vector<512x16xi32>
    %eq3A_84 = arith.cmpi eq, %eq3A_82, %eq3A_83 : vector<512x16xi32>
    %convert_element_type3A_85 = arith.extui %eq3A_84 : vector<512x16xi1> to vector<512x16xi32>
    %convert_element_type3A_86 = arith.sitofp %convert_element_type3A_85 : vector<512x16xi32> to vector<512x16xf32>
    %dot_general3A_87 = arith.constant dense<0.000000e+00> : vector<512x128xf32>
    %dot_general3A_88 = tpu.matmul %convert_element_type3A_86, %select_n3A, %dot_general3A_87 {dimension_numbers = #tpu.dot_dimension_numbers<[1], [0], [0], [1], [0, 0, 1, 1], [], []>, transpose_lhs_hint = false} : vector<512x16xf32>, vector<16x128xf32>, vector<512x128xf32> -> vector<512x128xf32>
    %add3A_89 = arith.addf %max3A_72, %max3A_80 : vector<512x128xf32>
    %add3A_90 = arith.addf %add3A_89, %dot_general3A_88 : vector<512x128xf32>
    %swap3A_91 = arith.constant 0 : index
    %swap3A_92 = arith.constant 0 : index
    %swap3A_93 = vector.load %arg12[%swap3A_91, %swap3A_92] : memref<512x128xf32, #tpu.memory_space<vmem>>, vector<512x128xf32>
    tpu.vector_store %arg12[%swap3A_91, %swap3A_92], %add3A_90 {strides = array<i32>} : memref<512x128xf32, #tpu.memory_space<vmem>>, vector<512x128xf32>,
    return
  }
  func.func @transform_0(%arg0: i32) -> i32 {
    %c0_i32 = arith.constant 0 : i32
    return %arg0 : i32
  }
  func.func @transform_1(%arg0: i32) -> i32 {
    %c0_i32 = arith.constant 0 : i32
    return %arg0 : i32
  }
  func.func @transform_2(%arg0: i32) -> (i32, i32) {
    %c0_i32 = arith.constant 0 : i32
    %c0_i32_0 = arith.constant 0 : i32
    return %arg0, %c0_i32 : i32, i32
  }
  func.func @transform_3(%arg0: i32) -> (i32, i32) {
    %c0_i32 = arith.constant 0 : i32
    %c0_i32_0 = arith.constant 0 : i32
    return %arg0, %c0_i32 : i32, i32
  }
  func.func @transform_4(%arg0: i32) -> (i32, i32) {
    %c0_i32 = arith.constant 0 : i32
    %c0_i32_0 = arith.constant 0 : i32
    return %c0_i32, %arg0 : i32, i32
  }
  func.func @transform_5(%arg0: i32) -> (i32, i32) {
    %c0_i32 = arith.constant 0 : i32
    %c0_i32_0 = arith.constant 0 : i32
    return %c0_i32, %arg0 : i32, i32
  }
  func.func @transform_6(%arg0: i32) -> (i32, i32) {
    %c0_i32 = arith.constant 0 : i32
    %c0_i32_0 = arith.constant 0 : i32
    %c0_i32_1 = arith.constant 0 : i32
    return %c0_i32, %c0_i32_0 : i32, i32
  }
  func.func @transform_7(%arg0: i32) -> i32 {
    %c0_i32 = arith.constant 0 : i32
    %c0_i32_0 = arith.constant 0 : i32
    return %c0_i32 : i32
  }
  func.func @transform_8(%arg0: i32) -> (i32, i32) {
    %c0_i32 = arith.constant 0 : i32
    %c0_i32_0 = arith.constant 0 : i32
    %c0_i32_1 = arith.constant 0 : i32
    return %c0_i32, %c0_i32_0 : i32, i32
  }
  func.func @transform_9(%arg0: i32) -> i32 {
    %c0_i32 = arith.constant 0 : i32
    %c0_i32_0 = arith.constant 0 : i32
    return %c0_i32 : i32
  }
  func.func @transform_10(%arg0: i32) -> (i32, i32) {
    %c0_i32 = arith.constant 0 : i32
    %c0_i32_0 = arith.constant 0 : i32
    return %arg0, %c0_i32 : i32, i32
  }
  func.func @transform_11(%arg0: i32) -> (i32, i32) {
    %c0_i32 = arith.constant 0 : i32
    %c0_i32_0 = arith.constant 0 : i32
    return %arg0, %c0_i32 : i32, i32
  }
}

</mosaic_0001>

<sc_bundles>
// kernel: kernel.4.cloned.1.call-start
scs
__scs_entry_jumppad:
0x0: {  	(pc) =	sbr.rel $0x88, $3  }
0x1: {  	(tag) =	ssettag $0x0;
	lr =	simm.s32 $0x1  }
0x2: {  	[smem:$0x3F96] =	sst lr;
	_ =	strace $0xD0000000  }
0x3: {  	_ = 	snop  }
0x4: {  	_ = 	snop  }
0x5: {  	_ = 	snop  }
0x6: {  	_ = 	snop  }
0x7: {  	_ = 	snop  }
__scs_overlays_trampoline_lowered:
0x8: {  	[smem:$0x3FA5] =	sst s0  }
0x9: {  	[smem:$0x3FA6] =	sst s1  }
0xa: {  	[smem:$0x3FA7] =	sst s2  }
0xb: {  	[smem:$0x3FA8] =	sst s3  }
0xc: {  	[smem:$0x3FA9] =	sst s4  }
0xd: {  	[smem:$0x3FAA] =	sst s5  }
0xe: {  	[smem:$0x3FAB] =	sst s6  }
0xf: {  	[smem:$0x3FAC] =	sst s7  }
0x10: {  	[smem:$0x3FAD] =	sst s8  }
0x11: {  	[smem:$0x3FAE] =	sst s9;
	s0 =	simm.s32 @!p0 $0x0  }
0x12: {  	s1 =	sld [smem:$0x3F94];
	s0 =	simm.s32 @p0 $0x1  }
0x13: {  	[smem:$0x3FAF] =	sst s0;
	s0 =	simm.s32 @!p1 $0x0  }
0x14: {  	s2 =	sld [smem:$0x3F93];
	s0 =	simm.s32 @p1 $0x1  }
0x15: {  	[smem:$0x3FB0] =	sst s0;
	s0 =	simm.s32 @!p2 $0x0  }
0x16: {  	s3 =	sld [smem:$0x3FDB];
	s0 =	simm.s32 @p2 $0x1  }
0x17: {  	s4 =	simm.s32 $0x1BF5;
	[smem:$0x3FB2] =	sst s0  }
0x18: {  	s0 =	sld [smem:$0x3F95];
	_ =	swait.ge [sflag:s4], $0x0  }
0x19: {  	s7 =	sld [smem:$0x3F96]  }
0x1a: {  	s8 =	sadd.s32 $0xFFFFE003, lr  }
0x1b: {  	s9 =	sadd.s32 $0xFFFFFEF7, lr;
	s5 =	simm.s32 $0xFFFFFFFF;
	p2 =	slt.u32 s8, $0xFFFFF086  }
0x1c: {  	p1 =	slt.u32 s9, $0xF7A;
	s5 =	simm.s32 @!p2 $0x0  }
0x1d: {  	s5 =	simm.s32 @p1 $0x1;
	p0 =	seq.s32 s7, s2  }
0x1e: {  	s7 =	smul.u32 @!p0 $0xF7A, s2;
	p2 =	seq.s32 @!p0 s5, $0x0  }
0x1f: {  	s9 =	smul.u32 $0xF7A, s1;
	s8 =	simm.s32 @!p0 $0x1BF5;
	p2 =	por !p2, p0  }
0x20: {  	[sflag:s8] =	ssyncset.s32 @!p0 $0xFFFFF086;
	s6 =	sadd.s32 @!p0 s3, s7;
	s7 =	simm.s32 @!p0 $0x108  }
0x21: {  	s3 =	sadd.s32 s3, s9;
	s6 =	sadd.s32 @!p0 $0x88, s6;
	s7 =	simm.s32 @p2 $0x1082  }
0x22: {  	[simem:s7], [sflag:s8] =	dma.local @!p0 [hbm:s6], $0xF7A  }
0x23: {  	s9 =	sor.u32 $0xD0000000, s2;
	s6 =	simm.s32 $0x108;
	_ =	swait.ge @!p0 [sflag:s8], $0x0  }
0x24: {  	s3 =	sadd.s32 $0x88, s3;
	s6 =	simm.s32 @!p1 $0x1082;
	[sflag:s4] =	ssyncset.s32 $0xFFFFF086  }
0x25: {  	[simem:s6], [sflag:s4] =	dma.local [hbm:s3], $0xF7A  }
0x26: {  	[smem:$0x3F96] =	sst s1;
	(tag) =	ssettag s2;
	_ =	strace s9  }
0x27: {  	s1 =	sld [smem:$0x3FA6]  }
0x28: {  	s2 =	sld [smem:$0x3FA7]  }
0x29: {  	s4 =	sld [smem:$0x3FA9]  }
0x2a: {  	p0 =	seq.s32 s5, $0x0;
	s5 =	sld [smem:$0x3FAA]  }
0x2b: {  	s6 =	sld [smem:$0x3FAB]  }
0x2c: {  	s7 =	sld [smem:$0x3FAC]  }
0x2d: {  	s3 =	simm.s32 $0x108;
	s8 =	sld [smem:$0x3FAD]  }
0x2e: {  	s3 =	simm.s32 @!p0 $0x1082;
	s9 =	sld [smem:$0x3FAE]  }
0x2f: {  	lr =	sadd.s32 s0, s3;
	s0 =	sld [smem:$0x3FA5]  }
0x30: {  	s3 =	sld [smem:$0x3FA8]  }
0x31: {  	[smem:$0x3FB1] =	sst s10  }
0x32: {  	s10 =	sld [smem:$0x3FAF];
	_ =	sdelay $0x3  }
0x33: {  	p0 =	seq.s32 s10, $0x1;
	s10 =	sld [smem:$0x3FB1];
	_ =	sdelay $0x3  }
0x34: {  	[smem:$0x3FB1] =	sst s10  }
0x35: {  	s10 =	sld [smem:$0x3FB0];
	_ =	sdelay $0x3  }
0x36: {  	p1 =	seq.s32 s10, $0x1;
	s10 =	sld [smem:$0x3FB1];
	_ =	sdelay $0x3  }
0x37: {  	[smem:$0x3FB1] =	sst s10  }
0x38: {  	s10 =	sld [smem:$0x3FB2]  }
0x39: {  	_ = 	snop;
	(pc) =	sbr.ind lr, $3  }
0x3a: {  	_ = 	snop  }
0x3b: {  	_ = 	snop  }
0x3c: {  	p2 =	seq.s32 s10, $0x1;
	s10 =	sld [smem:$0x3FB1]  }
0x3d: {  	_ =	shalt  }
0x3e: {  	_ =	shalt  }
0x3f: {  	_ =	shalt  }
0x40: {  	_ =	shalt  }
0x41: {  	_ =	shalt  }
0x42: {  	_ =	shalt  }
0x43: {  	_ =	shalt  }
0x44: {  	_ =	shalt  }
0x45: {  	_ =	shalt  }
0x46: {  	_ =	shalt  }
0x47: {  	_ =	shalt  }
0x48: {  	_ =	shalt  }
0x49: {  	_ =	shalt  }
0x4a: {  	_ =	shalt  }
0x4b: {  	_ =	shalt  }
0x4c: {  	_ =	shalt  }
0x4d: {  	_ =	shalt  }
0x4e: {  	_ =	shalt  }
0x4f: {  	_ =	shalt  }
0x50: {  	_ =	shalt  }
0x51: {  	_ =	shalt  }
0x52: {  	_ =	shalt  }
0x53: {  	_ =	shalt  }
0x54: {  	_ =	shalt  }
0x55: {  	_ =	shalt  }
0x56: {  	_ =	shalt  }
0x57: {  	_ =	shalt  }
0x58: {  	_ =	shalt  }
0x59: {  	_ =	shalt  }
0x5a: {  	_ =	shalt  }
0x5b: {  	_ =	shalt  }
0x5c: {  	_ =	shalt  }
0x5d: {  	_ =	shalt  }
0x5e: {  	_ =	shalt  }
0x5f: {  	_ =	shalt  }
0x60: {  	_ =	shalt  }
0x61: {  	_ =	shalt  }
0x62: {  	_ =	shalt  }
0x63: {  	_ =	shalt  }
0x64: {  	_ =	shalt  }
0x65: {  	_ =	shalt  }
0x66: {  	_ =	shalt  }
0x67: {  	_ =	shalt  }
0x68: {  	_ =	shalt  }
0x69: {  	_ =	shalt  }
0x6a: {  	_ =	shalt  }
0x6b: {  	_ =	shalt  }
0x6c: {  	_ =	shalt  }
0x6d: {  	_ =	shalt  }
0x6e: {  	_ =	shalt  }
0x6f: {  	_ =	shalt  }
0x70: {  	_ =	shalt  }
0x71: {  	_ =	shalt  }
0x72: {  	_ =	shalt  }
0x73: {  	_ =	shalt  }
0x74: {  	_ =	shalt  }
0x75: {  	_ =	shalt  }
0x76: {  	_ =	shalt  }
0x77: {  	_ =	shalt  }
0x78: {  	_ =	shalt  }
0x79: {  	_ =	shalt  }
0x7a: {  	_ =	shalt  }
0x7b: {  	_ =	shalt  }
0x7c: {  	_ =	shalt  }
0x7d: {  	_ =	shalt  }
0x7e: {  	_ =	shalt  }
0x7f: {  	_ =	shalt  }
0x80: {  	_ =	shalt  }
0x81: {  	_ =	shalt  }
0x82: {  	_ =	shalt  }
0x83: {  	_ =	shalt  }
0x84: {  	_ =	shalt  }
0x85: {  	_ =	shalt  }
0x86: {  	_ =	shalt  }
0x87: {  	_ =	shalt  }
.Lfunc_end0:
.L_simem_size_0:
called_computation_lowered:
.L_overlay_start_0:
0x88: {  	s2 =	sld [smem:$0x3FD9]  }
0x89: {  	s3 =	sld [smem:$0x3FFE];
	_ =	sdelay $0x1  }
0x8a: {  	s1 =	srdreg.scid  }
0x8b: {  	s0 =	sand.u32 $0x1, s1  }
0x8c: {  	s14 =	sshll.u32 s0, $0xA;
	s2 =	sadd.s32 s3, s2  }
0x8d: {  	s2 =	sadd.s32 s2, s14  }
0x8e: {  	[smem:$0x3FBD] =	sst s2  }
0x8f: {  	_ = 	snop  }
0x90: {  	s2 =	sld [smem:$0x3FD0]  }
0x91: {  	s15 =	sld [smem:$0x3FC8]  }
0x92: {  	s4 =	sld [smem:$0x3FC6]  }
0x93: {  	s6 =	simm.s32 $0xA;
	s7 =	simm.s32 $0x10;
	s5 =	sld [smem:$0x3FC5]  }
0x94: {  	[smem:s7], [sflag:s6] =	dma.local [hbm:s2], $0x1  }
0x95: {  	_ =	swait.eq [sflag:s6], $0x1  }
0x96: {  	[sflag:s6] =	ssyncset.done $0x0  }
0x97: {  	s16 =	sld [smem:$0x10];
	[sflag:s6] =	ssyncadd.s32 $0xFFFFFFFF  }
0x98: {  	s17 =	sld [smem:$0x11];
	(tm) =	ssettm $0x1  }
0x99: {  	s18 =	sld [smem:$0x3FFB];
	_ =	sdelay $0x3  }
0x9a: {  	_ =	strace s18  }
0x9b: {  	s7 =	sld [smem:$0x3FFC];
	_ =	sdelay $0x3  }
0x9c: {  	_ =	strace s7  }
0x9d: {  	s7 =	sld [smem:$0x3FFD];
	_ =	sdelay $0x3  }
0x9e: {  	_ =	strace s7  }
0x9f: {  	_ =	strace $0x8FFFFFFF  }
0xa0: {  	s19 =	sld [smem:$0x3FDB];
	_ =	sdelay $0x1  }
0xa1: {  	s8 =	simm.s32 $_scs_section_size  }
0xa2: {  	s9 =	simm.s32 $_size__tile_overlayer_lowered;
	s10 =	simm.s32 $_tile_overlayer_lowered  }
0xa3: {  	s22 =	simm.s32 $0x1BFF;
	s21 =	sshll.u32 s10, $0x1;
	s7 =	sadd.s32 s8, s19  }
0xa4: {  	s11 =	simm.s32 $0x0;
	s20 =	sshll.u32 s9, $0x1;
	s9 =	sadd.s32 s21, s7  }
0xa5: {  	[timem:s11], [sflag:s22] =	dma.local [hbm:s9], s20  }
0xa6: {  	_ =	swait.ge [sflag:s22], s20  }
0xa7: {  	s8 =	ssub.s32 $0x0, s20;
	[sflag:s22] =	ssyncset.done $0x0  }
0xa8: {  	[sflag:s22] =	ssyncadd.s32 s8;
	_ =	sdelay $0x1  }
0xa9: {  	s23 =	simm.s32 $0x1B8B  }
0xaa: {  	_ =	swait.ge [sflag:s23], $0x1  }
0xab: {  	[sflag:s23] =	ssyncset.done $0x0  }
0xac: {  	s25 =	simm.s32 $0x1B8E;
	s24 =	sld [smem:$0x3FFE];
	[sflag:s23] =	ssyncadd.s32 $0xFFFFFFFF  }
0xad: {  	s26 =	simm.s32 $execute0_lowered;
	[smem:$0x3FD2] =	sst s25  }
0xae: {  	s9 =	sshll.u32 s26, $0x1;
	_ =	strace $0x80000046;
	[dreg:$0x1] =	wrdreg $0xFFFFFFFF  }
0xaf: {  	s28 =	simm.s32 $_size_execute0_lowered;
	s7 =	sadd.s32 s7, s9;
	[dreg:$0x0] =	wrdreg $0x0  }
0xb0: {  	s9 =	sshll.u32 s28, $0x1;
	[dreg:$0x2] =	wrdreg s7  }
0xb1: {  	[dreg:$0x3] =	wrdreg s9  }
0xb2: {  	[dreg:$0x4] =	wrdreg $0xC0  }
0xb3: {  	_ =	task [dreg:s11], $0x5FFFF  }
0xb4: {  	[dreg:$0x1] =	wrdreg $0xFFFFFFFF  }
0xb5: {  	[dreg:$0x0] =	wrdreg $0x60  }
0xb6: {  	[dreg:$0x2] =	wrdreg s24  }
0xb7: {  	[dreg:$0x3] =	wrdreg s15  }
0xb8: {  	[dreg:$0x4] =	wrdreg s4  }
0xb9: {  	[dreg:$0x5] =	wrdreg s5  }
0xba: {  	[dreg:$0x6] =	wrdreg s17  }
0xbb: {  	[dreg:$0x7] =	wrdreg s16  }
0xbc: {  	[dreg:$0x8] =	wrdreg $0x9  }
0xbd: {  	_ =	task.clear_ibuf [dreg:s11], $0x9FFFF;
	_ =	strace $0x90000046  }
0xbe: {  	s29 =	simm.s32 $0x9;
	_ =	strace $0x80000048  }
0xbf: {  	_ =	swait.ge [sflag:s29], $0x1  }
0xc0: {  	[sflag:s29] =	ssyncadd.s32 $0xFFFFFFFF  }
0xc1: {  	_ =	strace $0x90000048  }
0xc2: {  	_ =	sfence  }
0xc3: {  	s30 =	sld [smem:$0x0];
	_ =	sdelay $0x2  }
0xc4: {  	s31 =	sshll.u32 s1, $0xD;
	s1 =	sshrl.u32 s1, $0x2  }
0xc5: {  	s3 =	sand.u32 $0x4000, s31;
	s1 =	sadd.s32 s1, s30  }
0xc6: {  	s0 =	sor.u32 s3, s0;
	s1 =	sshll.u32 s1, $0x11  }
0xc7: {  	s0 =	sor.u32 s1, s0  }
0xc8: {  	s0 =	sadd.s32 $0x8F2B, s0  }
0xc9: {  	[sflag:s0] =	ssyncadd.remote.s32 $0x1  }
0xca: {  	_ =	sfence.sel $0xFFFF  }
0xcb: {  	[dreg:$0x0] =	wrdreg $0xFFFFFFFF;
	(pc) =	sbr.abs _section_cstart, $3  }
0xcc: {  	[dreg:$0x1] =	wrdreg $0xFFFFFFFF  }
0xcd: {  	_ =	task.clear_ibuf [dreg:s11], $0x2FFFF;
	_ =	strace $0x9FFFFFFF  }
0xce: {  	(tm) =	ssettm $0x7FFFFFFF  }
0xcf: {  	_ =	shalt  }
tec
execute0_lowered:
.L_overlay_start_1:
0x0: {  	(tag) =	ssettag $0x1  }
0x1: {  	s0 =	rddreg [dreg:$0x0]  }
0x2: {  	s18 =	rddreg [dreg:$0x1]  }
0x3: {  	s1 =	rddreg [dreg:$0x2]  }
0x4: {  	s3 =	rddreg [dreg:$0x3]  }
0x5: {  	s4 =	rddreg [dreg:$0x4]  }
0x6: {  	s5 =	rddreg [dreg:$0x5];
	s6 =	srdreg.scid  }
0x7: {  	s8 =	stileid.u32;
	s30 =	simm.s32 $0x0;
	s28 =	simm.s32 $0x180  }
0x8: {  	s29 =	simm.s32 $0x200;
	s31 =	simm.s32 $0x300;
	p0 =	por $0x0, $0x0  }
0x9: {  	s6 =	sand.u32 $0x1, s6;
	s8 =	sshll.u32 s8, $0x1;
	[smem:$0x7FF] =	sst s30  }
0xa: {  	s10 =	sadd.s32 $0xF44200, s0;
	s21 =	sadd.s32 $0x9E00, s0;
	s9 =	sor.u32 s6, s8  }
0xb: {  	_ =	strace $0x80000047;
	s15 =	ssub.s32 $0x2, s6;
	s6 =	simm.s32 $0x280  }
0xc: {  	s8 =	sshll.u32 s9, $0x7;
	s7 =	sshll.u32 s9, $0xC;
	s9 =	sadd.s32 $0xDE00, s0  }
0xd: {  	s17 =	sshrl.u32 s15, $0x1;
	s1 =	sadd.s32 s1, s8;
	s22 =	sadd.s32 s4, s7  }
0xe: {  	s23 =	sadd.s32 s21, s8;
	s24 =	sor.u32 $0x1000, s8;
	s11 =	sor.u32 $0x2000, s8  }
0xf: {  	s12 =	sor.u32 $0x3000, s8;
	s3 =	sadd.s32 s3, s8;
	[dreg:$0x7] =	wrdreg s1  }
0x10: {  	s13 =	sadd.s32 s5, s7;
	s14 =	sadd.s32 s9, s8;
	[dreg:$0x8] =	wrdreg s22  }
0x11: {  	s4 =	ssub.s32 s15, s17;
	[dreg:$0x9] =	wrdreg s23;
	s25 =	sadd.s32 s21, s24  }
0x12: {  	s26 =	sadd.s32 s21, s11;
	s2 =	sadd.s32 s21, s12;
	[dreg:$0xd] =	wrdreg s3  }
0x13: {  	s23 =	sadd.s32 $0x5E00, s0;
	s22 =	sadd.s32 $0x3E00, s0;
	[dreg:$0xe] =	wrdreg s13  }
0x14: {  	[dreg:$0xf] =	wrdreg s14;
	s16 =	sadd.s32 s9, s24;
	s19 =	sadd.s32 s9, s11  }
0x15: {  	s20 =	sadd.s32 s9, s12;
	s21 =	smax.u32 s4, $0x1;
	[dreg:$0xa] =	wrdreg s25  }
0x16: {  	s24 =	sadd.s32 $0x1E00, s0;
	[dreg:$0xb] =	wrdreg s26;
	p1 =	sne.s32 s21, $0x1  }
.Ltmp0:
0x17: {  	s3 =	simm.s32 $0x4;
	[dreg:$0xc] =	wrdreg s2;
	(pc) =	sbr.rel @!p1 .LBB2_3-.Ltmp0, $4  }
0x18: {  	s12 =	simm.s32 $0x80;
	s1 =	simm.s32 $0x3;
	[dreg:$0x10] =	wrdreg s16  }
0x19: {  	s11 =	simm.s32 $0x2;
	s9 =	simm.s32 $0x1;
	[dreg:$0x11] =	wrdreg s19  }
0x1a: {  	s25 =	sadd.s32 $0x7E00, s0;
	[dreg:$0x12] =	wrdreg s20;
	s26 =	simm.s32 $0x100  }
0x1b: {  	s0 =	simm.s32 $0x380;
	s7 =	sadd.s32 $0xFFFFFFFF, s21;
	s5 =	rddreg [dreg:$0x7]  }
0x1c: {  	[tilespmem:s30], [sflag:$0x4] =	stream.linear.gather [hbm4b:s5+s30], $0x400, $0x38;
	[tilespmem:$0x9800] =	vst v63  }
0x1d: {  	_ =	swait.ge [sflag:s3], $0x400  }
0x1e: {  	[sflag:s3] =	ssyncset.done $0x0  }
0x1f: {  	s19 =	simm.s32 $0x400;
	[sflag:s3] =	ssyncadd.s32 $0xFFFFFC00  }
0x20: {  	[tilespmem:s19], [sflag:$0x3] =	stream.indirect.gather [hbm4b:s18+s12], $0x1, s30, s12, $0xb8;
	[tilespmem:$0x9800] =	vst v63  }
0x21: {  	s8 =	simm.s32 $0x480  }
0x22: {  	[tilespmem:s8], [sflag:$0x3] =	stream.indirect.gather [hbm4b:s18+s12], $0x1, s12, s12, $0xb8;
	[tilespmem:$0x9800] =	vst v63  }
0x23: {  	s13 =	simm.s32 $0x500  }
0x24: {  	[tilespmem:s13], [sflag:$0x3] =	stream.indirect.gather [hbm4b:s18+s12], $0x1, s26, s12, $0xb8;
	[tilespmem:$0x9800] =	vst v63  }
0x25: {  	s14 =	simm.s32 $0x580  }
0x26: {  	[tilespmem:s14], [sflag:$0x3] =	stream.indirect.gather [hbm4b:s18+s12], $0x1, s28, s12, $0xb8;
	[tilespmem:$0x9800] =	vst v63  }
0x27: {  	s15 =	simm.s32 $0x600  }
0x28: {  	[tilespmem:s15], [sflag:$0x3] =	stream.indirect.gather [hbm4b:s18+s12], $0x1, s29, s12, $0xb8;
	[tilespmem:$0x9800] =	vst v63  }
0x29: {  	s16 =	simm.s32 $0x680  }
0x2a: {  	[tilespmem:s16], [sflag:$0x3] =	stream.indirect.gather [hbm4b:s18+s12], $0x1, s6, s12, $0xb8;
	[tilespmem:$0x9800] =	vst v63  }
0x2b: {  	s20 =	simm.s32 $0x700  }
0x2c: {  	[tilespmem:s20], [sflag:$0x3] =	stream.indirect.gather [hbm4b:s18+s12], $0x1, s31, s12, $0xb8;
	[tilespmem:$0x9800] =	vst v63  }
0x2d: {  	s21 =	simm.s32 $0x780  }
0x2e: {  	[tilespmem:s21], [sflag:$0x3] =	stream.indirect.gather [hbm4b:s18+s12], $0x1, s0, s12, $0xb8;
	[tilespmem:$0x9800] =	vst v63  }
0x2f: {  	s17 =	simm.s32 $0x8800  }
0x30: {  	[tilespmem:s17], [sflag:$0x2] =	stream.indirect.gather [hbm4b:s25+s12], $0x1, s30, s12, $0xb8;
	[tilespmem:$0x9800] =	vst v63  }
0x31: {  	s6 =	simm.s32 $0x8880  }
0x32: {  	[tilespmem:s6], [sflag:$0x2] =	stream.indirect.gather [hbm4b:s25+s12], $0x1, s12, s12, $0xb8;
	[tilespmem:$0x9800] =	vst v63  }
0x33: {  	s2 =	simm.s32 $0x8900  }
0x34: {  	[tilespmem:s2], [sflag:$0x2] =	stream.indirect.gather [hbm4b:s25+s12], $0x1, s26, s12, $0xb8;
	[tilespmem:$0x9800] =	vst v63  }
0x35: {  	s26 =	simm.s32 $0x8980  }
0x36: {  	[tilespmem:s26], [sflag:$0x2] =	stream.indirect.gather [hbm4b:s25+s12], $0x1, s28, s12, $0xb8;
	[tilespmem:$0x9800] =	vst v63  }
0x37: {  	s5 =	simm.s32 $0x8A00  }
0x38: {  	[tilespmem:s5], [sflag:$0x2] =	stream.indirect.gather [hbm4b:s25+s12], $0x1, s29, s12, $0xb8;
	[tilespmem:$0x9800] =	vst v63  }
0x39: {  	[dreg:$0x13] =	wrdreg s7;
	s7 =	simm.s32 $0x8A80;
	s31 =	simm.s32 $0x280  }
0x3a: {  	[tilespmem:s7], [sflag:$0x2] =	stream.indirect.gather [hbm4b:s25+s12], $0x1, s31, s12, $0xb8;
	[tilespmem:$0x9800] =	vst v63  }
0x3b: {  	s0 =	simm.s32 $0x300;
	s17 =	simm.s32 $0x8B00  }
0x3c: {  	[tilespmem:s17], [sflag:$0x2] =	stream.indirect.gather [hbm4b:s25+s12], $0x1, s0, s12, $0xb8;
	[tilespmem:$0x9800] =	vst v63  }
0x3d: {  	s4 =	simm.s32 $0x380;
	s26 =	simm.s32 $0x8B80  }
0x3e: {  	[tilespmem:s26], [sflag:$0x2] =	stream.indirect.gather [hbm4b:s25+s12], $0x1, s4, s12, $0xb8;
	[tilespmem:$0x9800] =	vst v63  }
0x3f: {  	s2 =	simm.s32 $0x8C00  }
0x40: {  	[tilespmem:s2], [sflag:$0x2] =	stream.indirect.gather [hbm4b:s23+s12], $0x1, s30, s12, $0xb8;
	[tilespmem:$0x9800] =	vst v63  }
0x41: {  	s7 =	simm.s32 $0x8C80  }
0x42: {  	[tilespmem:s7], [sflag:$0x2] =	stream.indirect.gather [hbm4b:s23+s12], $0x1, s12, s12, $0xb8;
	[tilespmem:$0x9800] =	vst v63  }
0x43: {  	s28 =	simm.s32 $0x100;
	s17 =	simm.s32 $0x8D00  }
0x44: {  	[tilespmem:s17], [sflag:$0x2] =	stream.indirect.gather [hbm4b:s23+s12], $0x1, s28, s12, $0xb8;
	[tilespmem:$0x9800] =	vst v63  }
0x45: {  	s29 =	simm.s32 $0x180;
	s26 =	simm.s32 $0x8D80  }
0x46: {  	[tilespmem:s26], [sflag:$0x2] =	stream.indirect.gather [hbm4b:s23+s12], $0x1, s29, s12, $0xb8;
	[tilespmem:$0x9800] =	vst v63  }
0x47: {  	s5 =	simm.s32 $0x200;
	s7 =	simm.s32 $0x8E00  }
0x48: {  	[tilespmem:s7], [sflag:$0x2] =	stream.indirect.gather [hbm4b:s23+s12], $0x1, s5, s12, $0xb8;
	[tilespmem:$0x9800] =	vst v63  }
0x49: {  	s17 =	simm.s32 $0x8E80  }
0x4a: {  	[tilespmem:s17], [sflag:$0x2] =	stream.indirect.gather [hbm4b:s23+s12], $0x1, s31, s12, $0xb8;
	[tilespmem:$0x9800] =	vst v63  }
0x4b: {  	s26 =	simm.s32 $0x8F00  }
0x4c: {  	[tilespmem:s26], [sflag:$0x2] =	stream.indirect.gather [hbm4b:s23+s12], $0x1, s0, s12, $0xb8;
	[tilespmem:$0x9800] =	vst v63  }
0x4d: {  	s7 =	simm.s32 $0x8F80  }
0x4e: {  	[tilespmem:s7], [sflag:$0x2] =	stream.indirect.gather [hbm4b:s23+s12], $0x1, s4, s12, $0xb8;
	[tilespmem:$0x9800] =	vst v63  }
0x4f: {  	s17 =	simm.s32 $0x9000  }
0x50: {  	[tilespmem:s17], [sflag:$0x2] =	stream.indirect.gather [hbm4b:s22+s12], $0x1, s30, s12, $0xb8;
	[tilespmem:$0x9800] =	vst v63  }
0x51: {  	s26 =	simm.s32 $0x9080  }
0x52: {  	[tilespmem:s26], [sflag:$0x2] =	stream.indirect.gather [hbm4b:s22+s12], $0x1, s12, s12, $0xb8;
	[tilespmem:$0x9800] =	vst v63  }
0x53: {  	s7 =	simm.s32 $0x9100  }
0x54: {  	[tilespmem:s7], [sflag:$0x2] =	stream.indirect.gather [hbm4b:s22+s12], $0x1, s28, s12, $0xb8;
	[tilespmem:$0x9800] =	vst v63  }
0x55: {  	s17 =	simm.s32 $0x9180  }
0x56: {  	[tilespmem:s17], [sflag:$0x2] =	stream.indirect.gather [hbm4b:s22+s12], $0x1, s29, s12, $0xb8;
	[tilespmem:$0x9800] =	vst v63  }
0x57: {  	s26 =	simm.s32 $0x9200  }
0x58: {  	[tilespmem:s26], [sflag:$0x2] =	stream.indirect.gather [hbm4b:s22+s12], $0x1, s5, s12, $0xb8;
	[tilespmem:$0x9800] =	vst v63  }
0x59: {  	s7 =	simm.s32 $0x9280  }
0x5a: {  	[tilespmem:s7], [sflag:$0x2] =	stream.indirect.gather [hbm4b:s22+s12], $0x1, s31, s12, $0xb8;
	[tilespmem:$0x9800] =	vst v63  }
0x5b: {  	s17 =	simm.s32 $0x9300  }
0x5c: {  	[tilespmem:s17], [sflag:$0x2] =	stream.indirect.gather [hbm4b:s22+s12], $0x1, s0, s12, $0xb8;
	[tilespmem:$0x9800] =	vst v63  }
0x5d: {  	s26 =	simm.s32 $0x9380  }
0x5e: {  	[tilespmem:s26], [sflag:$0x2] =	stream.indirect.gather [hbm4b:s22+s12], $0x1, s4, s12, $0xb8;
	[tilespmem:$0x9800] =	vst v63  }
0x5f: {  	s2 =	simm.s32 $0x9400  }
0x60: {  	[tilespmem:s2], [sflag:$0x2] =	stream.indirect.gather [hbm4b:s24+s12], $0x1, s30, s12, $0xb8;
	[tilespmem:$0x9800] =	vst v63  }
0x61: {  	s7 =	simm.s32 $0x9480  }
0x62: {  	[tilespmem:s7], [sflag:$0x2] =	stream.indirect.gather [hbm4b:s24+s12], $0x1, s12, s12, $0xb8;
	[tilespmem:$0x9800] =	vst v63  }
0x63: {  	s17 =	simm.s32 $0x9500  }
0x64: {  	[tilespmem:s17], [sflag:$0x2] =	stream.indirect.gather [hbm4b:s24+s12], $0x1, s28, s12, $0xb8;
	[tilespmem:$0x9800] =	vst v63  }
0x65: {  	s26 =	simm.s32 $0x9580  }
0x66: {  	[tilespmem:s26], [sflag:$0x2] =	stream.indirect.gather [hbm4b:s24+s12], $0x1, s29, s12, $0xb8;
	[tilespmem:$0x9800] =	vst v63  }
0x67: {  	s4 =	simm.s32 $0x9600  }
0x68: {  	[tilespmem:s4], [sflag:$0x2] =	stream.indirect.gather [hbm4b:s24+s12], $0x1, s5, s12, $0xb8;
	[tilespmem:$0x9800] =	vst v63  }
0x69: {  	s7 =	simm.s32 $0x9680  }
0x6a: {  	[tilespmem:s7], [sflag:$0x2] =	stream.indirect.gather [hbm4b:s24+s12], $0x1, s31, s12, $0xb8;
	[tilespmem:$0x9800] =	vst v63  }
0x6b: {  	s17 =	simm.s32 $0x9700  }
0x6c: {  	[tilespmem:s17], [sflag:$0x2] =	stream.indirect.gather [hbm4b:s24+s12], $0x1, s0, s12, $0xb8;
	[tilespmem:$0x9800] =	vst v63  }
0x6d: {  	s26 =	simm.s32 $0x9780;
	s0 =	simm.s32 $0x380  }
0x6e: {  	[tilespmem:s26], [sflag:$0x2] =	stream.indirect.gather [hbm4b:s24+s12], $0x1, s0, s12, $0xb8;
	[tilespmem:$0x9800] =	vst v63  }
0x6f: {  	_ =	swait.ge [sflag:s1], $0x80  }
0x70: {  	[sflag:s1] =	ssyncset.done $0x0  }
0x71: {  	[sflag:s1] =	ssyncadd.s32 $0xFFFFFF80  }
0x72: {  	_ =	swait.ge [sflag:s1], $0x80  }
0x73: {  	[sflag:s1] =	ssyncset.done $0x0  }
0x74: {  	[sflag:s1] =	ssyncadd.s32 $0xFFFFFF80  }
0x75: {  	_ =	swait.ge [sflag:s1], $0x80  }
0x76: {  	[sflag:s1] =	ssyncset.done $0x0  }
0x77: {  	[sflag:s1] =	ssyncadd.s32 $0xFFFFFF80  }
0x78: {  	_ =	swait.ge [sflag:s1], $0x80  }
0x79: {  	[sflag:s1] =	ssyncset.done $0x0  }
0x7a: {  	[sflag:s1] =	ssyncadd.s32 $0xFFFFFF80  }
0x7b: {  	_ =	swait.ge [sflag:s1], $0x80  }
0x7c: {  	[sflag:s1] =	ssyncset.done $0x0  }
0x7d: {  	[sflag:s1] =	ssyncadd.s32 $0xFFFFFF80  }
0x7e: {  	_ =	swait.ge [sflag:s1], $0x80  }
0x7f: {  	[sflag:s1] =	ssyncset.done $0x0  }
0x80: {  	[sflag:s1] =	ssyncadd.s32 $0xFFFFFF80  }
0x81: {  	_ =	swait.ge [sflag:s1], $0x80  }
0x82: {  	[sflag:s1] =	ssyncset.done $0x0  }
0x83: {  	[sflag:s1] =	ssyncadd.s32 $0xFFFFFF80  }
0x84: {  	_ =	swait.ge [sflag:s1], $0x80  }
0x85: {  	[sflag:s1] =	ssyncset.done $0x0  }
0x86: {  	s4 =	simm.s32 $0x800;
	[sflag:s1] =	ssyncadd.s32 $0xFFFFFF80  }
0x87: {  	[tilespmem:s4], [sflag:$0x1] =	stream.indirect.gather [hbm4b:s10+s12], $0x20, s19, s12, $0xb8;
	[tilespmem:$0x9800] =	vst v63  }
0x88: {  	s5 =	simm.s32 $0x1800  }
0x89: {  	[tilespmem:s5], [sflag:$0x1] =	stream.indirect.gather [hbm4b:s10+s12], $0x20, s8, s12, $0xb8;
	[tilespmem:$0x9800] =	vst v63  }
0x8a: {  	s7 =	simm.s32 $0x2800  }
0x8b: {  	[tilespmem:s7], [sflag:$0x1] =	stream.indirect.gather [hbm4b:s10+s12], $0x20, s13, s12, $0xb8;
	[tilespmem:$0x9800] =	vst v63  }
0x8c: {  	s17 =	simm.s32 $0x3800  }
0x8d: {  	[tilespmem:s17], [sflag:$0x1] =	stream.indirect.gather [hbm4b:s10+s12], $0x20, s14, s12, $0xb8;
	[tilespmem:$0x9800] =	vst v63  }
0x8e: {  	s26 =	simm.s32 $0x4800  }
0x8f: {  	[tilespmem:s26], [sflag:$0x1] =	stream.indirect.gather [hbm4b:s10+s12], $0x20, s15, s12, $0xb8;
	[tilespmem:$0x9800] =	vst v63  }
0x90: {  	s5 =	simm.s32 $0x5800  }
0x91: {  	[tilespmem:s5], [sflag:$0x1] =	stream.indirect.gather [hbm4b:s10+s12], $0x20, s16, s12, $0xb8;
	[tilespmem:$0x9800] =	vst v63  }
0x92: {  	s7 =	simm.s32 $0x6800  }
0x93: {  	[tilespmem:s7], [sflag:$0x1] =	stream.indirect.gather [hbm4b:s10+s12], $0x20, s20, s12, $0xb8;
	[tilespmem:$0x9800] =	vst v63  }
0x94: {  	s17 =	simm.s32 $0x7800  }
0x95: {  	[tilespmem:s17], [sflag:$0x1] =	stream.indirect.gather [hbm4b:s10+s12], $0x20, s21, s12, $0xb8;
	[tilespmem:$0x9800] =	vst v63  }
0x96: {  	_ =	swait.ge [sflag:s11], $0x80  }
0x97: {  	[sflag:s11] =	ssyncset.done $0x0  }
0x98: {  	[sflag:s11] =	ssyncadd.s32 $0xFFFFFF80  }
0x99: {  	_ =	swait.ge [sflag:s11], $0x80  }
0x9a: {  	[sflag:s11] =	ssyncset.done $0x0  }
0x9b: {  	[sflag:s11] =	ssyncadd.s32 $0xFFFFFF80  }
0x9c: {  	_ =	swait.ge [sflag:s11], $0x80  }
0x9d: {  	[sflag:s11] =	ssyncset.done $0x0  }
0x9e: {  	[sflag:s11] =	ssyncadd.s32 $0xFFFFFF80  }
0x9f: {  	_ =	swait.ge [sflag:s11], $0x80  }
0xa0: {  	[sflag:s11] =	ssyncset.done $0x0  }
0xa1: {  	[sflag:s11] =	ssyncadd.s32 $0xFFFFFF80  }
0xa2: {  	_ =	swait.ge [sflag:s11], $0x80  }
0xa3: {  	[sflag:s11] =	ssyncset.done $0x0  }
0xa4: {  	[sflag:s11] =	ssyncadd.s32 $0xFFFFFF80  }
0xa5: {  	_ =	swait.ge [sflag:s11], $0x80  }
0xa6: {  	[sflag:s11] =	ssyncset.done $0x0  }
0xa7: {  	[sflag:s11] =	ssyncadd.s32 $0xFFFFFF80  }
0xa8: {  	_ =	swait.ge [sflag:s11], $0x80  }
0xa9: {  	[sflag:s11] =	ssyncset.done $0x0  }
0xaa: {  	[sflag:s11] =	ssyncadd.s32 $0xFFFFFF80  }
0xab: {  	_ =	swait.ge [sflag:s11], $0x80  }
0xac: {  	[sflag:s11] =	ssyncset.done $0x0  }
0xad: {  	[sflag:s11] =	ssyncadd.s32 $0xFFFFFF80  }
0xae: {  	_ =	swait.ge [sflag:s11], $0x80  }
0xaf: {  	[sflag:s11] =	ssyncset.done $0x0  }
0xb0: {  	[sflag:s11] =	ssyncadd.s32 $0xFFFFFF80  }
0xb1: {  	_ =	swait.ge [sflag:s11], $0x80  }
0xb2: {  	[sflag:s11] =	ssyncset.done $0x0  }
0xb3: {  	[sflag:s11] =	ssyncadd.s32 $0xFFFFFF80  }
0xb4: {  	_ =	swait.ge [sflag:s11], $0x80  }
0xb5: {  	[sflag:s11] =	ssyncset.done $0x0  }
0xb6: {  	[sflag:s11] =	ssyncadd.s32 $0xFFFFFF80  }
0xb7: {  	_ =	swait.ge [sflag:s11], $0x80  }
0xb8: {  	[sflag:s11] =	ssyncset.done $0x0  }
0xb9: {  	[sflag:s11] =	ssyncadd.s32 $0xFFFFFF80  }
0xba: {  	_ =	swait.ge [sflag:s11], $0x80  }
0xbb: {  	[sflag:s11] =	ssyncset.done $0x0  }
0xbc: {  	[sflag:s11] =	ssyncadd.s32 $0xFFFFFF80  }
0xbd: {  	_ =	swait.ge [sflag:s11], $0x80  }
0xbe: {  	[sflag:s11] =	ssyncset.done $0x0  }
0xbf: {  	[sflag:s11] =	ssyncadd.s32 $0xFFFFFF80  }
0xc0: {  	_ =	swait.ge [sflag:s11], $0x80  }
0xc1: {  	[sflag:s11] =	ssyncset.done $0x0  }
0xc2: {  	[sflag:s11] =	ssyncadd.s32 $0xFFFFFF80  }
0xc3: {  	_ =	swait.ge [sflag:s11], $0x80  }
0xc4: {  	[sflag:s11] =	ssyncset.done $0x0  }
0xc5: {  	[sflag:s11] =	ssyncadd.s32 $0xFFFFFF80  }
0xc6: {  	_ =	swait.ge [sflag:s11], $0x80  }
0xc7: {  	[sflag:s11] =	ssyncset.done $0x0  }
0xc8: {  	[sflag:s11] =	ssyncadd.s32 $0xFFFFFF80  }
0xc9: {  	_ =	swait.ge [sflag:s11], $0x80  }
0xca: {  	[sflag:s11] =	ssyncset.done $0x0  }
0xcb: {  	[sflag:s11] =	ssyncadd.s32 $0xFFFFFF80  }
0xcc: {  	_ =	swait.ge [sflag:s11], $0x80  }
0xcd: {  	[sflag:s11] =	ssyncset.done $0x0  }
0xce: {  	[sflag:s11] =	ssyncadd.s32 $0xFFFFFF80  }
0xcf: {  	_ =	swait.ge [sflag:s11], $0x80  }
0xd0: {  	[sflag:s11] =	ssyncset.done $0x0  }
0xd1: {  	[sflag:s11] =	ssyncadd.s32 $0xFFFFFF80  }
0xd2: {  	_ =	swait.ge [sflag:s11], $0x80  }
0xd3: {  	[sflag:s11] =	ssyncset.done $0x0  }
0xd4: {  	[sflag:s11] =	ssyncadd.s32 $0xFFFFFF80  }
0xd5: {  	_ =	swait.ge [sflag:s11], $0x80  }
0xd6: {  	[sflag:s11] =	ssyncset.done $0x0  }
0xd7: {  	[sflag:s11] =	ssyncadd.s32 $0xFFFFFF80  }
0xd8: {  	_ =	swait.ge [sflag:s11], $0x80  }
0xd9: {  	[sflag:s11] =	ssyncset.done $0x0  }
0xda: {  	[sflag:s11] =	ssyncadd.s32 $0xFFFFFF80  }
0xdb: {  	_ =	swait.ge [sflag:s11], $0x80  }
0xdc: {  	[sflag:s11] =	ssyncset.done $0x0  }
0xdd: {  	[sflag:s11] =	ssyncadd.s32 $0xFFFFFF80  }
0xde: {  	_ =	swait.ge [sflag:s11], $0x80  }
0xdf: {  	[sflag:s11] =	ssyncset.done $0x0  }
0xe0: {  	[sflag:s11] =	ssyncadd.s32 $0xFFFFFF80  }
0xe1: {  	_ =	swait.ge [sflag:s11], $0x80  }
0xe2: {  	[sflag:s11] =	ssyncset.done $0x0  }
0xe3: {  	[sflag:s11] =	ssyncadd.s32 $0xFFFFFF80  }
0xe4: {  	_ =	swait.ge [sflag:s11], $0x80  }
0xe5: {  	[sflag:s11] =	ssyncset.done $0x0  }
0xe6: {  	[sflag:s11] =	ssyncadd.s32 $0xFFFFFF80  }
0xe7: {  	_ =	swait.ge [sflag:s11], $0x80  }
0xe8: {  	[sflag:s11] =	ssyncset.done $0x0  }
0xe9: {  	[sflag:s11] =	ssyncadd.s32 $0xFFFFFF80  }
0xea: {  	_ =	swait.ge [sflag:s11], $0x80  }
0xeb: {  	[sflag:s11] =	ssyncset.done $0x0  }
0xec: {  	[sflag:s11] =	ssyncadd.s32 $0xFFFFFF80  }
0xed: {  	_ =	swait.ge [sflag:s11], $0x80  }
0xee: {  	[sflag:s11] =	ssyncset.done $0x0  }
0xef: {  	[sflag:s11] =	ssyncadd.s32 $0xFFFFFF80  }
0xf0: {  	_ =	swait.ge [sflag:s11], $0x80  }
0xf1: {  	[sflag:s11] =	ssyncset.done $0x0  }
0xf2: {  	[sflag:s11] =	ssyncadd.s32 $0xFFFFFF80  }
0xf3: {  	_ =	swait.ge [sflag:s11], $0x80  }
0xf4: {  	[sflag:s11] =	ssyncset.done $0x0  }
0xf5: {  	[sflag:s11] =	ssyncadd.s32 $0xFFFFFF80  }
0xf6: {  	_ =	swait.ge [sflag:s9], $0x1000  }
0xf7: {  	[sflag:s9] =	ssyncset.done $0x0  }
0xf8: {  	[sflag:s9] =	ssyncadd.s32 $0xFFFFF000  }
0xf9: {  	_ =	swait.ge [sflag:s9], $0x1000  }
0xfa: {  	[sflag:s9] =	ssyncset.done $0x0  }
0xfb: {  	[sflag:s9] =	ssyncadd.s32 $0xFFFFF000  }
0xfc: {  	_ =	swait.ge [sflag:s9], $0x1000  }
0xfd: {  	[sflag:s9] =	ssyncset.done $0x0  }
0xfe: {  	[sflag:s9] =	ssyncadd.s32 $0xFFFFF000  }
0xff: {  	_ =	swait.ge [sflag:s9], $0x1000  }
0x100: {  	[sflag:s9] =	ssyncset.done $0x0  }
0x101: {  	[sflag:s9] =	ssyncadd.s32 $0xFFFFF000  }
0x102: {  	_ =	swait.ge [sflag:s9], $0x1000  }
0x103: {  	[sflag:s9] =	ssyncset.done $0x0  }
0x104: {  	[sflag:s9] =	ssyncadd.s32 $0xFFFFF000  }
0x105: {  	_ =	swait.ge [sflag:s9], $0x1000  }
0x106: {  	[sflag:s9] =	ssyncset.done $0x0  }
0x107: {  	[sflag:s9] =	ssyncadd.s32 $0xFFFFF000  }
0x108: {  	_ =	swait.ge [sflag:s9], $0x1000  }
0x109: {  	[sflag:s9] =	ssyncset.done $0x0  }
0x10a: {  	[sflag:s9] =	ssyncadd.s32 $0xFFFFF000  }
0x10b: {  	_ =	swait.ge [sflag:s9], $0x1000  }
0x10c: {  	[sflag:s9] =	ssyncset.done $0x0  }
0x10d: {  	s2 =	simm.s32 $0x800;
	s26 =	rddreg [dreg:$0x8];
	[sflag:s9] =	ssyncadd.s32 $0xFFFFF000  }
0x10e: {  	[hbm4b:s26+s30] =	stream.linear.scatter [tilespmem:s2], [sflag:$0x4], $0x8000, $0x38;
	[tilespmem:$0x9800] =	vst v63  }
0x10f: {  	_ =	swait.ge [sflag:s3], $0x8000  }
0x110: {  	[sflag:s3] =	ssyncset.done $0x0  }
0x111: {  	s26 =	simm.s32 $0x8800;
	s2 =	rddreg [dreg:$0x9];
	[sflag:s3] =	ssyncadd.s32 $0xFFFF8000  }
0x112: {  	[hbm4b:s2+s30] =	stream.linear.scatter [tilespmem:s26], [sflag:$0x4], $0x400, $0x38;
	[tilespmem:$0x9800] =	vst v63  }
0x113: {  	_ =	swait.ge [sflag:s3], $0x400  }
0x114: {  	[sflag:s3] =	ssyncset.done $0x0  }
0x115: {  	s2 =	simm.s32 $0x8C00;
	s4 =	rddreg [dreg:$0xa];
	[sflag:s3] =	ssyncadd.s32 $0xFFFFFC00  }
0x116: {  	[hbm4b:s4+s30] =	stream.linear.scatter [tilespmem:s2], [sflag:$0x4], $0x400, $0x38;
	[tilespmem:$0x9800] =	vst v63  }
0x117: {  	_ =	swait.ge [sflag:s3], $0x400  }
0x118: {  	[sflag:s3] =	ssyncset.done $0x0  }
0x119: {  	s4 =	simm.s32 $0x9000;
	s7 =	rddreg [dreg:$0xb];
	[sflag:s3] =	ssyncadd.s32 $0xFFFFFC00  }
0x11a: {  	[hbm4b:s7+s30] =	stream.linear.scatter [tilespmem:s4], [sflag:$0x4], $0x400, $0x38;
	[tilespmem:$0x9800] =	vst v63  }
0x11b: {  	_ =	swait.ge [sflag:s3], $0x400  }
0x11c: {  	[sflag:s3] =	ssyncset.done $0x0  }
0x11d: {  	s7 =	simm.s32 $0x9400;
	s5 =	rddreg [dreg:$0xc];
	[sflag:s3] =	ssyncadd.s32 $0xFFFFFC00  }
0x11e: {  	[hbm4b:s5+s30] =	stream.linear.scatter [tilespmem:s7], [sflag:$0x4], $0x400, $0x38;
	[tilespmem:$0x9800] =	vst v63  }
0x11f: {  	_ =	swait.ge [sflag:s3], $0x400  }
0x120: {  	[sflag:s3] =	ssyncset.done $0x0  }
0x121: {  	s5 =	rddreg [dreg:$0xd];
	[sflag:s3] =	ssyncadd.s32 $0xFFFFFC00  }
0x122: {  	[tilespmem:s30], [sflag:$0x4] =	stream.linear.gather [hbm4b:s5+s30], $0x400, $0x38;
	[tilespmem:$0x9800] =	vst v63  }
0x123: {  	_ =	swait.ge [sflag:s3], $0x400  }
0x124: {  	[sflag:s3] =	ssyncset.done $0x0  }
0x125: {  	[sflag:s3] =	ssyncadd.s32 $0xFFFFFC00  }
0x126: {  	[tilespmem:s19], [sflag:$0x3] =	stream.indirect.gather [hbm4b:s18+s12], $0x1, s30, s12, $0xb8;
	[tilespmem:$0x9800] =	vst v63  }
0x127: {  	_ = 	snop  }
0x128: {  	[tilespmem:s8], [sflag:$0x3] =	stream.indirect.gather [hbm4b:s18+s12], $0x1, s12, s12, $0xb8;
	[tilespmem:$0x9800] =	vst v63  }
0x129: {  	_ = 	snop  }
0x12a: {  	[tilespmem:s13], [sflag:$0x3] =	stream.indirect.gather [hbm4b:s18+s12], $0x1, s28, s12, $0xb8;
	[tilespmem:$0x9800] =	vst v63  }
0x12b: {  	_ = 	snop  }
0x12c: {  	[tilespmem:s14], [sflag:$0x3] =	stream.indirect.gather [hbm4b:s18+s12], $0x1, s29, s12, $0xb8;
	[tilespmem:$0x9800] =	vst v63  }
0x12d: {  	s29 =	simm.s32 $0x200  }
0x12e: {  	[tilespmem:s15], [sflag:$0x3] =	stream.indirect.gather [hbm4b:s18+s12], $0x1, s29, s12, $0xb8;
	[tilespmem:$0x9800] =	vst v63  }
0x12f: {  	_ = 	snop  }
0x130: {  	[tilespmem:s16], [sflag:$0x3] =	stream.indirect.gather [hbm4b:s18+s12], $0x1, s31, s12, $0xb8;
	[tilespmem:$0x9800] =	vst v63  }
0x131: {  	s31 =	simm.s32 $0x300  }
0x132: {  	[tilespmem:s20], [sflag:$0x3] =	stream.indirect.gather [hbm4b:s18+s12], $0x1, s31, s12, $0xb8;
	[tilespmem:$0x9800] =	vst v63  }
0x133: {  	_ = 	snop  }
0x134: {  	[tilespmem:s21], [sflag:$0x3] =	stream.indirect.gather [hbm4b:s18+s12], $0x1, s0, s12, $0xb8;
	[tilespmem:$0x9800] =	vst v63  }
0x135: {  	_ = 	snop  }
0x136: {  	[tilespmem:s26], [sflag:$0x2] =	stream.indirect.gather [hbm4b:s25+s12], $0x1, s30, s12, $0xb8;
	[tilespmem:$0x9800] =	vst v63  }
0x137: {  	_ = 	snop  }
0x138: {  	[tilespmem:s6], [sflag:$0x2] =	stream.indirect.gather [hbm4b:s25+s12], $0x1, s12, s12, $0xb8;
	[tilespmem:$0x9800] =	vst v63  }
0x139: {  	s6 =	simm.s32 $0x8900  }
0x13a: {  	[tilespmem:s6], [sflag:$0x2] =	stream.indirect.gather [hbm4b:s25+s12], $0x1, s28, s12, $0xb8;
	[tilespmem:$0x9800] =	vst v63  }
0x13b: {  	s26 =	simm.s32 $0x8980;
	s28 =	simm.s32 $0x180  }
0x13c: {  	[tilespmem:s26], [sflag:$0x2] =	stream.indirect.gather [hbm4b:s25+s12], $0x1, s28, s12, $0xb8;
	[tilespmem:$0x9800] =	vst v63  }
0x13d: {  	s26 =	simm.s32 $0x8A00  }
0x13e: {  	[tilespmem:s26], [sflag:$0x2] =	stream.indirect.gather [hbm4b:s25+s12], $0x1, s29, s12, $0xb8;
	[tilespmem:$0x9800] =	vst v63  }
0x13f: {  	s6 =	simm.s32 $0x280;
	s26 =	simm.s32 $0x8A80  }
0x140: {  	[tilespmem:s26], [sflag:$0x2] =	stream.indirect.gather [hbm4b:s25+s12], $0x1, s6, s12, $0xb8;
	[tilespmem:$0x9800] =	vst v63  }
0x141: {  	s26 =	simm.s32 $0x8B00  }
0x142: {  	[tilespmem:s26], [sflag:$0x2] =	stream.indirect.gather [hbm4b:s25+s12], $0x1, s31, s12, $0xb8;
	[tilespmem:$0x9800] =	vst v63  }
0x143: {  	s26 =	simm.s32 $0x8B80  }
0x144: {  	[tilespmem:s26], [sflag:$0x2] =	stream.indirect.gather [hbm4b:s25+s12], $0x1, s0, s12, $0xb8;
	[tilespmem:$0x9800] =	vst v63  }
0x145: {  	_ = 	snop  }
0x146: {  	[tilespmem:s2], [sflag:$0x2] =	stream.indirect.gather [hbm4b:s23+s12], $0x1, s30, s12, $0xb8;
	[tilespmem:$0x9800] =	vst v63  }
0x147: {  	s26 =	simm.s32 $0x8C80  }
0x148: {  	[tilespmem:s26], [sflag:$0x2] =	stream.indirect.gather [hbm4b:s23+s12], $0x1, s12, s12, $0xb8;
	[tilespmem:$0x9800] =	vst v63  }
0x149: {  	s5 =	simm.s32 $0x8D00;
	s26 =	simm.s32 $0x100  }
0x14a: {  	[tilespmem:s5], [sflag:$0x2] =	stream.indirect.gather [hbm4b:s23+s12], $0x1, s26, s12, $0xb8;
	[tilespmem:$0x9800] =	vst v63  }
0x14b: {  	s5 =	simm.s32 $0x8D80  }
0x14c: {  	[tilespmem:s5], [sflag:$0x2] =	stream.indirect.gather [hbm4b:s23+s12], $0x1, s28, s12, $0xb8;
	[tilespmem:$0x9800] =	vst v63  }
0x14d: {  	s5 =	simm.s32 $0x8E00  }
0x14e: {  	[tilespmem:s5], [sflag:$0x2] =	stream.indirect.gather [hbm4b:s23+s12], $0x1, s29, s12, $0xb8;
	[tilespmem:$0x9800] =	vst v63  }
0x14f: {  	s5 =	simm.s32 $0x8E80  }
0x150: {  	[tilespmem:s5], [sflag:$0x2] =	stream.indirect.gather [hbm4b:s23+s12], $0x1, s6, s12, $0xb8;
	[tilespmem:$0x9800] =	vst v63  }
0x151: {  	s5 =	simm.s32 $0x8F00  }
0x152: {  	[tilespmem:s5], [sflag:$0x2] =	stream.indirect.gather [hbm4b:s23+s12], $0x1, s31, s12, $0xb8;
	[tilespmem:$0x9800] =	vst v63  }
0x153: {  	s5 =	simm.s32 $0x8F80  }
0x154: {  	[tilespmem:s5], [sflag:$0x2] =	stream.indirect.gather [hbm4b:s23+s12], $0x1, s0, s12, $0xb8;
	[tilespmem:$0x9800] =	vst v63  }
0x155: {  	_ = 	snop  }
0x156: {  	[tilespmem:s4], [sflag:$0x2] =	stream.indirect.gather [hbm4b:s22+s12], $0x1, s30, s12, $0xb8;
	[tilespmem:$0x9800] =	vst v63  }
0x157: {  	s5 =	simm.s32 $0x9080  }
0x158: {  	[tilespmem:s5], [sflag:$0x2] =	stream.indirect.gather [hbm4b:s22+s12], $0x1, s12, s12, $0xb8;
	[tilespmem:$0x9800] =	vst v63  }
0x159: {  	s5 =	simm.s32 $0x9100  }
0x15a: {  	[tilespmem:s5], [sflag:$0x2] =	stream.indirect.gather [hbm4b:s22+s12], $0x1, s26, s12, $0xb8;
	[tilespmem:$0x9800] =	vst v63  }
0x15b: {  	s5 =	simm.s32 $0x9180  }
0x15c: {  	[tilespmem:s5], [sflag:$0x2] =	stream.indirect.gather [hbm4b:s22+s12], $0x1, s28, s12, $0xb8;
	[tilespmem:$0x9800] =	vst v63  }
0x15d: {  	s5 =	simm.s32 $0x9200  }
0x15e: {  	[tilespmem:s5], [sflag:$0x2] =	stream.indirect.gather [hbm4b:s22+s12], $0x1, s29, s12, $0xb8;
	[tilespmem:$0x9800] =	vst v63  }
0x15f: {  	s5 =	simm.s32 $0x9280  }
0x160: {  	[tilespmem:s5], [sflag:$0x2] =	stream.indirect.gather [hbm4b:s22+s12], $0x1, s6, s12, $0xb8;
	[tilespmem:$0x9800] =	vst v63  }
0x161: {  	s5 =	simm.s32 $0x9300  }
0x162: {  	[tilespmem:s5], [sflag:$0x2] =	stream.indirect.gather [hbm4b:s22+s12], $0x1, s31, s12, $0xb8;
	[tilespmem:$0x9800] =	vst v63  }
0x163: {  	s5 =	simm.s32 $0x9380  }
0x164: {  	[tilespmem:s5], [sflag:$0x2] =	stream.indirect.gather [hbm4b:s22+s12], $0x1, s0, s12, $0xb8;
	[tilespmem:$0x9800] =	vst v63  }
0x165: {  	_ = 	snop  }
0x166: {  	[tilespmem:s7], [sflag:$0x2] =	stream.indirect.gather [hbm4b:s24+s12], $0x1, s30, s12, $0xb8;
	[tilespmem:$0x9800] =	vst v63  }
0x167: {  	s7 =	simm.s32 $0x9480  }
0x168: {  	[tilespmem:s7], [sflag:$0x2] =	stream.indirect.gather [hbm4b:s24+s12], $0x1, s12, s12, $0xb8;
	[tilespmem:$0x9800] =	vst v63  }
0x169: {  	s7 =	simm.s32 $0x9500  }
0x16a: {  	[tilespmem:s7], [sflag:$0x2] =	stream.indirect.gather [hbm4b:s24+s12], $0x1, s26, s12, $0xb8;
	[tilespmem:$0x9800] =	vst v63  }
0x16b: {  	s7 =	simm.s32 $0x9580  }
0x16c: {  	[tilespmem:s7], [sflag:$0x2] =	stream.indirect.gather [hbm4b:s24+s12], $0x1, s28, s12, $0xb8;
	[tilespmem:$0x9800] =	vst v63  }
0x16d: {  	s7 =	simm.s32 $0x9600  }
0x16e: {  	[tilespmem:s7], [sflag:$0x2] =	stream.indirect.gather [hbm4b:s24+s12], $0x1, s29, s12, $0xb8;
	[tilespmem:$0x9800] =	vst v63  }
0x16f: {  	s7 =	simm.s32 $0x9680  }
0x170: {  	[tilespmem:s7], [sflag:$0x2] =	stream.indirect.gather [hbm4b:s24+s12], $0x1, s6, s12, $0xb8;
	[tilespmem:$0x9800] =	vst v63  }
0x171: {  	s7 =	simm.s32 $0x9700  }
0x172: {  	[tilespmem:s7], [sflag:$0x2] =	stream.indirect.gather [hbm4b:s24+s12], $0x1, s31, s12, $0xb8;
	[tilespmem:$0x9800] =	vst v63  }
0x173: {  	s7 =	simm.s32 $0x9780  }
0x174: {  	[tilespmem:s7], [sflag:$0x2] =	stream.indirect.gather [hbm4b:s24+s12], $0x1, s0, s12, $0xb8;
	[tilespmem:$0x9800] =	vst v63  }
0x175: {  	_ =	swait.ge [sflag:s1], $0x80  }
0x176: {  	[sflag:s1] =	ssyncset.done $0x0  }
0x177: {  	[sflag:s1] =	ssyncadd.s32 $0xFFFFFF80  }
0x178: {  	_ =	swait.ge [sflag:s1], $0x80  }
0x179: {  	[sflag:s1] =	ssyncset.done $0x0  }
0x17a: {  	[sflag:s1] =	ssyncadd.s32 $0xFFFFFF80  }
0x17b: {  	_ =	swait.ge [sflag:s1], $0x80  }
0x17c: {  	[sflag:s1] =	ssyncset.done $0x0  }
0x17d: {  	[sflag:s1] =	ssyncadd.s32 $0xFFFFFF80  }
0x17e: {  	_ =	swait.ge [sflag:s1], $0x80  }
0x17f: {  	[sflag:s1] =	ssyncset.done $0x0  }
0x180: {  	[sflag:s1] =	ssyncadd.s32 $0xFFFFFF80  }
0x181: {  	_ =	swait.ge [sflag:s1], $0x80  }
0x182: {  	[sflag:s1] =	ssyncset.done $0x0  }
0x183: {  	[sflag:s1] =	ssyncadd.s32 $0xFFFFFF80  }
0x184: {  	_ =	swait.ge [sflag:s1], $0x80  }
0x185: {  	[sflag:s1] =	ssyncset.done $0x0  }
0x186: {  	[sflag:s1] =	ssyncadd.s32 $0xFFFFFF80  }
0x187: {  	_ =	swait.ge [sflag:s1], $0x80  }
0x188: {  	[sflag:s1] =	ssyncset.done $0x0  }
0x189: {  	[sflag:s1] =	ssyncadd.s32 $0xFFFFFF80  }
0x18a: {  	_ =	swait.ge [sflag:s1], $0x80  }
0x18b: {  	[sflag:s1] =	ssyncset.done $0x0  }
0x18c: {  	s17 =	simm.s32 $0x800;
	[sflag:s1] =	ssyncadd.s32 $0xFFFFFF80  }
0x18d: {  	[tilespmem:s17], [sflag:$0x1] =	stream.indirect.gather [hbm4b:s10+s12], $0x20, s19, s12, $0xb8;
	[tilespmem:$0x9800] =	vst v63  }
0x18e: {  	s19 =	simm.s32 $0x1800  }
0x18f: {  	[tilespmem:s19], [sflag:$0x1] =	stream.indirect.gather [hbm4b:s10+s12], $0x20, s8, s12, $0xb8;
	[tilespmem:$0x9800] =	vst v63  }
0x190: {  	s8 =	simm.s32 $0x2800  }
0x191: {  	[tilespmem:s8], [sflag:$0x1] =	stream.indirect.gather [hbm4b:s10+s12], $0x20, s13, s12, $0xb8;
	[tilespmem:$0x9800] =	vst v63  }
0x192: {  	s13 =	simm.s32 $0x3800  }
0x193: {  	[tilespmem:s13], [sflag:$0x1] =	stream.indirect.gather [hbm4b:s10+s12], $0x20, s14, s12, $0xb8;
	[tilespmem:$0x9800] =	vst v63  }
0x194: {  	s14 =	simm.s32 $0x4800  }
0x195: {  	[tilespmem:s14], [sflag:$0x1] =	stream.indirect.gather [hbm4b:s10+s12], $0x20, s15, s12, $0xb8;
	[tilespmem:$0x9800] =	vst v63  }
0x196: {  	s17 =	simm.s32 $0x5800  }
0x197: {  	[tilespmem:s17], [sflag:$0x1] =	stream.indirect.gather [hbm4b:s10+s12], $0x20, s16, s12, $0xb8;
	[tilespmem:$0x9800] =	vst v63  }
0x198: {  	s19 =	simm.s32 $0x6800  }
0x199: {  	[tilespmem:s19], [sflag:$0x1] =	stream.indirect.gather [hbm4b:s10+s12], $0x20, s20, s12, $0xb8;
	[tilespmem:$0x9800] =	vst v63  }
0x19a: {  	s8 =	simm.s32 $0x7800  }
0x19b: {  	[tilespmem:s8], [sflag:$0x1] =	stream.indirect.gather [hbm4b:s10+s12], $0x20, s21, s12, $0xb8;
	[tilespmem:$0x9800] =	vst v63  }
0x19c: {  	_ =	swait.ge [sflag:s11], $0x80  }
0x19d: {  	[sflag:s11] =	ssyncset.done $0x0  }
0x19e: {  	[sflag:s11] =	ssyncadd.s32 $0xFFFFFF80  }
0x19f: {  	_ =	swait.ge [sflag:s11], $0x80  }
0x1a0: {  	[sflag:s11] =	ssyncset.done $0x0  }
0x1a1: {  	[sflag:s11] =	ssyncadd.s32 $0xFFFFFF80  }
0x1a2: {  	_ =	swait.ge [sflag:s11], $0x80  }
0x1a3: {  	[sflag:s11] =	ssyncset.done $0x0  }
0x1a4: {  	[sflag:s11] =	ssyncadd.s32 $0xFFFFFF80  }
0x1a5: {  	_ =	swait.ge [sflag:s11], $0x80  }
0x1a6: {  	[sflag:s11] =	ssyncset.done $0x0  }
0x1a7: {  	[sflag:s11] =	ssyncadd.s32 $0xFFFFFF80  }
0x1a8: {  	_ =	swait.ge [sflag:s11], $0x80  }
0x1a9: {  	[sflag:s11] =	ssyncset.done $0x0  }
0x1aa: {  	[sflag:s11] =	ssyncadd.s32 $0xFFFFFF80  }
0x1ab: {  	_ =	swait.ge [sflag:s11], $0x80  }
0x1ac: {  	[sflag:s11] =	ssyncset.done $0x0  }
0x1ad: {  	[sflag:s11] =	ssyncadd.s32 $0xFFFFFF80  }
0x1ae: {  	_ =	swait.ge [sflag:s11], $0x80  }
0x1af: {  	[sflag:s11] =	ssyncset.done $0x0  }
0x1b0: {  	[sflag:s11] =	ssyncadd.s32 $0xFFFFFF80  }
0x1b1: {  	_ =	swait.ge [sflag:s11], $0x80  }
0x1b2: {  	[sflag:s11] =	ssyncset.done $0x0  }
0x1b3: {  	[sflag:s11] =	ssyncadd.s32 $0xFFFFFF80  }
0x1b4: {  	_ =	swait.ge [sflag:s11], $0x80  }
0x1b5: {  	[sflag:s11] =	ssyncset.done $0x0  }
0x1b6: {  	[sflag:s11] =	ssyncadd.s32 $0xFFFFFF80  }
0x1b7: {  	_ =	swait.ge [sflag:s11], $0x80  }
0x1b8: {  	[sflag:s11] =	ssyncset.done $0x0  }
0x1b9: {  	[sflag:s11] =	ssyncadd.s32 $0xFFFFFF80  }
0x1ba: {  	_ =	swait.ge [sflag:s11], $0x80  }
0x1bb: {  	[sflag:s11] =	ssyncset.done $0x0  }
0x1bc: {  	[sflag:s11] =	ssyncadd.s32 $0xFFFFFF80  }
0x1bd: {  	_ =	swait.ge [sflag:s11], $0x80  }
0x1be: {  	[sflag:s11] =	ssyncset.done $0x0  }
0x1bf: {  	[sflag:s11] =	ssyncadd.s32 $0xFFFFFF80  }
0x1c0: {  	_ =	swait.ge [sflag:s11], $0x80  }
0x1c1: {  	[sflag:s11] =	ssyncset.done $0x0  }
0x1c2: {  	[sflag:s11] =	ssyncadd.s32 $0xFFFFFF80  }
0x1c3: {  	_ =	swait.ge [sflag:s11], $0x80  }
0x1c4: {  	[sflag:s11] =	ssyncset.done $0x0  }
0x1c5: {  	[sflag:s11] =	ssyncadd.s32 $0xFFFFFF80  }
0x1c6: {  	_ =	swait.ge [sflag:s11], $0x80  }
0x1c7: {  	[sflag:s11] =	ssyncset.done $0x0  }
0x1c8: {  	[sflag:s11] =	ssyncadd.s32 $0xFFFFFF80  }
0x1c9: {  	_ =	swait.ge [sflag:s11], $0x80  }
0x1ca: {  	[sflag:s11] =	ssyncset.done $0x0  }
0x1cb: {  	[sflag:s11] =	ssyncadd.s32 $0xFFFFFF80  }
0x1cc: {  	_ =	swait.ge [sflag:s11], $0x80  }
0x1cd: {  	[sflag:s11] =	ssyncset.done $0x0  }
0x1ce: {  	[sflag:s11] =	ssyncadd.s32 $0xFFFFFF80  }
0x1cf: {  	_ =	swait.ge [sflag:s11], $0x80  }
0x1d0: {  	[sflag:s11] =	ssyncset.done $0x0  }
0x1d1: {  	[sflag:s11] =	ssyncadd.s32 $0xFFFFFF80  }
0x1d2: {  	_ =	swait.ge [sflag:s11], $0x80  }
0x1d3: {  	[sflag:s11] =	ssyncset.done $0x0  }
0x1d4: {  	[sflag:s11] =	ssyncadd.s32 $0xFFFFFF80  }
0x1d5: {  	_ =	swait.ge [sflag:s11], $0x80  }
0x1d6: {  	[sflag:s11] =	ssyncset.done $0x0  }
0x1d7: {  	[sflag:s11] =	ssyncadd.s32 $0xFFFFFF80  }
0x1d8: {  	_ =	swait.ge [sflag:s11], $0x80  }
0x1d9: {  	[sflag:s11] =	ssyncset.done $0x0  }
0x1da: {  	[sflag:s11] =	ssyncadd.s32 $0xFFFFFF80  }
0x1db: {  	_ =	swait.ge [sflag:s11], $0x80  }
0x1dc: {  	[sflag:s11] =	ssyncset.done $0x0  }
0x1dd: {  	[sflag:s11] =	ssyncadd.s32 $0xFFFFFF80  }
0x1de: {  	_ =	swait.ge [sflag:s11], $0x80  }
0x1df: {  	[sflag:s11] =	ssyncset.done $0x0  }
0x1e0: {  	[sflag:s11] =	ssyncadd.s32 $0xFFFFFF80  }
0x1e1: {  	_ =	swait.ge [sflag:s11], $0x80  }
0x1e2: {  	[sflag:s11] =	ssyncset.done $0x0  }
0x1e3: {  	[sflag:s11] =	ssyncadd.s32 $0xFFFFFF80  }
0x1e4: {  	_ =	swait.ge [sflag:s11], $0x80  }
0x1e5: {  	[sflag:s11] =	ssyncset.done $0x0  }
0x1e6: {  	[sflag:s11] =	ssyncadd.s32 $0xFFFFFF80  }
0x1e7: {  	_ =	swait.ge [sflag:s11], $0x80  }
0x1e8: {  	[sflag:s11] =	ssyncset.done $0x0  }
0x1e9: {  	[sflag:s11] =	ssyncadd.s32 $0xFFFFFF80  }
0x1ea: {  	_ =	swait.ge [sflag:s11], $0x80  }
0x1eb: {  	[sflag:s11] =	ssyncset.done $0x0  }
0x1ec: {  	[sflag:s11] =	ssyncadd.s32 $0xFFFFFF80  }
0x1ed: {  	_ =	swait.ge [sflag:s11], $0x80  }
0x1ee: {  	[sflag:s11] =	ssyncset.done $0x0  }
0x1ef: {  	[sflag:s11] =	ssyncadd.s32 $0xFFFFFF80  }
0x1f0: {  	_ =	swait.ge [sflag:s11], $0x80  }
0x1f1: {  	[sflag:s11] =	ssyncset.done $0x0  }
0x1f2: {  	[sflag:s11] =	ssyncadd.s32 $0xFFFFFF80  }
0x1f3: {  	_ =	swait.ge [sflag:s11], $0x80  }
0x1f4: {  	[sflag:s11] =	ssyncset.done $0x0  }
0x1f5: {  	[sflag:s11] =	ssyncadd.s32 $0xFFFFFF80  }
0x1f6: {  	_ =	swait.ge [sflag:s11], $0x80  }
0x1f7: {  	[sflag:s11] =	ssyncset.done $0x0  }
0x1f8: {  	[sflag:s11] =	ssyncadd.s32 $0xFFFFFF80  }
0x1f9: {  	_ =	swait.ge [sflag:s11], $0x80  }
0x1fa: {  	[sflag:s11] =	ssyncset.done $0x0  }
0x1fb: {  	[sflag:s11] =	ssyncadd.s32 $0xFFFFFF80  }
0x1fc: {  	_ =	swait.ge [sflag:s9], $0x1000  }
0x1fd: {  	[sflag:s9] =	ssyncset.done $0x0  }
0x1fe: {  	[sflag:s9] =	ssyncadd.s32 $0xFFFFF000  }
0x1ff: {  	_ =	swait.ge [sflag:s9], $0x1000  }
0x200: {  	[sflag:s9] =	ssyncset.done $0x0  }
0x201: {  	[sflag:s9] =	ssyncadd.s32 $0xFFFFF000  }
0x202: {  	_ =	swait.ge [sflag:s9], $0x1000  }
0x203: {  	[sflag:s9] =	ssyncset.done $0x0  }
0x204: {  	[sflag:s9] =	ssyncadd.s32 $0xFFFFF000  }
0x205: {  	_ =	swait.ge [sflag:s9], $0x1000  }
0x206: {  	[sflag:s9] =	ssyncset.done $0x0  }
0x207: {  	[sflag:s9] =	ssyncadd.s32 $0xFFFFF000  }
0x208: {  	_ =	swait.ge [sflag:s9], $0x1000  }
0x209: {  	[sflag:s9] =	ssyncset.done $0x0  }
0x20a: {  	[sflag:s9] =	ssyncadd.s32 $0xFFFFF000  }
0x20b: {  	_ =	swait.ge [sflag:s9], $0x1000  }
0x20c: {  	[sflag:s9] =	ssyncset.done $0x0  }
0x20d: {  	[sflag:s9] =	ssyncadd.s32 $0xFFFFF000  }
0x20e: {  	_ =	swait.ge [sflag:s9], $0x1000  }
0x20f: {  	[sflag:s9] =	ssyncset.done $0x0  }
0x210: {  	[sflag:s9] =	ssyncadd.s32 $0xFFFFF000  }
0x211: {  	_ =	swait.ge [sflag:s9], $0x1000  }
0x212: {  	[sflag:s9] =	ssyncset.done $0x0  }
0x213: {  	s7 =	simm.s32 $0x800;
	s13 =	rddreg [dreg:$0xe];
	[sflag:s9] =	ssyncadd.s32 $0xFFFFF000  }
0x214: {  	[hbm4b:s13+s30] =	stream.linear.scatter [tilespmem:s7], [sflag:$0x4], $0x8000, $0x38;
	[tilespmem:$0x9800] =	vst v63  }
0x215: {  	_ =	swait.ge [sflag:s3], $0x8000  }
0x216: {  	[sflag:s3] =	ssyncset.done $0x0  }
0x217: {  	s15 =	simm.s32 $0x8800;
	s14 =	rddreg [dreg:$0xf];
	[sflag:s3] =	ssyncadd.s32 $0xFFFF8000  }
0x218: {  	[hbm4b:s14+s30] =	stream.linear.scatter [tilespmem:s15], [sflag:$0x4], $0x400, $0x38;
	[tilespmem:$0x9800] =	vst v63  }
0x219: {  	_ =	swait.ge [sflag:s3], $0x400  }
0x21a: {  	[sflag:s3] =	ssyncset.done $0x0  }
0x21b: {  	s17 =	simm.s32 $0x8C00;
	s16 =	rddreg [dreg:$0x10];
	[sflag:s3] =	ssyncadd.s32 $0xFFFFFC00  }
0x21c: {  	[hbm4b:s16+s30] =	stream.linear.scatter [tilespmem:s17], [sflag:$0x4], $0x400, $0x38;
	[tilespmem:$0x9800] =	vst v63  }
0x21d: {  	_ =	swait.ge [sflag:s3], $0x400  }
0x21e: {  	[sflag:s3] =	ssyncset.done $0x0  }
0x21f: {  	s2 =	simm.s32 $0x9000;
	s19 =	rddreg [dreg:$0x11];
	[sflag:s3] =	ssyncadd.s32 $0xFFFFFC00  }
0x220: {  	[hbm4b:s19+s30] =	stream.linear.scatter [tilespmem:s2], [sflag:$0x4], $0x400, $0x38;
	[tilespmem:$0x9800] =	vst v63  }
0x221: {  	_ =	swait.ge [sflag:s3], $0x400  }
0x222: {  	s21 =	rddreg [dreg:$0x13]  }
0x223: {  	p1 =	sne.s32 s21, $0x1  }
.Ltmp1:
0x224: {  	[sflag:s3] =	ssyncset.done $0x0;
	(pc) =	sbr.rel @!p1 .LBB2_3-.Ltmp1, $4  }
0x225: {  	s4 =	simm.s32 $0x9400;
	s20 =	rddreg [dreg:$0x12];
	[sflag:s3] =	ssyncadd.s32 $0xFFFFFC00  }
0x226: {  	[hbm4b:s20+s30] =	stream.linear.scatter [tilespmem:s4], [sflag:$0x4], $0x400, $0x38;
	[tilespmem:$0x9800] =	vst v63  }
0x227: {  	p0 =	por $0x1, $0x1;
	_ =	swait.ge [sflag:s3], $0x400  }
0x228: {  	s4 =	sadd.s32 $0xFFFFFFFF, s21;
	s5 =	rddreg [dreg:$0x7];
	[sflag:s3] =	ssyncset.done $0x0  }
.LBB2_2:
0x229: {  	[sflag:s3] =	ssyncadd.s32 $0xFFFFFC00  }
0x22a: {  	[tilespmem:s30], [sflag:$0x4] =	stream.linear.gather [hbm4b:s5+s30], $0x400, $0x38;
	[tilespmem:$0x9800] =	vst v63  }
0x22b: {  	_ =	swait.ge [sflag:s3], $0x400  }
0x22c: {  	[sflag:s3] =	ssyncset.done $0x0  }
0x22d: {  	s14 =	simm.s32 $0x400;
	[sflag:s3] =	ssyncadd.s32 $0xFFFFFC00  }
0x22e: {  	[tilespmem:s14], [sflag:$0x3] =	stream.indirect.gather [hbm4b:s18+s12], $0x1, s30, s12, $0xb8;
	[tilespmem:$0x9800] =	vst v63  }
0x22f: {  	s15 =	simm.s32 $0x480  }
0x230: {  	[tilespmem:s15], [sflag:$0x3] =	stream.indirect.gather [hbm4b:s18+s12], $0x1, s12, s12, $0xb8;
	[tilespmem:$0x9800] =	vst v63  }
0x231: {  	s16 =	simm.s32 $0x500  }
0x232: {  	[tilespmem:s16], [sflag:$0x3] =	stream.indirect.gather [hbm4b:s18+s12], $0x1, s26, s12, $0xb8;
	[tilespmem:$0x9800] =	vst v63  }
0x233: {  	s17 =	simm.s32 $0x580  }
0x234: {  	[tilespmem:s17], [sflag:$0x3] =	stream.indirect.gather [hbm4b:s18+s12], $0x1, s28, s12, $0xb8;
	[tilespmem:$0x9800] =	vst v63  }
0x235: {  	s20 =	simm.s32 $0x600  }
0x236: {  	[tilespmem:s20], [sflag:$0x3] =	stream.indirect.gather [hbm4b:s18+s12], $0x1, s29, s12, $0xb8;
	[tilespmem:$0x9800] =	vst v63  }
0x237: {  	s2 =	simm.s32 $0x680  }
0x238: {  	[tilespmem:s2], [sflag:$0x3] =	stream.indirect.gather [hbm4b:s18+s12], $0x1, s6, s12, $0xb8;
	[tilespmem:$0x9800] =	vst v63  }
0x239: {  	s6 =	simm.s32 $0x700  }
0x23a: {  	[tilespmem:s6], [sflag:$0x3] =	stream.indirect.gather [hbm4b:s18+s12], $0x1, s31, s12, $0xb8;
	[tilespmem:$0x9800] =	vst v63  }
0x23b: {  	s7 =	simm.s32 $0x780  }
0x23c: {  	[tilespmem:s7], [sflag:$0x3] =	stream.indirect.gather [hbm4b:s18+s12], $0x1, s0, s12, $0xb8;
	[tilespmem:$0x9800] =	vst v63  }
0x23d: {  	s15 =	simm.s32 $0x8800  }
0x23e: {  	[tilespmem:s15], [sflag:$0x2] =	stream.indirect.gather [hbm4b:s25+s12], $0x1, s30, s12, $0xb8;
	[tilespmem:$0x9800] =	vst v63  }
0x23f: {  	s6 =	simm.s32 $0x8880  }
0x240: {  	[tilespmem:s6], [sflag:$0x2] =	stream.indirect.gather [hbm4b:s25+s12], $0x1, s12, s12, $0xb8;
	[tilespmem:$0x9800] =	vst v63  }
0x241: {  	s2 =	simm.s32 $0x8900  }
0x242: {  	[tilespmem:s2], [sflag:$0x2] =	stream.indirect.gather [hbm4b:s25+s12], $0x1, s26, s12, $0xb8;
	[tilespmem:$0x9800] =	vst v63  }
0x243: {  	s2 =	simm.s32 $0x8980  }
0x244: {  	[tilespmem:s2], [sflag:$0x2] =	stream.indirect.gather [hbm4b:s25+s12], $0x1, s28, s12, $0xb8;
	[tilespmem:$0x9800] =	vst v63  }
0x245: {  	s7 =	simm.s32 $0x8A00  }
0x246: {  	[tilespmem:s7], [sflag:$0x2] =	stream.indirect.gather [hbm4b:s25+s12], $0x1, s29, s12, $0xb8;
	[tilespmem:$0x9800] =	vst v63  }
0x247: {  	s31 =	simm.s32 $0x280;
	s26 =	simm.s32 $0x8A80  }
0x248: {  	[tilespmem:s26], [sflag:$0x2] =	stream.indirect.gather [hbm4b:s25+s12], $0x1, s31, s12, $0xb8;
	[tilespmem:$0x9800] =	vst v63  }
0x249: {  	s0 =	simm.s32 $0x300;
	s2 =	simm.s32 $0x8B00  }
0x24a: {  	[tilespmem:s2], [sflag:$0x2] =	stream.indirect.gather [hbm4b:s25+s12], $0x1, s0, s12, $0xb8;
	[tilespmem:$0x9800] =	vst v63  }
0x24b: {  	s15 =	simm.s32 $0x380;
	s7 =	simm.s32 $0x8B80  }
0x24c: {  	[tilespmem:s7], [sflag:$0x2] =	stream.indirect.gather [hbm4b:s25+s12], $0x1, s15, s12, $0xb8;
	[tilespmem:$0x9800] =	vst v63  }
0x24d: {  	s26 =	simm.s32 $0x8C00  }
0x24e: {  	[tilespmem:s26], [sflag:$0x2] =	stream.indirect.gather [hbm4b:s23+s12], $0x1, s30, s12, $0xb8;
	[tilespmem:$0x9800] =	vst v63  }
0x24f: {  	s26 =	simm.s32 $0x8C80  }
0x250: {  	[tilespmem:s26], [sflag:$0x2] =	stream.indirect.gather [hbm4b:s23+s12], $0x1, s12, s12, $0xb8;
	[tilespmem:$0x9800] =	vst v63  }
0x251: {  	s28 =	simm.s32 $0x100;
	s7 =	simm.s32 $0x8D00  }
0x252: {  	[tilespmem:s7], [sflag:$0x2] =	stream.indirect.gather [hbm4b:s23+s12], $0x1, s28, s12, $0xb8;
	[tilespmem:$0x9800] =	vst v63  }
0x253: {  	s29 =	simm.s32 $0x180;
	s2 =	simm.s32 $0x8D80  }
0x254: {  	[tilespmem:s2], [sflag:$0x2] =	stream.indirect.gather [hbm4b:s23+s12], $0x1, s29, s12, $0xb8;
	[tilespmem:$0x9800] =	vst v63  }
0x255: {  	s5 =	simm.s32 $0x200;
	s2 =	simm.s32 $0x8E00  }
0x256: {  	[tilespmem:s2], [sflag:$0x2] =	stream.indirect.gather [hbm4b:s23+s12], $0x1, s5, s12, $0xb8;
	[tilespmem:$0x9800] =	vst v63  }
0x257: {  	s2 =	simm.s32 $0x8E80  }
0x258: {  	[tilespmem:s2], [sflag:$0x2] =	stream.indirect.gather [hbm4b:s23+s12], $0x1, s31, s12, $0xb8;
	[tilespmem:$0x9800] =	vst v63  }
0x259: {  	s2 =	simm.s32 $0x8F00  }
0x25a: {  	[tilespmem:s2], [sflag:$0x2] =	stream.indirect.gather [hbm4b:s23+s12], $0x1, s0, s12, $0xb8;
	[tilespmem:$0x9800] =	vst v63  }
0x25b: {  	s2 =	simm.s32 $0x8F80  }
0x25c: {  	[tilespmem:s2], [sflag:$0x2] =	stream.indirect.gather [hbm4b:s23+s12], $0x1, s15, s12, $0xb8;
	[tilespmem:$0x9800] =	vst v63  }
0x25d: {  	s2 =	simm.s32 $0x9000  }
0x25e: {  	[tilespmem:s2], [sflag:$0x2] =	stream.indirect.gather [hbm4b:s22+s12], $0x1, s30, s12, $0xb8;
	[tilespmem:$0x9800] =	vst v63  }
0x25f: {  	s2 =	simm.s32 $0x9080  }
0x260: {  	[tilespmem:s2], [sflag:$0x2] =	stream.indirect.gather [hbm4b:s22+s12], $0x1, s12, s12, $0xb8;
	[tilespmem:$0x9800] =	vst v63  }
0x261: {  	s2 =	simm.s32 $0x9100  }
0x262: {  	[tilespmem:s2], [sflag:$0x2] =	stream.indirect.gather [hbm4b:s22+s12], $0x1, s28, s12, $0xb8;
	[tilespmem:$0x9800] =	vst v63  }
0x263: {  	s2 =	simm.s32 $0x9180  }
0x264: {  	[tilespmem:s2], [sflag:$0x2] =	stream.indirect.gather [hbm4b:s22+s12], $0x1, s29, s12, $0xb8;
	[tilespmem:$0x9800] =	vst v63  }
0x265: {  	s2 =	simm.s32 $0x9200  }
0x266: {  	[tilespmem:s2], [sflag:$0x2] =	stream.indirect.gather [hbm4b:s22+s12], $0x1, s5, s12, $0xb8;
	[tilespmem:$0x9800] =	vst v63  }
0x267: {  	s2 =	simm.s32 $0x9280  }
0x268: {  	[tilespmem:s2], [sflag:$0x2] =	stream.indirect.gather [hbm4b:s22+s12], $0x1, s31, s12, $0xb8;
	[tilespmem:$0x9800] =	vst v63  }
0x269: {  	s2 =	simm.s32 $0x9300  }
0x26a: {  	[tilespmem:s2], [sflag:$0x2] =	stream.indirect.gather [hbm4b:s22+s12], $0x1, s0, s12, $0xb8;
	[tilespmem:$0x9800] =	vst v63  }
0x26b: {  	s2 =	simm.s32 $0x9380  }
0x26c: {  	[tilespmem:s2], [sflag:$0x2] =	stream.indirect.gather [hbm4b:s22+s12], $0x1, s15, s12, $0xb8;
	[tilespmem:$0x9800] =	vst v63  }
0x26d: {  	s2 =	simm.s32 $0x9400  }
0x26e: {  	[tilespmem:s2], [sflag:$0x2] =	stream.indirect.gather [hbm4b:s24+s12], $0x1, s30, s12, $0xb8;
	[tilespmem:$0x9800] =	vst v63  }
0x26f: {  	s15 =	simm.s32 $0x9480  }
0x270: {  	[tilespmem:s15], [sflag:$0x2] =	stream.indirect.gather [hbm4b:s24+s12], $0x1, s12, s12, $0xb8;
	[tilespmem:$0x9800] =	vst v63  }
0x271: {  	s2 =	simm.s32 $0x9500  }
0x272: {  	[tilespmem:s2], [sflag:$0x2] =	stream.indirect.gather [hbm4b:s24+s12], $0x1, s28, s12, $0xb8;
	[tilespmem:$0x9800] =	vst v63  }
0x273: {  	s15 =	simm.s32 $0x9580  }
0x274: {  	[tilespmem:s15], [sflag:$0x2] =	stream.indirect.gather [hbm4b:s24+s12], $0x1, s29, s12, $0xb8;
	[tilespmem:$0x9800] =	vst v63  }
0x275: {  	s2 =	simm.s32 $0x9600  }
0x276: {  	[tilespmem:s2], [sflag:$0x2] =	stream.indirect.gather [hbm4b:s24+s12], $0x1, s5, s12, $0xb8;
	[tilespmem:$0x9800] =	vst v63  }
0x277: {  	s15 =	simm.s32 $0x9680  }
0x278: {  	[tilespmem:s15], [sflag:$0x2] =	stream.indirect.gather [hbm4b:s24+s12], $0x1, s31, s12, $0xb8;
	[tilespmem:$0x9800] =	vst v63  }
0x279: {  	s2 =	simm.s32 $0x9700  }
0x27a: {  	[tilespmem:s2], [sflag:$0x2] =	stream.indirect.gather [hbm4b:s24+s12], $0x1, s0, s12, $0xb8;
	[tilespmem:$0x9800] =	vst v63  }
0x27b: {  	s7 =	simm.s32 $0x9780;
	s0 =	simm.s32 $0x380  }
0x27c: {  	[tilespmem:s7], [sflag:$0x2] =	stream.indirect.gather [hbm4b:s24+s12], $0x1, s0, s12, $0xb8;
	[tilespmem:$0x9800] =	vst v63  }
0x27d: {  	_ =	swait.ge [sflag:s1], $0x80  }
0x27e: {  	[sflag:s1] =	ssyncset.done $0x0  }
0x27f: {  	[sflag:s1] =	ssyncadd.s32 $0xFFFFFF80  }
0x280: {  	_ =	swait.ge [sflag:s1], $0x80  }
0x281: {  	[sflag:s1] =	ssyncset.done $0x0  }
0x282: {  	[sflag:s1] =	ssyncadd.s32 $0xFFFFFF80  }
0x283: {  	_ =	swait.ge [sflag:s1], $0x80  }
0x284: {  	[sflag:s1] =	ssyncset.done $0x0  }
0x285: {  	[sflag:s1] =	ssyncadd.s32 $0xFFFFFF80  }
0x286: {  	_ =	swait.ge [sflag:s1], $0x80  }
0x287: {  	[sflag:s1] =	ssyncset.done $0x0  }
0x288: {  	[sflag:s1] =	ssyncadd.s32 $0xFFFFFF80  }
0x289: {  	_ =	swait.ge [sflag:s1], $0x80  }
0x28a: {  	[sflag:s1] =	ssyncset.done $0x0  }
0x28b: {  	[sflag:s1] =	ssyncadd.s32 $0xFFFFFF80  }
0x28c: {  	_ =	swait.ge [sflag:s1], $0x80  }
0x28d: {  	[sflag:s1] =	ssyncset.done $0x0  }
0x28e: {  	[sflag:s1] =	ssyncadd.s32 $0xFFFFFF80  }
0x28f: {  	_ =	swait.ge [sflag:s1], $0x80  }
0x290: {  	[sflag:s1] =	ssyncset.done $0x0  }
0x291: {  	[sflag:s1] =	ssyncadd.s32 $0xFFFFFF80  }
0x292: {  	_ =	swait.ge [sflag:s1], $0x80  }
0x293: {  	[sflag:s1] =	ssyncset.done $0x0  }
0x294: {  	s19 =	simm.s32 $0x400;
	s15 =	simm.s32 $0x800;
	[sflag:s1] =	ssyncadd.s32 $0xFFFFFF80  }
0x295: {  	[tilespmem:s15], [sflag:$0x1] =	stream.indirect.gather [hbm4b:s10+s12], $0x20, s19, s12, $0xb8;
	[tilespmem:$0x9800] =	vst v63  }
0x296: {  	s21 =	simm.s32 $0x480;
	s19 =	simm.s32 $0x1800  }
0x297: {  	[tilespmem:s19], [sflag:$0x1] =	stream.indirect.gather [hbm4b:s10+s12], $0x20, s21, s12, $0xb8;
	[tilespmem:$0x9800] =	vst v63  }
0x298: {  	s14 =	simm.s32 $0x500;
	s21 =	simm.s32 $0x2800  }
0x299: {  	[tilespmem:s21], [sflag:$0x1] =	stream.indirect.gather [hbm4b:s10+s12], $0x20, s14, s12, $0xb8;
	[tilespmem:$0x9800] =	vst v63  }
0x29a: {  	s13 =	simm.s32 $0x580;
	s19 =	simm.s32 $0x3800  }
0x29b: {  	[tilespmem:s19], [sflag:$0x1] =	stream.indirect.gather [hbm4b:s10+s12], $0x20, s13, s12, $0xb8;
	[tilespmem:$0x9800] =	vst v63  }
0x29c: {  	s8 =	simm.s32 $0x600;
	s21 =	simm.s32 $0x4800  }
0x29d: {  	[tilespmem:s21], [sflag:$0x1] =	stream.indirect.gather [hbm4b:s10+s12], $0x20, s8, s12, $0xb8;
	[tilespmem:$0x9800] =	vst v63  }
0x29e: {  	s16 =	simm.s32 $0x680;
	s14 =	simm.s32 $0x5800  }
0x29f: {  	[tilespmem:s14], [sflag:$0x1] =	stream.indirect.gather [hbm4b:s10+s12], $0x20, s16, s12, $0xb8;
	[tilespmem:$0x9800] =	vst v63  }
0x2a0: {  	s20 =	simm.s32 $0x700;
	s19 =	simm.s32 $0x6800  }
0x2a1: {  	[tilespmem:s19], [sflag:$0x1] =	stream.indirect.gather [hbm4b:s10+s12], $0x20, s20, s12, $0xb8;
	[tilespmem:$0x9800] =	vst v63  }
0x2a2: {  	s17 =	simm.s32 $0x780;
	s21 =	simm.s32 $0x7800  }
0x2a3: {  	[tilespmem:s21], [sflag:$0x1] =	stream.indirect.gather [hbm4b:s10+s12], $0x20, s17, s12, $0xb8;
	[tilespmem:$0x9800] =	vst v63  }
0x2a4: {  	_ =	swait.ge [sflag:s11], $0x80  }
0x2a5: {  	[sflag:s11] =	ssyncset.done $0x0  }
0x2a6: {  	[sflag:s11] =	ssyncadd.s32 $0xFFFFFF80  }
0x2a7: {  	_ =	swait.ge [sflag:s11], $0x80  }
0x2a8: {  	[sflag:s11] =	ssyncset.done $0x0  }
0x2a9: {  	[sflag:s11] =	ssyncadd.s32 $0xFFFFFF80  }
0x2aa: {  	_ =	swait.ge [sflag:s11], $0x80  }
0x2ab: {  	[sflag:s11] =	ssyncset.done $0x0  }
0x2ac: {  	[sflag:s11] =	ssyncadd.s32 $0xFFFFFF80  }
0x2ad: {  	_ =	swait.ge [sflag:s11], $0x80  }
0x2ae: {  	[sflag:s11] =	ssyncset.done $0x0  }
0x2af: {  	[sflag:s11] =	ssyncadd.s32 $0xFFFFFF80  }
0x2b0: {  	_ =	swait.ge [sflag:s11], $0x80  }
0x2b1: {  	[sflag:s11] =	ssyncset.done $0x0  }
0x2b2: {  	[sflag:s11] =	ssyncadd.s32 $0xFFFFFF80  }
0x2b3: {  	_ =	swait.ge [sflag:s11], $0x80  }
0x2b4: {  	[sflag:s11] =	ssyncset.done $0x0  }
0x2b5: {  	[sflag:s11] =	ssyncadd.s32 $0xFFFFFF80  }
0x2b6: {  	_ =	swait.ge [sflag:s11], $0x80  }
0x2b7: {  	[sflag:s11] =	ssyncset.done $0x0  }
0x2b8: {  	[sflag:s11] =	ssyncadd.s32 $0xFFFFFF80  }
0x2b9: {  	_ =	swait.ge [sflag:s11], $0x80  }
0x2ba: {  	[sflag:s11] =	ssyncset.done $0x0  }
0x2bb: {  	[sflag:s11] =	ssyncadd.s32 $0xFFFFFF80  }
0x2bc: {  	_ =	swait.ge [sflag:s11], $0x80  }
0x2bd: {  	[sflag:s11] =	ssyncset.done $0x0  }
0x2be: {  	[sflag:s11] =	ssyncadd.s32 $0xFFFFFF80  }
0x2bf: {  	_ =	swait.ge [sflag:s11], $0x80  }
0x2c0: {  	[sflag:s11] =	ssyncset.done $0x0  }
0x2c1: {  	[sflag:s11] =	ssyncadd.s32 $0xFFFFFF80  }
0x2c2: {  	_ =	swait.ge [sflag:s11], $0x80  }
0x2c3: {  	[sflag:s11] =	ssyncset.done $0x0  }
0x2c4: {  	[sflag:s11] =	ssyncadd.s32 $0xFFFFFF80  }
0x2c5: {  	_ =	swait.ge [sflag:s11], $0x80  }
0x2c6: {  	[sflag:s11] =	ssyncset.done $0x0  }
0x2c7: {  	[sflag:s11] =	ssyncadd.s32 $0xFFFFFF80  }
0x2c8: {  	_ =	swait.ge [sflag:s11], $0x80  }
0x2c9: {  	[sflag:s11] =	ssyncset.done $0x0  }
0x2ca: {  	[sflag:s11] =	ssyncadd.s32 $0xFFFFFF80  }
0x2cb: {  	_ =	swait.ge [sflag:s11], $0x80  }
0x2cc: {  	[sflag:s11] =	ssyncset.done $0x0  }
0x2cd: {  	[sflag:s11] =	ssyncadd.s32 $0xFFFFFF80  }
0x2ce: {  	_ =	swait.ge [sflag:s11], $0x80  }
0x2cf: {  	[sflag:s11] =	ssyncset.done $0x0  }
0x2d0: {  	[sflag:s11] =	ssyncadd.s32 $0xFFFFFF80  }
0x2d1: {  	_ =	swait.ge [sflag:s11], $0x80  }
0x2d2: {  	[sflag:s11] =	ssyncset.done $0x0  }
0x2d3: {  	[sflag:s11] =	ssyncadd.s32 $0xFFFFFF80  }
0x2d4: {  	_ =	swait.ge [sflag:s11], $0x80  }
0x2d5: {  	[sflag:s11] =	ssyncset.done $0x0  }
0x2d6: {  	[sflag:s11] =	ssyncadd.s32 $0xFFFFFF80  }
0x2d7: {  	_ =	swait.ge [sflag:s11], $0x80  }
0x2d8: {  	[sflag:s11] =	ssyncset.done $0x0  }
0x2d9: {  	[sflag:s11] =	ssyncadd.s32 $0xFFFFFF80  }
0x2da: {  	_ =	swait.ge [sflag:s11], $0x80  }
0x2db: {  	[sflag:s11] =	ssyncset.done $0x0  }
0x2dc: {  	[sflag:s11] =	ssyncadd.s32 $0xFFFFFF80  }
0x2dd: {  	_ =	swait.ge [sflag:s11], $0x80  }
0x2de: {  	[sflag:s11] =	ssyncset.done $0x0  }
0x2df: {  	[sflag:s11] =	ssyncadd.s32 $0xFFFFFF80  }
0x2e0: {  	_ =	swait.ge [sflag:s11], $0x80  }
0x2e1: {  	[sflag:s11] =	ssyncset.done $0x0  }
0x2e2: {  	[sflag:s11] =	ssyncadd.s32 $0xFFFFFF80  }
0x2e3: {  	_ =	swait.ge [sflag:s11], $0x80  }
0x2e4: {  	[sflag:s11] =	ssyncset.done $0x0  }
0x2e5: {  	[sflag:s11] =	ssyncadd.s32 $0xFFFFFF80  }
0x2e6: {  	_ =	swait.ge [sflag:s11], $0x80  }
0x2e7: {  	[sflag:s11] =	ssyncset.done $0x0  }
0x2e8: {  	[sflag:s11] =	ssyncadd.s32 $0xFFFFFF80  }
0x2e9: {  	_ =	swait.ge [sflag:s11], $0x80  }
0x2ea: {  	[sflag:s11] =	ssyncset.done $0x0  }
0x2eb: {  	[sflag:s11] =	ssyncadd.s32 $0xFFFFFF80  }
0x2ec: {  	_ =	swait.ge [sflag:s11], $0x80  }
0x2ed: {  	[sflag:s11] =	ssyncset.done $0x0  }
0x2ee: {  	[sflag:s11] =	ssyncadd.s32 $0xFFFFFF80  }
0x2ef: {  	_ =	swait.ge [sflag:s11], $0x80  }
0x2f0: {  	[sflag:s11] =	ssyncset.done $0x0  }
0x2f1: {  	[sflag:s11] =	ssyncadd.s32 $0xFFFFFF80  }
0x2f2: {  	_ =	swait.ge [sflag:s11], $0x80  }
0x2f3: {  	[sflag:s11] =	ssyncset.done $0x0  }
0x2f4: {  	[sflag:s11] =	ssyncadd.s32 $0xFFFFFF80  }
0x2f5: {  	_ =	swait.ge [sflag:s11], $0x80  }
0x2f6: {  	[sflag:s11] =	ssyncset.done $0x0  }
0x2f7: {  	[sflag:s11] =	ssyncadd.s32 $0xFFFFFF80  }
0x2f8: {  	_ =	swait.ge [sflag:s11], $0x80  }
0x2f9: {  	[sflag:s11] =	ssyncset.done $0x0  }
0x2fa: {  	[sflag:s11] =	ssyncadd.s32 $0xFFFFFF80  }
0x2fb: {  	_ =	swait.ge [sflag:s11], $0x80  }
0x2fc: {  	[sflag:s11] =	ssyncset.done $0x0  }
0x2fd: {  	[sflag:s11] =	ssyncadd.s32 $0xFFFFFF80  }
0x2fe: {  	_ =	swait.ge [sflag:s11], $0x80  }
0x2ff: {  	[sflag:s11] =	ssyncset.done $0x0  }
0x300: {  	[sflag:s11] =	ssyncadd.s32 $0xFFFFFF80  }
0x301: {  	_ =	swait.ge [sflag:s11], $0x80  }
0x302: {  	[sflag:s11] =	ssyncset.done $0x0  }
0x303: {  	[sflag:s11] =	ssyncadd.s32 $0xFFFFFF80  }
0x304: {  	_ =	swait.ge [sflag:s9], $0x1000  }
0x305: {  	[sflag:s9] =	ssyncset.done $0x0  }
0x306: {  	[sflag:s9] =	ssyncadd.s32 $0xFFFFF000  }
0x307: {  	_ =	swait.ge [sflag:s9], $0x1000  }
0x308: {  	[sflag:s9] =	ssyncset.done $0x0  }
0x309: {  	[sflag:s9] =	ssyncadd.s32 $0xFFFFF000  }
0x30a: {  	_ =	swait.ge [sflag:s9], $0x1000  }
0x30b: {  	[sflag:s9] =	ssyncset.done $0x0  }
0x30c: {  	[sflag:s9] =	ssyncadd.s32 $0xFFFFF000  }
0x30d: {  	_ =	swait.ge [sflag:s9], $0x1000  }
0x30e: {  	[sflag:s9] =	ssyncset.done $0x0  }
0x30f: {  	[sflag:s9] =	ssyncadd.s32 $0xFFFFF000  }
0x310: {  	_ =	swait.ge [sflag:s9], $0x1000  }
0x311: {  	[sflag:s9] =	ssyncset.done $0x0  }
0x312: {  	[sflag:s9] =	ssyncadd.s32 $0xFFFFF000  }
0x313: {  	_ =	swait.ge [sflag:s9], $0x1000  }
0x314: {  	[sflag:s9] =	ssyncset.done $0x0  }
0x315: {  	[sflag:s9] =	ssyncadd.s32 $0xFFFFF000  }
0x316: {  	_ =	swait.ge [sflag:s9], $0x1000  }
0x317: {  	[sflag:s9] =	ssyncset.done $0x0  }
0x318: {  	[sflag:s9] =	ssyncadd.s32 $0xFFFFF000  }
0x319: {  	_ =	swait.ge [sflag:s9], $0x1000  }
0x31a: {  	[sflag:s9] =	ssyncset.done $0x0  }
0x31b: {  	s7 =	simm.s32 $0x800;
	s8 =	rddreg [dreg:$0x8];
	[sflag:s9] =	ssyncadd.s32 $0xFFFFF000  }
0x31c: {  	[hbm4b:s8+s30] =	stream.linear.scatter [tilespmem:s7], [sflag:$0x4], $0x8000, $0x38;
	[tilespmem:$0x9800] =	vst v63  }
0x31d: {  	_ =	swait.ge [sflag:s3], $0x8000  }
0x31e: {  	[sflag:s3] =	ssyncset.done $0x0  }
0x31f: {  	s7 =	simm.s32 $0x8800;
	s14 =	rddreg [dreg:$0x9];
	[sflag:s3] =	ssyncadd.s32 $0xFFFF8000  }
0x320: {  	[hbm4b:s14+s30] =	stream.linear.scatter [tilespmem:s7], [sflag:$0x4], $0x400, $0x38;
	[tilespmem:$0x9800] =	vst v63  }
0x321: {  	_ =	swait.ge [sflag:s3], $0x400  }
0x322: {  	[sflag:s3] =	ssyncset.done $0x0  }
0x323: {  	s21 =	simm.s32 $0x8C00;
	s17 =	rddreg [dreg:$0xa];
	[sflag:s3] =	ssyncadd.s32 $0xFFFFFC00  }
0x324: {  	[hbm4b:s17+s30] =	stream.linear.scatter [tilespmem:s21], [sflag:$0x4], $0x400, $0x38;
	[tilespmem:$0x9800] =	vst v63  }
0x325: {  	_ =	swait.ge [sflag:s3], $0x400  }
0x326: {  	[sflag:s3] =	ssyncset.done $0x0  }
0x327: {  	s20 =	simm.s32 $0x9000;
	s19 =	rddreg [dreg:$0xb];
	[sflag:s3] =	ssyncadd.s32 $0xFFFFFC00  }
0x328: {  	[hbm4b:s19+s30] =	stream.linear.scatter [tilespmem:s20], [sflag:$0x4], $0x400, $0x38;
	[tilespmem:$0x9800] =	vst v63  }
0x329: {  	_ =	swait.ge [sflag:s3], $0x400  }
0x32a: {  	[sflag:s3] =	ssyncset.done $0x0  }
0x32b: {  	s17 =	simm.s32 $0x9400;
	s8 =	rddreg [dreg:$0xc];
	[sflag:s3] =	ssyncadd.s32 $0xFFFFFC00  }
0x32c: {  	[hbm4b:s8+s30] =	stream.linear.scatter [tilespmem:s17], [sflag:$0x4], $0x400, $0x38;
	[tilespmem:$0x9800] =	vst v63  }
0x32d: {  	_ =	swait.ge [sflag:s3], $0x400  }
0x32e: {  	[sflag:s3] =	ssyncset.done $0x0  }
0x32f: {  	s14 =	rddreg [dreg:$0xd];
	[sflag:s3] =	ssyncadd.s32 $0xFFFFFC00  }
0x330: {  	[tilespmem:s30], [sflag:$0x4] =	stream.linear.gather [hbm4b:s14+s30], $0x400, $0x38;
	[tilespmem:$0x9800] =	vst v63  }
0x331: {  	_ =	swait.ge [sflag:s3], $0x400  }
0x332: {  	[sflag:s3] =	ssyncset.done $0x0  }
0x333: {  	s15 =	simm.s32 $0x400;
	[sflag:s3] =	ssyncadd.s32 $0xFFFFFC00  }
0x334: {  	[tilespmem:s15], [sflag:$0x3] =	stream.indirect.gather [hbm4b:s18+s12], $0x1, s30, s12, $0xb8;
	[tilespmem:$0x9800] =	vst v63  }
0x335: {  	s2 =	simm.s32 $0x480  }
0x336: {  	[tilespmem:s2], [sflag:$0x3] =	stream.indirect.gather [hbm4b:s18+s12], $0x1, s12, s12, $0xb8;
	[tilespmem:$0x9800] =	vst v63  }
0x337: {  	s15 =	simm.s32 $0x500  }
0x338: {  	[tilespmem:s15], [sflag:$0x3] =	stream.indirect.gather [hbm4b:s18+s12], $0x1, s28, s12, $0xb8;
	[tilespmem:$0x9800] =	vst v63  }
0x339: {  	s13 =	simm.s32 $0x580  }
0x33a: {  	[tilespmem:s13], [sflag:$0x3] =	stream.indirect.gather [hbm4b:s18+s12], $0x1, s29, s12, $0xb8;
	[tilespmem:$0x9800] =	vst v63  }
0x33b: {  	s5 =	simm.s32 $0x600;
	s29 =	simm.s32 $0x200  }
0x33c: {  	[tilespmem:s5], [sflag:$0x3] =	stream.indirect.gather [hbm4b:s18+s12], $0x1, s29, s12, $0xb8;
	[tilespmem:$0x9800] =	vst v63  }
0x33d: {  	s16 =	simm.s32 $0x680  }
0x33e: {  	[tilespmem:s16], [sflag:$0x3] =	stream.indirect.gather [hbm4b:s18+s12], $0x1, s31, s12, $0xb8;
	[tilespmem:$0x9800] =	vst v63  }
0x33f: {  	s2 =	simm.s32 $0x700;
	s31 =	simm.s32 $0x300  }
0x340: {  	[tilespmem:s2], [sflag:$0x3] =	stream.indirect.gather [hbm4b:s18+s12], $0x1, s31, s12, $0xb8;
	[tilespmem:$0x9800] =	vst v63  }
0x341: {  	s16 =	simm.s32 $0x780  }
0x342: {  	[tilespmem:s16], [sflag:$0x3] =	stream.indirect.gather [hbm4b:s18+s12], $0x1, s0, s12, $0xb8;
	[tilespmem:$0x9800] =	vst v63  }
0x343: {  	_ = 	snop  }
0x344: {  	[tilespmem:s7], [sflag:$0x2] =	stream.indirect.gather [hbm4b:s25+s12], $0x1, s30, s12, $0xb8;
	[tilespmem:$0x9800] =	vst v63  }
0x345: {  	_ = 	snop  }
0x346: {  	[tilespmem:s6], [sflag:$0x2] =	stream.indirect.gather [hbm4b:s25+s12], $0x1, s12, s12, $0xb8;
	[tilespmem:$0x9800] =	vst v63  }
0x347: {  	s6 =	simm.s32 $0x8900  }
0x348: {  	[tilespmem:s6], [sflag:$0x2] =	stream.indirect.gather [hbm4b:s25+s12], $0x1, s28, s12, $0xb8;
	[tilespmem:$0x9800] =	vst v63  }
0x349: {  	s7 =	simm.s32 $0x8980;
	s28 =	simm.s32 $0x180  }
0x34a: {  	[tilespmem:s7], [sflag:$0x2] =	stream.indirect.gather [hbm4b:s25+s12], $0x1, s28, s12, $0xb8;
	[tilespmem:$0x9800] =	vst v63  }
0x34b: {  	s7 =	simm.s32 $0x8A00  }
0x34c: {  	[tilespmem:s7], [sflag:$0x2] =	stream.indirect.gather [hbm4b:s25+s12], $0x1, s29, s12, $0xb8;
	[tilespmem:$0x9800] =	vst v63  }
0x34d: {  	s6 =	simm.s32 $0x280;
	s7 =	simm.s32 $0x8A80  }
0x34e: {  	[tilespmem:s7], [sflag:$0x2] =	stream.indirect.gather [hbm4b:s25+s12], $0x1, s6, s12, $0xb8;
	[tilespmem:$0x9800] =	vst v63  }
0x34f: {  	s7 =	simm.s32 $0x8B00  }
0x350: {  	[tilespmem:s7], [sflag:$0x2] =	stream.indirect.gather [hbm4b:s25+s12], $0x1, s31, s12, $0xb8;
	[tilespmem:$0x9800] =	vst v63  }
0x351: {  	s7 =	simm.s32 $0x8B80  }
0x352: {  	[tilespmem:s7], [sflag:$0x2] =	stream.indirect.gather [hbm4b:s25+s12], $0x1, s0, s12, $0xb8;
	[tilespmem:$0x9800] =	vst v63  }
0x353: {  	_ = 	snop  }
0x354: {  	[tilespmem:s21], [sflag:$0x2] =	stream.indirect.gather [hbm4b:s23+s12], $0x1, s30, s12, $0xb8;
	[tilespmem:$0x9800] =	vst v63  }
0x355: {  	_ = 	snop  }
0x356: {  	[tilespmem:s26], [sflag:$0x2] =	stream.indirect.gather [hbm4b:s23+s12], $0x1, s12, s12, $0xb8;
	[tilespmem:$0x9800] =	vst v63  }
0x357: {  	s21 =	simm.s32 $0x8D00;
	s26 =	simm.s32 $0x100  }
0x358: {  	[tilespmem:s21], [sflag:$0x2] =	stream.indirect.gather [hbm4b:s23+s12], $0x1, s26, s12, $0xb8;
	[tilespmem:$0x9800] =	vst v63  }
0x359: {  	s21 =	simm.s32 $0x8D80  }
0x35a: {  	[tilespmem:s21], [sflag:$0x2] =	stream.indirect.gather [hbm4b:s23+s12], $0x1, s28, s12, $0xb8;
	[tilespmem:$0x9800] =	vst v63  }
0x35b: {  	s21 =	simm.s32 $0x8E00  }
0x35c: {  	[tilespmem:s21], [sflag:$0x2] =	stream.indirect.gather [hbm4b:s23+s12], $0x1, s29, s12, $0xb8;
	[tilespmem:$0x9800] =	vst v63  }
0x35d: {  	s21 =	simm.s32 $0x8E80  }
0x35e: {  	[tilespmem:s21], [sflag:$0x2] =	stream.indirect.gather [hbm4b:s23+s12], $0x1, s6, s12, $0xb8;
	[tilespmem:$0x9800] =	vst v63  }
0x35f: {  	s21 =	simm.s32 $0x8F00  }
0x360: {  	[tilespmem:s21], [sflag:$0x2] =	stream.indirect.gather [hbm4b:s23+s12], $0x1, s31, s12, $0xb8;
	[tilespmem:$0x9800] =	vst v63  }
0x361: {  	s21 =	simm.s32 $0x8F80  }
0x362: {  	[tilespmem:s21], [sflag:$0x2] =	stream.indirect.gather [hbm4b:s23+s12], $0x1, s0, s12, $0xb8;
	[tilespmem:$0x9800] =	vst v63  }
0x363: {  	_ = 	snop  }
0x364: {  	[tilespmem:s20], [sflag:$0x2] =	stream.indirect.gather [hbm4b:s22+s12], $0x1, s30, s12, $0xb8;
	[tilespmem:$0x9800] =	vst v63  }
0x365: {  	s20 =	simm.s32 $0x9080  }
0x366: {  	[tilespmem:s20], [sflag:$0x2] =	stream.indirect.gather [hbm4b:s22+s12], $0x1, s12, s12, $0xb8;
	[tilespmem:$0x9800] =	vst v63  }
0x367: {  	s20 =	simm.s32 $0x9100  }
0x368: {  	[tilespmem:s20], [sflag:$0x2] =	stream.indirect.gather [hbm4b:s22+s12], $0x1, s26, s12, $0xb8;
	[tilespmem:$0x9800] =	vst v63  }
0x369: {  	s20 =	simm.s32 $0x9180  }
0x36a: {  	[tilespmem:s20], [sflag:$0x2] =	stream.indirect.gather [hbm4b:s22+s12], $0x1, s28, s12, $0xb8;
	[tilespmem:$0x9800] =	vst v63  }
0x36b: {  	s20 =	simm.s32 $0x9200  }
0x36c: {  	[tilespmem:s20], [sflag:$0x2] =	stream.indirect.gather [hbm4b:s22+s12], $0x1, s29, s12, $0xb8;
	[tilespmem:$0x9800] =	vst v63  }
0x36d: {  	s20 =	simm.s32 $0x9280  }
0x36e: {  	[tilespmem:s20], [sflag:$0x2] =	stream.indirect.gather [hbm4b:s22+s12], $0x1, s6, s12, $0xb8;
	[tilespmem:$0x9800] =	vst v63  }
0x36f: {  	s20 =	simm.s32 $0x9300  }
0x370: {  	[tilespmem:s20], [sflag:$0x2] =	stream.indirect.gather [hbm4b:s22+s12], $0x1, s31, s12, $0xb8;
	[tilespmem:$0x9800] =	vst v63  }
0x371: {  	s20 =	simm.s32 $0x9380  }
0x372: {  	[tilespmem:s20], [sflag:$0x2] =	stream.indirect.gather [hbm4b:s22+s12], $0x1, s0, s12, $0xb8;
	[tilespmem:$0x9800] =	vst v63  }
0x373: {  	_ = 	snop  }
0x374: {  	[tilespmem:s17], [sflag:$0x2] =	stream.indirect.gather [hbm4b:s24+s12], $0x1, s30, s12, $0xb8;
	[tilespmem:$0x9800] =	vst v63  }
0x375: {  	s17 =	simm.s32 $0x9480  }
0x376: {  	[tilespmem:s17], [sflag:$0x2] =	stream.indirect.gather [hbm4b:s24+s12], $0x1, s12, s12, $0xb8;
	[tilespmem:$0x9800] =	vst v63  }
0x377: {  	s17 =	simm.s32 $0x9500  }
0x378: {  	[tilespmem:s17], [sflag:$0x2] =	stream.indirect.gather [hbm4b:s24+s12], $0x1, s26, s12, $0xb8;
	[tilespmem:$0x9800] =	vst v63  }
0x379: {  	s17 =	simm.s32 $0x9580  }
0x37a: {  	[tilespmem:s17], [sflag:$0x2] =	stream.indirect.gather [hbm4b:s24+s12], $0x1, s28, s12, $0xb8;
	[tilespmem:$0x9800] =	vst v63  }
0x37b: {  	s17 =	simm.s32 $0x9600  }
0x37c: {  	[tilespmem:s17], [sflag:$0x2] =	stream.indirect.gather [hbm4b:s24+s12], $0x1, s29, s12, $0xb8;
	[tilespmem:$0x9800] =	vst v63  }
0x37d: {  	s17 =	simm.s32 $0x9680  }
0x37e: {  	[tilespmem:s17], [sflag:$0x2] =	stream.indirect.gather [hbm4b:s24+s12], $0x1, s6, s12, $0xb8;
	[tilespmem:$0x9800] =	vst v63  }
0x37f: {  	s17 =	simm.s32 $0x9700  }
0x380: {  	[tilespmem:s17], [sflag:$0x2] =	stream.indirect.gather [hbm4b:s24+s12], $0x1, s31, s12, $0xb8;
	[tilespmem:$0x9800] =	vst v63  }
0x381: {  	s17 =	simm.s32 $0x9780  }
0x382: {  	[tilespmem:s17], [sflag:$0x2] =	stream.indirect.gather [hbm4b:s24+s12], $0x1, s0, s12, $0xb8;
	[tilespmem:$0x9800] =	vst v63  }
0x383: {  	_ =	swait.ge [sflag:s1], $0x80  }
0x384: {  	[sflag:s1] =	ssyncset.done $0x0  }
0x385: {  	[sflag:s1] =	ssyncadd.s32 $0xFFFFFF80  }
0x386: {  	_ =	swait.ge [sflag:s1], $0x80  }
0x387: {  	[sflag:s1] =	ssyncset.done $0x0  }
0x388: {  	[sflag:s1] =	ssyncadd.s32 $0xFFFFFF80  }
0x389: {  	_ =	swait.ge [sflag:s1], $0x80  }
0x38a: {  	[sflag:s1] =	ssyncset.done $0x0  }
0x38b: {  	[sflag:s1] =	ssyncadd.s32 $0xFFFFFF80  }
0x38c: {  	_ =	swait.ge [sflag:s1], $0x80  }
0x38d: {  	[sflag:s1] =	ssyncset.done $0x0  }
0x38e: {  	[sflag:s1] =	ssyncadd.s32 $0xFFFFFF80  }
0x38f: {  	_ =	swait.ge [sflag:s1], $0x80  }
0x390: {  	[sflag:s1] =	ssyncset.done $0x0  }
0x391: {  	[sflag:s1] =	ssyncadd.s32 $0xFFFFFF80  }
0x392: {  	_ =	swait.ge [sflag:s1], $0x80  }
0x393: {  	[sflag:s1] =	ssyncset.done $0x0  }
0x394: {  	[sflag:s1] =	ssyncadd.s32 $0xFFFFFF80  }
0x395: {  	_ =	swait.ge [sflag:s1], $0x80  }
0x396: {  	[sflag:s1] =	ssyncset.done $0x0  }
0x397: {  	[sflag:s1] =	ssyncadd.s32 $0xFFFFFF80  }
0x398: {  	_ =	swait.ge [sflag:s1], $0x80  }
0x399: {  	[sflag:s1] =	ssyncset.done $0x0  }
0x39a: {  	s14 =	simm.s32 $0x400;
	s17 =	simm.s32 $0x800;
	[sflag:s1] =	ssyncadd.s32 $0xFFFFFF80  }
0x39b: {  	[tilespmem:s17], [sflag:$0x1] =	stream.indirect.gather [hbm4b:s10+s12], $0x20, s14, s12, $0xb8;
	[tilespmem:$0x9800] =	vst v63  }
0x39c: {  	s19 =	simm.s32 $0x480;
	s14 =	simm.s32 $0x1800  }
0x39d: {  	[tilespmem:s14], [sflag:$0x1] =	stream.indirect.gather [hbm4b:s10+s12], $0x20, s19, s12, $0xb8;
	[tilespmem:$0x9800] =	vst v63  }
0x39e: {  	s8 =	simm.s32 $0x500;
	s19 =	simm.s32 $0x2800  }
0x39f: {  	[tilespmem:s19], [sflag:$0x1] =	stream.indirect.gather [hbm4b:s10+s12], $0x20, s8, s12, $0xb8;
	[tilespmem:$0x9800] =	vst v63  }
0x3a0: {  	s14 =	simm.s32 $0x3800;
	s19 =	simm.s32 $0x580  }
0x3a1: {  	[tilespmem:s14], [sflag:$0x1] =	stream.indirect.gather [hbm4b:s10+s12], $0x20, s19, s12, $0xb8;
	[tilespmem:$0x9800] =	vst v63  }
0x3a2: {  	s13 =	simm.s32 $0x600;
	s14 =	simm.s32 $0x4800  }
0x3a3: {  	[tilespmem:s14], [sflag:$0x1] =	stream.indirect.gather [hbm4b:s10+s12], $0x20, s13, s12, $0xb8;
	[tilespmem:$0x9800] =	vst v63  }
0x3a4: {  	s15 =	simm.s32 $0x680;
	s19 =	simm.s32 $0x5800  }
0x3a5: {  	[tilespmem:s19], [sflag:$0x1] =	stream.indirect.gather [hbm4b:s10+s12], $0x20, s15, s12, $0xb8;
	[tilespmem:$0x9800] =	vst v63  }
0x3a6: {  	s8 =	simm.s32 $0x6800  }
0x3a7: {  	[tilespmem:s8], [sflag:$0x1] =	stream.indirect.gather [hbm4b:s10+s12], $0x20, s2, s12, $0xb8;
	[tilespmem:$0x9800] =	vst v63  }
0x3a8: {  	s13 =	simm.s32 $0x7800  }
0x3a9: {  	[tilespmem:s13], [sflag:$0x1] =	stream.indirect.gather [hbm4b:s10+s12], $0x20, s16, s12, $0xb8;
	[tilespmem:$0x9800] =	vst v63  }
0x3aa: {  	_ =	swait.ge [sflag:s11], $0x80  }
0x3ab: {  	[sflag:s11] =	ssyncset.done $0x0  }
0x3ac: {  	[sflag:s11] =	ssyncadd.s32 $0xFFFFFF80  }
0x3ad: {  	_ =	swait.ge [sflag:s11], $0x80  }
0x3ae: {  	[sflag:s11] =	ssyncset.done $0x0  }
0x3af: {  	[sflag:s11] =	ssyncadd.s32 $0xFFFFFF80  }
0x3b0: {  	_ =	swait.ge [sflag:s11], $0x80  }
0x3b1: {  	[sflag:s11] =	ssyncset.done $0x0  }
0x3b2: {  	[sflag:s11] =	ssyncadd.s32 $0xFFFFFF80  }
0x3b3: {  	_ =	swait.ge [sflag:s11], $0x80  }
0x3b4: {  	[sflag:s11] =	ssyncset.done $0x0  }
0x3b5: {  	[sflag:s11] =	ssyncadd.s32 $0xFFFFFF80  }
0x3b6: {  	_ =	swait.ge [sflag:s11], $0x80  }
0x3b7: {  	[sflag:s11] =	ssyncset.done $0x0  }
0x3b8: {  	[sflag:s11] =	ssyncadd.s32 $0xFFFFFF80  }
0x3b9: {  	_ =	swait.ge [sflag:s11], $0x80  }
0x3ba: {  	[sflag:s11] =	ssyncset.done $0x0  }
0x3bb: {  	[sflag:s11] =	ssyncadd.s32 $0xFFFFFF80  }
0x3bc: {  	_ =	swait.ge [sflag:s11], $0x80  }
0x3bd: {  	[sflag:s11] =	ssyncset.done $0x0  }
0x3be: {  	[sflag:s11] =	ssyncadd.s32 $0xFFFFFF80  }
0x3bf: {  	_ =	swait.ge [sflag:s11], $0x80  }
0x3c0: {  	[sflag:s11] =	ssyncset.done $0x0  }
0x3c1: {  	[sflag:s11] =	ssyncadd.s32 $0xFFFFFF80  }
0x3c2: {  	_ =	swait.ge [sflag:s11], $0x80  }
0x3c3: {  	[sflag:s11] =	ssyncset.done $0x0  }
0x3c4: {  	[sflag:s11] =	ssyncadd.s32 $0xFFFFFF80  }
0x3c5: {  	_ =	swait.ge [sflag:s11], $0x80  }
0x3c6: {  	[sflag:s11] =	ssyncset.done $0x0  }
0x3c7: {  	[sflag:s11] =	ssyncadd.s32 $0xFFFFFF80  }
0x3c8: {  	_ =	swait.ge [sflag:s11], $0x80  }
0x3c9: {  	[sflag:s11] =	ssyncset.done $0x0  }
0x3ca: {  	[sflag:s11] =	ssyncadd.s32 $0xFFFFFF80  }
0x3cb: {  	_ =	swait.ge [sflag:s11], $0x80  }
0x3cc: {  	[sflag:s11] =	ssyncset.done $0x0  }
0x3cd: {  	[sflag:s11] =	ssyncadd.s32 $0xFFFFFF80  }
0x3ce: {  	_ =	swait.ge [sflag:s11], $0x80  }
0x3cf: {  	[sflag:s11] =	ssyncset.done $0x0  }
0x3d0: {  	[sflag:s11] =	ssyncadd.s32 $0xFFFFFF80  }
0x3d1: {  	_ =	swait.ge [sflag:s11], $0x80  }
0x3d2: {  	[sflag:s11] =	ssyncset.done $0x0  }
0x3d3: {  	[sflag:s11] =	ssyncadd.s32 $0xFFFFFF80  }
0x3d4: {  	_ =	swait.ge [sflag:s11], $0x80  }
0x3d5: {  	[sflag:s11] =	ssyncset.done $0x0  }
0x3d6: {  	[sflag:s11] =	ssyncadd.s32 $0xFFFFFF80  }
0x3d7: {  	_ =	swait.ge [sflag:s11], $0x80  }
0x3d8: {  	[sflag:s11] =	ssyncset.done $0x0  }
0x3d9: {  	[sflag:s11] =	ssyncadd.s32 $0xFFFFFF80  }
0x3da: {  	_ =	swait.ge [sflag:s11], $0x80  }
0x3db: {  	[sflag:s11] =	ssyncset.done $0x0  }
0x3dc: {  	[sflag:s11] =	ssyncadd.s32 $0xFFFFFF80  }
0x3dd: {  	_ =	swait.ge [sflag:s11], $0x80  }
0x3de: {  	[sflag:s11] =	ssyncset.done $0x0  }
0x3df: {  	[sflag:s11] =	ssyncadd.s32 $0xFFFFFF80  }
0x3e0: {  	_ =	swait.ge [sflag:s11], $0x80  }
0x3e1: {  	[sflag:s11] =	ssyncset.done $0x0  }
0x3e2: {  	[sflag:s11] =	ssyncadd.s32 $0xFFFFFF80  }
0x3e3: {  	_ =	swait.ge [sflag:s11], $0x80  }
0x3e4: {  	[sflag:s11] =	ssyncset.done $0x0  }
0x3e5: {  	[sflag:s11] =	ssyncadd.s32 $0xFFFFFF80  }
0x3e6: {  	_ =	swait.ge [sflag:s11], $0x80  }
0x3e7: {  	[sflag:s11] =	ssyncset.done $0x0  }
0x3e8: {  	[sflag:s11] =	ssyncadd.s32 $0xFFFFFF80  }
0x3e9: {  	_ =	swait.ge [sflag:s11], $0x80  }
0x3ea: {  	[sflag:s11] =	ssyncset.done $0x0  }
0x3eb: {  	[sflag:s11] =	ssyncadd.s32 $0xFFFFFF80  }
0x3ec: {  	_ =	swait.ge [sflag:s11], $0x80  }
0x3ed: {  	[sflag:s11] =	ssyncset.done $0x0  }
0x3ee: {  	[sflag:s11] =	ssyncadd.s32 $0xFFFFFF80  }
0x3ef: {  	_ =	swait.ge [sflag:s11], $0x80  }
0x3f0: {  	[sflag:s11] =	ssyncset.done $0x0  }
0x3f1: {  	[sflag:s11] =	ssyncadd.s32 $0xFFFFFF80  }
0x3f2: {  	_ =	swait.ge [sflag:s11], $0x80  }
0x3f3: {  	[sflag:s11] =	ssyncset.done $0x0  }
0x3f4: {  	[sflag:s11] =	ssyncadd.s32 $0xFFFFFF80  }
0x3f5: {  	_ =	swait.ge [sflag:s11], $0x80  }
0x3f6: {  	[sflag:s11] =	ssyncset.done $0x0  }
0x3f7: {  	[sflag:s11] =	ssyncadd.s32 $0xFFFFFF80  }
0x3f8: {  	_ =	swait.ge [sflag:s11], $0x80  }
0x3f9: {  	[sflag:s11] =	ssyncset.done $0x0  }
0x3fa: {  	[sflag:s11] =	ssyncadd.s32 $0xFFFFFF80  }
0x3fb: {  	_ =	swait.ge [sflag:s11], $0x80  }
0x3fc: {  	[sflag:s11] =	ssyncset.done $0x0  }
0x3fd: {  	[sflag:s11] =	ssyncadd.s32 $0xFFFFFF80  }
0x3fe: {  	_ =	swait.ge [sflag:s11], $0x80  }
0x3ff: {  	[sflag:s11] =	ssyncset.done $0x0  }
0x400: {  	[sflag:s11] =	ssyncadd.s32 $0xFFFFFF80  }
0x401: {  	_ =	swait.ge [sflag:s11], $0x80  }
0x402: {  	[sflag:s11] =	ssyncset.done $0x0  }
0x403: {  	[sflag:s11] =	ssyncadd.s32 $0xFFFFFF80  }
0x404: {  	_ =	swait.ge [sflag:s11], $0x80  }
0x405: {  	[sflag:s11] =	ssyncset.done $0x0  }
0x406: {  	[sflag:s11] =	ssyncadd.s32 $0xFFFFFF80  }
0x407: {  	_ =	swait.ge [sflag:s11], $0x80  }
0x408: {  	[sflag:s11] =	ssyncset.done $0x0  }
0x409: {  	[sflag:s11] =	ssyncadd.s32 $0xFFFFFF80  }
0x40a: {  	_ =	swait.ge [sflag:s9], $0x1000  }
0x40b: {  	[sflag:s9] =	ssyncset.done $0x0  }
0x40c: {  	[sflag:s9] =	ssyncadd.s32 $0xFFFFF000  }
0x40d: {  	_ =	swait.ge [sflag:s9], $0x1000  }
0x40e: {  	[sflag:s9] =	ssyncset.done $0x0  }
0x40f: {  	[sflag:s9] =	ssyncadd.s32 $0xFFFFF000  }
0x410: {  	_ =	swait.ge [sflag:s9], $0x1000  }
0x411: {  	[sflag:s9] =	ssyncset.done $0x0  }
0x412: {  	[sflag:s9] =	ssyncadd.s32 $0xFFFFF000  }
0x413: {  	_ =	swait.ge [sflag:s9], $0x1000  }
0x414: {  	[sflag:s9] =	ssyncset.done $0x0  }
0x415: {  	[sflag:s9] =	ssyncadd.s32 $0xFFFFF000  }
0x416: {  	_ =	swait.ge [sflag:s9], $0x1000  }
0x417: {  	[sflag:s9] =	ssyncset.done $0x0  }
0x418: {  	[sflag:s9] =	ssyncadd.s32 $0xFFFFF000  }
0x419: {  	_ =	swait.ge [sflag:s9], $0x1000  }
0x41a: {  	[sflag:s9] =	ssyncset.done $0x0  }
0x41b: {  	[sflag:s9] =	ssyncadd.s32 $0xFFFFF000  }
0x41c: {  	_ =	swait.ge [sflag:s9], $0x1000  }
0x41d: {  	[sflag:s9] =	ssyncset.done $0x0  }
0x41e: {  	[sflag:s9] =	ssyncadd.s32 $0xFFFFF000  }
0x41f: {  	_ =	swait.ge [sflag:s9], $0x1000  }
0x420: {  	[sflag:s9] =	ssyncset.done $0x0  }
0x421: {  	s14 =	rddreg [dreg:$0xe];
	[sflag:s9] =	ssyncadd.s32 $0xFFFFF000  }
0x422: {  	[hbm4b:s14+s30] =	stream.linear.scatter [tilespmem:s17], [sflag:$0x4], $0x8000, $0x38;
	[tilespmem:$0x9800] =	vst v63  }
0x423: {  	_ =	swait.ge [sflag:s3], $0x8000  }
0x424: {  	[sflag:s3] =	ssyncset.done $0x0  }
0x425: {  	s16 =	simm.s32 $0x8800;
	s15 =	rddreg [dreg:$0xf];
	[sflag:s3] =	ssyncadd.s32 $0xFFFF8000  }
0x426: {  	[hbm4b:s15+s30] =	stream.linear.scatter [tilespmem:s16], [sflag:$0x4], $0x400, $0x38;
	[tilespmem:$0x9800] =	vst v63  }
0x427: {  	_ =	swait.ge [sflag:s3], $0x400  }
0x428: {  	[sflag:s3] =	ssyncset.done $0x0  }
0x429: {  	s7 =	simm.s32 $0x8C00;
	s17 =	rddreg [dreg:$0x10];
	[sflag:s3] =	ssyncadd.s32 $0xFFFFFC00  }
0x42a: {  	[hbm4b:s17+s30] =	stream.linear.scatter [tilespmem:s7], [sflag:$0x4], $0x400, $0x38;
	[tilespmem:$0x9800] =	vst v63  }
0x42b: {  	_ =	swait.ge [sflag:s3], $0x400  }
0x42c: {  	[sflag:s3] =	ssyncset.done $0x0  }
0x42d: {  	s21 =	simm.s32 $0x9000;
	s19 =	rddreg [dreg:$0x11];
	[sflag:s3] =	ssyncadd.s32 $0xFFFFFC00  }
0x42e: {  	[hbm4b:s19+s30] =	stream.linear.scatter [tilespmem:s21], [sflag:$0x4], $0x400, $0x38;
	[tilespmem:$0x9800] =	vst v63  }
0x42f: {  	p1 =	sne.s32 s4, $0x1;
	_ =	swait.ge [sflag:s3], $0x400  }
.Ltmp2:
0x430: {  	[sflag:s3] =	ssyncset.done $0x0;
	(pc) =	sbr.rel @p1 .LBB2_2-.Ltmp2, $4  }
0x431: {  	s20 =	simm.s32 $0x9400;
	s21 =	rddreg [dreg:$0x12];
	[sflag:s3] =	ssyncadd.s32 $0xFFFFFC00  }
0x432: {  	[hbm4b:s21+s30] =	stream.linear.scatter [tilespmem:s20], [sflag:$0x4], $0x400, $0x38;
	[tilespmem:$0x9800] =	vst v63  }
0x433: {  	_ =	swait.ge [sflag:s3], $0x400  }
0x434: {  	s4 =	sadd.s32 $0xFFFFFFFF, s4;
	s5 =	rddreg [dreg:$0x7];
	[sflag:s3] =	ssyncset.done $0x0  }
.LBB2_3:
0x435: {  	[sflag:s3] =	ssyncadd.s32 @p0 $0xFFFFFC00  }
0x436: {  	[tilespmem:s30], [sflag:$0x4] =	stream.linear.gather [hbm4b:s5+s30], $0x400, $0x38;
	[tilespmem:$0x9800] =	vst v63  }
0x437: {  	_ =	swait.ge [sflag:s3], $0x400  }
0x438: {  	[sflag:s3] =	ssyncset.done $0x0  }
0x439: {  	s16 =	simm.s32 $0x400;
	[sflag:s3] =	ssyncadd.s32 $0xFFFFFC00  }
0x43a: {  	[tilespmem:s16], [sflag:$0x3] =	stream.indirect.gather [hbm4b:s18+s12], $0x1, s30, s12, $0xb8;
	[tilespmem:$0x9800] =	vst v63  }
0x43b: {  	s17 =	simm.s32 $0x480  }
0x43c: {  	[tilespmem:s17], [sflag:$0x3] =	stream.indirect.gather [hbm4b:s18+s12], $0x1, s12, s12, $0xb8;
	[tilespmem:$0x9800] =	vst v63  }
0x43d: {  	s20 =	simm.s32 $0x500  }
0x43e: {  	[tilespmem:s20], [sflag:$0x3] =	stream.indirect.gather [hbm4b:s18+s12], $0x1, s26, s12, $0xb8;
	[tilespmem:$0x9800] =	vst v63  }
0x43f: {  	s19 =	simm.s32 $0x580  }
0x440: {  	[tilespmem:s19], [sflag:$0x3] =	stream.indirect.gather [hbm4b:s18+s12], $0x1, s28, s12, $0xb8;
	[tilespmem:$0x9800] =	vst v63  }
0x441: {  	s15 =	simm.s32 $0x600  }
0x442: {  	[tilespmem:s15], [sflag:$0x3] =	stream.indirect.gather [hbm4b:s18+s12], $0x1, s29, s12, $0xb8;
	[tilespmem:$0x9800] =	vst v63  }
0x443: {  	s21 =	simm.s32 $0x680  }
0x444: {  	[tilespmem:s21], [sflag:$0x3] =	stream.indirect.gather [hbm4b:s18+s12], $0x1, s6, s12, $0xb8;
	[tilespmem:$0x9800] =	vst v63  }
0x445: {  	s14 =	simm.s32 $0x700  }
0x446: {  	[tilespmem:s14], [sflag:$0x3] =	stream.indirect.gather [hbm4b:s18+s12], $0x1, s31, s12, $0xb8;
	[tilespmem:$0x9800] =	vst v63  }
0x447: {  	s8 =	simm.s32 $0x780  }
0x448: {  	[tilespmem:s8], [sflag:$0x3] =	stream.indirect.gather [hbm4b:s18+s12], $0x1, s0, s12, $0xb8;
	[tilespmem:$0x9800] =	vst v63  }
0x449: {  	s4 =	simm.s32 $0x8800  }
0x44a: {  	[tilespmem:s4], [sflag:$0x2] =	stream.indirect.gather [hbm4b:s25+s12], $0x1, s30, s12, $0xb8;
	[tilespmem:$0x9800] =	vst v63  }
0x44b: {  	s2 =	simm.s32 $0x8880  }
0x44c: {  	[tilespmem:s2], [sflag:$0x2] =	stream.indirect.gather [hbm4b:s25+s12], $0x1, s12, s12, $0xb8;
	[tilespmem:$0x9800] =	vst v63  }
0x44d: {  	s7 =	simm.s32 $0x8900  }
0x44e: {  	[tilespmem:s7], [sflag:$0x2] =	stream.indirect.gather [hbm4b:s25+s12], $0x1, s26, s12, $0xb8;
	[tilespmem:$0x9800] =	vst v63  }
0x44f: {  	s13 =	simm.s32 $0x8980  }
0x450: {  	[tilespmem:s13], [sflag:$0x2] =	stream.indirect.gather [hbm4b:s25+s12], $0x1, s28, s12, $0xb8;
	[tilespmem:$0x9800] =	vst v63  }
0x451: {  	s4 =	simm.s32 $0x8A00  }
0x452: {  	[tilespmem:s4], [sflag:$0x2] =	stream.indirect.gather [hbm4b:s25+s12], $0x1, s29, s12, $0xb8;
	[tilespmem:$0x9800] =	vst v63  }
0x453: {  	s5 =	simm.s32 $0x8A80  }
0x454: {  	[tilespmem:s5], [sflag:$0x2] =	stream.indirect.gather [hbm4b:s25+s12], $0x1, s6, s12, $0xb8;
	[tilespmem:$0x9800] =	vst v63  }
0x455: {  	s7 =	simm.s32 $0x8B00  }
0x456: {  	[tilespmem:s7], [sflag:$0x2] =	stream.indirect.gather [hbm4b:s25+s12], $0x1, s31, s12, $0xb8;
	[tilespmem:$0x9800] =	vst v63  }
0x457: {  	s13 =	simm.s32 $0x8B80  }
0x458: {  	[tilespmem:s13], [sflag:$0x2] =	stream.indirect.gather [hbm4b:s25+s12], $0x1, s0, s12, $0xb8;
	[tilespmem:$0x9800] =	vst v63  }
0x459: {  	s2 =	simm.s32 $0x8C00  }
0x45a: {  	[tilespmem:s2], [sflag:$0x2] =	stream.indirect.gather [hbm4b:s23+s12], $0x1, s30, s12, $0xb8;
	[tilespmem:$0x9800] =	vst v63  }
0x45b: {  	s5 =	simm.s32 $0x8C80  }
0x45c: {  	[tilespmem:s5], [sflag:$0x2] =	stream.indirect.gather [hbm4b:s23+s12], $0x1, s12, s12, $0xb8;
	[tilespmem:$0x9800] =	vst v63  }
0x45d: {  	s7 =	simm.s32 $0x8D00  }
0x45e: {  	[tilespmem:s7], [sflag:$0x2] =	stream.indirect.gather [hbm4b:s23+s12], $0x1, s26, s12, $0xb8;
	[tilespmem:$0x9800] =	vst v63  }
0x45f: {  	s13 =	simm.s32 $0x8D80  }
0x460: {  	[tilespmem:s13], [sflag:$0x2] =	stream.indirect.gather [hbm4b:s23+s12], $0x1, s28, s12, $0xb8;
	[tilespmem:$0x9800] =	vst v63  }
0x461: {  	s4 =	simm.s32 $0x8E00  }
0x462: {  	[tilespmem:s4], [sflag:$0x2] =	stream.indirect.gather [hbm4b:s23+s12], $0x1, s29, s12, $0xb8;
	[tilespmem:$0x9800] =	vst v63  }
0x463: {  	s5 =	simm.s32 $0x8E80  }
0x464: {  	[tilespmem:s5], [sflag:$0x2] =	stream.indirect.gather [hbm4b:s23+s12], $0x1, s6, s12, $0xb8;
	[tilespmem:$0x9800] =	vst v63  }
0x465: {  	s7 =	simm.s32 $0x8F00  }
0x466: {  	[tilespmem:s7], [sflag:$0x2] =	stream.indirect.gather [hbm4b:s23+s12], $0x1, s31, s12, $0xb8;
	[tilespmem:$0x9800] =	vst v63  }
0x467: {  	s13 =	simm.s32 $0x8F80  }
0x468: {  	[tilespmem:s13], [sflag:$0x2] =	stream.indirect.gather [hbm4b:s23+s12], $0x1, s0, s12, $0xb8;
	[tilespmem:$0x9800] =	vst v63  }
0x469: {  	s2 =	simm.s32 $0x9000  }
0x46a: {  	[tilespmem:s2], [sflag:$0x2] =	stream.indirect.gather [hbm4b:s22+s12], $0x1, s30, s12, $0xb8;
	[tilespmem:$0x9800] =	vst v63  }
0x46b: {  	s5 =	simm.s32 $0x9080  }
0x46c: {  	[tilespmem:s5], [sflag:$0x2] =	stream.indirect.gather [hbm4b:s22+s12], $0x1, s12, s12, $0xb8;
	[tilespmem:$0x9800] =	vst v63  }
0x46d: {  	s7 =	simm.s32 $0x9100  }
0x46e: {  	[tilespmem:s7], [sflag:$0x2] =	stream.indirect.gather [hbm4b:s22+s12], $0x1, s26, s12, $0xb8;
	[tilespmem:$0x9800] =	vst v63  }
0x46f: {  	s13 =	simm.s32 $0x9180  }
0x470: {  	[tilespmem:s13], [sflag:$0x2] =	stream.indirect.gather [hbm4b:s22+s12], $0x1, s28, s12, $0xb8;
	[tilespmem:$0x9800] =	vst v63  }
0x471: {  	s4 =	simm.s32 $0x9200  }
0x472: {  	[tilespmem:s4], [sflag:$0x2] =	stream.indirect.gather [hbm4b:s22+s12], $0x1, s29, s12, $0xb8;
	[tilespmem:$0x9800] =	vst v63  }
0x473: {  	s5 =	simm.s32 $0x9280  }
0x474: {  	[tilespmem:s5], [sflag:$0x2] =	stream.indirect.gather [hbm4b:s22+s12], $0x1, s6, s12, $0xb8;
	[tilespmem:$0x9800] =	vst v63  }
0x475: {  	s7 =	simm.s32 $0x9300  }
0x476: {  	[tilespmem:s7], [sflag:$0x2] =	stream.indirect.gather [hbm4b:s22+s12], $0x1, s31, s12, $0xb8;
	[tilespmem:$0x9800] =	vst v63  }
0x477: {  	s13 =	simm.s32 $0x9380  }
0x478: {  	[tilespmem:s13], [sflag:$0x2] =	stream.indirect.gather [hbm4b:s22+s12], $0x1, s0, s12, $0xb8;
	[tilespmem:$0x9800] =	vst v63  }
0x479: {  	s2 =	simm.s32 $0x9400  }
0x47a: {  	[tilespmem:s2], [sflag:$0x2] =	stream.indirect.gather [hbm4b:s24+s12], $0x1, s30, s12, $0xb8;
	[tilespmem:$0x9800] =	vst v63  }
0x47b: {  	s5 =	simm.s32 $0x9480  }
0x47c: {  	[tilespmem:s5], [sflag:$0x2] =	stream.indirect.gather [hbm4b:s24+s12], $0x1, s12, s12, $0xb8;
	[tilespmem:$0x9800] =	vst v63  }
0x47d: {  	s7 =	simm.s32 $0x9500  }
0x47e: {  	[tilespmem:s7], [sflag:$0x2] =	stream.indirect.gather [hbm4b:s24+s12], $0x1, s26, s12, $0xb8;
	[tilespmem:$0x9800] =	vst v63  }
0x47f: {  	s13 =	simm.s32 $0x9580  }
0x480: {  	[tilespmem:s13], [sflag:$0x2] =	stream.indirect.gather [hbm4b:s24+s12], $0x1, s28, s12, $0xb8;
	[tilespmem:$0x9800] =	vst v63  }
0x481: {  	s4 =	simm.s32 $0x9600  }
0x482: {  	[tilespmem:s4], [sflag:$0x2] =	stream.indirect.gather [hbm4b:s24+s12], $0x1, s29, s12, $0xb8;
	[tilespmem:$0x9800] =	vst v63  }
0x483: {  	s5 =	simm.s32 $0x9680  }
0x484: {  	[tilespmem:s5], [sflag:$0x2] =	stream.indirect.gather [hbm4b:s24+s12], $0x1, s6, s12, $0xb8;
	[tilespmem:$0x9800] =	vst v63  }
0x485: {  	s7 =	simm.s32 $0x9700  }
0x486: {  	[tilespmem:s7], [sflag:$0x2] =	stream.indirect.gather [hbm4b:s24+s12], $0x1, s31, s12, $0xb8;
	[tilespmem:$0x9800] =	vst v63  }
0x487: {  	s4 =	simm.s32 $0x9780  }
0x488: {  	[tilespmem:s4], [sflag:$0x2] =	stream.indirect.gather [hbm4b:s24+s12], $0x1, s0, s12, $0xb8;
	[tilespmem:$0x9800] =	vst v63  }
0x489: {  	_ =	swait.ge [sflag:s1], $0x80  }
0x48a: {  	[sflag:s1] =	ssyncset.done $0x0  }
0x48b: {  	[sflag:s1] =	ssyncadd.s32 $0xFFFFFF80  }
0x48c: {  	_ =	swait.ge [sflag:s1], $0x80  }
0x48d: {  	[sflag:s1] =	ssyncset.done $0x0  }
0x48e: {  	[sflag:s1] =	ssyncadd.s32 $0xFFFFFF80  }
0x48f: {  	_ =	swait.ge [sflag:s1], $0x80  }
0x490: {  	[sflag:s1] =	ssyncset.done $0x0  }
0x491: {  	[sflag:s1] =	ssyncadd.s32 $0xFFFFFF80  }
0x492: {  	_ =	swait.ge [sflag:s1], $0x80  }
0x493: {  	[sflag:s1] =	ssyncset.done $0x0  }
0x494: {  	[sflag:s1] =	ssyncadd.s32 $0xFFFFFF80  }
0x495: {  	_ =	swait.ge [sflag:s1], $0x80  }
0x496: {  	[sflag:s1] =	ssyncset.done $0x0  }
0x497: {  	[sflag:s1] =	ssyncadd.s32 $0xFFFFFF80  }
0x498: {  	_ =	swait.ge [sflag:s1], $0x80  }
0x499: {  	[sflag:s1] =	ssyncset.done $0x0  }
0x49a: {  	[sflag:s1] =	ssyncadd.s32 $0xFFFFFF80  }
0x49b: {  	_ =	swait.ge [sflag:s1], $0x80  }
0x49c: {  	[sflag:s1] =	ssyncset.done $0x0  }
0x49d: {  	[sflag:s1] =	ssyncadd.s32 $0xFFFFFF80  }
0x49e: {  	_ =	swait.ge [sflag:s1], $0x80  }
0x49f: {  	[sflag:s1] =	ssyncset.done $0x0  }
0x4a0: {  	s5 =	simm.s32 $0x800;
	[sflag:s1] =	ssyncadd.s32 $0xFFFFFF80  }
0x4a1: {  	[tilespmem:s5], [sflag:$0x1] =	stream.indirect.gather [hbm4b:s10+s12], $0x20, s16, s12, $0xb8;
	[tilespmem:$0x9800] =	vst v63  }
0x4a2: {  	s6 =	simm.s32 $0x1800  }
0x4a3: {  	[tilespmem:s6], [sflag:$0x1] =	stream.indirect.gather [hbm4b:s10+s12], $0x20, s17, s12, $0xb8;
	[tilespmem:$0x9800] =	vst v63  }
0x4a4: {  	s7 =	simm.s32 $0x2800  }
0x4a5: {  	[tilespmem:s7], [sflag:$0x1] =	stream.indirect.gather [hbm4b:s10+s12], $0x20, s20, s12, $0xb8;
	[tilespmem:$0x9800] =	vst v63  }
0x4a6: {  	s5 =	simm.s32 $0x3800  }
0x4a7: {  	[tilespmem:s5], [sflag:$0x1] =	stream.indirect.gather [hbm4b:s10+s12], $0x20, s19, s12, $0xb8;
	[tilespmem:$0x9800] =	vst v63  }
0x4a8: {  	s6 =	simm.s32 $0x4800  }
0x4a9: {  	[tilespmem:s6], [sflag:$0x1] =	stream.indirect.gather [hbm4b:s10+s12], $0x20, s15, s12, $0xb8;
	[tilespmem:$0x9800] =	vst v63  }
0x4aa: {  	s7 =	simm.s32 $0x5800  }
0x4ab: {  	[tilespmem:s7], [sflag:$0x1] =	stream.indirect.gather [hbm4b:s10+s12], $0x20, s21, s12, $0xb8;
	[tilespmem:$0x9800] =	vst v63  }
0x4ac: {  	s5 =	simm.s32 $0x6800  }
0x4ad: {  	[tilespmem:s5], [sflag:$0x1] =	stream.indirect.gather [hbm4b:s10+s12], $0x20, s14, s12, $0xb8;
	[tilespmem:$0x9800] =	vst v63  }
0x4ae: {  	s6 =	simm.s32 $0x7800  }
0x4af: {  	[tilespmem:s6], [sflag:$0x1] =	stream.indirect.gather [hbm4b:s10+s12], $0x20, s8, s12, $0xb8;
	[tilespmem:$0x9800] =	vst v63  }
0x4b0: {  	_ =	swait.ge [sflag:s11], $0x80  }
0x4b1: {  	[sflag:s11] =	ssyncset.done $0x0  }
0x4b2: {  	[sflag:s11] =	ssyncadd.s32 $0xFFFFFF80  }
0x4b3: {  	_ =	swait.ge [sflag:s11], $0x80  }
0x4b4: {  	[sflag:s11] =	ssyncset.done $0x0  }
0x4b5: {  	[sflag:s11] =	ssyncadd.s32 $0xFFFFFF80  }
0x4b6: {  	_ =	swait.ge [sflag:s11], $0x80  }
0x4b7: {  	[sflag:s11] =	ssyncset.done $0x0  }
0x4b8: {  	[sflag:s11] =	ssyncadd.s32 $0xFFFFFF80  }
0x4b9: {  	_ =	swait.ge [sflag:s11], $0x80  }
0x4ba: {  	[sflag:s11] =	ssyncset.done $0x0  }
0x4bb: {  	[sflag:s11] =	ssyncadd.s32 $0xFFFFFF80  }
0x4bc: {  	_ =	swait.ge [sflag:s11], $0x80  }
0x4bd: {  	[sflag:s11] =	ssyncset.done $0x0  }
0x4be: {  	[sflag:s11] =	ssyncadd.s32 $0xFFFFFF80  }
0x4bf: {  	_ =	swait.ge [sflag:s11], $0x80  }
0x4c0: {  	[sflag:s11] =	ssyncset.done $0x0  }
0x4c1: {  	[sflag:s11] =	ssyncadd.s32 $0xFFFFFF80  }
0x4c2: {  	_ =	swait.ge [sflag:s11], $0x80  }
0x4c3: {  	[sflag:s11] =	ssyncset.done $0x0  }
0x4c4: {  	[sflag:s11] =	ssyncadd.s32 $0xFFFFFF80  }
0x4c5: {  	_ =	swait.ge [sflag:s11], $0x80  }
0x4c6: {  	[sflag:s11] =	ssyncset.done $0x0  }
0x4c7: {  	[sflag:s11] =	ssyncadd.s32 $0xFFFFFF80  }
0x4c8: {  	_ =	swait.ge [sflag:s11], $0x80  }
0x4c9: {  	[sflag:s11] =	ssyncset.done $0x0  }
0x4ca: {  	[sflag:s11] =	ssyncadd.s32 $0xFFFFFF80  }
0x4cb: {  	_ =	swait.ge [sflag:s11], $0x80  }
0x4cc: {  	[sflag:s11] =	ssyncset.done $0x0  }
0x4cd: {  	[sflag:s11] =	ssyncadd.s32 $0xFFFFFF80  }
0x4ce: {  	_ =	swait.ge [sflag:s11], $0x80  }
0x4cf: {  	[sflag:s11] =	ssyncset.done $0x0  }
0x4d0: {  	[sflag:s11] =	ssyncadd.s32 $0xFFFFFF80  }
0x4d1: {  	_ =	swait.ge [sflag:s11], $0x80  }
0x4d2: {  	[sflag:s11] =	ssyncset.done $0x0  }
0x4d3: {  	[sflag:s11] =	ssyncadd.s32 $0xFFFFFF80  }
0x4d4: {  	_ =	swait.ge [sflag:s11], $0x80  }
0x4d5: {  	[sflag:s11] =	ssyncset.done $0x0  }
0x4d6: {  	[sflag:s11] =	ssyncadd.s32 $0xFFFFFF80  }
0x4d7: {  	_ =	swait.ge [sflag:s11], $0x80  }
0x4d8: {  	[sflag:s11] =	ssyncset.done $0x0  }
0x4d9: {  	[sflag:s11] =	ssyncadd.s32 $0xFFFFFF80  }
0x4da: {  	_ =	swait.ge [sflag:s11], $0x80  }
0x4db: {  	[sflag:s11] =	ssyncset.done $0x0  }
0x4dc: {  	[sflag:s11] =	ssyncadd.s32 $0xFFFFFF80  }
0x4dd: {  	_ =	swait.ge [sflag:s11], $0x80  }
0x4de: {  	[sflag:s11] =	ssyncset.done $0x0  }
0x4df: {  	[sflag:s11] =	ssyncadd.s32 $0xFFFFFF80  }
0x4e0: {  	_ =	swait.ge [sflag:s11], $0x80  }
0x4e1: {  	[sflag:s11] =	ssyncset.done $0x0  }
0x4e2: {  	[sflag:s11] =	ssyncadd.s32 $0xFFFFFF80  }
0x4e3: {  	_ =	swait.ge [sflag:s11], $0x80  }
0x4e4: {  	[sflag:s11] =	ssyncset.done $0x0  }
0x4e5: {  	[sflag:s11] =	ssyncadd.s32 $0xFFFFFF80  }
0x4e6: {  	_ =	swait.ge [sflag:s11], $0x80  }
0x4e7: {  	[sflag:s11] =	ssyncset.done $0x0  }
0x4e8: {  	[sflag:s11] =	ssyncadd.s32 $0xFFFFFF80  }
0x4e9: {  	_ =	swait.ge [sflag:s11], $0x80  }
0x4ea: {  	[sflag:s11] =	ssyncset.done $0x0  }
0x4eb: {  	[sflag:s11] =	ssyncadd.s32 $0xFFFFFF80  }
0x4ec: {  	_ =	swait.ge [sflag:s11], $0x80  }
0x4ed: {  	[sflag:s11] =	ssyncset.done $0x0  }
0x4ee: {  	[sflag:s11] =	ssyncadd.s32 $0xFFFFFF80  }
0x4ef: {  	_ =	swait.ge [sflag:s11], $0x80  }
0x4f0: {  	[sflag:s11] =	ssyncset.done $0x0  }
0x4f1: {  	[sflag:s11] =	ssyncadd.s32 $0xFFFFFF80  }
0x4f2: {  	_ =	swait.ge [sflag:s11], $0x80  }
0x4f3: {  	[sflag:s11] =	ssyncset.done $0x0  }
0x4f4: {  	[sflag:s11] =	ssyncadd.s32 $0xFFFFFF80  }
0x4f5: {  	_ =	swait.ge [sflag:s11], $0x80  }
0x4f6: {  	[sflag:s11] =	ssyncset.done $0x0  }
0x4f7: {  	[sflag:s11] =	ssyncadd.s32 $0xFFFFFF80  }
0x4f8: {  	_ =	swait.ge [sflag:s11], $0x80  }
0x4f9: {  	[sflag:s11] =	ssyncset.done $0x0  }
0x4fa: {  	[sflag:s11] =	ssyncadd.s32 $0xFFFFFF80  }
0x4fb: {  	_ =	swait.ge [sflag:s11], $0x80  }
0x4fc: {  	[sflag:s11] =	ssyncset.done $0x0  }
0x4fd: {  	[sflag:s11] =	ssyncadd.s32 $0xFFFFFF80  }
0x4fe: {  	_ =	swait.ge [sflag:s11], $0x80  }
0x4ff: {  	[sflag:s11] =	ssyncset.done $0x0  }
0x500: {  	[sflag:s11] =	ssyncadd.s32 $0xFFFFFF80  }
0x501: {  	_ =	swait.ge [sflag:s11], $0x80  }
0x502: {  	[sflag:s11] =	ssyncset.done $0x0  }
0x503: {  	[sflag:s11] =	ssyncadd.s32 $0xFFFFFF80  }
0x504: {  	_ =	swait.ge [sflag:s11], $0x80  }
0x505: {  	[sflag:s11] =	ssyncset.done $0x0  }
0x506: {  	[sflag:s11] =	ssyncadd.s32 $0xFFFFFF80  }
0x507: {  	_ =	swait.ge [sflag:s11], $0x80  }
0x508: {  	[sflag:s11] =	ssyncset.done $0x0  }
0x509: {  	[sflag:s11] =	ssyncadd.s32 $0xFFFFFF80  }
0x50a: {  	_ =	swait.ge [sflag:s11], $0x80  }
0x50b: {  	[sflag:s11] =	ssyncset.done $0x0  }
0x50c: {  	[sflag:s11] =	ssyncadd.s32 $0xFFFFFF80  }
0x50d: {  	_ =	swait.ge [sflag:s11], $0x80  }
0x50e: {  	[sflag:s11] =	ssyncset.done $0x0  }
0x50f: {  	[sflag:s11] =	ssyncadd.s32 $0xFFFFFF80  }
0x510: {  	_ =	swait.ge [sflag:s9], $0x1000  }
0x511: {  	[sflag:s9] =	ssyncset.done $0x0  }
0x512: {  	[sflag:s9] =	ssyncadd.s32 $0xFFFFF000  }
0x513: {  	_ =	swait.ge [sflag:s9], $0x1000  }
0x514: {  	[sflag:s9] =	ssyncset.done $0x0  }
0x515: {  	[sflag:s9] =	ssyncadd.s32 $0xFFFFF000  }
0x516: {  	_ =	swait.ge [sflag:s9], $0x1000  }
0x517: {  	[sflag:s9] =	ssyncset.done $0x0  }
0x518: {  	[sflag:s9] =	ssyncadd.s32 $0xFFFFF000  }
0x519: {  	_ =	swait.ge [sflag:s9], $0x1000  }
0x51a: {  	[sflag:s9] =	ssyncset.done $0x0  }
0x51b: {  	[sflag:s9] =	ssyncadd.s32 $0xFFFFF000  }
0x51c: {  	_ =	swait.ge [sflag:s9], $0x1000  }
0x51d: {  	[sflag:s9] =	ssyncset.done $0x0  }
0x51e: {  	[sflag:s9] =	ssyncadd.s32 $0xFFFFF000  }
0x51f: {  	_ =	swait.ge [sflag:s9], $0x1000  }
0x520: {  	[sflag:s9] =	ssyncset.done $0x0  }
0x521: {  	[sflag:s9] =	ssyncadd.s32 $0xFFFFF000  }
0x522: {  	_ =	swait.ge [sflag:s9], $0x1000  }
0x523: {  	[sflag:s9] =	ssyncset.done $0x0  }
0x524: {  	[sflag:s9] =	ssyncadd.s32 $0xFFFFF000  }
0x525: {  	_ =	swait.ge [sflag:s9], $0x1000  }
0x526: {  	[sflag:s9] =	ssyncset.done $0x0  }
0x527: {  	s2 =	simm.s32 $0x800;
	s7 =	rddreg [dreg:$0x8];
	[sflag:s9] =	ssyncadd.s32 $0xFFFFF000  }
0x528: {  	[hbm4b:s7+s30] =	stream.linear.scatter [tilespmem:s2], [sflag:$0x4], $0x8000, $0x38;
	[tilespmem:$0x9800] =	vst v63  }
0x529: {  	_ =	swait.ge [sflag:s3], $0x8000  }
0x52a: {  	[sflag:s3] =	ssyncset.done $0x0  }
0x52b: {  	s2 =	simm.s32 $0x8800;
	s5 =	rddreg [dreg:$0x9];
	[sflag:s3] =	ssyncadd.s32 $0xFFFF8000  }
0x52c: {  	[hbm4b:s5+s30] =	stream.linear.scatter [tilespmem:s2], [sflag:$0x4], $0x400, $0x38;
	[tilespmem:$0x9800] =	vst v63  }
0x52d: {  	_ =	swait.ge [sflag:s3], $0x400  }
0x52e: {  	[sflag:s3] =	ssyncset.done $0x0  }
0x52f: {  	s5 =	simm.s32 $0x8C00;
	s6 =	rddreg [dreg:$0xa];
	[sflag:s3] =	ssyncadd.s32 $0xFFFFFC00  }
0x530: {  	[hbm4b:s6+s30] =	stream.linear.scatter [tilespmem:s5], [sflag:$0x4], $0x400, $0x38;
	[tilespmem:$0x9800] =	vst v63  }
0x531: {  	_ =	swait.ge [sflag:s3], $0x400  }
0x532: {  	[sflag:s3] =	ssyncset.done $0x0  }
0x533: {  	s6 =	simm.s32 $0x9000;
	s7 =	rddreg [dreg:$0xb];
	[sflag:s3] =	ssyncadd.s32 $0xFFFFFC00  }
0x534: {  	[hbm4b:s7+s30] =	stream.linear.scatter [tilespmem:s6], [sflag:$0x4], $0x400, $0x38;
	[tilespmem:$0x9800] =	vst v63  }
0x535: {  	_ =	swait.ge [sflag:s3], $0x400  }
0x536: {  	[sflag:s3] =	ssyncset.done $0x0  }
0x537: {  	s7 =	simm.s32 $0x9400;
	s4 =	rddreg [dreg:$0xc];
	[sflag:s3] =	ssyncadd.s32 $0xFFFFFC00  }
0x538: {  	[hbm4b:s4+s30] =	stream.linear.scatter [tilespmem:s7], [sflag:$0x4], $0x400, $0x38;
	[tilespmem:$0x9800] =	vst v63  }
0x539: {  	_ =	swait.ge [sflag:s3], $0x400  }
0x53a: {  	[sflag:s3] =	ssyncset.done $0x0  }
0x53b: {  	s4 =	rddreg [dreg:$0xd];
	[sflag:s3] =	ssyncadd.s32 $0xFFFFFC00  }
0x53c: {  	[tilespmem:s30], [sflag:$0x4] =	stream.linear.gather [hbm4b:s4+s30], $0x400, $0x38;
	[tilespmem:$0x9800] =	vst v63  }
0x53d: {  	_ =	swait.ge [sflag:s3], $0x400  }
0x53e: {  	[sflag:s3] =	ssyncset.done $0x0  }
0x53f: {  	[sflag:s3] =	ssyncadd.s32 $0xFFFFFC00  }
0x540: {  	[tilespmem:s16], [sflag:$0x3] =	stream.indirect.gather [hbm4b:s18+s12], $0x1, s30, s12, $0xb8;
	[tilespmem:$0x9800] =	vst v63  }
0x541: {  	_ = 	snop  }
0x542: {  	[tilespmem:s17], [sflag:$0x3] =	stream.indirect.gather [hbm4b:s18+s12], $0x1, s12, s12, $0xb8;
	[tilespmem:$0x9800] =	vst v63  }
0x543: {  	_ = 	snop  }
0x544: {  	[tilespmem:s20], [sflag:$0x3] =	stream.indirect.gather [hbm4b:s18+s12], $0x1, s26, s12, $0xb8;
	[tilespmem:$0x9800] =	vst v63  }
0x545: {  	_ = 	snop  }
0x546: {  	[tilespmem:s19], [sflag:$0x3] =	stream.indirect.gather [hbm4b:s18+s12], $0x1, s28, s12, $0xb8;
	[tilespmem:$0x9800] =	vst v63  }
0x547: {  	_ = 	snop  }
0x548: {  	[tilespmem:s15], [sflag:$0x3] =	stream.indirect.gather [hbm4b:s18+s12], $0x1, s29, s12, $0xb8;
	[tilespmem:$0x9800] =	vst v63  }
0x549: {  	s13 =	simm.s32 $0x280  }
0x54a: {  	[tilespmem:s21], [sflag:$0x3] =	stream.indirect.gather [hbm4b:s18+s12], $0x1, s13, s12, $0xb8;
	[tilespmem:$0x9800] =	vst v63  }
0x54b: {  	_ = 	snop  }
0x54c: {  	[tilespmem:s14], [sflag:$0x3] =	stream.indirect.gather [hbm4b:s18+s12], $0x1, s31, s12, $0xb8;
	[tilespmem:$0x9800] =	vst v63  }
0x54d: {  	_ = 	snop  }
0x54e: {  	[tilespmem:s8], [sflag:$0x3] =	stream.indirect.gather [hbm4b:s18+s12], $0x1, s0, s12, $0xb8;
	[tilespmem:$0x9800] =	vst v63  }
0x54f: {  	_ = 	snop  }
0x550: {  	[tilespmem:s2], [sflag:$0x2] =	stream.indirect.gather [hbm4b:s25+s12], $0x1, s30, s12, $0xb8;
	[tilespmem:$0x9800] =	vst v63  }
0x551: {  	s18 =	simm.s32 $0x8880  }
0x552: {  	[tilespmem:s18], [sflag:$0x2] =	stream.indirect.gather [hbm4b:s25+s12], $0x1, s12, s12, $0xb8;
	[tilespmem:$0x9800] =	vst v63  }
0x553: {  	s18 =	simm.s32 $0x8900  }
0x554: {  	[tilespmem:s18], [sflag:$0x2] =	stream.indirect.gather [hbm4b:s25+s12], $0x1, s26, s12, $0xb8;
	[tilespmem:$0x9800] =	vst v63  }
0x555: {  	s18 =	simm.s32 $0x8980  }
0x556: {  	[tilespmem:s18], [sflag:$0x2] =	stream.indirect.gather [hbm4b:s25+s12], $0x1, s28, s12, $0xb8;
	[tilespmem:$0x9800] =	vst v63  }
0x557: {  	s18 =	simm.s32 $0x8A00  }
0x558: {  	[tilespmem:s18], [sflag:$0x2] =	stream.indirect.gather [hbm4b:s25+s12], $0x1, s29, s12, $0xb8;
	[tilespmem:$0x9800] =	vst v63  }
0x559: {  	s18 =	simm.s32 $0x8A80  }
0x55a: {  	[tilespmem:s18], [sflag:$0x2] =	stream.indirect.gather [hbm4b:s25+s12], $0x1, s13, s12, $0xb8;
	[tilespmem:$0x9800] =	vst v63  }
0x55b: {  	s18 =	simm.s32 $0x8B00  }
0x55c: {  	[tilespmem:s18], [sflag:$0x2] =	stream.indirect.gather [hbm4b:s25+s12], $0x1, s31, s12, $0xb8;
	[tilespmem:$0x9800] =	vst v63  }
0x55d: {  	s18 =	simm.s32 $0x8B80  }
0x55e: {  	[tilespmem:s18], [sflag:$0x2] =	stream.indirect.gather [hbm4b:s25+s12], $0x1, s0, s12, $0xb8;
	[tilespmem:$0x9800] =	vst v63  }
0x55f: {  	_ = 	snop  }
0x560: {  	[tilespmem:s5], [sflag:$0x2] =	stream.indirect.gather [hbm4b:s23+s12], $0x1, s30, s12, $0xb8;
	[tilespmem:$0x9800] =	vst v63  }
0x561: {  	s25 =	simm.s32 $0x8C80  }
0x562: {  	[tilespmem:s25], [sflag:$0x2] =	stream.indirect.gather [hbm4b:s23+s12], $0x1, s12, s12, $0xb8;
	[tilespmem:$0x9800] =	vst v63  }
0x563: {  	s18 =	simm.s32 $0x8D00  }
0x564: {  	[tilespmem:s18], [sflag:$0x2] =	stream.indirect.gather [hbm4b:s23+s12], $0x1, s26, s12, $0xb8;
	[tilespmem:$0x9800] =	vst v63  }
0x565: {  	s25 =	simm.s32 $0x8D80  }
0x566: {  	[tilespmem:s25], [sflag:$0x2] =	stream.indirect.gather [hbm4b:s23+s12], $0x1, s28, s12, $0xb8;
	[tilespmem:$0x9800] =	vst v63  }
0x567: {  	s18 =	simm.s32 $0x8E00  }
0x568: {  	[tilespmem:s18], [sflag:$0x2] =	stream.indirect.gather [hbm4b:s23+s12], $0x1, s29, s12, $0xb8;
	[tilespmem:$0x9800] =	vst v63  }
0x569: {  	s25 =	simm.s32 $0x8E80  }
0x56a: {  	[tilespmem:s25], [sflag:$0x2] =	stream.indirect.gather [hbm4b:s23+s12], $0x1, s13, s12, $0xb8;
	[tilespmem:$0x9800] =	vst v63  }
0x56b: {  	s18 =	simm.s32 $0x8F00  }
0x56c: {  	[tilespmem:s18], [sflag:$0x2] =	stream.indirect.gather [hbm4b:s23+s12], $0x1, s31, s12, $0xb8;
	[tilespmem:$0x9800] =	vst v63  }
0x56d: {  	s25 =	simm.s32 $0x8F80  }
0x56e: {  	[tilespmem:s25], [sflag:$0x2] =	stream.indirect.gather [hbm4b:s23+s12], $0x1, s0, s12, $0xb8;
	[tilespmem:$0x9800] =	vst v63  }
0x56f: {  	_ = 	snop  }
0x570: {  	[tilespmem:s6], [sflag:$0x2] =	stream.indirect.gather [hbm4b:s22+s12], $0x1, s30, s12, $0xb8;
	[tilespmem:$0x9800] =	vst v63  }
0x571: {  	s18 =	simm.s32 $0x9080  }
0x572: {  	[tilespmem:s18], [sflag:$0x2] =	stream.indirect.gather [hbm4b:s22+s12], $0x1, s12, s12, $0xb8;
	[tilespmem:$0x9800] =	vst v63  }
0x573: {  	s23 =	simm.s32 $0x9100  }
0x574: {  	[tilespmem:s23], [sflag:$0x2] =	stream.indirect.gather [hbm4b:s22+s12], $0x1, s26, s12, $0xb8;
	[tilespmem:$0x9800] =	vst v63  }
0x575: {  	s25 =	simm.s32 $0x9180  }
0x576: {  	[tilespmem:s25], [sflag:$0x2] =	stream.indirect.gather [hbm4b:s22+s12], $0x1, s28, s12, $0xb8;
	[tilespmem:$0x9800] =	vst v63  }
0x577: {  	s18 =	simm.s32 $0x9200  }
0x578: {  	[tilespmem:s18], [sflag:$0x2] =	stream.indirect.gather [hbm4b:s22+s12], $0x1, s29, s12, $0xb8;
	[tilespmem:$0x9800] =	vst v63  }
0x579: {  	s23 =	simm.s32 $0x9280  }
0x57a: {  	[tilespmem:s23], [sflag:$0x2] =	stream.indirect.gather [hbm4b:s22+s12], $0x1, s13, s12, $0xb8;
	[tilespmem:$0x9800] =	vst v63  }
0x57b: {  	s25 =	simm.s32 $0x9300  }
0x57c: {  	[tilespmem:s25], [sflag:$0x2] =	stream.indirect.gather [hbm4b:s22+s12], $0x1, s31, s12, $0xb8;
	[tilespmem:$0x9800] =	vst v63  }
0x57d: {  	s18 =	simm.s32 $0x9380  }
0x57e: {  	[tilespmem:s18], [sflag:$0x2] =	stream.indirect.gather [hbm4b:s22+s12], $0x1, s0, s12, $0xb8;
	[tilespmem:$0x9800] =	vst v63  }
0x57f: {  	_ = 	snop  }
0x580: {  	[tilespmem:s7], [sflag:$0x2] =	stream.indirect.gather [hbm4b:s24+s12], $0x1, s30, s12, $0xb8;
	[tilespmem:$0x9800] =	vst v63  }
0x581: {  	s22 =	simm.s32 $0x9480  }
0x582: {  	[tilespmem:s22], [sflag:$0x2] =	stream.indirect.gather [hbm4b:s24+s12], $0x1, s12, s12, $0xb8;
	[tilespmem:$0x9800] =	vst v63  }
0x583: {  	s23 =	simm.s32 $0x9500  }
0x584: {  	[tilespmem:s23], [sflag:$0x2] =	stream.indirect.gather [hbm4b:s24+s12], $0x1, s26, s12, $0xb8;
	[tilespmem:$0x9800] =	vst v63  }
0x585: {  	s25 =	simm.s32 $0x9580  }
0x586: {  	[tilespmem:s25], [sflag:$0x2] =	stream.indirect.gather [hbm4b:s24+s12], $0x1, s28, s12, $0xb8;
	[tilespmem:$0x9800] =	vst v63  }
0x587: {  	s26 =	simm.s32 $0x9600  }
0x588: {  	[tilespmem:s26], [sflag:$0x2] =	stream.indirect.gather [hbm4b:s24+s12], $0x1, s29, s12, $0xb8;
	[tilespmem:$0x9800] =	vst v63  }
0x589: {  	s28 =	simm.s32 $0x9680  }
0x58a: {  	[tilespmem:s28], [sflag:$0x2] =	stream.indirect.gather [hbm4b:s24+s12], $0x1, s13, s12, $0xb8;
	[tilespmem:$0x9800] =	vst v63  }
0x58b: {  	s29 =	simm.s32 $0x9700  }
0x58c: {  	[tilespmem:s29], [sflag:$0x2] =	stream.indirect.gather [hbm4b:s24+s12], $0x1, s31, s12, $0xb8;
	[tilespmem:$0x9800] =	vst v63  }
0x58d: {  	s31 =	simm.s32 $0x9780  }
0x58e: {  	[tilespmem:s31], [sflag:$0x2] =	stream.indirect.gather [hbm4b:s24+s12], $0x1, s0, s12, $0xb8;
	[tilespmem:$0x9800] =	vst v63  }
0x58f: {  	_ =	swait.ge [sflag:s1], $0x80  }
0x590: {  	[sflag:s1] =	ssyncset.done $0x0  }
0x591: {  	[sflag:s1] =	ssyncadd.s32 $0xFFFFFF80  }
0x592: {  	_ =	swait.ge [sflag:s1], $0x80  }
0x593: {  	[sflag:s1] =	ssyncset.done $0x0  }
0x594: {  	[sflag:s1] =	ssyncadd.s32 $0xFFFFFF80  }
0x595: {  	_ =	swait.ge [sflag:s1], $0x80  }
0x596: {  	[sflag:s1] =	ssyncset.done $0x0  }
0x597: {  	[sflag:s1] =	ssyncadd.s32 $0xFFFFFF80  }
0x598: {  	_ =	swait.ge [sflag:s1], $0x80  }
0x599: {  	[sflag:s1] =	ssyncset.done $0x0  }
0x59a: {  	[sflag:s1] =	ssyncadd.s32 $0xFFFFFF80  }
0x59b: {  	_ =	swait.ge [sflag:s1], $0x80  }
0x59c: {  	[sflag:s1] =	ssyncset.done $0x0  }
0x59d: {  	[sflag:s1] =	ssyncadd.s32 $0xFFFFFF80  }
0x59e: {  	_ =	swait.ge [sflag:s1], $0x80  }
0x59f: {  	[sflag:s1] =	ssyncset.done $0x0  }
0x5a0: {  	[sflag:s1] =	ssyncadd.s32 $0xFFFFFF80  }
0x5a1: {  	_ =	swait.ge [sflag:s1], $0x80  }
0x5a2: {  	[sflag:s1] =	ssyncset.done $0x0  }
0x5a3: {  	[sflag:s1] =	ssyncadd.s32 $0xFFFFFF80  }
0x5a4: {  	_ =	swait.ge [sflag:s1], $0x80  }
0x5a5: {  	[sflag:s1] =	ssyncset.done $0x0  }
0x5a6: {  	s13 =	simm.s32 $0x800;
	[sflag:s1] =	ssyncadd.s32 $0xFFFFFF80  }
0x5a7: {  	[tilespmem:s13], [sflag:$0x1] =	stream.indirect.gather [hbm4b:s10+s12], $0x20, s16, s12, $0xb8;
	[tilespmem:$0x9800] =	vst v63  }
0x5a8: {  	s16 =	simm.s32 $0x1800  }
0x5a9: {  	[tilespmem:s16], [sflag:$0x1] =	stream.indirect.gather [hbm4b:s10+s12], $0x20, s17, s12, $0xb8;
	[tilespmem:$0x9800] =	vst v63  }
0x5aa: {  	s17 =	simm.s32 $0x2800  }
0x5ab: {  	[tilespmem:s17], [sflag:$0x1] =	stream.indirect.gather [hbm4b:s10+s12], $0x20, s20, s12, $0xb8;
	[tilespmem:$0x9800] =	vst v63  }
0x5ac: {  	s18 =	simm.s32 $0x3800  }
0x5ad: {  	[tilespmem:s18], [sflag:$0x1] =	stream.indirect.gather [hbm4b:s10+s12], $0x20, s19, s12, $0xb8;
	[tilespmem:$0x9800] =	vst v63  }
0x5ae: {  	s19 =	simm.s32 $0x4800  }
0x5af: {  	[tilespmem:s19], [sflag:$0x1] =	stream.indirect.gather [hbm4b:s10+s12], $0x20, s15, s12, $0xb8;
	[tilespmem:$0x9800] =	vst v63  }
0x5b0: {  	s20 =	simm.s32 $0x5800  }
0x5b1: {  	[tilespmem:s20], [sflag:$0x1] =	stream.indirect.gather [hbm4b:s10+s12], $0x20, s21, s12, $0xb8;
	[tilespmem:$0x9800] =	vst v63  }
0x5b2: {  	s22 =	simm.s32 $0x6800  }
0x5b3: {  	[tilespmem:s22], [sflag:$0x1] =	stream.indirect.gather [hbm4b:s10+s12], $0x20, s14, s12, $0xb8;
	[tilespmem:$0x9800] =	vst v63  }
0x5b4: {  	s23 =	simm.s32 $0x7800  }
0x5b5: {  	[tilespmem:s23], [sflag:$0x1] =	stream.indirect.gather [hbm4b:s10+s12], $0x20, s8, s12, $0xb8;
	[tilespmem:$0x9800] =	vst v63  }
0x5b6: {  	_ =	swait.ge [sflag:s11], $0x80  }
0x5b7: {  	[sflag:s11] =	ssyncset.done $0x0  }
0x5b8: {  	[sflag:s11] =	ssyncadd.s32 $0xFFFFFF80  }
0x5b9: {  	_ =	swait.ge [sflag:s11], $0x80  }
0x5ba: {  	[sflag:s11] =	ssyncset.done $0x0  }
0x5bb: {  	[sflag:s11] =	ssyncadd.s32 $0xFFFFFF80  }
0x5bc: {  	_ =	swait.ge [sflag:s11], $0x80  }
0x5bd: {  	[sflag:s11] =	ssyncset.done $0x0  }
0x5be: {  	[sflag:s11] =	ssyncadd.s32 $0xFFFFFF80  }
0x5bf: {  	_ =	swait.ge [sflag:s11], $0x80  }
0x5c0: {  	[sflag:s11] =	ssyncset.done $0x0  }
0x5c1: {  	[sflag:s11] =	ssyncadd.s32 $0xFFFFFF80  }
0x5c2: {  	_ =	swait.ge [sflag:s11], $0x80  }
0x5c3: {  	[sflag:s11] =	ssyncset.done $0x0  }
0x5c4: {  	[sflag:s11] =	ssyncadd.s32 $0xFFFFFF80  }
0x5c5: {  	_ =	swait.ge [sflag:s11], $0x80  }
0x5c6: {  	[sflag:s11] =	ssyncset.done $0x0  }
0x5c7: {  	[sflag:s11] =	ssyncadd.s32 $0xFFFFFF80  }
0x5c8: {  	_ =	swait.ge [sflag:s11], $0x80  }
0x5c9: {  	[sflag:s11] =	ssyncset.done $0x0  }
0x5ca: {  	[sflag:s11] =	ssyncadd.s32 $0xFFFFFF80  }
0x5cb: {  	_ =	swait.ge [sflag:s11], $0x80  }
0x5cc: {  	[sflag:s11] =	ssyncset.done $0x0  }
0x5cd: {  	[sflag:s11] =	ssyncadd.s32 $0xFFFFFF80  }
0x5ce: {  	_ =	swait.ge [sflag:s11], $0x80  }
0x5cf: {  	[sflag:s11] =	ssyncset.done $0x0  }
0x5d0: {  	[sflag:s11] =	ssyncadd.s32 $0xFFFFFF80  }
0x5d1: {  	_ =	swait.ge [sflag:s11], $0x80  }
0x5d2: {  	[sflag:s11] =	ssyncset.done $0x0  }
0x5d3: {  	[sflag:s11] =	ssyncadd.s32 $0xFFFFFF80  }
0x5d4: {  	_ =	swait.ge [sflag:s11], $0x80  }
0x5d5: {  	[sflag:s11] =	ssyncset.done $0x0  }
0x5d6: {  	[sflag:s11] =	ssyncadd.s32 $0xFFFFFF80  }
0x5d7: {  	_ =	swait.ge [sflag:s11], $0x80  }
0x5d8: {  	[sflag:s11] =	ssyncset.done $0x0  }
0x5d9: {  	[sflag:s11] =	ssyncadd.s32 $0xFFFFFF80  }
0x5da: {  	_ =	swait.ge [sflag:s11], $0x80  }
0x5db: {  	[sflag:s11] =	ssyncset.done $0x0  }
0x5dc: {  	[sflag:s11] =	ssyncadd.s32 $0xFFFFFF80  }
0x5dd: {  	_ =	swait.ge [sflag:s11], $0x80  }
0x5de: {  	[sflag:s11] =	ssyncset.done $0x0  }
0x5df: {  	[sflag:s11] =	ssyncadd.s32 $0xFFFFFF80  }
0x5e0: {  	_ =	swait.ge [sflag:s11], $0x80  }
0x5e1: {  	[sflag:s11] =	ssyncset.done $0x0  }
0x5e2: {  	[sflag:s11] =	ssyncadd.s32 $0xFFFFFF80  }
0x5e3: {  	_ =	swait.ge [sflag:s11], $0x80  }
0x5e4: {  	[sflag:s11] =	ssyncset.done $0x0  }
0x5e5: {  	[sflag:s11] =	ssyncadd.s32 $0xFFFFFF80  }
0x5e6: {  	_ =	swait.ge [sflag:s11], $0x80  }
0x5e7: {  	[sflag:s11] =	ssyncset.done $0x0  }
0x5e8: {  	[sflag:s11] =	ssyncadd.s32 $0xFFFFFF80  }
0x5e9: {  	_ =	swait.ge [sflag:s11], $0x80  }
0x5ea: {  	[sflag:s11] =	ssyncset.done $0x0  }
0x5eb: {  	[sflag:s11] =	ssyncadd.s32 $0xFFFFFF80  }
0x5ec: {  	_ =	swait.ge [sflag:s11], $0x80  }
0x5ed: {  	[sflag:s11] =	ssyncset.done $0x0  }
0x5ee: {  	[sflag:s11] =	ssyncadd.s32 $0xFFFFFF80  }
0x5ef: {  	_ =	swait.ge [sflag:s11], $0x80  }
0x5f0: {  	[sflag:s11] =	ssyncset.done $0x0  }
0x5f1: {  	[sflag:s11] =	ssyncadd.s32 $0xFFFFFF80  }
0x5f2: {  	_ =	swait.ge [sflag:s11], $0x80  }
0x5f3: {  	[sflag:s11] =	ssyncset.done $0x0  }
0x5f4: {  	[sflag:s11] =	ssyncadd.s32 $0xFFFFFF80  }
0x5f5: {  	_ =	swait.ge [sflag:s11], $0x80  }
0x5f6: {  	[sflag:s11] =	ssyncset.done $0x0  }
0x5f7: {  	[sflag:s11] =	ssyncadd.s32 $0xFFFFFF80  }
0x5f8: {  	_ =	swait.ge [sflag:s11], $0x80  }
0x5f9: {  	[sflag:s11] =	ssyncset.done $0x0  }
0x5fa: {  	[sflag:s11] =	ssyncadd.s32 $0xFFFFFF80  }
0x5fb: {  	_ =	swait.ge [sflag:s11], $0x80  }
0x5fc: {  	[sflag:s11] =	ssyncset.done $0x0  }
0x5fd: {  	[sflag:s11] =	ssyncadd.s32 $0xFFFFFF80  }
0x5fe: {  	_ =	swait.ge [sflag:s11], $0x80  }
0x5ff: {  	[sflag:s11] =	ssyncset.done $0x0  }
0x600: {  	[sflag:s11] =	ssyncadd.s32 $0xFFFFFF80  }
0x601: {  	_ =	swait.ge [sflag:s11], $0x80  }
0x602: {  	[sflag:s11] =	ssyncset.done $0x0  }
0x603: {  	[sflag:s11] =	ssyncadd.s32 $0xFFFFFF80  }
0x604: {  	_ =	swait.ge [sflag:s11], $0x80  }
0x605: {  	[sflag:s11] =	ssyncset.done $0x0  }
0x606: {  	[sflag:s11] =	ssyncadd.s32 $0xFFFFFF80  }
0x607: {  	_ =	swait.ge [sflag:s11], $0x80  }
0x608: {  	[sflag:s11] =	ssyncset.done $0x0  }
0x609: {  	[sflag:s11] =	ssyncadd.s32 $0xFFFFFF80  }
0x60a: {  	_ =	swait.ge [sflag:s11], $0x80  }
0x60b: {  	[sflag:s11] =	ssyncset.done $0x0  }
0x60c: {  	[sflag:s11] =	ssyncadd.s32 $0xFFFFFF80  }
0x60d: {  	_ =	swait.ge [sflag:s11], $0x80  }
0x60e: {  	[sflag:s11] =	ssyncset.done $0x0  }
0x60f: {  	[sflag:s11] =	ssyncadd.s32 $0xFFFFFF80  }
0x610: {  	_ =	swait.ge [sflag:s11], $0x80  }
0x611: {  	[sflag:s11] =	ssyncset.done $0x0  }
0x612: {  	[sflag:s11] =	ssyncadd.s32 $0xFFFFFF80  }
0x613: {  	_ =	swait.ge [sflag:s11], $0x80  }
0x614: {  	[sflag:s11] =	ssyncset.done $0x0  }
0x615: {  	[sflag:s11] =	ssyncadd.s32 $0xFFFFFF80  }
0x616: {  	_ =	swait.ge [sflag:s9], $0x1000  }
0x617: {  	[sflag:s9] =	ssyncset.done $0x0  }
0x618: {  	[sflag:s9] =	ssyncadd.s32 $0xFFFFF000  }
0x619: {  	_ =	swait.ge [sflag:s9], $0x1000  }
0x61a: {  	[sflag:s9] =	ssyncset.done $0x0  }
0x61b: {  	[sflag:s9] =	ssyncadd.s32 $0xFFFFF000  }
0x61c: {  	_ =	swait.ge [sflag:s9], $0x1000  }
0x61d: {  	[sflag:s9] =	ssyncset.done $0x0  }
0x61e: {  	[sflag:s9] =	ssyncadd.s32 $0xFFFFF000  }
0x61f: {  	_ =	swait.ge [sflag:s9], $0x1000  }
0x620: {  	[sflag:s9] =	ssyncset.done $0x0  }
0x621: {  	[sflag:s9] =	ssyncadd.s32 $0xFFFFF000  }
0x622: {  	_ =	swait.ge [sflag:s9], $0x1000  }
0x623: {  	[sflag:s9] =	ssyncset.done $0x0  }
0x624: {  	[sflag:s9] =	ssyncadd.s32 $0xFFFFF000  }
0x625: {  	_ =	swait.ge [sflag:s9], $0x1000  }
0x626: {  	[sflag:s9] =	ssyncset.done $0x0  }
0x627: {  	[sflag:s9] =	ssyncadd.s32 $0xFFFFF000  }
0x628: {  	_ =	swait.ge [sflag:s9], $0x1000  }
0x629: {  	[sflag:s9] =	ssyncset.done $0x0  }
0x62a: {  	[sflag:s9] =	ssyncadd.s32 $0xFFFFF000  }
0x62b: {  	_ =	swait.ge [sflag:s9], $0x1000  }
0x62c: {  	[sflag:s9] =	ssyncset.done $0x0  }
0x62d: {  	s24 =	rddreg [dreg:$0xe];
	[sflag:s9] =	ssyncadd.s32 $0xFFFFF000  }
0x62e: {  	[hbm4b:s24+s30] =	stream.linear.scatter [tilespmem:s13], [sflag:$0x4], $0x8000, $0x38;
	[tilespmem:$0x9800] =	vst v63  }
0x62f: {  	_ =	swait.ge [sflag:s3], $0x8000  }
0x630: {  	[sflag:s3] =	ssyncset.done $0x0  }
0x631: {  	s4 =	simm.s32 $0x8800;
	s25 =	rddreg [dreg:$0xf];
	[sflag:s3] =	ssyncadd.s32 $0xFFFF8000  }
0x632: {  	[hbm4b:s25+s30] =	stream.linear.scatter [tilespmem:s4], [sflag:$0x4], $0x400, $0x38;
	[tilespmem:$0x9800] =	vst v63  }
0x633: {  	_ =	swait.ge [sflag:s3], $0x400  }
0x634: {  	[sflag:s3] =	ssyncset.done $0x0  }
0x635: {  	s2 =	simm.s32 $0x8C00;
	s26 =	rddreg [dreg:$0x10];
	[sflag:s3] =	ssyncadd.s32 $0xFFFFFC00  }
0x636: {  	[hbm4b:s26+s30] =	stream.linear.scatter [tilespmem:s2], [sflag:$0x4], $0x400, $0x38;
	[tilespmem:$0x9800] =	vst v63  }
0x637: {  	_ =	swait.ge [sflag:s3], $0x400  }
0x638: {  	[sflag:s3] =	ssyncset.done $0x0  }
0x639: {  	s5 =	simm.s32 $0x9000;
	s28 =	rddreg [dreg:$0x11];
	[sflag:s3] =	ssyncadd.s32 $0xFFFFFC00  }
0x63a: {  	[hbm4b:s28+s30] =	stream.linear.scatter [tilespmem:s5], [sflag:$0x4], $0x400, $0x38;
	[tilespmem:$0x9800] =	vst v63  }
0x63b: {  	_ =	swait.ge [sflag:s3], $0x400  }
0x63c: {  	[sflag:s3] =	ssyncset.done $0x0  }
0x63d: {  	s6 =	simm.s32 $0x9400;
	s29 =	rddreg [dreg:$0x12];
	[sflag:s3] =	ssyncadd.s32 $0xFFFFFC00  }
0x63e: {  	[hbm4b:s29+s30] =	stream.linear.scatter [tilespmem:s6], [sflag:$0x4], $0x400, $0x38;
	[tilespmem:$0x9800] =	vst v63  }
0x63f: {  	_ =	swait.ge [sflag:s3], $0x400  }
0x640: {  	[sflag:s3] =	ssyncset.done $0x0  }
0x641: {  	[sflag:s3] =	ssyncadd.s32 $0xFFFFFC00  }
0x642: {  	_ =	sfence.sel $0x180000  }
0x643: {  	[bflag:$0x0] =	sbarrier.arrive $0xFFFF  }
0x644: {  	_ =	strace $0x90000047  }
0x645: {  	s31 =	stileid.u32;
	[bflag:$0x2] =	sbarrier.arrive $0xFFFF  }
0x646: {  	p0 =	sne.s32 s31, $0x0;
	s0 =	rddreg [dreg:$0x6]  }
0x647: {  	s0 =	sadd.s32 @!p0 $0x100000, s0  }
0x648: {  	[sflag:s0] =	ssyncadd.tile.s32 @!p0 $0x1;
	_ =	shalt  }
.Lfunc_end2:
_tile_overlayer_lowered:
.L_overlay_start_2:
0x649: {  	(tag) =	ssettag $0x2  }
0x64a: {  	s0 =	rddreg [dreg:$0x0];
	s2 =	stileid.u32  }
0x64b: {  	s1 =	rddreg [dreg:$0x1];
	p0 =	sne.s32 s2, $0x0  }
0x64c: {  	s3 =	rddreg [dreg:$0x2];
	[bflag:$0x3] =	sbarrier.arrive $0xFFFF;
	s2 =	simm.s32 @!p0 $0x1C04  }
0x64d: {  	[timem:s3], [sflag:s2] =	dma.local @!p0 [hbm:s0], s1  }
0x64e: {  	s0 =	simm.s32 @!p0 $0x4  }
0x64f: {  	_ =	swait.ge @!p0 [sflag:s0], s1  }
0x650: {  	s1 =	ssub.s32 @!p0 $0x0, s1;
	[sflag:s0] =	ssyncset.done @!p0 $0x0  }
0x651: {  	[sflag:s0] =	ssyncadd.s32 @!p0 s1  }
0x652: {  	[bflag:$0x3] =	sbarrier.arrive $0xFFFF  }
0x653: {  	_ =	shalt  }

</sc_bundles>
